<compile_context>
chip_gen: v7x
topology: tpu7x:2x2x1
jax: 0.10.2.dev20260603
libtpu: 0.0.44.dev20260713+nightly
codegen_flags: <defaults>
</compile_context>

<pallas_src>
import functools

import jax
import jax.numpy as jnp
from jax import lax
from jax.experimental import pallas as pl
from jax.experimental.pallas import tpu as pltpu
from jax.experimental.pallas import tpu_sc as plsc

N = 10000
E = 320000
F = 128
NCORES = 2
NSUB = 16
NTILES = NCORES * NSUB
EPT = E // NTILES
CHUNK = 80
NCH = EPT // CHUNK
F2 = F // 2
EPS = E // NSUB
NCH2 = EPS // CHUNK
NP = 10240
RPT = NP // NSUB
ZR = 128
DEGP = 10240
DPT = DEGP // NSUB
BN_EPS = 1e-5
BLK = 2000
GRID = N // BLK

@functools.cache
def _sc_mesh():
    return plsc.VectorSubcoreMesh(core_axis_name="c", subcore_axis_name="s",
                                  num_cores=NCORES, num_subcores=NSUB)



def _deg_body(dst_hbm, w_hbm, deg_hbm, dst_v, w_v, zero_v, deg_sh):
    c = lax.axis_index("c")
    s = lax.axis_index("s")
    wid = c * NSUB + s

    def zb(i, carry):
        zero_v[pl.ds(pl.multiple_of(i * 16, 8), 16)] = jnp.zeros((16,), jnp.float32)
        return carry
    lax.fori_loop(0, DPT // 16, zb, 0)
    soff = pl.multiple_of(s * DPT, 8)
    pltpu.sync_copy(zero_v, deg_sh.at[pl.ds(soff, DPT)])
    plsc.subcore_barrier()

    pltpu.sync_copy(dst_hbm.at[wid], dst_v)
    pltpu.sync_copy(w_hbm.at[wid], w_v)

    def chunk(i, carry):
        off = pl.multiple_of(i * CHUNK, 8)
        pltpu.sync_copy(w_v.at[pl.ds(off, CHUNK)], deg_sh.at[dst_v.at[i]], add=True)
        return carry
    lax.fori_loop(0, NCH, chunk, 0)

    plsc.subcore_barrier()
    pltpu.sync_copy(deg_sh.at[pl.ds(soff, DPT)], deg_hbm.at[c, pl.ds(soff, DPT)])


@functools.cache
def _deg_kernel():
    return pl.kernel(
        _deg_body,
        out_type=jax.ShapeDtypeStruct((NCORES, DEGP), jnp.float32),
        mesh=_sc_mesh(),
        scratch_types=[
            pltpu.VMEM((NCH, CHUNK), jnp.int32),
            pltpu.VMEM((EPT,), jnp.float32),
            pltpu.VMEM((DPT,), jnp.float32),
            pltpu.VMEM_SHARED((DEGP,), jnp.float32),
        ],
    )


def _deg_call(dst3, wtile):
    return _deg_kernel()(dst3, wtile)


def _msg_body(src_hbm, dst_hbm, w_hbm, hs_hbm, acc_hbm,
              src_v, dst_v, w_v, rows_v, zrow_v, acc_sh, sem):
    c = lax.axis_index("c")
    s = lax.axis_index("s")
    wid = c * NSUB + s

    def zb(i, carry):
        for j in range(F2 // 16):
            zrow_v[i, pl.ds(j * 16, 16)] = jnp.zeros((16,), jnp.float32)
        return carry
    lax.fori_loop(0, ZR, zb, 0)
    for k in range(RPT // ZR):
        pltpu.sync_copy(zrow_v, acc_sh.at[pl.ds(s * RPT + k * ZR, ZR)])
    plsc.subcore_barrier()

    pltpu.sync_copy(src_hbm.at[wid], src_v)
    pltpu.sync_copy(dst_hbm.at[s], dst_v)
    pltpu.sync_copy(w_hbm.at[s], w_v)

    def chunk(i, carry):
        off = pl.multiple_of(i * CHUNK, 8)
        pltpu.async_copy(hs_hbm.at[src_v.at[pl.ds(off, CHUNK)]], rows_v, sem).wait()

        def scale(g, carry2):
            woff = pl.multiple_of(off + g * 16, 8)
            wv = w_v[pl.ds(woff, 16)]
            for e in range(16):
                er = g * 16 + e
                cval = wv[e]
                for j in range(F2 // 16):
                    sl = pl.ds(j * 16, 16)
                    rows_v[er, sl] = rows_v[er, sl] * cval
            return carry2
        lax.fori_loop(0, CHUNK // 16, scale, 0)

        pltpu.sync_copy(rows_v, acc_sh.at[dst_v.at[i]], add=True)
        return carry
    lax.fori_loop(0, NCH2, chunk, 0)

    plsc.subcore_barrier()
    pltpu.sync_copy(acc_sh.at[pl.ds(s * RPT, RPT)], acc_hbm.at[c, pl.ds(s * RPT, RPT)])


@functools.cache
def _msg_kernel():
    return pl.kernel(
        _msg_body,
        out_type=jax.ShapeDtypeStruct((NCORES, NP, F2), jnp.float32),
        mesh=_sc_mesh(),
        compiler_params=pltpu.CompilerParams(use_tc_tiling_on_sc=False),
        scratch_types=[
            pltpu.VMEM((EPS,), jnp.int32),
            pltpu.VMEM((NCH2, CHUNK), jnp.int32),
            pltpu.VMEM((EPS,), jnp.float32),
            pltpu.VMEM((CHUNK, F2), jnp.float32),
            pltpu.VMEM((ZR, F2), jnp.float32),
            pltpu.VMEM_SHARED((NP, F2), jnp.float32),
            pltpu.SemaphoreType.DMA,
        ],
    )


def _msg_call(src, dst3, wtile, hs):
    return _msg_kernel()(src, dst3, wtile, hs)



def _prep_body(deg_ref, x_ref, w_ref, h_ref, hs_ref, dis_ref):
    deg = deg_ref[:, 0:1] + deg_ref[:, 1:2] + 1.0
    dis = lax.rsqrt(deg)
    h = jnp.dot(x_ref[...], w_ref[...], preferred_element_type=jnp.float32)
    h_ref[...] = h
    hs_ref[...] = h * dis
    dis_ref[...] = dis


def _prep_call(degT, x, W):
    return pl.pallas_call(
        _prep_body,
        grid=(GRID,),
        in_specs=[
            pl.BlockSpec((BLK, 2), lambda i: (i, 0)),
            pl.BlockSpec((BLK, F), lambda i: (i, 0)),
            pl.BlockSpec((F, F), lambda i: (0, 0)),
        ],
        out_specs=[
            pl.BlockSpec((BLK, F), lambda i: (i, 0)),
            pl.BlockSpec((BLK, F), lambda i: (i, 0)),
            pl.BlockSpec((BLK, 1), lambda i: (i, 0)),
        ],
        out_shape=[
            jax.ShapeDtypeStruct((N, F), jnp.float32),
            jax.ShapeDtypeStruct((N, F), jnp.float32),
            jax.ShapeDtypeStruct((N, 1), jnp.float32),
        ],
    )(degT, x, W)


def _post_body(acc0_ref, acc1_ref, h_ref, dis_ref, b_ref, r_ref, sum_ref, sq_ref):
    i = pl.program_id(0)
    dis = dis_ref[...]
    acc = jnp.concatenate([acc0_ref[...], acc1_ref[...]], axis=1)
    pre = dis * acc + (dis * dis) * h_ref[...] + b_ref[...]
    r = jnp.maximum(pre, 0.0)
    r_ref[...] = r

    @pl.when(i == 0)
    def _():
        sum_ref[...] = jnp.zeros_like(sum_ref)
        sq_ref[...] = jnp.zeros_like(sq_ref)

    sum_ref[...] += jnp.sum(r, axis=0, keepdims=True)
    sq_ref[...] += jnp.sum(r * r, axis=0, keepdims=True)


def _post_call(acc0, acc1, h, dis, b):
    return pl.pallas_call(
        _post_body,
        grid=(GRID,),
        in_specs=[
            pl.BlockSpec((BLK, F2), lambda i: (i, 0)),
            pl.BlockSpec((BLK, F2), lambda i: (i, 0)),
            pl.BlockSpec((BLK, F), lambda i: (i, 0)),
            pl.BlockSpec((BLK, 1), lambda i: (i, 0)),
            pl.BlockSpec((1, F), lambda i: (0, 0)),
        ],
        out_specs=[
            pl.BlockSpec((BLK, F), lambda i: (i, 0)),
            pl.BlockSpec((1, F), lambda i: (0, 0)),
            pl.BlockSpec((1, F), lambda i: (0, 0)),
        ],
        out_shape=[
            jax.ShapeDtypeStruct((N, F), jnp.float32),
            jax.ShapeDtypeStruct((1, F), jnp.float32),
            jax.ShapeDtypeStruct((1, F), jnp.float32),
        ],
    )(acc0, acc1, h, dis, b)


def _bnmm_body(r_ref, sum_ref, sq_ref, g_ref, be_ref, w_ref, dis_ref,
               hn_ref, h2_ref, hs2_ref):
    mu = sum_ref[...] * (1.0 / N)
    var = sq_ref[...] * (1.0 / N) - mu * mu
    inv = g_ref[...] * lax.rsqrt(var + BN_EPS)
    hn = (r_ref[...] - mu) * inv + be_ref[...]
    hn_ref[...] = hn
    h2 = jnp.dot(hn, w_ref[...], preferred_element_type=jnp.float32)
    h2_ref[...] = h2
    hs2_ref[...] = h2 * dis_ref[...]


def _bnmm_call(r, sm, sq, g, be, W, dis):
    return pl.pallas_call(
        _bnmm_body,
        grid=(GRID,),
        in_specs=[
            pl.BlockSpec((BLK, F), lambda i: (i, 0)),
            pl.BlockSpec((1, F), lambda i: (0, 0)),
            pl.BlockSpec((1, F), lambda i: (0, 0)),
            pl.BlockSpec((1, F), lambda i: (0, 0)),
            pl.BlockSpec((1, F), lambda i: (0, 0)),
            pl.BlockSpec((F, F), lambda i: (0, 0)),
            pl.BlockSpec((BLK, 1), lambda i: (i, 0)),
        ],
        out_specs=[
            pl.BlockSpec((BLK, F), lambda i: (i, 0)),
            pl.BlockSpec((BLK, F), lambda i: (i, 0)),
            pl.BlockSpec((BLK, F), lambda i: (i, 0)),
        ],
        out_shape=[
            jax.ShapeDtypeStruct((N, F), jnp.float32),
            jax.ShapeDtypeStruct((N, F), jnp.float32),
            jax.ShapeDtypeStruct((N, F), jnp.float32),
        ],
    )(r, sm, sq, g, be, W, dis)


def _final_body(r_ref, sum_ref, sq_ref, g_ref, be_ref, x_ref, h1_ref,
                w1x_ref, w1a_ref, w1b_ref, b1_ref, w2_ref, b2_ref, o_ref):
    mu = sum_ref[...] * (1.0 / N)
    var = sq_ref[...] * (1.0 / N) - mu * mu
    inv = g_ref[...] * lax.rsqrt(var + BN_EPS)
    h2n = (r_ref[...] - mu) * inv + be_ref[...]
    z = (jnp.dot(x_ref[...], w1x_ref[...], preferred_element_type=jnp.float32)
         + jnp.dot(h1_ref[...], w1a_ref[...], preferred_element_type=jnp.float32)
         + jnp.dot(h2n, w1b_ref[...], preferred_element_type=jnp.float32)
         + b1_ref[...])
    z = jnp.maximum(z, 0.0)
    o = jnp.sum(z * w2_ref[...], axis=1, keepdims=True) + b2_ref[...]
    o_ref[...] = jnp.maximum(o, 0.0)


def _final_call(r, sm, sq, g, be, x, h1, w1x, w1a, w1b, b1, w2row, b2):
    return pl.pallas_call(
        _final_body,
        grid=(GRID,),
        in_specs=[
            pl.BlockSpec((BLK, F), lambda i: (i, 0)),
            pl.BlockSpec((1, F), lambda i: (0, 0)),
            pl.BlockSpec((1, F), lambda i: (0, 0)),
            pl.BlockSpec((1, F), lambda i: (0, 0)),
            pl.BlockSpec((1, F), lambda i: (0, 0)),
            pl.BlockSpec((BLK, F), lambda i: (i, 0)),
            pl.BlockSpec((BLK, F), lambda i: (i, 0)),
            pl.BlockSpec((F, F), lambda i: (0, 0)),
            pl.BlockSpec((F, F), lambda i: (0, 0)),
            pl.BlockSpec((F, F), lambda i: (0, 0)),
            pl.BlockSpec((1, F), lambda i: (0, 0)),
            pl.BlockSpec((1, F), lambda i: (0, 0)),
            pl.BlockSpec((1, 1), lambda i: (0, 0)),
        ],
        out_specs=pl.BlockSpec((BLK, 1), lambda i: (i, 0)),
        out_shape=jax.ShapeDtypeStruct((N, 1), jnp.float32),
    )(r, sm, sq, g, be, x, h1, w1x, w1a, w1b, b1, w2row, b2)



def kernel(x, edge_index, edge_weight, W1, b1, W2, b2, g1, be1, g2, be2,
           fc1W, fc1b, fc2W, fc2b):
    src = edge_index[0].astype(jnp.int32)
    dst = edge_index[1].astype(jnp.int32)
    dst3 = dst.reshape(NTILES, NCH, CHUNK)
    wtile = edge_weight.reshape(NTILES, EPT)

    src2 = jnp.stack([src * 2, src * 2 + 1]).reshape(NTILES, EPS)
    dst3m = dst.reshape(NSUB, NCH2, CHUNK)
    wm = edge_weight.reshape(NSUB, EPS)

    deg2 = _deg_call(dst3, wtile)
    degT = deg2[:, :N].T

    h1, hs1, dis = _prep_call(degT, x, W1)
    acc1 = _msg_call(src2, dst3m, wm, hs1.reshape(2 * N, F2))[:, :N]
    r1, s1, q1 = _post_call(acc1[0], acc1[1], h1, dis, b1.reshape(1, F))
    h1n, h2, hs2 = _bnmm_call(r1, s1, q1, g1.reshape(1, F), be1.reshape(1, F),
                              W2, dis)
    acc2 = _msg_call(src2, dst3m, wm, hs2.reshape(2 * N, F2))[:, :N]
    r2, s2, q2 = _post_call(acc2[0], acc2[1], h2, dis, b2.reshape(1, F))
    o = _final_call(r2, s2, q2, g2.reshape(1, F), be2.reshape(1, F), x, h1n,
                    fc1W[:F], fc1W[F:2 * F], fc1W[2 * F:],
                    fc1b.reshape(1, F), fc2W.reshape(1, F), fc2b.reshape(1, 1))
    return o.reshape(-1)

# --- scband reference (transcript-rebuilt; emitter-appended) ---
"""Pipeline reference for scband-mpnn-46651934769326 (READ-ONLY COPY).

The authoritative reference and input builder live on the scoring server;
editing this copy changes nothing except your own understanding.
"""

import jax, jax.numpy as jnp
import numpy as np

N = 10000
E = 320000
NFEAT = 128
NHID = 128
NOUT = 1

def gcn_conv(x, edge_index, edge_weight, W, b, n):
    h = x @ W
    src, dst = edge_index[0], edge_index[1]
    loop = jnp.arange(n)
    src2 = jnp.concatenate([src, loop])
    dst2 = jnp.concatenate([dst, loop])
    w2 = jnp.concatenate([edge_weight, jnp.ones((n,), x.dtype)])
    deg = jnp.zeros((n,), x.dtype).at[dst2].add(w2)
    dis = jnp.where(deg > 0, 1.0 / jnp.sqrt(deg), 0.0)
    norm = dis[src2] * w2 * dis[dst2]
    msgs = h[src2] * norm[:, None]
    out = jnp.zeros_like(h).at[dst2].add(msgs)
    return out + b

def batchnorm(x, gamma, beta, eps=1e-5):
    mu = x.mean(axis=0)
    var = x.var(axis=0)
    return gamma * (x - mu) / jnp.sqrt(var + eps) + beta

def setup_inputs(seed: int = 0) -> dict:
    key = jax.random.key(seed)
    ks = jax.random.split(key, 16)
    x = jax.random.normal(ks[0], (N, NFEAT), dtype=jnp.float32)
    edge_index = jax.random.randint(ks[1], (2, E), 0, N, dtype=jnp.int64)
    edge_weight = jax.random.uniform(ks[2], (E,), dtype=jnp.float32)
    s1 = 1.0 / np.sqrt(NFEAT)
    s2 = 1.0 / np.sqrt(NHID)
    s3 = 1.0 / np.sqrt(NFEAT + 2 * NHID)
    W1 = jax.random.uniform(ks[3], (NFEAT, NHID), jnp.float32, -s1, s1)
    b1 = jax.random.uniform(ks[4], (NHID,), jnp.float32, -s1, s1)
    W2 = jax.random.uniform(ks[5], (NHID, NHID), jnp.float32, -s2, s2)
    b2 = jax.random.uniform(ks[6], (NHID,), jnp.float32, -s2, s2)
    g1 = jnp.ones((NHID,), jnp.float32)
    be1 = jnp.zeros((NHID,), jnp.float32)
    g2 = jnp.ones((NHID,), jnp.float32)
    be2 = jnp.zeros((NHID,), jnp.float32)
    fc1W = jax.random.uniform(ks[7], (NFEAT + 2 * NHID, NHID), jnp.float32, -s3, s3)
    fc1b = jax.random.uniform(ks[8], (NHID,), jnp.float32, -s3, s3)
    fc2W = jax.random.uniform(ks[9], (NHID, NOUT), jnp.float32, -s2, s2)
    fc2b = jax.random.uniform(ks[10], (NOUT,), jnp.float32, -s2, s2)
    return {"x": x, "edge_index": edge_index, "edge_weight": edge_weight,
            "W1": W1, "b1": b1, "W2": W2, "b2": b2,
            "g1": g1, "be1": be1, "g2": g2, "be2": be2,
            "fc1W": fc1W, "fc1b": fc1b, "fc2W": fc2W, "fc2b": fc2b}

def reference(x, edge_index, edge_weight, W1, b1, W2, b2, g1, be1, g2, be2, fc1W, fc1b, fc2W, fc2b):
    lst = [x]
    h = jax.nn.relu(gcn_conv(x, edge_index, edge_weight, W1, b1, N))
    h = batchnorm(h, g1, be1)
    lst.append(h)
    h = jax.nn.relu(gcn_conv(h, edge_index, edge_weight, W2, b2, N))
    h = batchnorm(h, g2, be2)
    lst.append(h)
    h = jnp.concatenate(lst, axis=1)
    h = jax.nn.relu(h @ fc1W + fc1b)
    h = jax.nn.relu(h @ fc2W + fc2b)
    return h.reshape(-1)

if __name__ == "__main__":
    import jax
    _d = setup_inputs()
    print(jax.jit(kernel)(*tuple(_d.values())))

</pallas_src>

<mosaic_0001>
#map = affine_map<(d0, d1) -> (0, 0)>
#map1 = affine_map<(d0, d1) -> (0, 0, 0)>
module attributes {stable_mosaic.version = 14 : i64} {
  func.func @_msg_body(%arg0: i32, %arg1: i32, %arg2: memref<32x20000xi32, #tpu.memory_space<hbm>>, %arg3: memref<16x250x80xi32, #tpu.memory_space<hbm>>, %arg4: memref<16x20000xf32, #tpu.memory_space<hbm>>, %arg5: memref<20000x64xf32, #tpu.memory_space<hbm>>, %arg6: memref<2x10240x64xf32, #tpu.memory_space<hbm>>, %arg7: memref<20000xi32, #tpu.memory_space<vmem>>, %arg8: memref<250x80xi32, #tpu.memory_space<vmem>>, %arg9: memref<20000xf32, #tpu.memory_space<vmem>>, %arg10: memref<80x64xf32, #tpu.memory_space<vmem>>, %arg11: memref<128x64xf32, #tpu.memory_space<vmem>>, %arg12: memref<10240x64xf32, #tpu.memory_space<vmem_shared>>, %arg13: memref<!tpu.dma_semaphore, #tpu.memory_space<semaphore_mem>>) attributes {dimension_semantics = [#tpu.dimension_semantics<core_parallel>, #tpu.dimension_semantics<subcore_parallel>], iteration_bounds = array<i64: 2, 16>, scalar_prefetch = 0 : i64, scratch_operands = 7 : i64, tpu.core_type = #tpu.core_type<sc_vector_subcore>, window_params = [{transform_indices = #map}, {transform_indices = #map1}, {transform_indices = #map}, {transform_indices = #map}, {transform_indices = #map1}]} {
    %mul3A = arith.constant 16 : i32
    %mul3A_0 = arith.muli %arg0, %mul3A : i32
    %add3A = arith.addi %mul3A_0, %arg1 : i32
    %scan3A = arith.constant 0 : i32
    %scan3A_1 = arith.constant 0 : i32
    %scan3A_2 = arith.constant 128 : i32
    %scan3A_3 = arith.addi %scan3A_1, %scan3A_2 : i32
    %scan3A_4 = arith.constant 1 : i32
    scf.for %scan3A_37 = %scan3A_1 to %scan3A_3 step %scan3A_4  : i32 {
      %broadcast_in_dim3A = arith.constant 0.000000e+00 : f32
      %broadcast_in_dim3A_38 = vector.broadcast %broadcast_in_dim3A : f32 to vector<16xf32>
      %swap3A = arith.index_cast %scan3A_37 : i32 to index
      %swap3A_39 = arith.constant 0 : index
      %swap3A_40 = tpu.vector_load %arg11[%swap3A, %swap3A_39] {strides = array<i32>} : memref<128x64xf32, #tpu.memory_space<vmem>>, vector<1x16xf32>,
      %swap3A_41 = vector.shape_cast %swap3A_40 : vector<1x16xf32> to vector<16xf32>
      %swap3A_42 = vector.shape_cast %broadcast_in_dim3A_38 : vector<16xf32> to vector<1x16xf32>
      tpu.vector_store %arg11[%swap3A, %swap3A_39], %swap3A_42 {strides = array<i32>} : memref<128x64xf32, #tpu.memory_space<vmem>>, vector<1x16xf32>,
      %broadcast_in_dim3A_43 = arith.constant 0.000000e+00 : f32
      %broadcast_in_dim3A_44 = vector.broadcast %broadcast_in_dim3A_43 : f32 to vector<16xf32>
      %swap3A_45 = arith.index_cast %scan3A_37 : i32 to index
      %swap3A_46 = arith.constant 16 : index
      %swap3A_47 = tpu.vector_load %arg11[%swap3A_45, %swap3A_46] {strides = array<i32>} : memref<128x64xf32, #tpu.memory_space<vmem>>, vector<1x16xf32>,
      %swap3A_48 = vector.shape_cast %swap3A_47 : vector<1x16xf32> to vector<16xf32>
      %swap3A_49 = vector.shape_cast %broadcast_in_dim3A_44 : vector<16xf32> to vector<1x16xf32>
      tpu.vector_store %arg11[%swap3A_45, %swap3A_46], %swap3A_49 {strides = array<i32>} : memref<128x64xf32, #tpu.memory_space<vmem>>, vector<1x16xf32>,
      %broadcast_in_dim3A_50 = arith.constant 0.000000e+00 : f32
      %broadcast_in_dim3A_51 = vector.broadcast %broadcast_in_dim3A_50 : f32 to vector<16xf32>
      %swap3A_52 = arith.index_cast %scan3A_37 : i32 to index
      %swap3A_53 = arith.constant 32 : index
      %swap3A_54 = tpu.vector_load %arg11[%swap3A_52, %swap3A_53] {strides = array<i32>} : memref<128x64xf32, #tpu.memory_space<vmem>>, vector<1x16xf32>,
      %swap3A_55 = vector.shape_cast %swap3A_54 : vector<1x16xf32> to vector<16xf32>
      %swap3A_56 = vector.shape_cast %broadcast_in_dim3A_51 : vector<16xf32> to vector<1x16xf32>
      tpu.vector_store %arg11[%swap3A_52, %swap3A_53], %swap3A_56 {strides = array<i32>} : memref<128x64xf32, #tpu.memory_space<vmem>>, vector<1x16xf32>,
      %broadcast_in_dim3A_57 = arith.constant 0.000000e+00 : f32
      %broadcast_in_dim3A_58 = vector.broadcast %broadcast_in_dim3A_57 : f32 to vector<16xf32>
      %swap3A_59 = arith.index_cast %scan3A_37 : i32 to index
      %swap3A_60 = arith.constant 48 : index
      %swap3A_61 = tpu.vector_load %arg11[%swap3A_59, %swap3A_60] {strides = array<i32>} : memref<128x64xf32, #tpu.memory_space<vmem>>, vector<1x16xf32>,
      %swap3A_62 = vector.shape_cast %swap3A_61 : vector<1x16xf32> to vector<16xf32>
      %swap3A_63 = vector.shape_cast %broadcast_in_dim3A_58 : vector<16xf32> to vector<1x16xf32>
      tpu.vector_store %arg11[%swap3A_59, %swap3A_60], %swap3A_63 {strides = array<i32>} : memref<128x64xf32, #tpu.memory_space<vmem>>, vector<1x16xf32>,
    }
    %scan3A_5 = arith.constant 128 : i32
    %mul3A_6 = arith.constant 640 : i32
    %mul3A_7 = arith.muli %arg1, %mul3A_6 : i32
    %add3A_8 = arith.constant 0 : i32
    %add3A_9 = arith.addi %mul3A_7, %add3A_8 : i32
    "tpu.region"() ({
      %run_scoped3A = tpu.sem_alloc : memref<!tpu.dma_semaphore, #tpu.memory_space<semaphore_mem>>
      %dma_start3A = arith.constant 0 : i32
      %dma_start3A_37 = tpu.memref_slice %arg12[%add3A_9, %dma_start3A] : memref<10240x64xf32, #tpu.memory_space<vmem_shared>> -> memref<128x64xf32, #tpu.memory_space<vmem_shared>>
      %dma_start3A_38 = arith.constant 0 : i32
      %dma_start3A_39 = tpu.memref_slice %arg12[%add3A_9, %dma_start3A_38] : memref<10240x64xf32, #tpu.memory_space<vmem_shared>> -> memref<128x64xf32, #tpu.memory_space<vmem_shared>>
      tpu.enqueue_dma source(%arg11 : memref<128x64xf32, #tpu.memory_space<vmem>>) target(%dma_start3A_39 : memref<128x64xf32, #tpu.memory_space<vmem_shared>>) target_semaphore(%run_scoped3A : memref<!tpu.dma_semaphore, #tpu.memory_space<semaphore_mem>>)
      %dma_wait3A = arith.constant 0 : i32
      %dma_wait3A_40 = tpu.memref_slice %arg12[%add3A_9, %dma_wait3A] : memref<10240x64xf32, #tpu.memory_space<vmem_shared>> -> memref<128x64xf32, #tpu.memory_space<vmem_shared>>
      %dma_wait3A_41 = arith.constant 0 : i32
      %dma_wait3A_42 = tpu.memref_slice %arg12[%add3A_9, %dma_wait3A_41] : memref<10240x64xf32, #tpu.memory_space<vmem_shared>> -> memref<128x64xf32, #tpu.memory_space<vmem_shared>>
      tpu.wait_dma2 semaphore(%run_scoped3A : memref<!tpu.dma_semaphore, #tpu.memory_space<semaphore_mem>>) src(%arg11 : memref<128x64xf32, #tpu.memory_space<vmem>>) dst(%dma_wait3A_42 : memref<128x64xf32, #tpu.memory_space<vmem_shared>>)
      tpu.yield
    }) : () -> ()
    %mul3A_10 = arith.constant 640 : i32
    %mul3A_11 = arith.muli %arg1, %mul3A_10 : i32
    %add3A_12 = arith.constant 128 : i32
    %add3A_13 = arith.addi %mul3A_11, %add3A_12 : i32
    "tpu.region"() ({
      %run_scoped3A = tpu.sem_alloc : memref<!tpu.dma_semaphore, #tpu.memory_space<semaphore_mem>>
      %dma_start3A = arith.constant 0 : i32
      %dma_start3A_37 = tpu.memref_slice %arg12[%add3A_13, %dma_start3A] : memref<10240x64xf32, #tpu.memory_space<vmem_shared>> -> memref<128x64xf32, #tpu.memory_space<vmem_shared>>
      %dma_start3A_38 = arith.constant 0 : i32
      %dma_start3A_39 = tpu.memref_slice %arg12[%add3A_13, %dma_start3A_38] : memref<10240x64xf32, #tpu.memory_space<vmem_shared>> -> memref<128x64xf32, #tpu.memory_space<vmem_shared>>
      tpu.enqueue_dma source(%arg11 : memref<128x64xf32, #tpu.memory_space<vmem>>) target(%dma_start3A_39 : memref<128x64xf32, #tpu.memory_space<vmem_shared>>) target_semaphore(%run_scoped3A : memref<!tpu.dma_semaphore, #tpu.memory_space<semaphore_mem>>)
      %dma_wait3A = arith.constant 0 : i32
      %dma_wait3A_40 = tpu.memref_slice %arg12[%add3A_13, %dma_wait3A] : memref<10240x64xf32, #tpu.memory_space<vmem_shared>> -> memref<128x64xf32, #tpu.memory_space<vmem_shared>>
      %dma_wait3A_41 = arith.constant 0 : i32
      %dma_wait3A_42 = tpu.memref_slice %arg12[%add3A_13, %dma_wait3A_41] : memref<10240x64xf32, #tpu.memory_space<vmem_shared>> -> memref<128x64xf32, #tpu.memory_space<vmem_shared>>
      tpu.wait_dma2 semaphore(%run_scoped3A : memref<!tpu.dma_semaphore, #tpu.memory_space<semaphore_mem>>) src(%arg11 : memref<128x64xf32, #tpu.memory_space<vmem>>) dst(%dma_wait3A_42 : memref<128x64xf32, #tpu.memory_space<vmem_shared>>)
      tpu.yield
    }) : () -> ()
    %mul3A_14 = arith.constant 640 : i32
    %mul3A_15 = arith.muli %arg1, %mul3A_14 : i32
    %add3A_16 = arith.constant 256 : i32
    %add3A_17 = arith.addi %mul3A_15, %add3A_16 : i32
    "tpu.region"() ({
      %run_scoped3A = tpu.sem_alloc : memref<!tpu.dma_semaphore, #tpu.memory_space<semaphore_mem>>
      %dma_start3A = arith.constant 0 : i32
      %dma_start3A_37 = tpu.memref_slice %arg12[%add3A_17, %dma_start3A] : memref<10240x64xf32, #tpu.memory_space<vmem_shared>> -> memref<128x64xf32, #tpu.memory_space<vmem_shared>>
      %dma_start3A_38 = arith.constant 0 : i32
      %dma_start3A_39 = tpu.memref_slice %arg12[%add3A_17, %dma_start3A_38] : memref<10240x64xf32, #tpu.memory_space<vmem_shared>> -> memref<128x64xf32, #tpu.memory_space<vmem_shared>>
      tpu.enqueue_dma source(%arg11 : memref<128x64xf32, #tpu.memory_space<vmem>>) target(%dma_start3A_39 : memref<128x64xf32, #tpu.memory_space<vmem_shared>>) target_semaphore(%run_scoped3A : memref<!tpu.dma_semaphore, #tpu.memory_space<semaphore_mem>>)
      %dma_wait3A = arith.constant 0 : i32
      %dma_wait3A_40 = tpu.memref_slice %arg12[%add3A_17, %dma_wait3A] : memref<10240x64xf32, #tpu.memory_space<vmem_shared>> -> memref<128x64xf32, #tpu.memory_space<vmem_shared>>
      %dma_wait3A_41 = arith.constant 0 : i32
      %dma_wait3A_42 = tpu.memref_slice %arg12[%add3A_17, %dma_wait3A_41] : memref<10240x64xf32, #tpu.memory_space<vmem_shared>> -> memref<128x64xf32, #tpu.memory_space<vmem_shared>>
      tpu.wait_dma2 semaphore(%run_scoped3A : memref<!tpu.dma_semaphore, #tpu.memory_space<semaphore_mem>>) src(%arg11 : memref<128x64xf32, #tpu.memory_space<vmem>>) dst(%dma_wait3A_42 : memref<128x64xf32, #tpu.memory_space<vmem_shared>>)
      tpu.yield
    }) : () -> ()
    %mul3A_18 = arith.constant 640 : i32
    %mul3A_19 = arith.muli %arg1, %mul3A_18 : i32
    %add3A_20 = arith.constant 384 : i32
    %add3A_21 = arith.addi %mul3A_19, %add3A_20 : i32
    "tpu.region"() ({
      %run_scoped3A = tpu.sem_alloc : memref<!tpu.dma_semaphore, #tpu.memory_space<semaphore_mem>>
      %dma_start3A = arith.constant 0 : i32
      %dma_start3A_37 = tpu.memref_slice %arg12[%add3A_21, %dma_start3A] : memref<10240x64xf32, #tpu.memory_space<vmem_shared>> -> memref<128x64xf32, #tpu.memory_space<vmem_shared>>
      %dma_start3A_38 = arith.constant 0 : i32
      %dma_start3A_39 = tpu.memref_slice %arg12[%add3A_21, %dma_start3A_38] : memref<10240x64xf32, #tpu.memory_space<vmem_shared>> -> memref<128x64xf32, #tpu.memory_space<vmem_shared>>
      tpu.enqueue_dma source(%arg11 : memref<128x64xf32, #tpu.memory_space<vmem>>) target(%dma_start3A_39 : memref<128x64xf32, #tpu.memory_space<vmem_shared>>) target_semaphore(%run_scoped3A : memref<!tpu.dma_semaphore, #tpu.memory_space<semaphore_mem>>)
      %dma_wait3A = arith.constant 0 : i32
      %dma_wait3A_40 = tpu.memref_slice %arg12[%add3A_21, %dma_wait3A] : memref<10240x64xf32, #tpu.memory_space<vmem_shared>> -> memref<128x64xf32, #tpu.memory_space<vmem_shared>>
      %dma_wait3A_41 = arith.constant 0 : i32
      %dma_wait3A_42 = tpu.memref_slice %arg12[%add3A_21, %dma_wait3A_41] : memref<10240x64xf32, #tpu.memory_space<vmem_shared>> -> memref<128x64xf32, #tpu.memory_space<vmem_shared>>
      tpu.wait_dma2 semaphore(%run_scoped3A : memref<!tpu.dma_semaphore, #tpu.memory_space<semaphore_mem>>) src(%arg11 : memref<128x64xf32, #tpu.memory_space<vmem>>) dst(%dma_wait3A_42 : memref<128x64xf32, #tpu.memory_space<vmem_shared>>)
      tpu.yield
    }) : () -> ()
    %mul3A_22 = arith.constant 640 : i32
    %mul3A_23 = arith.muli %arg1, %mul3A_22 : i32
    %add3A_24 = arith.constant 512 : i32
    %add3A_25 = arith.addi %mul3A_23, %add3A_24 : i32
    "tpu.region"() ({
      %run_scoped3A = tpu.sem_alloc : memref<!tpu.dma_semaphore, #tpu.memory_space<semaphore_mem>>
      %dma_start3A = arith.constant 0 : i32
      %dma_start3A_37 = tpu.memref_slice %arg12[%add3A_25, %dma_start3A] : memref<10240x64xf32, #tpu.memory_space<vmem_shared>> -> memref<128x64xf32, #tpu.memory_space<vmem_shared>>
      %dma_start3A_38 = arith.constant 0 : i32
      %dma_start3A_39 = tpu.memref_slice %arg12[%add3A_25, %dma_start3A_38] : memref<10240x64xf32, #tpu.memory_space<vmem_shared>> -> memref<128x64xf32, #tpu.memory_space<vmem_shared>>
      tpu.enqueue_dma source(%arg11 : memref<128x64xf32, #tpu.memory_space<vmem>>) target(%dma_start3A_39 : memref<128x64xf32, #tpu.memory_space<vmem_shared>>) target_semaphore(%run_scoped3A : memref<!tpu.dma_semaphore, #tpu.memory_space<semaphore_mem>>)
      %dma_wait3A = arith.constant 0 : i32
      %dma_wait3A_40 = tpu.memref_slice %arg12[%add3A_25, %dma_wait3A] : memref<10240x64xf32, #tpu.memory_space<vmem_shared>> -> memref<128x64xf32, #tpu.memory_space<vmem_shared>>
      %dma_wait3A_41 = arith.constant 0 : i32
      %dma_wait3A_42 = tpu.memref_slice %arg12[%add3A_25, %dma_wait3A_41] : memref<10240x64xf32, #tpu.memory_space<vmem_shared>> -> memref<128x64xf32, #tpu.memory_space<vmem_shared>>
      tpu.wait_dma2 semaphore(%run_scoped3A : memref<!tpu.dma_semaphore, #tpu.memory_space<semaphore_mem>>) src(%arg11 : memref<128x64xf32, #tpu.memory_space<vmem>>) dst(%dma_wait3A_42 : memref<128x64xf32, #tpu.memory_space<vmem_shared>>)
      tpu.yield
    }) : () -> ()
    %barrier3A = arith.constant 0 : index
    tpu.barrier barrier_id(%barrier3A)
    "tpu.region"() ({
      %run_scoped3A = tpu.sem_alloc : memref<!tpu.dma_semaphore, #tpu.memory_space<semaphore_mem>>
      %dma_start3A = arith.constant 0 : i32
      %dma_start3A_37 = tpu.memref_slice %arg2[%add3A, %dma_start3A] : memref<32x20000xi32, #tpu.memory_space<hbm>> -> memref<1x20000xi32, #tpu.memory_space<hbm>>
      %dma_start3A_38 = tpu.memref_squeeze %dma_start3A_37 : memref<1x20000xi32, #tpu.memory_space<hbm>> -> memref<20000xi32, #tpu.memory_space<hbm>>
      %dma_start3A_39 = arith.constant 0 : i32
      %dma_start3A_40 = tpu.memref_slice %arg2[%add3A, %dma_start3A_39] : memref<32x20000xi32, #tpu.memory_space<hbm>> -> memref<1x20000xi32, #tpu.memory_space<hbm>>
      %dma_start3A_41 = tpu.memref_squeeze %dma_start3A_40 : memref<1x20000xi32, #tpu.memory_space<hbm>> -> memref<20000xi32, #tpu.memory_space<hbm>>
      tpu.enqueue_dma source(%dma_start3A_41 : memref<20000xi32, #tpu.memory_space<hbm>>) target(%arg7 : memref<20000xi32, #tpu.memory_space<vmem>>) target_semaphore(%run_scoped3A : memref<!tpu.dma_semaphore, #tpu.memory_space<semaphore_mem>>)
      %dma_wait3A = arith.constant 0 : i32
      %dma_wait3A_42 = tpu.memref_slice %arg2[%add3A, %dma_wait3A] : memref<32x20000xi32, #tpu.memory_space<hbm>> -> memref<1x20000xi32, #tpu.memory_space<hbm>>
      %dma_wait3A_43 = tpu.memref_squeeze %dma_wait3A_42 : memref<1x20000xi32, #tpu.memory_space<hbm>> -> memref<20000xi32, #tpu.memory_space<hbm>>
      %dma_wait3A_44 = arith.constant 0 : i32
      %dma_wait3A_45 = tpu.memref_slice %arg2[%add3A, %dma_wait3A_44] : memref<32x20000xi32, #tpu.memory_space<hbm>> -> memref<1x20000xi32, #tpu.memory_space<hbm>>
      %dma_wait3A_46 = tpu.memref_squeeze %dma_wait3A_45 : memref<1x20000xi32, #tpu.memory_space<hbm>> -> memref<20000xi32, #tpu.memory_space<hbm>>
      tpu.wait_dma2 semaphore(%run_scoped3A : memref<!tpu.dma_semaphore, #tpu.memory_space<semaphore_mem>>) src(%dma_wait3A_46 : memref<20000xi32, #tpu.memory_space<hbm>>) dst(%arg7 : memref<20000xi32, #tpu.memory_space<vmem>>)
      tpu.yield
    }) : () -> ()
    "tpu.region"() ({
      %run_scoped3A = tpu.sem_alloc : memref<!tpu.dma_semaphore, #tpu.memory_space<semaphore_mem>>
      %dma_start3A = arith.constant 0 : i32
      %dma_start3A_37 = arith.constant 0 : i32
      %dma_start3A_38 = tpu.memref_slice %arg3[%arg1, %dma_start3A, %dma_start3A_37] : memref<16x250x80xi32, #tpu.memory_space<hbm>> -> memref<1x250x80xi32, #tpu.memory_space<hbm>>
      %dma_start3A_39 = tpu.memref_squeeze %dma_start3A_38 : memref<1x250x80xi32, #tpu.memory_space<hbm>> -> memref<250x80xi32, #tpu.memory_space<hbm>>
      %dma_start3A_40 = arith.constant 0 : i32
      %dma_start3A_41 = arith.constant 0 : i32
      %dma_start3A_42 = tpu.memref_slice %arg3[%arg1, %dma_start3A_40, %dma_start3A_41] : memref<16x250x80xi32, #tpu.memory_space<hbm>> -> memref<1x250x80xi32, #tpu.memory_space<hbm>>
      %dma_start3A_43 = tpu.memref_squeeze %dma_start3A_42 : memref<1x250x80xi32, #tpu.memory_space<hbm>> -> memref<250x80xi32, #tpu.memory_space<hbm>>
      tpu.enqueue_dma source(%dma_start3A_43 : memref<250x80xi32, #tpu.memory_space<hbm>>) target(%arg8 : memref<250x80xi32, #tpu.memory_space<vmem>>) target_semaphore(%run_scoped3A : memref<!tpu.dma_semaphore, #tpu.memory_space<semaphore_mem>>)
      %dma_wait3A = arith.constant 0 : i32
      %dma_wait3A_44 = arith.constant 0 : i32
      %dma_wait3A_45 = tpu.memref_slice %arg3[%arg1, %dma_wait3A, %dma_wait3A_44] : memref<16x250x80xi32, #tpu.memory_space<hbm>> -> memref<1x250x80xi32, #tpu.memory_space<hbm>>
      %dma_wait3A_46 = tpu.memref_squeeze %dma_wait3A_45 : memref<1x250x80xi32, #tpu.memory_space<hbm>> -> memref<250x80xi32, #tpu.memory_space<hbm>>
      %dma_wait3A_47 = arith.constant 0 : i32
      %dma_wait3A_48 = arith.constant 0 : i32
      %dma_wait3A_49 = tpu.memref_slice %arg3[%arg1, %dma_wait3A_47, %dma_wait3A_48] : memref<16x250x80xi32, #tpu.memory_space<hbm>> -> memref<1x250x80xi32, #tpu.memory_space<hbm>>
      %dma_wait3A_50 = tpu.memref_squeeze %dma_wait3A_49 : memref<1x250x80xi32, #tpu.memory_space<hbm>> -> memref<250x80xi32, #tpu.memory_space<hbm>>
      tpu.wait_dma2 semaphore(%run_scoped3A : memref<!tpu.dma_semaphore, #tpu.memory_space<semaphore_mem>>) src(%dma_wait3A_50 : memref<250x80xi32, #tpu.memory_space<hbm>>) dst(%arg8 : memref<250x80xi32, #tpu.memory_space<vmem>>)
      tpu.yield
    }) : () -> ()
    "tpu.region"() ({
      %run_scoped3A = tpu.sem_alloc : memref<!tpu.dma_semaphore, #tpu.memory_space<semaphore_mem>>
      %dma_start3A = arith.constant 0 : i32
      %dma_start3A_37 = tpu.memref_slice %arg4[%arg1, %dma_start3A] : memref<16x20000xf32, #tpu.memory_space<hbm>> -> memref<1x20000xf32, #tpu.memory_space<hbm>>
      %dma_start3A_38 = tpu.memref_squeeze %dma_start3A_37 : memref<1x20000xf32, #tpu.memory_space<hbm>> -> memref<20000xf32, #tpu.memory_space<hbm>>
      %dma_start3A_39 = arith.constant 0 : i32
      %dma_start3A_40 = tpu.memref_slice %arg4[%arg1, %dma_start3A_39] : memref<16x20000xf32, #tpu.memory_space<hbm>> -> memref<1x20000xf32, #tpu.memory_space<hbm>>
      %dma_start3A_41 = tpu.memref_squeeze %dma_start3A_40 : memref<1x20000xf32, #tpu.memory_space<hbm>> -> memref<20000xf32, #tpu.memory_space<hbm>>
      tpu.enqueue_dma source(%dma_start3A_41 : memref<20000xf32, #tpu.memory_space<hbm>>) target(%arg9 : memref<20000xf32, #tpu.memory_space<vmem>>) target_semaphore(%run_scoped3A : memref<!tpu.dma_semaphore, #tpu.memory_space<semaphore_mem>>)
      %dma_wait3A = arith.constant 0 : i32
      %dma_wait3A_42 = tpu.memref_slice %arg4[%arg1, %dma_wait3A] : memref<16x20000xf32, #tpu.memory_space<hbm>> -> memref<1x20000xf32, #tpu.memory_space<hbm>>
      %dma_wait3A_43 = tpu.memref_squeeze %dma_wait3A_42 : memref<1x20000xf32, #tpu.memory_space<hbm>> -> memref<20000xf32, #tpu.memory_space<hbm>>
      %dma_wait3A_44 = arith.constant 0 : i32
      %dma_wait3A_45 = tpu.memref_slice %arg4[%arg1, %dma_wait3A_44] : memref<16x20000xf32, #tpu.memory_space<hbm>> -> memref<1x20000xf32, #tpu.memory_space<hbm>>
      %dma_wait3A_46 = tpu.memref_squeeze %dma_wait3A_45 : memref<1x20000xf32, #tpu.memory_space<hbm>> -> memref<20000xf32, #tpu.memory_space<hbm>>
      tpu.wait_dma2 semaphore(%run_scoped3A : memref<!tpu.dma_semaphore, #tpu.memory_space<semaphore_mem>>) src(%dma_wait3A_46 : memref<20000xf32, #tpu.memory_space<hbm>>) dst(%arg9 : memref<20000xf32, #tpu.memory_space<vmem>>)
      tpu.yield
    }) : () -> ()
    %scan3A_26 = arith.constant 0 : i32
    %scan3A_27 = arith.constant 0 : i32
    %scan3A_28 = arith.constant 250 : i32
    %scan3A_29 = arith.addi %scan3A_27, %scan3A_28 : i32
    %scan3A_30 = arith.constant 1 : i32
    scf.for %scan3A_37 = %scan3A_27 to %scan3A_29 step %scan3A_30  : i32 {
      %mul3A_38 = arith.constant 80 : i32
      %mul3A_39 = arith.muli %scan3A_37, %mul3A_38 : i32
      %multiple_of3A = tpu.assume_multiple %mul3A_39, 8 : i32
      %dma_start3A = tpu.memref_slice %arg7[%multiple_of3A] : memref<20000xi32, #tpu.memory_space<vmem>> -> memref<80xi32, #tpu.memory_space<vmem>>
      %dma_start3A_40 = arith.constant 0 : i32
      %dma_start3A_41 = arith.constant 0 : i32
      %dma_start3A_42 = tpu.memref_slice %arg5[%dma_start3A_40, %dma_start3A_41] : memref<20000x64xf32, #tpu.memory_space<hbm>> -> memref<20000x64xf32, #tpu.memory_space<hbm>>
      tpu.enqueue_indirect_dma source(%dma_start3A_42 : memref<20000x64xf32, #tpu.memory_space<hbm>>) target(%arg10 : memref<80x64xf32, #tpu.memory_space<vmem>>) offsets(%dma_start3A : memref<80xi32, #tpu.memory_space<vmem>>) semaphore(%arg13 : memref<!tpu.dma_semaphore, #tpu.memory_space<semaphore_mem>>)
      %dma_wait3A = tpu.memref_slice %arg7[%multiple_of3A] : memref<20000xi32, #tpu.memory_space<vmem>> -> memref<80xi32, #tpu.memory_space<vmem>>
      %dma_wait3A_43 = arith.constant 0 : i32
      %dma_wait3A_44 = arith.constant 0 : i32
      %dma_wait3A_45 = tpu.memref_slice %arg5[%dma_wait3A_43, %dma_wait3A_44] : memref<20000x64xf32, #tpu.memory_space<hbm>> -> memref<20000x64xf32, #tpu.memory_space<hbm>>
      tpu.wait_indirect_dma semaphore(%arg13 : memref<!tpu.dma_semaphore, #tpu.memory_space<semaphore_mem>>) src(%dma_wait3A_45 : memref<20000x64xf32, #tpu.memory_space<hbm>>) dst(%arg10 : memref<80x64xf32, #tpu.memory_space<vmem>>)
      %scan3A_46 = arith.constant 0 : i32
      %scan3A_47 = arith.constant 0 : i32
      %scan3A_48 = arith.constant 5 : i32
      %scan3A_49 = arith.addi %scan3A_47, %scan3A_48 : i32
      %scan3A_50 = arith.constant 1 : i32
      scf.for %scan3A_52 = %scan3A_47 to %scan3A_49 step %scan3A_50  : i32 {
        %mul3A_53 = arith.constant 16 : i32
        %mul3A_54 = arith.muli %scan3A_52, %mul3A_53 : i32
        %add3A_55 = arith.addi %multiple_of3A, %mul3A_54 : i32
        %multiple_of3A_56 = tpu.assume_multiple %add3A_55, 8 : i32
        %get3A = arith.index_cast %multiple_of3A_56 : i32 to index
        %get3A_57 = tpu.vector_load %arg9[%get3A] {strides = array<i32>} : memref<20000xf32, #tpu.memory_space<vmem>>, vector<16xf32>,
        %get3A_58 = vector.shape_cast %get3A_57 : vector<16xf32> to vector<16xf32>
        %mul3A_59 = arith.constant 16 : i32
        %mul3A_60 = arith.muli %scan3A_52, %mul3A_59 : i32
        %add3A_61 = arith.constant 0 : i32
        %add3A_62 = arith.addi %mul3A_60, %add3A_61 : i32
        %slice3A = vector.extract_strided_slice %get3A_58 {offsets = [0], sizes = [1], strides = [1]} : vector<16xf32> to vector<1xf32>
        %squeeze3A = vector.extract %slice3A[0] : f32 from vector<1xf32>
        %get3A_63 = arith.index_cast %add3A_62 : i32 to index
        %get3A_64 = arith.constant 0 : index
        %get3A_65 = tpu.vector_load %arg10[%get3A_63, %get3A_64] {strides = array<i32>} : memref<80x64xf32, #tpu.memory_space<vmem>>, vector<1x16xf32>,
        %get3A_66 = vector.shape_cast %get3A_65 : vector<1x16xf32> to vector<16xf32>
        %mul3A_67 = vector.broadcast %squeeze3A : f32 to vector<16xf32>
        %mul3A_68 = arith.mulf %get3A_66, %mul3A_67 : vector<16xf32>
        %swap3A = arith.index_cast %add3A_62 : i32 to index
        %swap3A_69 = arith.constant 0 : index
        %swap3A_70 = tpu.vector_load %arg10[%swap3A, %swap3A_69] {strides = array<i32>} : memref<80x64xf32, #tpu.memory_space<vmem>>, vector<1x16xf32>,
        %swap3A_71 = vector.shape_cast %swap3A_70 : vector<1x16xf32> to vector<16xf32>
        %swap3A_72 = vector.shape_cast %mul3A_68 : vector<16xf32> to vector<1x16xf32>
        tpu.vector_store %arg10[%swap3A, %swap3A_69], %swap3A_72 {strides = array<i32>} : memref<80x64xf32, #tpu.memory_space<vmem>>, vector<1x16xf32>,
        %get3A_73 = arith.index_cast %add3A_62 : i32 to index
        %get3A_74 = arith.constant 16 : index
        %get3A_75 = tpu.vector_load %arg10[%get3A_73, %get3A_74] {strides = array<i32>} : memref<80x64xf32, #tpu.memory_space<vmem>>, vector<1x16xf32>,
        %get3A_76 = vector.shape_cast %get3A_75 : vector<1x16xf32> to vector<16xf32>
        %mul3A_77 = vector.broadcast %squeeze3A : f32 to vector<16xf32>
        %mul3A_78 = arith.mulf %get3A_76, %mul3A_77 : vector<16xf32>
        %swap3A_79 = arith.index_cast %add3A_62 : i32 to index
        %swap3A_80 = arith.constant 16 : index
        %swap3A_81 = tpu.vector_load %arg10[%swap3A_79, %swap3A_80] {strides = array<i32>} : memref<80x64xf32, #tpu.memory_space<vmem>>, vector<1x16xf32>,
        %swap3A_82 = vector.shape_cast %swap3A_81 : vector<1x16xf32> to vector<16xf32>
        %swap3A_83 = vector.shape_cast %mul3A_78 : vector<16xf32> to vector<1x16xf32>
        tpu.vector_store %arg10[%swap3A_79, %swap3A_80], %swap3A_83 {strides = array<i32>} : memref<80x64xf32, #tpu.memory_space<vmem>>, vector<1x16xf32>,
        %get3A_84 = arith.index_cast %add3A_62 : i32 to index
        %get3A_85 = arith.constant 32 : index
        %get3A_86 = tpu.vector_load %arg10[%get3A_84, %get3A_85] {strides = array<i32>} : memref<80x64xf32, #tpu.memory_space<vmem>>, vector<1x16xf32>,
        %get3A_87 = vector.shape_cast %get3A_86 : vector<1x16xf32> to vector<16xf32>
        %mul3A_88 = vector.broadcast %squeeze3A : f32 to vector<16xf32>
        %mul3A_89 = arith.mulf %get3A_87, %mul3A_88 : vector<16xf32>
        %swap3A_90 = arith.index_cast %add3A_62 : i32 to index
        %swap3A_91 = arith.constant 32 : index
        %swap3A_92 = tpu.vector_load %arg10[%swap3A_90, %swap3A_91] {strides = array<i32>} : memref<80x64xf32, #tpu.memory_space<vmem>>, vector<1x16xf32>,
        %swap3A_93 = vector.shape_cast %swap3A_92 : vector<1x16xf32> to vector<16xf32>
        %swap3A_94 = vector.shape_cast %mul3A_89 : vector<16xf32> to vector<1x16xf32>
        tpu.vector_store %arg10[%swap3A_90, %swap3A_91], %swap3A_94 {strides = array<i32>} : memref<80x64xf32, #tpu.memory_space<vmem>>, vector<1x16xf32>,
        %get3A_95 = arith.index_cast %add3A_62 : i32 to index
        %get3A_96 = arith.constant 48 : index
        %get3A_97 = tpu.vector_load %arg10[%get3A_95, %get3A_96] {strides = array<i32>} : memref<80x64xf32, #tpu.memory_space<vmem>>, vector<1x16xf32>,
        %get3A_98 = vector.shape_cast %get3A_97 : vector<1x16xf32> to vector<16xf32>
        %mul3A_99 = vector.broadcast %squeeze3A : f32 to vector<16xf32>
        %mul3A_100 = arith.mulf %get3A_98, %mul3A_99 : vector<16xf32>
        %swap3A_101 = arith.index_cast %add3A_62 : i32 to index
        %swap3A_102 = arith.constant 48 : index
        %swap3A_103 = tpu.vector_load %arg10[%swap3A_101, %swap3A_102] {strides = array<i32>} : memref<80x64xf32, #tpu.memory_space<vmem>>, vector<1x16xf32>,
        %swap3A_104 = vector.shape_cast %swap3A_103 : vector<1x16xf32> to vector<16xf32>
        %swap3A_105 = vector.shape_cast %mul3A_100 : vector<16xf32> to vector<1x16xf32>
        tpu.vector_store %arg10[%swap3A_101, %swap3A_102], %swap3A_105 {strides = array<i32>} : memref<80x64xf32, #tpu.memory_space<vmem>>, vector<1x16xf32>,
        %mul3A_106 = arith.constant 16 : i32
        %mul3A_107 = arith.muli %scan3A_52, %mul3A_106 : i32
        %add3A_108 = arith.constant 1 : i32
        %add3A_109 = arith.addi %mul3A_107, %add3A_108 : i32
        %slice3A_110 = vector.extract_strided_slice %get3A_58 {offsets = [1], sizes = [1], strides = [1]} : vector<16xf32> to vector<1xf32>
        %squeeze3A_111 = vector.extract %slice3A_110[0] : f32 from vector<1xf32>
        %get3A_112 = arith.index_cast %add3A_109 : i32 to index
        %get3A_113 = arith.constant 0 : index
        %get3A_114 = tpu.vector_load %arg10[%get3A_112, %get3A_113] {strides = array<i32>} : memref<80x64xf32, #tpu.memory_space<vmem>>, vector<1x16xf32>,
        %get3A_115 = vector.shape_cast %get3A_114 : vector<1x16xf32> to vector<16xf32>
        %mul3A_116 = vector.broadcast %squeeze3A_111 : f32 to vector<16xf32>
        %mul3A_117 = arith.mulf %get3A_115, %mul3A_116 : vector<16xf32>
        %swap3A_118 = arith.index_cast %add3A_109 : i32 to index
        %swap3A_119 = arith.constant 0 : index
        %swap3A_120 = tpu.vector_load %arg10[%swap3A_118, %swap3A_119] {strides = array<i32>} : memref<80x64xf32, #tpu.memory_space<vmem>>, vector<1x16xf32>,
        %swap3A_121 = vector.shape_cast %swap3A_120 : vector<1x16xf32> to vector<16xf32>
        %swap3A_122 = vector.shape_cast %mul3A_117 : vector<16xf32> to vector<1x16xf32>
        tpu.vector_store %arg10[%swap3A_118, %swap3A_119], %swap3A_122 {strides = array<i32>} : memref<80x64xf32, #tpu.memory_space<vmem>>, vector<1x16xf32>,
        %get3A_123 = arith.index_cast %add3A_109 : i32 to index
        %get3A_124 = arith.constant 16 : index
        %get3A_125 = tpu.vector_load %arg10[%get3A_123, %get3A_124] {strides = array<i32>} : memref<80x64xf32, #tpu.memory_space<vmem>>, vector<1x16xf32>,
        %get3A_126 = vector.shape_cast %get3A_125 : vector<1x16xf32> to vector<16xf32>
        %mul3A_127 = vector.broadcast %squeeze3A_111 : f32 to vector<16xf32>
        %mul3A_128 = arith.mulf %get3A_126, %mul3A_127 : vector<16xf32>
        %swap3A_129 = arith.index_cast %add3A_109 : i32 to index
        %swap3A_130 = arith.constant 16 : index
        %swap3A_131 = tpu.vector_load %arg10[%swap3A_129, %swap3A_130] {strides = array<i32>} : memref<80x64xf32, #tpu.memory_space<vmem>>, vector<1x16xf32>,
        %swap3A_132 = vector.shape_cast %swap3A_131 : vector<1x16xf32> to vector<16xf32>
        %swap3A_133 = vector.shape_cast %mul3A_128 : vector<16xf32> to vector<1x16xf32>
        tpu.vector_store %arg10[%swap3A_129, %swap3A_130], %swap3A_133 {strides = array<i32>} : memref<80x64xf32, #tpu.memory_space<vmem>>, vector<1x16xf32>,
        %get3A_134 = arith.index_cast %add3A_109 : i32 to index
        %get3A_135 = arith.constant 32 : index
        %get3A_136 = tpu.vector_load %arg10[%get3A_134, %get3A_135] {strides = array<i32>} : memref<80x64xf32, #tpu.memory_space<vmem>>, vector<1x16xf32>,
        %get3A_137 = vector.shape_cast %get3A_136 : vector<1x16xf32> to vector<16xf32>
        %mul3A_138 = vector.broadcast %squeeze3A_111 : f32 to vector<16xf32>
        %mul3A_139 = arith.mulf %get3A_137, %mul3A_138 : vector<16xf32>
        %swap3A_140 = arith.index_cast %add3A_109 : i32 to index
        %swap3A_141 = arith.constant 32 : index
        %swap3A_142 = tpu.vector_load %arg10[%swap3A_140, %swap3A_141] {strides = array<i32>} : memref<80x64xf32, #tpu.memory_space<vmem>>, vector<1x16xf32>,
        %swap3A_143 = vector.shape_cast %swap3A_142 : vector<1x16xf32> to vector<16xf32>
        %swap3A_144 = vector.shape_cast %mul3A_139 : vector<16xf32> to vector<1x16xf32>
        tpu.vector_store %arg10[%swap3A_140, %swap3A_141], %swap3A_144 {strides = array<i32>} : memref<80x64xf32, #tpu.memory_space<vmem>>, vector<1x16xf32>,
        %get3A_145 = arith.index_cast %add3A_109 : i32 to index
        %get3A_146 = arith.constant 48 : index
        %get3A_147 = tpu.vector_load %arg10[%get3A_145, %get3A_146] {strides = array<i32>} : memref<80x64xf32, #tpu.memory_space<vmem>>, vector<1x16xf32>,
        %get3A_148 = vector.shape_cast %get3A_147 : vector<1x16xf32> to vector<16xf32>
        %mul3A_149 = vector.broadcast %squeeze3A_111 : f32 to vector<16xf32>
        %mul3A_150 = arith.mulf %get3A_148, %mul3A_149 : vector<16xf32>
        %swap3A_151 = arith.index_cast %add3A_109 : i32 to index
        %swap3A_152 = arith.constant 48 : index
        %swap3A_153 = tpu.vector_load %arg10[%swap3A_151, %swap3A_152] {strides = array<i32>} : memref<80x64xf32, #tpu.memory_space<vmem>>, vector<1x16xf32>,
        %swap3A_154 = vector.shape_cast %swap3A_153 : vector<1x16xf32> to vector<16xf32>
        %swap3A_155 = vector.shape_cast %mul3A_150 : vector<16xf32> to vector<1x16xf32>
        tpu.vector_store %arg10[%swap3A_151, %swap3A_152], %swap3A_155 {strides = array<i32>} : memref<80x64xf32, #tpu.memory_space<vmem>>, vector<1x16xf32>,
        %mul3A_156 = arith.constant 16 : i32
        %mul3A_157 = arith.muli %scan3A_52, %mul3A_156 : i32
        %add3A_158 = arith.constant 2 : i32
        %add3A_159 = arith.addi %mul3A_157, %add3A_158 : i32
        %slice3A_160 = vector.extract_strided_slice %get3A_58 {offsets = [2], sizes = [1], strides = [1]} : vector<16xf32> to vector<1xf32>
        %squeeze3A_161 = vector.extract %slice3A_160[0] : f32 from vector<1xf32>
        %get3A_162 = arith.index_cast %add3A_159 : i32 to index
        %get3A_163 = arith.constant 0 : index
        %get3A_164 = tpu.vector_load %arg10[%get3A_162, %get3A_163] {strides = array<i32>} : memref<80x64xf32, #tpu.memory_space<vmem>>, vector<1x16xf32>,
        %get3A_165 = vector.shape_cast %get3A_164 : vector<1x16xf32> to vector<16xf32>
        %mul3A_166 = vector.broadcast %squeeze3A_161 : f32 to vector<16xf32>
        %mul3A_167 = arith.mulf %get3A_165, %mul3A_166 : vector<16xf32>
        %swap3A_168 = arith.index_cast %add3A_159 : i32 to index
        %swap3A_169 = arith.constant 0 : index
        %swap3A_170 = tpu.vector_load %arg10[%swap3A_168, %swap3A_169] {strides = array<i32>} : memref<80x64xf32, #tpu.memory_space<vmem>>, vector<1x16xf32>,
        %swap3A_171 = vector.shape_cast %swap3A_170 : vector<1x16xf32> to vector<16xf32>
        %swap3A_172 = vector.shape_cast %mul3A_167 : vector<16xf32> to vector<1x16xf32>
        tpu.vector_store %arg10[%swap3A_168, %swap3A_169], %swap3A_172 {strides = array<i32>} : memref<80x64xf32, #tpu.memory_space<vmem>>, vector<1x16xf32>,
        %get3A_173 = arith.index_cast %add3A_159 : i32 to index
        %get3A_174 = arith.constant 16 : index
        %get3A_175 = tpu.vector_load %arg10[%get3A_173, %get3A_174] {strides = array<i32>} : memref<80x64xf32, #tpu.memory_space<vmem>>, vector<1x16xf32>,
        %get3A_176 = vector.shape_cast %get3A_175 : vector<1x16xf32> to vector<16xf32>
        %mul3A_177 = vector.broadcast %squeeze3A_161 : f32 to vector<16xf32>
        %mul3A_178 = arith.mulf %get3A_176, %mul3A_177 : vector<16xf32>
        %swap3A_179 = arith.index_cast %add3A_159 : i32 to index
        %swap3A_180 = arith.constant 16 : index
        %swap3A_181 = tpu.vector_load %arg10[%swap3A_179, %swap3A_180] {strides = array<i32>} : memref<80x64xf32, #tpu.memory_space<vmem>>, vector<1x16xf32>,
        %swap3A_182 = vector.shape_cast %swap3A_181 : vector<1x16xf32> to vector<16xf32>
        %swap3A_183 = vector.shape_cast %mul3A_178 : vector<16xf32> to vector<1x16xf32>
        tpu.vector_store %arg10[%swap3A_179, %swap3A_180], %swap3A_183 {strides = array<i32>} : memref<80x64xf32, #tpu.memory_space<vmem>>, vector<1x16xf32>,
        %get3A_184 = arith.index_cast %add3A_159 : i32 to index
        %get3A_185 = arith.constant 32 : index
        %get3A_186 = tpu.vector_load %arg10[%get3A_184, %get3A_185] {strides = array<i32>} : memref<80x64xf32, #tpu.memory_space<vmem>>, vector<1x16xf32>,
        %get3A_187 = vector.shape_cast %get3A_186 : vector<1x16xf32> to vector<16xf32>
        %mul3A_188 = vector.broadcast %squeeze3A_161 : f32 to vector<16xf32>
        %mul3A_189 = arith.mulf %get3A_187, %mul3A_188 : vector<16xf32>
        %swap3A_190 = arith.index_cast %add3A_159 : i32 to index
        %swap3A_191 = arith.constant 32 : index
        %swap3A_192 = tpu.vector_load %arg10[%swap3A_190, %swap3A_191] {strides = array<i32>} : memref<80x64xf32, #tpu.memory_space<vmem>>, vector<1x16xf32>,
        %swap3A_193 = vector.shape_cast %swap3A_192 : vector<1x16xf32> to vector<16xf32>
        %swap3A_194 = vector.shape_cast %mul3A_189 : vector<16xf32> to vector<1x16xf32>
        tpu.vector_store %arg10[%swap3A_190, %swap3A_191], %swap3A_194 {strides = array<i32>} : memref<80x64xf32, #tpu.memory_space<vmem>>, vector<1x16xf32>,
        %get3A_195 = arith.index_cast %add3A_159 : i32 to index
        %get3A_196 = arith.constant 48 : index
        %get3A_197 = tpu.vector_load %arg10[%get3A_195, %get3A_196] {strides = array<i32>} : memref<80x64xf32, #tpu.memory_space<vmem>>, vector<1x16xf32>,
        %get3A_198 = vector.shape_cast %get3A_197 : vector<1x16xf32> to vector<16xf32>
        %mul3A_199 = vector.broadcast %squeeze3A_161 : f32 to vector<16xf32>
        %mul3A_200 = arith.mulf %get3A_198, %mul3A_199 : vector<16xf32>
        %swap3A_201 = arith.index_cast %add3A_159 : i32 to index
        %swap3A_202 = arith.constant 48 : index
        %swap3A_203 = tpu.vector_load %arg10[%swap3A_201, %swap3A_202] {strides = array<i32>} : memref<80x64xf32, #tpu.memory_space<vmem>>, vector<1x16xf32>,
        %swap3A_204 = vector.shape_cast %swap3A_203 : vector<1x16xf32> to vector<16xf32>
        %swap3A_205 = vector.shape_cast %mul3A_200 : vector<16xf32> to vector<1x16xf32>
        tpu.vector_store %arg10[%swap3A_201, %swap3A_202], %swap3A_205 {strides = array<i32>} : memref<80x64xf32, #tpu.memory_space<vmem>>, vector<1x16xf32>,
        %mul3A_206 = arith.constant 16 : i32
        %mul3A_207 = arith.muli %scan3A_52, %mul3A_206 : i32
        %add3A_208 = arith.constant 3 : i32
        %add3A_209 = arith.addi %mul3A_207, %add3A_208 : i32
        %slice3A_210 = vector.extract_strided_slice %get3A_58 {offsets = [3], sizes = [1], strides = [1]} : vector<16xf32> to vector<1xf32>
        %squeeze3A_211 = vector.extract %slice3A_210[0] : f32 from vector<1xf32>
        %get3A_212 = arith.index_cast %add3A_209 : i32 to index
        %get3A_213 = arith.constant 0 : index
        %get3A_214 = tpu.vector_load %arg10[%get3A_212, %get3A_213] {strides = array<i32>} : memref<80x64xf32, #tpu.memory_space<vmem>>, vector<1x16xf32>,
        %get3A_215 = vector.shape_cast %get3A_214 : vector<1x16xf32> to vector<16xf32>
        %mul3A_216 = vector.broadcast %squeeze3A_211 : f32 to vector<16xf32>
        %mul3A_217 = arith.mulf %get3A_215, %mul3A_216 : vector<16xf32>
        %swap3A_218 = arith.index_cast %add3A_209 : i32 to index
        %swap3A_219 = arith.constant 0 : index
        %swap3A_220 = tpu.vector_load %arg10[%swap3A_218, %swap3A_219] {strides = array<i32>} : memref<80x64xf32, #tpu.memory_space<vmem>>, vector<1x16xf32>,
        %swap3A_221 = vector.shape_cast %swap3A_220 : vector<1x16xf32> to vector<16xf32>
        %swap3A_222 = vector.shape_cast %mul3A_217 : vector<16xf32> to vector<1x16xf32>
        tpu.vector_store %arg10[%swap3A_218, %swap3A_219], %swap3A_222 {strides = array<i32>} : memref<80x64xf32, #tpu.memory_space<vmem>>, vector<1x16xf32>,
        %get3A_223 = arith.index_cast %add3A_209 : i32 to index
        %get3A_224 = arith.constant 16 : index
        %get3A_225 = tpu.vector_load %arg10[%get3A_223, %get3A_224] {strides = array<i32>} : memref<80x64xf32, #tpu.memory_space<vmem>>, vector<1x16xf32>,
        %get3A_226 = vector.shape_cast %get3A_225 : vector<1x16xf32> to vector<16xf32>
        %mul3A_227 = vector.broadcast %squeeze3A_211 : f32 to vector<16xf32>
        %mul3A_228 = arith.mulf %get3A_226, %mul3A_227 : vector<16xf32>
        %swap3A_229 = arith.index_cast %add3A_209 : i32 to index
        %swap3A_230 = arith.constant 16 : index
        %swap3A_231 = tpu.vector_load %arg10[%swap3A_229, %swap3A_230] {strides = array<i32>} : memref<80x64xf32, #tpu.memory_space<vmem>>, vector<1x16xf32>,
        %swap3A_232 = vector.shape_cast %swap3A_231 : vector<1x16xf32> to vector<16xf32>
        %swap3A_233 = vector.shape_cast %mul3A_228 : vector<16xf32> to vector<1x16xf32>
        tpu.vector_store %arg10[%swap3A_229, %swap3A_230], %swap3A_233 {strides = array<i32>} : memref<80x64xf32, #tpu.memory_space<vmem>>, vector<1x16xf32>,
        %get3A_234 = arith.index_cast %add3A_209 : i32 to index
        %get3A_235 = arith.constant 32 : index
        %get3A_236 = tpu.vector_load %arg10[%get3A_234, %get3A_235] {strides = array<i32>} : memref<80x64xf32, #tpu.memory_space<vmem>>, vector<1x16xf32>,
        %get3A_237 = vector.shape_cast %get3A_236 : vector<1x16xf32> to vector<16xf32>
        %mul3A_238 = vector.broadcast %squeeze3A_211 : f32 to vector<16xf32>
        %mul3A_239 = arith.mulf %get3A_237, %mul3A_238 : vector<16xf32>
        %swap3A_240 = arith.index_cast %add3A_209 : i32 to index
        %swap3A_241 = arith.constant 32 : index
        %swap3A_242 = tpu.vector_load %arg10[%swap3A_240, %swap3A_241] {strides = array<i32>} : memref<80x64xf32, #tpu.memory_space<vmem>>, vector<1x16xf32>,
        %swap3A_243 = vector.shape_cast %swap3A_242 : vector<1x16xf32> to vector<16xf32>
        %swap3A_244 = vector.shape_cast %mul3A_239 : vector<16xf32> to vector<1x16xf32>
        tpu.vector_store %arg10[%swap3A_240, %swap3A_241], %swap3A_244 {strides = array<i32>} : memref<80x64xf32, #tpu.memory_space<vmem>>, vector<1x16xf32>,
        %get3A_245 = arith.index_cast %add3A_209 : i32 to index
        %get3A_246 = arith.constant 48 : index
        %get3A_247 = tpu.vector_load %arg10[%get3A_245, %get3A_246] {strides = array<i32>} : memref<80x64xf32, #tpu.memory_space<vmem>>, vector<1x16xf32>,
        %get3A_248 = vector.shape_cast %get3A_247 : vector<1x16xf32> to vector<16xf32>
        %mul3A_249 = vector.broadcast %squeeze3A_211 : f32 to vector<16xf32>
        %mul3A_250 = arith.mulf %get3A_248, %mul3A_249 : vector<16xf32>
        %swap3A_251 = arith.index_cast %add3A_209 : i32 to index
        %swap3A_252 = arith.constant 48 : index
        %swap3A_253 = tpu.vector_load %arg10[%swap3A_251, %swap3A_252] {strides = array<i32>} : memref<80x64xf32, #tpu.memory_space<vmem>>, vector<1x16xf32>,
        %swap3A_254 = vector.shape_cast %swap3A_253 : vector<1x16xf32> to vector<16xf32>
        %swap3A_255 = vector.shape_cast %mul3A_250 : vector<16xf32> to vector<1x16xf32>
        tpu.vector_store %arg10[%swap3A_251, %swap3A_252], %swap3A_255 {strides = array<i32>} : memref<80x64xf32, #tpu.memory_space<vmem>>, vector<1x16xf32>,
        %mul3A_256 = arith.constant 16 : i32
        %mul3A_257 = arith.muli %scan3A_52, %mul3A_256 : i32
        %add3A_258 = arith.constant 4 : i32
        %add3A_259 = arith.addi %mul3A_257, %add3A_258 : i32
        %slice3A_260 = vector.extract_strided_slice %get3A_58 {offsets = [4], sizes = [1], strides = [1]} : vector<16xf32> to vector<1xf32>
        %squeeze3A_261 = vector.extract %slice3A_260[0] : f32 from vector<1xf32>
        %get3A_262 = arith.index_cast %add3A_259 : i32 to index
        %get3A_263 = arith.constant 0 : index
        %get3A_264 = tpu.vector_load %arg10[%get3A_262, %get3A_263] {strides = array<i32>} : memref<80x64xf32, #tpu.memory_space<vmem>>, vector<1x16xf32>,
        %get3A_265 = vector.shape_cast %get3A_264 : vector<1x16xf32> to vector<16xf32>
        %mul3A_266 = vector.broadcast %squeeze3A_261 : f32 to vector<16xf32>
        %mul3A_267 = arith.mulf %get3A_265, %mul3A_266 : vector<16xf32>
        %swap3A_268 = arith.index_cast %add3A_259 : i32 to index
        %swap3A_269 = arith.constant 0 : index
        %swap3A_270 = tpu.vector_load %arg10[%swap3A_268, %swap3A_269] {strides = array<i32>} : memref<80x64xf32, #tpu.memory_space<vmem>>, vector<1x16xf32>,
        %swap3A_271 = vector.shape_cast %swap3A_270 : vector<1x16xf32> to vector<16xf32>
        %swap3A_272 = vector.shape_cast %mul3A_267 : vector<16xf32> to vector<1x16xf32>
        tpu.vector_store %arg10[%swap3A_268, %swap3A_269], %swap3A_272 {strides = array<i32>} : memref<80x64xf32, #tpu.memory_space<vmem>>, vector<1x16xf32>,
        %get3A_273 = arith.index_cast %add3A_259 : i32 to index
        %get3A_274 = arith.constant 16 : index
        %get3A_275 = tpu.vector_load %arg10[%get3A_273, %get3A_274] {strides = array<i32>} : memref<80x64xf32, #tpu.memory_space<vmem>>, vector<1x16xf32>,
        %get3A_276 = vector.shape_cast %get3A_275 : vector<1x16xf32> to vector<16xf32>
        %mul3A_277 = vector.broadcast %squeeze3A_261 : f32 to vector<16xf32>
        %mul3A_278 = arith.mulf %get3A_276, %mul3A_277 : vector<16xf32>
        %swap3A_279 = arith.index_cast %add3A_259 : i32 to index
        %swap3A_280 = arith.constant 16 : index
        %swap3A_281 = tpu.vector_load %arg10[%swap3A_279, %swap3A_280] {strides = array<i32>} : memref<80x64xf32, #tpu.memory_space<vmem>>, vector<1x16xf32>,
        %swap3A_282 = vector.shape_cast %swap3A_281 : vector<1x16xf32> to vector<16xf32>
        %swap3A_283 = vector.shape_cast %mul3A_278 : vector<16xf32> to vector<1x16xf32>
        tpu.vector_store %arg10[%swap3A_279, %swap3A_280], %swap3A_283 {strides = array<i32>} : memref<80x64xf32, #tpu.memory_space<vmem>>, vector<1x16xf32>,
        %get3A_284 = arith.index_cast %add3A_259 : i32 to index
        %get3A_285 = arith.constant 32 : index
        %get3A_286 = tpu.vector_load %arg10[%get3A_284, %get3A_285] {strides = array<i32>} : memref<80x64xf32, #tpu.memory_space<vmem>>, vector<1x16xf32>,
        %get3A_287 = vector.shape_cast %get3A_286 : vector<1x16xf32> to vector<16xf32>
        %mul3A_288 = vector.broadcast %squeeze3A_261 : f32 to vector<16xf32>
        %mul3A_289 = arith.mulf %get3A_287, %mul3A_288 : vector<16xf32>
        %swap3A_290 = arith.index_cast %add3A_259 : i32 to index
        %swap3A_291 = arith.constant 32 : index
        %swap3A_292 = tpu.vector_load %arg10[%swap3A_290, %swap3A_291] {strides = array<i32>} : memref<80x64xf32, #tpu.memory_space<vmem>>, vector<1x16xf32>,
        %swap3A_293 = vector.shape_cast %swap3A_292 : vector<1x16xf32> to vector<16xf32>
        %swap3A_294 = vector.shape_cast %mul3A_289 : vector<16xf32> to vector<1x16xf32>
        tpu.vector_store %arg10[%swap3A_290, %swap3A_291], %swap3A_294 {strides = array<i32>} : memref<80x64xf32, #tpu.memory_space<vmem>>, vector<1x16xf32>,
        %get3A_295 = arith.index_cast %add3A_259 : i32 to index
        %get3A_296 = arith.constant 48 : index
        %get3A_297 = tpu.vector_load %arg10[%get3A_295, %get3A_296] {strides = array<i32>} : memref<80x64xf32, #tpu.memory_space<vmem>>, vector<1x16xf32>,
        %get3A_298 = vector.shape_cast %get3A_297 : vector<1x16xf32> to vector<16xf32>
        %mul3A_299 = vector.broadcast %squeeze3A_261 : f32 to vector<16xf32>
        %mul3A_300 = arith.mulf %get3A_298, %mul3A_299 : vector<16xf32>
        %swap3A_301 = arith.index_cast %add3A_259 : i32 to index
        %swap3A_302 = arith.constant 48 : index
        %swap3A_303 = tpu.vector_load %arg10[%swap3A_301, %swap3A_302] {strides = array<i32>} : memref<80x64xf32, #tpu.memory_space<vmem>>, vector<1x16xf32>,
        %swap3A_304 = vector.shape_cast %swap3A_303 : vector<1x16xf32> to vector<16xf32>
        %swap3A_305 = vector.shape_cast %mul3A_300 : vector<16xf32> to vector<1x16xf32>
        tpu.vector_store %arg10[%swap3A_301, %swap3A_302], %swap3A_305 {strides = array<i32>} : memref<80x64xf32, #tpu.memory_space<vmem>>, vector<1x16xf32>,
        %mul3A_306 = arith.constant 16 : i32
        %mul3A_307 = arith.muli %scan3A_52, %mul3A_306 : i32
        %add3A_308 = arith.constant 5 : i32
        %add3A_309 = arith.addi %mul3A_307, %add3A_308 : i32
        %slice3A_310 = vector.extract_strided_slice %get3A_58 {offsets = [5], sizes = [1], strides = [1]} : vector<16xf32> to vector<1xf32>
        %squeeze3A_311 = vector.extract %slice3A_310[0] : f32 from vector<1xf32>
        %get3A_312 = arith.index_cast %add3A_309 : i32 to index
        %get3A_313 = arith.constant 0 : index
        %get3A_314 = tpu.vector_load %arg10[%get3A_312, %get3A_313] {strides = array<i32>} : memref<80x64xf32, #tpu.memory_space<vmem>>, vector<1x16xf32>,
        %get3A_315 = vector.shape_cast %get3A_314 : vector<1x16xf32> to vector<16xf32>
        %mul3A_316 = vector.broadcast %squeeze3A_311 : f32 to vector<16xf32>
        %mul3A_317 = arith.mulf %get3A_315, %mul3A_316 : vector<16xf32>
        %swap3A_318 = arith.index_cast %add3A_309 : i32 to index
        %swap3A_319 = arith.constant 0 : index
        %swap3A_320 = tpu.vector_load %arg10[%swap3A_318, %swap3A_319] {strides = array<i32>} : memref<80x64xf32, #tpu.memory_space<vmem>>, vector<1x16xf32>,
        %swap3A_321 = vector.shape_cast %swap3A_320 : vector<1x16xf32> to vector<16xf32>
        %swap3A_322 = vector.shape_cast %mul3A_317 : vector<16xf32> to vector<1x16xf32>
        tpu.vector_store %arg10[%swap3A_318, %swap3A_319], %swap3A_322 {strides = array<i32>} : memref<80x64xf32, #tpu.memory_space<vmem>>, vector<1x16xf32>,
        %get3A_323 = arith.index_cast %add3A_309 : i32 to index
        %get3A_324 = arith.constant 16 : index
        %get3A_325 = tpu.vector_load %arg10[%get3A_323, %get3A_324] {strides = array<i32>} : memref<80x64xf32, #tpu.memory_space<vmem>>, vector<1x16xf32>,
        %get3A_326 = vector.shape_cast %get3A_325 : vector<1x16xf32> to vector<16xf32>
        %mul3A_327 = vector.broadcast %squeeze3A_311 : f32 to vector<16xf32>
        %mul3A_328 = arith.mulf %get3A_326, %mul3A_327 : vector<16xf32>
        %swap3A_329 = arith.index_cast %add3A_309 : i32 to index
        %swap3A_330 = arith.constant 16 : index
        %swap3A_331 = tpu.vector_load %arg10[%swap3A_329, %swap3A_330] {strides = array<i32>} : memref<80x64xf32, #tpu.memory_space<vmem>>, vector<1x16xf32>,
        %swap3A_332 = vector.shape_cast %swap3A_331 : vector<1x16xf32> to vector<16xf32>
        %swap3A_333 = vector.shape_cast %mul3A_328 : vector<16xf32> to vector<1x16xf32>
        tpu.vector_store %arg10[%swap3A_329, %swap3A_330], %swap3A_333 {strides = array<i32>} : memref<80x64xf32, #tpu.memory_space<vmem>>, vector<1x16xf32>,
        %get3A_334 = arith.index_cast %add3A_309 : i32 to index
        %get3A_335 = arith.constant 32 : index
        %get3A_336 = tpu.vector_load %arg10[%get3A_334, %get3A_335] {strides = array<i32>} : memref<80x64xf32, #tpu.memory_space<vmem>>, vector<1x16xf32>,
        %get3A_337 = vector.shape_cast %get3A_336 : vector<1x16xf32> to vector<16xf32>
        %mul3A_338 = vector.broadcast %squeeze3A_311 : f32 to vector<16xf32>
        %mul3A_339 = arith.mulf %get3A_337, %mul3A_338 : vector<16xf32>
        %swap3A_340 = arith.index_cast %add3A_309 : i32 to index
        %swap3A_341 = arith.constant 32 : index
        %swap3A_342 = tpu.vector_load %arg10[%swap3A_340, %swap3A_341] {strides = array<i32>} : memref<80x64xf32, #tpu.memory_space<vmem>>, vector<1x16xf32>,
        %swap3A_343 = vector.shape_cast %swap3A_342 : vector<1x16xf32> to vector<16xf32>
        %swap3A_344 = vector.shape_cast %mul3A_339 : vector<16xf32> to vector<1x16xf32>
        tpu.vector_store %arg10[%swap3A_340, %swap3A_341], %swap3A_344 {strides = array<i32>} : memref<80x64xf32, #tpu.memory_space<vmem>>, vector<1x16xf32>,
        %get3A_345 = arith.index_cast %add3A_309 : i32 to index
        %get3A_346 = arith.constant 48 : index
        %get3A_347 = tpu.vector_load %arg10[%get3A_345, %get3A_346] {strides = array<i32>} : memref<80x64xf32, #tpu.memory_space<vmem>>, vector<1x16xf32>,
        %get3A_348 = vector.shape_cast %get3A_347 : vector<1x16xf32> to vector<16xf32>
        %mul3A_349 = vector.broadcast %squeeze3A_311 : f32 to vector<16xf32>
        %mul3A_350 = arith.mulf %get3A_348, %mul3A_349 : vector<16xf32>
        %swap3A_351 = arith.index_cast %add3A_309 : i32 to index
        %swap3A_352 = arith.constant 48 : index
        %swap3A_353 = tpu.vector_load %arg10[%swap3A_351, %swap3A_352] {strides = array<i32>} : memref<80x64xf32, #tpu.memory_space<vmem>>, vector<1x16xf32>,
        %swap3A_354 = vector.shape_cast %swap3A_353 : vector<1x16xf32> to vector<16xf32>
        %swap3A_355 = vector.shape_cast %mul3A_350 : vector<16xf32> to vector<1x16xf32>
        tpu.vector_store %arg10[%swap3A_351, %swap3A_352], %swap3A_355 {strides = array<i32>} : memref<80x64xf32, #tpu.memory_space<vmem>>, vector<1x16xf32>,
        %mul3A_356 = arith.constant 16 : i32
        %mul3A_357 = arith.muli %scan3A_52, %mul3A_356 : i32
        %add3A_358 = arith.constant 6 : i32
        %add3A_359 = arith.addi %mul3A_357, %add3A_358 : i32
        %slice3A_360 = vector.extract_strided_slice %get3A_58 {offsets = [6], sizes = [1], strides = [1]} : vector<16xf32> to vector<1xf32>
        %squeeze3A_361 = vector.extract %slice3A_360[0] : f32 from vector<1xf32>
        %get3A_362 = arith.index_cast %add3A_359 : i32 to index
        %get3A_363 = arith.constant 0 : index
        %get3A_364 = tpu.vector_load %arg10[%get3A_362, %get3A_363] {strides = array<i32>} : memref<80x64xf32, #tpu.memory_space<vmem>>, vector<1x16xf32>,
        %get3A_365 = vector.shape_cast %get3A_364 : vector<1x16xf32> to vector<16xf32>
        %mul3A_366 = vector.broadcast %squeeze3A_361 : f32 to vector<16xf32>
        %mul3A_367 = arith.mulf %get3A_365, %mul3A_366 : vector<16xf32>
        %swap3A_368 = arith.index_cast %add3A_359 : i32 to index
        %swap3A_369 = arith.constant 0 : index
        %swap3A_370 = tpu.vector_load %arg10[%swap3A_368, %swap3A_369] {strides = array<i32>} : memref<80x64xf32, #tpu.memory_space<vmem>>, vector<1x16xf32>,
        %swap3A_371 = vector.shape_cast %swap3A_370 : vector<1x16xf32> to vector<16xf32>
        %swap3A_372 = vector.shape_cast %mul3A_367 : vector<16xf32> to vector<1x16xf32>
        tpu.vector_store %arg10[%swap3A_368, %swap3A_369], %swap3A_372 {strides = array<i32>} : memref<80x64xf32, #tpu.memory_space<vmem>>, vector<1x16xf32>,
        %get3A_373 = arith.index_cast %add3A_359 : i32 to index
        %get3A_374 = arith.constant 16 : index
        %get3A_375 = tpu.vector_load %arg10[%get3A_373, %get3A_374] {strides = array<i32>} : memref<80x64xf32, #tpu.memory_space<vmem>>, vector<1x16xf32>,
        %get3A_376 = vector.shape_cast %get3A_375 : vector<1x16xf32> to vector<16xf32>
        %mul3A_377 = vector.broadcast %squeeze3A_361 : f32 to vector<16xf32>
        %mul3A_378 = arith.mulf %get3A_376, %mul3A_377 : vector<16xf32>
        %swap3A_379 = arith.index_cast %add3A_359 : i32 to index
        %swap3A_380 = arith.constant 16 : index
        %swap3A_381 = tpu.vector_load %arg10[%swap3A_379, %swap3A_380] {strides = array<i32>} : memref<80x64xf32, #tpu.memory_space<vmem>>, vector<1x16xf32>,
        %swap3A_382 = vector.shape_cast %swap3A_381 : vector<1x16xf32> to vector<16xf32>
        %swap3A_383 = vector.shape_cast %mul3A_378 : vector<16xf32> to vector<1x16xf32>
        tpu.vector_store %arg10[%swap3A_379, %swap3A_380], %swap3A_383 {strides = array<i32>} : memref<80x64xf32, #tpu.memory_space<vmem>>, vector<1x16xf32>,
        %get3A_384 = arith.index_cast %add3A_359 : i32 to index
        %get3A_385 = arith.constant 32 : index
        %get3A_386 = tpu.vector_load %arg10[%get3A_384, %get3A_385] {strides = array<i32>} : memref<80x64xf32, #tpu.memory_space<vmem>>, vector<1x16xf32>,
        %get3A_387 = vector.shape_cast %get3A_386 : vector<1x16xf32> to vector<16xf32>
        %mul3A_388 = vector.broadcast %squeeze3A_361 : f32 to vector<16xf32>
        %mul3A_389 = arith.mulf %get3A_387, %mul3A_388 : vector<16xf32>
        %swap3A_390 = arith.index_cast %add3A_359 : i32 to index
        %swap3A_391 = arith.constant 32 : index
        %swap3A_392 = tpu.vector_load %arg10[%swap3A_390, %swap3A_391] {strides = array<i32>} : memref<80x64xf32, #tpu.memory_space<vmem>>, vector<1x16xf32>,
        %swap3A_393 = vector.shape_cast %swap3A_392 : vector<1x16xf32> to vector<16xf32>
        %swap3A_394 = vector.shape_cast %mul3A_389 : vector<16xf32> to vector<1x16xf32>
        tpu.vector_store %arg10[%swap3A_390, %swap3A_391], %swap3A_394 {strides = array<i32>} : memref<80x64xf32, #tpu.memory_space<vmem>>, vector<1x16xf32>,
        %get3A_395 = arith.index_cast %add3A_359 : i32 to index
        %get3A_396 = arith.constant 48 : index
        %get3A_397 = tpu.vector_load %arg10[%get3A_395, %get3A_396] {strides = array<i32>} : memref<80x64xf32, #tpu.memory_space<vmem>>, vector<1x16xf32>,
        %get3A_398 = vector.shape_cast %get3A_397 : vector<1x16xf32> to vector<16xf32>
        %mul3A_399 = vector.broadcast %squeeze3A_361 : f32 to vector<16xf32>
        %mul3A_400 = arith.mulf %get3A_398, %mul3A_399 : vector<16xf32>
        %swap3A_401 = arith.index_cast %add3A_359 : i32 to index
        %swap3A_402 = arith.constant 48 : index
        %swap3A_403 = tpu.vector_load %arg10[%swap3A_401, %swap3A_402] {strides = array<i32>} : memref<80x64xf32, #tpu.memory_space<vmem>>, vector<1x16xf32>,
        %swap3A_404 = vector.shape_cast %swap3A_403 : vector<1x16xf32> to vector<16xf32>
        %swap3A_405 = vector.shape_cast %mul3A_400 : vector<16xf32> to vector<1x16xf32>
        tpu.vector_store %arg10[%swap3A_401, %swap3A_402], %swap3A_405 {strides = array<i32>} : memref<80x64xf32, #tpu.memory_space<vmem>>, vector<1x16xf32>,
        %mul3A_406 = arith.constant 16 : i32
        %mul3A_407 = arith.muli %scan3A_52, %mul3A_406 : i32
        %add3A_408 = arith.constant 7 : i32
        %add3A_409 = arith.addi %mul3A_407, %add3A_408 : i32
        %slice3A_410 = vector.extract_strided_slice %get3A_58 {offsets = [7], sizes = [1], strides = [1]} : vector<16xf32> to vector<1xf32>
        %squeeze3A_411 = vector.extract %slice3A_410[0] : f32 from vector<1xf32>
        %get3A_412 = arith.index_cast %add3A_409 : i32 to index
        %get3A_413 = arith.constant 0 : index
        %get3A_414 = tpu.vector_load %arg10[%get3A_412, %get3A_413] {strides = array<i32>} : memref<80x64xf32, #tpu.memory_space<vmem>>, vector<1x16xf32>,
        %get3A_415 = vector.shape_cast %get3A_414 : vector<1x16xf32> to vector<16xf32>
        %mul3A_416 = vector.broadcast %squeeze3A_411 : f32 to vector<16xf32>
        %mul3A_417 = arith.mulf %get3A_415, %mul3A_416 : vector<16xf32>
        %swap3A_418 = arith.index_cast %add3A_409 : i32 to index
        %swap3A_419 = arith.constant 0 : index
        %swap3A_420 = tpu.vector_load %arg10[%swap3A_418, %swap3A_419] {strides = array<i32>} : memref<80x64xf32, #tpu.memory_space<vmem>>, vector<1x16xf32>,
        %swap3A_421 = vector.shape_cast %swap3A_420 : vector<1x16xf32> to vector<16xf32>
        %swap3A_422 = vector.shape_cast %mul3A_417 : vector<16xf32> to vector<1x16xf32>
        tpu.vector_store %arg10[%swap3A_418, %swap3A_419], %swap3A_422 {strides = array<i32>} : memref<80x64xf32, #tpu.memory_space<vmem>>, vector<1x16xf32>,
        %get3A_423 = arith.index_cast %add3A_409 : i32 to index
        %get3A_424 = arith.constant 16 : index
        %get3A_425 = tpu.vector_load %arg10[%get3A_423, %get3A_424] {strides = array<i32>} : memref<80x64xf32, #tpu.memory_space<vmem>>, vector<1x16xf32>,
        %get3A_426 = vector.shape_cast %get3A_425 : vector<1x16xf32> to vector<16xf32>
        %mul3A_427 = vector.broadcast %squeeze3A_411 : f32 to vector<16xf32>
        %mul3A_428 = arith.mulf %get3A_426, %mul3A_427 : vector<16xf32>
        %swap3A_429 = arith.index_cast %add3A_409 : i32 to index
        %swap3A_430 = arith.constant 16 : index
        %swap3A_431 = tpu.vector_load %arg10[%swap3A_429, %swap3A_430] {strides = array<i32>} : memref<80x64xf32, #tpu.memory_space<vmem>>, vector<1x16xf32>,
        %swap3A_432 = vector.shape_cast %swap3A_431 : vector<1x16xf32> to vector<16xf32>
        %swap3A_433 = vector.shape_cast %mul3A_428 : vector<16xf32> to vector<1x16xf32>
        tpu.vector_store %arg10[%swap3A_429, %swap3A_430], %swap3A_433 {strides = array<i32>} : memref<80x64xf32, #tpu.memory_space<vmem>>, vector<1x16xf32>,
        %get3A_434 = arith.index_cast %add3A_409 : i32 to index
        %get3A_435 = arith.constant 32 : index
        %get3A_436 = tpu.vector_load %arg10[%get3A_434, %get3A_435] {strides = array<i32>} : memref<80x64xf32, #tpu.memory_space<vmem>>, vector<1x16xf32>,
        %get3A_437 = vector.shape_cast %get3A_436 : vector<1x16xf32> to vector<16xf32>
        %mul3A_438 = vector.broadcast %squeeze3A_411 : f32 to vector<16xf32>
        %mul3A_439 = arith.mulf %get3A_437, %mul3A_438 : vector<16xf32>
        %swap3A_440 = arith.index_cast %add3A_409 : i32 to index
        %swap3A_441 = arith.constant 32 : index
        %swap3A_442 = tpu.vector_load %arg10[%swap3A_440, %swap3A_441] {strides = array<i32>} : memref<80x64xf32, #tpu.memory_space<vmem>>, vector<1x16xf32>,
        %swap3A_443 = vector.shape_cast %swap3A_442 : vector<1x16xf32> to vector<16xf32>
        %swap3A_444 = vector.shape_cast %mul3A_439 : vector<16xf32> to vector<1x16xf32>
        tpu.vector_store %arg10[%swap3A_440, %swap3A_441], %swap3A_444 {strides = array<i32>} : memref<80x64xf32, #tpu.memory_space<vmem>>, vector<1x16xf32>,
        %get3A_445 = arith.index_cast %add3A_409 : i32 to index
        %get3A_446 = arith.constant 48 : index
        %get3A_447 = tpu.vector_load %arg10[%get3A_445, %get3A_446] {strides = array<i32>} : memref<80x64xf32, #tpu.memory_space<vmem>>, vector<1x16xf32>,
        %get3A_448 = vector.shape_cast %get3A_447 : vector<1x16xf32> to vector<16xf32>
        %mul3A_449 = vector.broadcast %squeeze3A_411 : f32 to vector<16xf32>
        %mul3A_450 = arith.mulf %get3A_448, %mul3A_449 : vector<16xf32>
        %swap3A_451 = arith.index_cast %add3A_409 : i32 to index
        %swap3A_452 = arith.constant 48 : index
        %swap3A_453 = tpu.vector_load %arg10[%swap3A_451, %swap3A_452] {strides = array<i32>} : memref<80x64xf32, #tpu.memory_space<vmem>>, vector<1x16xf32>,
        %swap3A_454 = vector.shape_cast %swap3A_453 : vector<1x16xf32> to vector<16xf32>
        %swap3A_455 = vector.shape_cast %mul3A_450 : vector<16xf32> to vector<1x16xf32>
        tpu.vector_store %arg10[%swap3A_451, %swap3A_452], %swap3A_455 {strides = array<i32>} : memref<80x64xf32, #tpu.memory_space<vmem>>, vector<1x16xf32>,
        %mul3A_456 = arith.constant 16 : i32
        %mul3A_457 = arith.muli %scan3A_52, %mul3A_456 : i32
        %add3A_458 = arith.constant 8 : i32
        %add3A_459 = arith.addi %mul3A_457, %add3A_458 : i32
        %slice3A_460 = vector.extract_strided_slice %get3A_58 {offsets = [8], sizes = [1], strides = [1]} : vector<16xf32> to vector<1xf32>
        %squeeze3A_461 = vector.extract %slice3A_460[0] : f32 from vector<1xf32>
        %get3A_462 = arith.index_cast %add3A_459 : i32 to index
        %get3A_463 = arith.constant 0 : index
        %get3A_464 = tpu.vector_load %arg10[%get3A_462, %get3A_463] {strides = array<i32>} : memref<80x64xf32, #tpu.memory_space<vmem>>, vector<1x16xf32>,
        %get3A_465 = vector.shape_cast %get3A_464 : vector<1x16xf32> to vector<16xf32>
        %mul3A_466 = vector.broadcast %squeeze3A_461 : f32 to vector<16xf32>
        %mul3A_467 = arith.mulf %get3A_465, %mul3A_466 : vector<16xf32>
        %swap3A_468 = arith.index_cast %add3A_459 : i32 to index
        %swap3A_469 = arith.constant 0 : index
        %swap3A_470 = tpu.vector_load %arg10[%swap3A_468, %swap3A_469] {strides = array<i32>} : memref<80x64xf32, #tpu.memory_space<vmem>>, vector<1x16xf32>,
        %swap3A_471 = vector.shape_cast %swap3A_470 : vector<1x16xf32> to vector<16xf32>
        %swap3A_472 = vector.shape_cast %mul3A_467 : vector<16xf32> to vector<1x16xf32>
        tpu.vector_store %arg10[%swap3A_468, %swap3A_469], %swap3A_472 {strides = array<i32>} : memref<80x64xf32, #tpu.memory_space<vmem>>, vector<1x16xf32>,
        %get3A_473 = arith.index_cast %add3A_459 : i32 to index
        %get3A_474 = arith.constant 16 : index
        %get3A_475 = tpu.vector_load %arg10[%get3A_473, %get3A_474] {strides = array<i32>} : memref<80x64xf32, #tpu.memory_space<vmem>>, vector<1x16xf32>,
        %get3A_476 = vector.shape_cast %get3A_475 : vector<1x16xf32> to vector<16xf32>
        %mul3A_477 = vector.broadcast %squeeze3A_461 : f32 to vector<16xf32>
        %mul3A_478 = arith.mulf %get3A_476, %mul3A_477 : vector<16xf32>
        %swap3A_479 = arith.index_cast %add3A_459 : i32 to index
        %swap3A_480 = arith.constant 16 : index
        %swap3A_481 = tpu.vector_load %arg10[%swap3A_479, %swap3A_480] {strides = array<i32>} : memref<80x64xf32, #tpu.memory_space<vmem>>, vector<1x16xf32>,
        %swap3A_482 = vector.shape_cast %swap3A_481 : vector<1x16xf32> to vector<16xf32>
        %swap3A_483 = vector.shape_cast %mul3A_478 : vector<16xf32> to vector<1x16xf32>
        tpu.vector_store %arg10[%swap3A_479, %swap3A_480], %swap3A_483 {strides = array<i32>} : memref<80x64xf32, #tpu.memory_space<vmem>>, vector<1x16xf32>,
        %get3A_484 = arith.index_cast %add3A_459 : i32 to index
        %get3A_485 = arith.constant 32 : index
        %get3A_486 = tpu.vector_load %arg10[%get3A_484, %get3A_485] {strides = array<i32>} : memref<80x64xf32, #tpu.memory_space<vmem>>, vector<1x16xf32>,
        %get3A_487 = vector.shape_cast %get3A_486 : vector<1x16xf32> to vector<16xf32>
        %mul3A_488 = vector.broadcast %squeeze3A_461 : f32 to vector<16xf32>
        %mul3A_489 = arith.mulf %get3A_487, %mul3A_488 : vector<16xf32>
        %swap3A_490 = arith.index_cast %add3A_459 : i32 to index
        %swap3A_491 = arith.constant 32 : index
        %swap3A_492 = tpu.vector_load %arg10[%swap3A_490, %swap3A_491] {strides = array<i32>} : memref<80x64xf32, #tpu.memory_space<vmem>>, vector<1x16xf32>,
        %swap3A_493 = vector.shape_cast %swap3A_492 : vector<1x16xf32> to vector<16xf32>
        %swap3A_494 = vector.shape_cast %mul3A_489 : vector<16xf32> to vector<1x16xf32>
        tpu.vector_store %arg10[%swap3A_490, %swap3A_491], %swap3A_494 {strides = array<i32>} : memref<80x64xf32, #tpu.memory_space<vmem>>, vector<1x16xf32>,
        %get3A_495 = arith.index_cast %add3A_459 : i32 to index
        %get3A_496 = arith.constant 48 : index
        %get3A_497 = tpu.vector_load %arg10[%get3A_495, %get3A_496] {strides = array<i32>} : memref<80x64xf32, #tpu.memory_space<vmem>>, vector<1x16xf32>,
        %get3A_498 = vector.shape_cast %get3A_497 : vector<1x16xf32> to vector<16xf32>
        %mul3A_499 = vector.broadcast %squeeze3A_461 : f32 to vector<16xf32>
        %mul3A_500 = arith.mulf %get3A_498, %mul3A_499 : vector<16xf32>
        %swap3A_501 = arith.index_cast %add3A_459 : i32 to index
        %swap3A_502 = arith.constant 48 : index
        %swap3A_503 = tpu.vector_load %arg10[%swap3A_501, %swap3A_502] {strides = array<i32>} : memref<80x64xf32, #tpu.memory_space<vmem>>, vector<1x16xf32>,
        %swap3A_504 = vector.shape_cast %swap3A_503 : vector<1x16xf32> to vector<16xf32>
        %swap3A_505 = vector.shape_cast %mul3A_500 : vector<16xf32> to vector<1x16xf32>
        tpu.vector_store %arg10[%swap3A_501, %swap3A_502], %swap3A_505 {strides = array<i32>} : memref<80x64xf32, #tpu.memory_space<vmem>>, vector<1x16xf32>,
        %mul3A_506 = arith.constant 16 : i32
        %mul3A_507 = arith.muli %scan3A_52, %mul3A_506 : i32
        %add3A_508 = arith.constant 9 : i32
        %add3A_509 = arith.addi %mul3A_507, %add3A_508 : i32
        %slice3A_510 = vector.extract_strided_slice %get3A_58 {offsets = [9], sizes = [1], strides = [1]} : vector<16xf32> to vector<1xf32>
        %squeeze3A_511 = vector.extract %slice3A_510[0] : f32 from vector<1xf32>
        %get3A_512 = arith.index_cast %add3A_509 : i32 to index
        %get3A_513 = arith.constant 0 : index
        %get3A_514 = tpu.vector_load %arg10[%get3A_512, %get3A_513] {strides = array<i32>} : memref<80x64xf32, #tpu.memory_space<vmem>>, vector<1x16xf32>,
        %get3A_515 = vector.shape_cast %get3A_514 : vector<1x16xf32> to vector<16xf32>
        %mul3A_516 = vector.broadcast %squeeze3A_511 : f32 to vector<16xf32>
        %mul3A_517 = arith.mulf %get3A_515, %mul3A_516 : vector<16xf32>
        %swap3A_518 = arith.index_cast %add3A_509 : i32 to index
        %swap3A_519 = arith.constant 0 : index
        %swap3A_520 = tpu.vector_load %arg10[%swap3A_518, %swap3A_519] {strides = array<i32>} : memref<80x64xf32, #tpu.memory_space<vmem>>, vector<1x16xf32>,
        %swap3A_521 = vector.shape_cast %swap3A_520 : vector<1x16xf32> to vector<16xf32>
        %swap3A_522 = vector.shape_cast %mul3A_517 : vector<16xf32> to vector<1x16xf32>
        tpu.vector_store %arg10[%swap3A_518, %swap3A_519], %swap3A_522 {strides = array<i32>} : memref<80x64xf32, #tpu.memory_space<vmem>>, vector<1x16xf32>,
        %get3A_523 = arith.index_cast %add3A_509 : i32 to index
        %get3A_524 = arith.constant 16 : index
        %get3A_525 = tpu.vector_load %arg10[%get3A_523, %get3A_524] {strides = array<i32>} : memref<80x64xf32, #tpu.memory_space<vmem>>, vector<1x16xf32>,
        %get3A_526 = vector.shape_cast %get3A_525 : vector<1x16xf32> to vector<16xf32>
        %mul3A_527 = vector.broadcast %squeeze3A_511 : f32 to vector<16xf32>
        %mul3A_528 = arith.mulf %get3A_526, %mul3A_527 : vector<16xf32>
        %swap3A_529 = arith.index_cast %add3A_509 : i32 to index
        %swap3A_530 = arith.constant 16 : index
        %swap3A_531 = tpu.vector_load %arg10[%swap3A_529, %swap3A_530] {strides = array<i32>} : memref<80x64xf32, #tpu.memory_space<vmem>>, vector<1x16xf32>,
        %swap3A_532 = vector.shape_cast %swap3A_531 : vector<1x16xf32> to vector<16xf32>
        %swap3A_533 = vector.shape_cast %mul3A_528 : vector<16xf32> to vector<1x16xf32>
        tpu.vector_store %arg10[%swap3A_529, %swap3A_530], %swap3A_533 {strides = array<i32>} : memref<80x64xf32, #tpu.memory_space<vmem>>, vector<1x16xf32>,
        %get3A_534 = arith.index_cast %add3A_509 : i32 to index
        %get3A_535 = arith.constant 32 : index
        %get3A_536 = tpu.vector_load %arg10[%get3A_534, %get3A_535] {strides = array<i32>} : memref<80x64xf32, #tpu.memory_space<vmem>>, vector<1x16xf32>,
        %get3A_537 = vector.shape_cast %get3A_536 : vector<1x16xf32> to vector<16xf32>
        %mul3A_538 = vector.broadcast %squeeze3A_511 : f32 to vector<16xf32>
        %mul3A_539 = arith.mulf %get3A_537, %mul3A_538 : vector<16xf32>
        %swap3A_540 = arith.index_cast %add3A_509 : i32 to index
        %swap3A_541 = arith.constant 32 : index
        %swap3A_542 = tpu.vector_load %arg10[%swap3A_540, %swap3A_541] {strides = array<i32>} : memref<80x64xf32, #tpu.memory_space<vmem>>, vector<1x16xf32>,
        %swap3A_543 = vector.shape_cast %swap3A_542 : vector<1x16xf32> to vector<16xf32>
        %swap3A_544 = vector.shape_cast %mul3A_539 : vector<16xf32> to vector<1x16xf32>
        tpu.vector_store %arg10[%swap3A_540, %swap3A_541], %swap3A_544 {strides = array<i32>} : memref<80x64xf32, #tpu.memory_space<vmem>>, vector<1x16xf32>,
        %get3A_545 = arith.index_cast %add3A_509 : i32 to index
        %get3A_546 = arith.constant 48 : index
        %get3A_547 = tpu.vector_load %arg10[%get3A_545, %get3A_546] {strides = array<i32>} : memref<80x64xf32, #tpu.memory_space<vmem>>, vector<1x16xf32>,
        %get3A_548 = vector.shape_cast %get3A_547 : vector<1x16xf32> to vector<16xf32>
        %mul3A_549 = vector.broadcast %squeeze3A_511 : f32 to vector<16xf32>
        %mul3A_550 = arith.mulf %get3A_548, %mul3A_549 : vector<16xf32>
        %swap3A_551 = arith.index_cast %add3A_509 : i32 to index
        %swap3A_552 = arith.constant 48 : index
        %swap3A_553 = tpu.vector_load %arg10[%swap3A_551, %swap3A_552] {strides = array<i32>} : memref<80x64xf32, #tpu.memory_space<vmem>>, vector<1x16xf32>,
        %swap3A_554 = vector.shape_cast %swap3A_553 : vector<1x16xf32> to vector<16xf32>
        %swap3A_555 = vector.shape_cast %mul3A_550 : vector<16xf32> to vector<1x16xf32>
        tpu.vector_store %arg10[%swap3A_551, %swap3A_552], %swap3A_555 {strides = array<i32>} : memref<80x64xf32, #tpu.memory_space<vmem>>, vector<1x16xf32>,
        %mul3A_556 = arith.constant 16 : i32
        %mul3A_557 = arith.muli %scan3A_52, %mul3A_556 : i32
        %add3A_558 = arith.constant 10 : i32
        %add3A_559 = arith.addi %mul3A_557, %add3A_558 : i32
        %slice3A_560 = vector.extract_strided_slice %get3A_58 {offsets = [10], sizes = [1], strides = [1]} : vector<16xf32> to vector<1xf32>
        %squeeze3A_561 = vector.extract %slice3A_560[0] : f32 from vector<1xf32>
        %get3A_562 = arith.index_cast %add3A_559 : i32 to index
        %get3A_563 = arith.constant 0 : index
        %get3A_564 = tpu.vector_load %arg10[%get3A_562, %get3A_563] {strides = array<i32>} : memref<80x64xf32, #tpu.memory_space<vmem>>, vector<1x16xf32>,
        %get3A_565 = vector.shape_cast %get3A_564 : vector<1x16xf32> to vector<16xf32>
        %mul3A_566 = vector.broadcast %squeeze3A_561 : f32 to vector<16xf32>
        %mul3A_567 = arith.mulf %get3A_565, %mul3A_566 : vector<16xf32>
        %swap3A_568 = arith.index_cast %add3A_559 : i32 to index
        %swap3A_569 = arith.constant 0 : index
        %swap3A_570 = tpu.vector_load %arg10[%swap3A_568, %swap3A_569] {strides = array<i32>} : memref<80x64xf32, #tpu.memory_space<vmem>>, vector<1x16xf32>,
        %swap3A_571 = vector.shape_cast %swap3A_570 : vector<1x16xf32> to vector<16xf32>
        %swap3A_572 = vector.shape_cast %mul3A_567 : vector<16xf32> to vector<1x16xf32>
        tpu.vector_store %arg10[%swap3A_568, %swap3A_569], %swap3A_572 {strides = array<i32>} : memref<80x64xf32, #tpu.memory_space<vmem>>, vector<1x16xf32>,
        %get3A_573 = arith.index_cast %add3A_559 : i32 to index
        %get3A_574 = arith.constant 16 : index
        %get3A_575 = tpu.vector_load %arg10[%get3A_573, %get3A_574] {strides = array<i32>} : memref<80x64xf32, #tpu.memory_space<vmem>>, vector<1x16xf32>,
        %get3A_576 = vector.shape_cast %get3A_575 : vector<1x16xf32> to vector<16xf32>
        %mul3A_577 = vector.broadcast %squeeze3A_561 : f32 to vector<16xf32>
        %mul3A_578 = arith.mulf %get3A_576, %mul3A_577 : vector<16xf32>
        %swap3A_579 = arith.index_cast %add3A_559 : i32 to index
        %swap3A_580 = arith.constant 16 : index
        %swap3A_581 = tpu.vector_load %arg10[%swap3A_579, %swap3A_580] {strides = array<i32>} : memref<80x64xf32, #tpu.memory_space<vmem>>, vector<1x16xf32>,
        %swap3A_582 = vector.shape_cast %swap3A_581 : vector<1x16xf32> to vector<16xf32>
        %swap3A_583 = vector.shape_cast %mul3A_578 : vector<16xf32> to vector<1x16xf32>
        tpu.vector_store %arg10[%swap3A_579, %swap3A_580], %swap3A_583 {strides = array<i32>} : memref<80x64xf32, #tpu.memory_space<vmem>>, vector<1x16xf32>,
        %get3A_584 = arith.index_cast %add3A_559 : i32 to index
        %get3A_585 = arith.constant 32 : index
        %get3A_586 = tpu.vector_load %arg10[%get3A_584, %get3A_585] {strides = array<i32>} : memref<80x64xf32, #tpu.memory_space<vmem>>, vector<1x16xf32>,
        %get3A_587 = vector.shape_cast %get3A_586 : vector<1x16xf32> to vector<16xf32>
        %mul3A_588 = vector.broadcast %squeeze3A_561 : f32 to vector<16xf32>
        %mul3A_589 = arith.mulf %get3A_587, %mul3A_588 : vector<16xf32>
        %swap3A_590 = arith.index_cast %add3A_559 : i32 to index
        %swap3A_591 = arith.constant 32 : index
        %swap3A_592 = tpu.vector_load %arg10[%swap3A_590, %swap3A_591] {strides = array<i32>} : memref<80x64xf32, #tpu.memory_space<vmem>>, vector<1x16xf32>,
        %swap3A_593 = vector.shape_cast %swap3A_592 : vector<1x16xf32> to vector<16xf32>
        %swap3A_594 = vector.shape_cast %mul3A_589 : vector<16xf32> to vector<1x16xf32>
        tpu.vector_store %arg10[%swap3A_590, %swap3A_591], %swap3A_594 {strides = array<i32>} : memref<80x64xf32, #tpu.memory_space<vmem>>, vector<1x16xf32>,
        %get3A_595 = arith.index_cast %add3A_559 : i32 to index
        %get3A_596 = arith.constant 48 : index
        %get3A_597 = tpu.vector_load %arg10[%get3A_595, %get3A_596] {strides = array<i32>} : memref<80x64xf32, #tpu.memory_space<vmem>>, vector<1x16xf32>,
        %get3A_598 = vector.shape_cast %get3A_597 : vector<1x16xf32> to vector<16xf32>
        %mul3A_599 = vector.broadcast %squeeze3A_561 : f32 to vector<16xf32>
        %mul3A_600 = arith.mulf %get3A_598, %mul3A_599 : vector<16xf32>
        %swap3A_601 = arith.index_cast %add3A_559 : i32 to index
        %swap3A_602 = arith.constant 48 : index
        %swap3A_603 = tpu.vector_load %arg10[%swap3A_601, %swap3A_602] {strides = array<i32>} : memref<80x64xf32, #tpu.memory_space<vmem>>, vector<1x16xf32>,
        %swap3A_604 = vector.shape_cast %swap3A_603 : vector<1x16xf32> to vector<16xf32>
        %swap3A_605 = vector.shape_cast %mul3A_600 : vector<16xf32> to vector<1x16xf32>
        tpu.vector_store %arg10[%swap3A_601, %swap3A_602], %swap3A_605 {strides = array<i32>} : memref<80x64xf32, #tpu.memory_space<vmem>>, vector<1x16xf32>,
        %mul3A_606 = arith.constant 16 : i32
        %mul3A_607 = arith.muli %scan3A_52, %mul3A_606 : i32
        %add3A_608 = arith.constant 11 : i32
        %add3A_609 = arith.addi %mul3A_607, %add3A_608 : i32
        %slice3A_610 = vector.extract_strided_slice %get3A_58 {offsets = [11], sizes = [1], strides = [1]} : vector<16xf32> to vector<1xf32>
        %squeeze3A_611 = vector.extract %slice3A_610[0] : f32 from vector<1xf32>
        %get3A_612 = arith.index_cast %add3A_609 : i32 to index
        %get3A_613 = arith.constant 0 : index
        %get3A_614 = tpu.vector_load %arg10[%get3A_612, %get3A_613] {strides = array<i32>} : memref<80x64xf32, #tpu.memory_space<vmem>>, vector<1x16xf32>,
        %get3A_615 = vector.shape_cast %get3A_614 : vector<1x16xf32> to vector<16xf32>
        %mul3A_616 = vector.broadcast %squeeze3A_611 : f32 to vector<16xf32>
        %mul3A_617 = arith.mulf %get3A_615, %mul3A_616 : vector<16xf32>
        %swap3A_618 = arith.index_cast %add3A_609 : i32 to index
        %swap3A_619 = arith.constant 0 : index
        %swap3A_620 = tpu.vector_load %arg10[%swap3A_618, %swap3A_619] {strides = array<i32>} : memref<80x64xf32, #tpu.memory_space<vmem>>, vector<1x16xf32>,
        %swap3A_621 = vector.shape_cast %swap3A_620 : vector<1x16xf32> to vector<16xf32>
        %swap3A_622 = vector.shape_cast %mul3A_617 : vector<16xf32> to vector<1x16xf32>
        tpu.vector_store %arg10[%swap3A_618, %swap3A_619], %swap3A_622 {strides = array<i32>} : memref<80x64xf32, #tpu.memory_space<vmem>>, vector<1x16xf32>,
        %get3A_623 = arith.index_cast %add3A_609 : i32 to index
        %get3A_624 = arith.constant 16 : index
        %get3A_625 = tpu.vector_load %arg10[%get3A_623, %get3A_624] {strides = array<i32>} : memref<80x64xf32, #tpu.memory_space<vmem>>, vector<1x16xf32>,
        %get3A_626 = vector.shape_cast %get3A_625 : vector<1x16xf32> to vector<16xf32>
        %mul3A_627 = vector.broadcast %squeeze3A_611 : f32 to vector<16xf32>
        %mul3A_628 = arith.mulf %get3A_626, %mul3A_627 : vector<16xf32>
        %swap3A_629 = arith.index_cast %add3A_609 : i32 to index
        %swap3A_630 = arith.constant 16 : index
        %swap3A_631 = tpu.vector_load %arg10[%swap3A_629, %swap3A_630] {strides = array<i32>} : memref<80x64xf32, #tpu.memory_space<vmem>>, vector<1x16xf32>,
        %swap3A_632 = vector.shape_cast %swap3A_631 : vector<1x16xf32> to vector<16xf32>
        %swap3A_633 = vector.shape_cast %mul3A_628 : vector<16xf32> to vector<1x16xf32>
        tpu.vector_store %arg10[%swap3A_629, %swap3A_630], %swap3A_633 {strides = array<i32>} : memref<80x64xf32, #tpu.memory_space<vmem>>, vector<1x16xf32>,
        %get3A_634 = arith.index_cast %add3A_609 : i32 to index
        %get3A_635 = arith.constant 32 : index
        %get3A_636 = tpu.vector_load %arg10[%get3A_634, %get3A_635] {strides = array<i32>} : memref<80x64xf32, #tpu.memory_space<vmem>>, vector<1x16xf32>,
        %get3A_637 = vector.shape_cast %get3A_636 : vector<1x16xf32> to vector<16xf32>
        %mul3A_638 = vector.broadcast %squeeze3A_611 : f32 to vector<16xf32>
        %mul3A_639 = arith.mulf %get3A_637, %mul3A_638 : vector<16xf32>
        %swap3A_640 = arith.index_cast %add3A_609 : i32 to index
        %swap3A_641 = arith.constant 32 : index
        %swap3A_642 = tpu.vector_load %arg10[%swap3A_640, %swap3A_641] {strides = array<i32>} : memref<80x64xf32, #tpu.memory_space<vmem>>, vector<1x16xf32>,
        %swap3A_643 = vector.shape_cast %swap3A_642 : vector<1x16xf32> to vector<16xf32>
        %swap3A_644 = vector.shape_cast %mul3A_639 : vector<16xf32> to vector<1x16xf32>
        tpu.vector_store %arg10[%swap3A_640, %swap3A_641], %swap3A_644 {strides = array<i32>} : memref<80x64xf32, #tpu.memory_space<vmem>>, vector<1x16xf32>,
        %get3A_645 = arith.index_cast %add3A_609 : i32 to index
        %get3A_646 = arith.constant 48 : index
        %get3A_647 = tpu.vector_load %arg10[%get3A_645, %get3A_646] {strides = array<i32>} : memref<80x64xf32, #tpu.memory_space<vmem>>, vector<1x16xf32>,
        %get3A_648 = vector.shape_cast %get3A_647 : vector<1x16xf32> to vector<16xf32>
        %mul3A_649 = vector.broadcast %squeeze3A_611 : f32 to vector<16xf32>
        %mul3A_650 = arith.mulf %get3A_648, %mul3A_649 : vector<16xf32>
        %swap3A_651 = arith.index_cast %add3A_609 : i32 to index
        %swap3A_652 = arith.constant 48 : index
        %swap3A_653 = tpu.vector_load %arg10[%swap3A_651, %swap3A_652] {strides = array<i32>} : memref<80x64xf32, #tpu.memory_space<vmem>>, vector<1x16xf32>,
        %swap3A_654 = vector.shape_cast %swap3A_653 : vector<1x16xf32> to vector<16xf32>
        %swap3A_655 = vector.shape_cast %mul3A_650 : vector<16xf32> to vector<1x16xf32>
        tpu.vector_store %arg10[%swap3A_651, %swap3A_652], %swap3A_655 {strides = array<i32>} : memref<80x64xf32, #tpu.memory_space<vmem>>, vector<1x16xf32>,
        %mul3A_656 = arith.constant 16 : i32
        %mul3A_657 = arith.muli %scan3A_52, %mul3A_656 : i32
        %add3A_658 = arith.constant 12 : i32
        %add3A_659 = arith.addi %mul3A_657, %add3A_658 : i32
        %slice3A_660 = vector.extract_strided_slice %get3A_58 {offsets = [12], sizes = [1], strides = [1]} : vector<16xf32> to vector<1xf32>
        %squeeze3A_661 = vector.extract %slice3A_660[0] : f32 from vector<1xf32>
        %get3A_662 = arith.index_cast %add3A_659 : i32 to index
        %get3A_663 = arith.constant 0 : index
        %get3A_664 = tpu.vector_load %arg10[%get3A_662, %get3A_663] {strides = array<i32>} : memref<80x64xf32, #tpu.memory_space<vmem>>, vector<1x16xf32>,
        %get3A_665 = vector.shape_cast %get3A_664 : vector<1x16xf32> to vector<16xf32>
        %mul3A_666 = vector.broadcast %squeeze3A_661 : f32 to vector<16xf32>
        %mul3A_667 = arith.mulf %get3A_665, %mul3A_666 : vector<16xf32>
        %swap3A_668 = arith.index_cast %add3A_659 : i32 to index
        %swap3A_669 = arith.constant 0 : index
        %swap3A_670 = tpu.vector_load %arg10[%swap3A_668, %swap3A_669] {strides = array<i32>} : memref<80x64xf32, #tpu.memory_space<vmem>>, vector<1x16xf32>,
        %swap3A_671 = vector.shape_cast %swap3A_670 : vector<1x16xf32> to vector<16xf32>
        %swap3A_672 = vector.shape_cast %mul3A_667 : vector<16xf32> to vector<1x16xf32>
        tpu.vector_store %arg10[%swap3A_668, %swap3A_669], %swap3A_672 {strides = array<i32>} : memref<80x64xf32, #tpu.memory_space<vmem>>, vector<1x16xf32>,
        %get3A_673 = arith.index_cast %add3A_659 : i32 to index
        %get3A_674 = arith.constant 16 : index
        %get3A_675 = tpu.vector_load %arg10[%get3A_673, %get3A_674] {strides = array<i32>} : memref<80x64xf32, #tpu.memory_space<vmem>>, vector<1x16xf32>,
        %get3A_676 = vector.shape_cast %get3A_675 : vector<1x16xf32> to vector<16xf32>
        %mul3A_677 = vector.broadcast %squeeze3A_661 : f32 to vector<16xf32>
        %mul3A_678 = arith.mulf %get3A_676, %mul3A_677 : vector<16xf32>
        %swap3A_679 = arith.index_cast %add3A_659 : i32 to index
        %swap3A_680 = arith.constant 16 : index
        %swap3A_681 = tpu.vector_load %arg10[%swap3A_679, %swap3A_680] {strides = array<i32>} : memref<80x64xf32, #tpu.memory_space<vmem>>, vector<1x16xf32>,
        %swap3A_682 = vector.shape_cast %swap3A_681 : vector<1x16xf32> to vector<16xf32>
        %swap3A_683 = vector.shape_cast %mul3A_678 : vector<16xf32> to vector<1x16xf32>
        tpu.vector_store %arg10[%swap3A_679, %swap3A_680], %swap3A_683 {strides = array<i32>} : memref<80x64xf32, #tpu.memory_space<vmem>>, vector<1x16xf32>,
        %get3A_684 = arith.index_cast %add3A_659 : i32 to index
        %get3A_685 = arith.constant 32 : index
        %get3A_686 = tpu.vector_load %arg10[%get3A_684, %get3A_685] {strides = array<i32>} : memref<80x64xf32, #tpu.memory_space<vmem>>, vector<1x16xf32>,
        %get3A_687 = vector.shape_cast %get3A_686 : vector<1x16xf32> to vector<16xf32>
        %mul3A_688 = vector.broadcast %squeeze3A_661 : f32 to vector<16xf32>
        %mul3A_689 = arith.mulf %get3A_687, %mul3A_688 : vector<16xf32>
        %swap3A_690 = arith.index_cast %add3A_659 : i32 to index
        %swap3A_691 = arith.constant 32 : index
        %swap3A_692 = tpu.vector_load %arg10[%swap3A_690, %swap3A_691] {strides = array<i32>} : memref<80x64xf32, #tpu.memory_space<vmem>>, vector<1x16xf32>,
        %swap3A_693 = vector.shape_cast %swap3A_692 : vector<1x16xf32> to vector<16xf32>
        %swap3A_694 = vector.shape_cast %mul3A_689 : vector<16xf32> to vector<1x16xf32>
        tpu.vector_store %arg10[%swap3A_690, %swap3A_691], %swap3A_694 {strides = array<i32>} : memref<80x64xf32, #tpu.memory_space<vmem>>, vector<1x16xf32>,
        %get3A_695 = arith.index_cast %add3A_659 : i32 to index
        %get3A_696 = arith.constant 48 : index
        %get3A_697 = tpu.vector_load %arg10[%get3A_695, %get3A_696] {strides = array<i32>} : memref<80x64xf32, #tpu.memory_space<vmem>>, vector<1x16xf32>,
        %get3A_698 = vector.shape_cast %get3A_697 : vector<1x16xf32> to vector<16xf32>
        %mul3A_699 = vector.broadcast %squeeze3A_661 : f32 to vector<16xf32>
        %mul3A_700 = arith.mulf %get3A_698, %mul3A_699 : vector<16xf32>
        %swap3A_701 = arith.index_cast %add3A_659 : i32 to index
        %swap3A_702 = arith.constant 48 : index
        %swap3A_703 = tpu.vector_load %arg10[%swap3A_701, %swap3A_702] {strides = array<i32>} : memref<80x64xf32, #tpu.memory_space<vmem>>, vector<1x16xf32>,
        %swap3A_704 = vector.shape_cast %swap3A_703 : vector<1x16xf32> to vector<16xf32>
        %swap3A_705 = vector.shape_cast %mul3A_700 : vector<16xf32> to vector<1x16xf32>
        tpu.vector_store %arg10[%swap3A_701, %swap3A_702], %swap3A_705 {strides = array<i32>} : memref<80x64xf32, #tpu.memory_space<vmem>>, vector<1x16xf32>,
        %mul3A_706 = arith.constant 16 : i32
        %mul3A_707 = arith.muli %scan3A_52, %mul3A_706 : i32
        %add3A_708 = arith.constant 13 : i32
        %add3A_709 = arith.addi %mul3A_707, %add3A_708 : i32
        %slice3A_710 = vector.extract_strided_slice %get3A_58 {offsets = [13], sizes = [1], strides = [1]} : vector<16xf32> to vector<1xf32>
        %squeeze3A_711 = vector.extract %slice3A_710[0] : f32 from vector<1xf32>
        %get3A_712 = arith.index_cast %add3A_709 : i32 to index
        %get3A_713 = arith.constant 0 : index
        %get3A_714 = tpu.vector_load %arg10[%get3A_712, %get3A_713] {strides = array<i32>} : memref<80x64xf32, #tpu.memory_space<vmem>>, vector<1x16xf32>,
        %get3A_715 = vector.shape_cast %get3A_714 : vector<1x16xf32> to vector<16xf32>
        %mul3A_716 = vector.broadcast %squeeze3A_711 : f32 to vector<16xf32>
        %mul3A_717 = arith.mulf %get3A_715, %mul3A_716 : vector<16xf32>
        %swap3A_718 = arith.index_cast %add3A_709 : i32 to index
        %swap3A_719 = arith.constant 0 : index
        %swap3A_720 = tpu.vector_load %arg10[%swap3A_718, %swap3A_719] {strides = array<i32>} : memref<80x64xf32, #tpu.memory_space<vmem>>, vector<1x16xf32>,
        %swap3A_721 = vector.shape_cast %swap3A_720 : vector<1x16xf32> to vector<16xf32>
        %swap3A_722 = vector.shape_cast %mul3A_717 : vector<16xf32> to vector<1x16xf32>
        tpu.vector_store %arg10[%swap3A_718, %swap3A_719], %swap3A_722 {strides = array<i32>} : memref<80x64xf32, #tpu.memory_space<vmem>>, vector<1x16xf32>,
        %get3A_723 = arith.index_cast %add3A_709 : i32 to index
        %get3A_724 = arith.constant 16 : index
        %get3A_725 = tpu.vector_load %arg10[%get3A_723, %get3A_724] {strides = array<i32>} : memref<80x64xf32, #tpu.memory_space<vmem>>, vector<1x16xf32>,
        %get3A_726 = vector.shape_cast %get3A_725 : vector<1x16xf32> to vector<16xf32>
        %mul3A_727 = vector.broadcast %squeeze3A_711 : f32 to vector<16xf32>
        %mul3A_728 = arith.mulf %get3A_726, %mul3A_727 : vector<16xf32>
        %swap3A_729 = arith.index_cast %add3A_709 : i32 to index
        %swap3A_730 = arith.constant 16 : index
        %swap3A_731 = tpu.vector_load %arg10[%swap3A_729, %swap3A_730] {strides = array<i32>} : memref<80x64xf32, #tpu.memory_space<vmem>>, vector<1x16xf32>,
        %swap3A_732 = vector.shape_cast %swap3A_731 : vector<1x16xf32> to vector<16xf32>
        %swap3A_733 = vector.shape_cast %mul3A_728 : vector<16xf32> to vector<1x16xf32>
        tpu.vector_store %arg10[%swap3A_729, %swap3A_730], %swap3A_733 {strides = array<i32>} : memref<80x64xf32, #tpu.memory_space<vmem>>, vector<1x16xf32>,
        %get3A_734 = arith.index_cast %add3A_709 : i32 to index
        %get3A_735 = arith.constant 32 : index
        %get3A_736 = tpu.vector_load %arg10[%get3A_734, %get3A_735] {strides = array<i32>} : memref<80x64xf32, #tpu.memory_space<vmem>>, vector<1x16xf32>,
        %get3A_737 = vector.shape_cast %get3A_736 : vector<1x16xf32> to vector<16xf32>
        %mul3A_738 = vector.broadcast %squeeze3A_711 : f32 to vector<16xf32>
        %mul3A_739 = arith.mulf %get3A_737, %mul3A_738 : vector<16xf32>
        %swap3A_740 = arith.index_cast %add3A_709 : i32 to index
        %swap3A_741 = arith.constant 32 : index
        %swap3A_742 = tpu.vector_load %arg10[%swap3A_740, %swap3A_741] {strides = array<i32>} : memref<80x64xf32, #tpu.memory_space<vmem>>, vector<1x16xf32>,
        %swap3A_743 = vector.shape_cast %swap3A_742 : vector<1x16xf32> to vector<16xf32>
        %swap3A_744 = vector.shape_cast %mul3A_739 : vector<16xf32> to vector<1x16xf32>
        tpu.vector_store %arg10[%swap3A_740, %swap3A_741], %swap3A_744 {strides = array<i32>} : memref<80x64xf32, #tpu.memory_space<vmem>>, vector<1x16xf32>,
        %get3A_745 = arith.index_cast %add3A_709 : i32 to index
        %get3A_746 = arith.constant 48 : index
        %get3A_747 = tpu.vector_load %arg10[%get3A_745, %get3A_746] {strides = array<i32>} : memref<80x64xf32, #tpu.memory_space<vmem>>, vector<1x16xf32>,
        %get3A_748 = vector.shape_cast %get3A_747 : vector<1x16xf32> to vector<16xf32>
        %mul3A_749 = vector.broadcast %squeeze3A_711 : f32 to vector<16xf32>
        %mul3A_750 = arith.mulf %get3A_748, %mul3A_749 : vector<16xf32>
        %swap3A_751 = arith.index_cast %add3A_709 : i32 to index
        %swap3A_752 = arith.constant 48 : index
        %swap3A_753 = tpu.vector_load %arg10[%swap3A_751, %swap3A_752] {strides = array<i32>} : memref<80x64xf32, #tpu.memory_space<vmem>>, vector<1x16xf32>,
        %swap3A_754 = vector.shape_cast %swap3A_753 : vector<1x16xf32> to vector<16xf32>
        %swap3A_755 = vector.shape_cast %mul3A_750 : vector<16xf32> to vector<1x16xf32>
        tpu.vector_store %arg10[%swap3A_751, %swap3A_752], %swap3A_755 {strides = array<i32>} : memref<80x64xf32, #tpu.memory_space<vmem>>, vector<1x16xf32>,
        %mul3A_756 = arith.constant 16 : i32
        %mul3A_757 = arith.muli %scan3A_52, %mul3A_756 : i32
        %add3A_758 = arith.constant 14 : i32
        %add3A_759 = arith.addi %mul3A_757, %add3A_758 : i32
        %slice3A_760 = vector.extract_strided_slice %get3A_58 {offsets = [14], sizes = [1], strides = [1]} : vector<16xf32> to vector<1xf32>
        %squeeze3A_761 = vector.extract %slice3A_760[0] : f32 from vector<1xf32>
        %get3A_762 = arith.index_cast %add3A_759 : i32 to index
        %get3A_763 = arith.constant 0 : index
        %get3A_764 = tpu.vector_load %arg10[%get3A_762, %get3A_763] {strides = array<i32>} : memref<80x64xf32, #tpu.memory_space<vmem>>, vector<1x16xf32>,
        %get3A_765 = vector.shape_cast %get3A_764 : vector<1x16xf32> to vector<16xf32>
        %mul3A_766 = vector.broadcast %squeeze3A_761 : f32 to vector<16xf32>
        %mul3A_767 = arith.mulf %get3A_765, %mul3A_766 : vector<16xf32>
        %swap3A_768 = arith.index_cast %add3A_759 : i32 to index
        %swap3A_769 = arith.constant 0 : index
        %swap3A_770 = tpu.vector_load %arg10[%swap3A_768, %swap3A_769] {strides = array<i32>} : memref<80x64xf32, #tpu.memory_space<vmem>>, vector<1x16xf32>,
        %swap3A_771 = vector.shape_cast %swap3A_770 : vector<1x16xf32> to vector<16xf32>
        %swap3A_772 = vector.shape_cast %mul3A_767 : vector<16xf32> to vector<1x16xf32>
        tpu.vector_store %arg10[%swap3A_768, %swap3A_769], %swap3A_772 {strides = array<i32>} : memref<80x64xf32, #tpu.memory_space<vmem>>, vector<1x16xf32>,
        %get3A_773 = arith.index_cast %add3A_759 : i32 to index
        %get3A_774 = arith.constant 16 : index
        %get3A_775 = tpu.vector_load %arg10[%get3A_773, %get3A_774] {strides = array<i32>} : memref<80x64xf32, #tpu.memory_space<vmem>>, vector<1x16xf32>,
        %get3A_776 = vector.shape_cast %get3A_775 : vector<1x16xf32> to vector<16xf32>
        %mul3A_777 = vector.broadcast %squeeze3A_761 : f32 to vector<16xf32>
        %mul3A_778 = arith.mulf %get3A_776, %mul3A_777 : vector<16xf32>
        %swap3A_779 = arith.index_cast %add3A_759 : i32 to index
        %swap3A_780 = arith.constant 16 : index
        %swap3A_781 = tpu.vector_load %arg10[%swap3A_779, %swap3A_780] {strides = array<i32>} : memref<80x64xf32, #tpu.memory_space<vmem>>, vector<1x16xf32>,
        %swap3A_782 = vector.shape_cast %swap3A_781 : vector<1x16xf32> to vector<16xf32>
        %swap3A_783 = vector.shape_cast %mul3A_778 : vector<16xf32> to vector<1x16xf32>
        tpu.vector_store %arg10[%swap3A_779, %swap3A_780], %swap3A_783 {strides = array<i32>} : memref<80x64xf32, #tpu.memory_space<vmem>>, vector<1x16xf32>,
        %get3A_784 = arith.index_cast %add3A_759 : i32 to index
        %get3A_785 = arith.constant 32 : index
        %get3A_786 = tpu.vector_load %arg10[%get3A_784, %get3A_785] {strides = array<i32>} : memref<80x64xf32, #tpu.memory_space<vmem>>, vector<1x16xf32>,
        %get3A_787 = vector.shape_cast %get3A_786 : vector<1x16xf32> to vector<16xf32>
        %mul3A_788 = vector.broadcast %squeeze3A_761 : f32 to vector<16xf32>
        %mul3A_789 = arith.mulf %get3A_787, %mul3A_788 : vector<16xf32>
        %swap3A_790 = arith.index_cast %add3A_759 : i32 to index
        %swap3A_791 = arith.constant 32 : index
        %swap3A_792 = tpu.vector_load %arg10[%swap3A_790, %swap3A_791] {strides = array<i32>} : memref<80x64xf32, #tpu.memory_space<vmem>>, vector<1x16xf32>,
        %swap3A_793 = vector.shape_cast %swap3A_792 : vector<1x16xf32> to vector<16xf32>
        %swap3A_794 = vector.shape_cast %mul3A_789 : vector<16xf32> to vector<1x16xf32>
        tpu.vector_store %arg10[%swap3A_790, %swap3A_791], %swap3A_794 {strides = array<i32>} : memref<80x64xf32, #tpu.memory_space<vmem>>, vector<1x16xf32>,
        %get3A_795 = arith.index_cast %add3A_759 : i32 to index
        %get3A_796 = arith.constant 48 : index
        %get3A_797 = tpu.vector_load %arg10[%get3A_795, %get3A_796] {strides = array<i32>} : memref<80x64xf32, #tpu.memory_space<vmem>>, vector<1x16xf32>,
        %get3A_798 = vector.shape_cast %get3A_797 : vector<1x16xf32> to vector<16xf32>
        %mul3A_799 = vector.broadcast %squeeze3A_761 : f32 to vector<16xf32>
        %mul3A_800 = arith.mulf %get3A_798, %mul3A_799 : vector<16xf32>
        %swap3A_801 = arith.index_cast %add3A_759 : i32 to index
        %swap3A_802 = arith.constant 48 : index
        %swap3A_803 = tpu.vector_load %arg10[%swap3A_801, %swap3A_802] {strides = array<i32>} : memref<80x64xf32, #tpu.memory_space<vmem>>, vector<1x16xf32>,
        %swap3A_804 = vector.shape_cast %swap3A_803 : vector<1x16xf32> to vector<16xf32>
        %swap3A_805 = vector.shape_cast %mul3A_800 : vector<16xf32> to vector<1x16xf32>
        tpu.vector_store %arg10[%swap3A_801, %swap3A_802], %swap3A_805 {strides = array<i32>} : memref<80x64xf32, #tpu.memory_space<vmem>>, vector<1x16xf32>,
        %mul3A_806 = arith.constant 16 : i32
        %mul3A_807 = arith.muli %scan3A_52, %mul3A_806 : i32
        %add3A_808 = arith.constant 15 : i32
        %add3A_809 = arith.addi %mul3A_807, %add3A_808 : i32
        %slice3A_810 = vector.extract_strided_slice %get3A_58 {offsets = [15], sizes = [1], strides = [1]} : vector<16xf32> to vector<1xf32>
        %squeeze3A_811 = vector.extract %slice3A_810[0] : f32 from vector<1xf32>
        %get3A_812 = arith.index_cast %add3A_809 : i32 to index
        %get3A_813 = arith.constant 0 : index
        %get3A_814 = tpu.vector_load %arg10[%get3A_812, %get3A_813] {strides = array<i32>} : memref<80x64xf32, #tpu.memory_space<vmem>>, vector<1x16xf32>,
        %get3A_815 = vector.shape_cast %get3A_814 : vector<1x16xf32> to vector<16xf32>
        %mul3A_816 = vector.broadcast %squeeze3A_811 : f32 to vector<16xf32>
        %mul3A_817 = arith.mulf %get3A_815, %mul3A_816 : vector<16xf32>
        %swap3A_818 = arith.index_cast %add3A_809 : i32 to index
        %swap3A_819 = arith.constant 0 : index
        %swap3A_820 = tpu.vector_load %arg10[%swap3A_818, %swap3A_819] {strides = array<i32>} : memref<80x64xf32, #tpu.memory_space<vmem>>, vector<1x16xf32>,
        %swap3A_821 = vector.shape_cast %swap3A_820 : vector<1x16xf32> to vector<16xf32>
        %swap3A_822 = vector.shape_cast %mul3A_817 : vector<16xf32> to vector<1x16xf32>
        tpu.vector_store %arg10[%swap3A_818, %swap3A_819], %swap3A_822 {strides = array<i32>} : memref<80x64xf32, #tpu.memory_space<vmem>>, vector<1x16xf32>,
        %get3A_823 = arith.index_cast %add3A_809 : i32 to index
        %get3A_824 = arith.constant 16 : index
        %get3A_825 = tpu.vector_load %arg10[%get3A_823, %get3A_824] {strides = array<i32>} : memref<80x64xf32, #tpu.memory_space<vmem>>, vector<1x16xf32>,
        %get3A_826 = vector.shape_cast %get3A_825 : vector<1x16xf32> to vector<16xf32>
        %mul3A_827 = vector.broadcast %squeeze3A_811 : f32 to vector<16xf32>
        %mul3A_828 = arith.mulf %get3A_826, %mul3A_827 : vector<16xf32>
        %swap3A_829 = arith.index_cast %add3A_809 : i32 to index
        %swap3A_830 = arith.constant 16 : index
        %swap3A_831 = tpu.vector_load %arg10[%swap3A_829, %swap3A_830] {strides = array<i32>} : memref<80x64xf32, #tpu.memory_space<vmem>>, vector<1x16xf32>,
        %swap3A_832 = vector.shape_cast %swap3A_831 : vector<1x16xf32> to vector<16xf32>
        %swap3A_833 = vector.shape_cast %mul3A_828 : vector<16xf32> to vector<1x16xf32>
        tpu.vector_store %arg10[%swap3A_829, %swap3A_830], %swap3A_833 {strides = array<i32>} : memref<80x64xf32, #tpu.memory_space<vmem>>, vector<1x16xf32>,
        %get3A_834 = arith.index_cast %add3A_809 : i32 to index
        %get3A_835 = arith.constant 32 : index
        %get3A_836 = tpu.vector_load %arg10[%get3A_834, %get3A_835] {strides = array<i32>} : memref<80x64xf32, #tpu.memory_space<vmem>>, vector<1x16xf32>,
        %get3A_837 = vector.shape_cast %get3A_836 : vector<1x16xf32> to vector<16xf32>
        %mul3A_838 = vector.broadcast %squeeze3A_811 : f32 to vector<16xf32>
        %mul3A_839 = arith.mulf %get3A_837, %mul3A_838 : vector<16xf32>
        %swap3A_840 = arith.index_cast %add3A_809 : i32 to index
        %swap3A_841 = arith.constant 32 : index
        %swap3A_842 = tpu.vector_load %arg10[%swap3A_840, %swap3A_841] {strides = array<i32>} : memref<80x64xf32, #tpu.memory_space<vmem>>, vector<1x16xf32>,
        %swap3A_843 = vector.shape_cast %swap3A_842 : vector<1x16xf32> to vector<16xf32>
        %swap3A_844 = vector.shape_cast %mul3A_839 : vector<16xf32> to vector<1x16xf32>
        tpu.vector_store %arg10[%swap3A_840, %swap3A_841], %swap3A_844 {strides = array<i32>} : memref<80x64xf32, #tpu.memory_space<vmem>>, vector<1x16xf32>,
        %get3A_845 = arith.index_cast %add3A_809 : i32 to index
        %get3A_846 = arith.constant 48 : index
        %get3A_847 = tpu.vector_load %arg10[%get3A_845, %get3A_846] {strides = array<i32>} : memref<80x64xf32, #tpu.memory_space<vmem>>, vector<1x16xf32>,
        %get3A_848 = vector.shape_cast %get3A_847 : vector<1x16xf32> to vector<16xf32>
        %mul3A_849 = vector.broadcast %squeeze3A_811 : f32 to vector<16xf32>
        %mul3A_850 = arith.mulf %get3A_848, %mul3A_849 : vector<16xf32>
        %swap3A_851 = arith.index_cast %add3A_809 : i32 to index
        %swap3A_852 = arith.constant 48 : index
        %swap3A_853 = tpu.vector_load %arg10[%swap3A_851, %swap3A_852] {strides = array<i32>} : memref<80x64xf32, #tpu.memory_space<vmem>>, vector<1x16xf32>,
        %swap3A_854 = vector.shape_cast %swap3A_853 : vector<1x16xf32> to vector<16xf32>
        %swap3A_855 = vector.shape_cast %mul3A_850 : vector<16xf32> to vector<1x16xf32>
        tpu.vector_store %arg10[%swap3A_851, %swap3A_852], %swap3A_855 {strides = array<i32>} : memref<80x64xf32, #tpu.memory_space<vmem>>, vector<1x16xf32>,
      }
      %scan3A_51 = arith.constant 5 : i32
      "tpu.region"() ({
        %run_scoped3A = tpu.sem_alloc : memref<!tpu.dma_semaphore, #tpu.memory_space<semaphore_mem>>
        %dma_start3A_52 = arith.constant 0 : i32
        %dma_start3A_53 = tpu.memref_slice %arg8[%scan3A_37, %dma_start3A_52] : memref<250x80xi32, #tpu.memory_space<vmem>> -> memref<1x80xi32, #tpu.memory_space<vmem>>
        %dma_start3A_54 = tpu.memref_squeeze %dma_start3A_53 : memref<1x80xi32, #tpu.memory_space<vmem>> -> memref<80xi32, #tpu.memory_space<vmem>>
        %dma_start3A_55 = arith.constant 0 : i32
        %dma_start3A_56 = arith.constant 0 : i32
        %dma_start3A_57 = tpu.memref_slice %arg12[%dma_start3A_55, %dma_start3A_56] : memref<10240x64xf32, #tpu.memory_space<vmem_shared>> -> memref<10240x64xf32, #tpu.memory_space<vmem_shared>>
        tpu.enqueue_indirect_dma source(%arg10 : memref<80x64xf32, #tpu.memory_space<vmem>>) target(%dma_start3A_57 : memref<10240x64xf32, #tpu.memory_space<vmem_shared>>) offsets(%dma_start3A_54 : memref<80xi32, #tpu.memory_space<vmem>>) semaphore(%run_scoped3A : memref<!tpu.dma_semaphore, #tpu.memory_space<semaphore_mem>>) {add = true}
        %dma_wait3A_58 = arith.constant 0 : i32
        %dma_wait3A_59 = tpu.memref_slice %arg8[%scan3A_37, %dma_wait3A_58] : memref<250x80xi32, #tpu.memory_space<vmem>> -> memref<1x80xi32, #tpu.memory_space<vmem>>
        %dma_wait3A_60 = tpu.memref_squeeze %dma_wait3A_59 : memref<1x80xi32, #tpu.memory_space<vmem>> -> memref<80xi32, #tpu.memory_space<vmem>>
        %dma_wait3A_61 = arith.constant 0 : i32
        %dma_wait3A_62 = arith.constant 0 : i32
        %dma_wait3A_63 = tpu.memref_slice %arg12[%dma_wait3A_61, %dma_wait3A_62] : memref<10240x64xf32, #tpu.memory_space<vmem_shared>> -> memref<10240x64xf32, #tpu.memory_space<vmem_shared>>
        tpu.wait_indirect_dma semaphore(%run_scoped3A : memref<!tpu.dma_semaphore, #tpu.memory_space<semaphore_mem>>) src(%arg10 : memref<80x64xf32, #tpu.memory_space<vmem>>) dst(%dma_wait3A_63 : memref<10240x64xf32, #tpu.memory_space<vmem_shared>>)
        tpu.yield
      }) : () -> ()
    }
    %scan3A_31 = arith.constant 250 : i32
    %barrier3A_32 = arith.constant 0 : index
    tpu.barrier barrier_id(%barrier3A_32)
    %mul3A_33 = arith.constant 640 : i32
    %mul3A_34 = arith.muli %arg1, %mul3A_33 : i32
    %mul3A_35 = arith.constant 640 : i32
    %mul3A_36 = arith.muli %arg1, %mul3A_35 : i32
    "tpu.region"() ({
      %run_scoped3A = tpu.sem_alloc : memref<!tpu.dma_semaphore, #tpu.memory_space<semaphore_mem>>
      %dma_start3A = arith.constant 0 : i32
      %dma_start3A_37 = tpu.memref_slice %arg6[%arg0, %mul3A_36, %dma_start3A] : memref<2x10240x64xf32, #tpu.memory_space<hbm>> -> memref<1x640x64xf32, #tpu.memory_space<hbm>>
      %dma_start3A_38 = tpu.memref_squeeze %dma_start3A_37 : memref<1x640x64xf32, #tpu.memory_space<hbm>> -> memref<640x64xf32, #tpu.memory_space<hbm>>
      %dma_start3A_39 = arith.constant 0 : i32
      %dma_start3A_40 = tpu.memref_slice %arg12[%mul3A_34, %dma_start3A_39] : memref<10240x64xf32, #tpu.memory_space<vmem_shared>> -> memref<640x64xf32, #tpu.memory_space<vmem_shared>>
      tpu.enqueue_dma source(%dma_start3A_40 : memref<640x64xf32, #tpu.memory_space<vmem_shared>>) target(%dma_start3A_38 : memref<640x64xf32, #tpu.memory_space<hbm>>) target_semaphore(%run_scoped3A : memref<!tpu.dma_semaphore, #tpu.memory_space<semaphore_mem>>)
      %dma_wait3A = arith.constant 0 : i32
      %dma_wait3A_41 = tpu.memref_slice %arg6[%arg0, %mul3A_36, %dma_wait3A] : memref<2x10240x64xf32, #tpu.memory_space<hbm>> -> memref<1x640x64xf32, #tpu.memory_space<hbm>>
      %dma_wait3A_42 = tpu.memref_squeeze %dma_wait3A_41 : memref<1x640x64xf32, #tpu.memory_space<hbm>> -> memref<640x64xf32, #tpu.memory_space<hbm>>
      %dma_wait3A_43 = arith.constant 0 : i32
      %dma_wait3A_44 = tpu.memref_slice %arg12[%mul3A_34, %dma_wait3A_43] : memref<10240x64xf32, #tpu.memory_space<vmem_shared>> -> memref<640x64xf32, #tpu.memory_space<vmem_shared>>
      tpu.wait_dma2 semaphore(%run_scoped3A : memref<!tpu.dma_semaphore, #tpu.memory_space<semaphore_mem>>) src(%dma_wait3A_44 : memref<640x64xf32, #tpu.memory_space<vmem_shared>>) dst(%dma_wait3A_42 : memref<640x64xf32, #tpu.memory_space<hbm>>)
      tpu.yield
    }) : () -> ()
    return
  }
}

#map = affine_map<(d0, d1) -> (0, 0, 0)>
#map1 = affine_map<(d0, d1) -> (0, 0)>
module attributes {stable_mosaic.version = 14 : i64} {
  func.func @_deg_body(%arg0: i32, %arg1: i32, %arg2: memref<32x125x80xi32, #tpu.memory_space<hbm>>, %arg3: memref<32x10000xf32, #tpu.memory_space<hbm>>, %arg4: memref<2x10240xf32, #tpu.memory_space<hbm>>, %arg5: memref<125x80xi32, #tpu.memory_space<vmem>>, %arg6: memref<10000xf32, #tpu.memory_space<vmem>>, %arg7: memref<640xf32, #tpu.memory_space<vmem>>, %arg8: memref<10240xf32, #tpu.memory_space<vmem_shared>>) attributes {dimension_semantics = [#tpu.dimension_semantics<core_parallel>, #tpu.dimension_semantics<subcore_parallel>], iteration_bounds = array<i64: 2, 16>, scalar_prefetch = 0 : i64, scratch_operands = 4 : i64, tpu.core_type = #tpu.core_type<sc_vector_subcore>, window_params = [{transform_indices = #map}, {transform_indices = #map1}, {transform_indices = #map1}]} {
    %mul3A = arith.constant 16 : i32
    %mul3A_0 = arith.muli %arg0, %mul3A : i32
    %add3A = arith.addi %mul3A_0, %arg1 : i32
    %scan3A = arith.constant 0 : i32
    %scan3A_1 = arith.constant 0 : i32
    %scan3A_2 = arith.constant 40 : i32
    %scan3A_3 = arith.addi %scan3A_1, %scan3A_2 : i32
    %scan3A_4 = arith.constant 1 : i32
    scf.for %scan3A_15 = %scan3A_1 to %scan3A_3 step %scan3A_4  : i32 {
      %broadcast_in_dim3A = arith.constant 0.000000e+00 : f32
      %broadcast_in_dim3A_16 = vector.broadcast %broadcast_in_dim3A : f32 to vector<16xf32>
      %mul3A_17 = arith.constant 16 : i32
      %mul3A_18 = arith.muli %scan3A_15, %mul3A_17 : i32
      %multiple_of3A_19 = tpu.assume_multiple %mul3A_18, 8 : i32
      %swap3A = arith.index_cast %multiple_of3A_19 : i32 to index
      %swap3A_20 = tpu.vector_load %arg7[%swap3A] {strides = array<i32>} : memref<640xf32, #tpu.memory_space<vmem>>, vector<16xf32>,
      %swap3A_21 = vector.shape_cast %swap3A_20 : vector<16xf32> to vector<16xf32>
      %swap3A_22 = vector.shape_cast %broadcast_in_dim3A_16 : vector<16xf32> to vector<16xf32>
      tpu.vector_store %arg7[%swap3A], %swap3A_22 {strides = array<i32>} : memref<640xf32, #tpu.memory_space<vmem>>, vector<16xf32>,
    }
    %scan3A_5 = arith.constant 40 : i32
    %mul3A_6 = arith.constant 640 : i32
    %mul3A_7 = arith.muli %arg1, %mul3A_6 : i32
    %multiple_of3A = tpu.assume_multiple %mul3A_7, 8 : i32
    "tpu.region"() ({
      %run_scoped3A = tpu.sem_alloc : memref<!tpu.dma_semaphore, #tpu.memory_space<semaphore_mem>>
      %dma_start3A = tpu.memref_slice %arg8[%multiple_of3A] : memref<10240xf32, #tpu.memory_space<vmem_shared>> -> memref<640xf32, #tpu.memory_space<vmem_shared>>
      %dma_start3A_15 = tpu.memref_slice %arg8[%multiple_of3A] : memref<10240xf32, #tpu.memory_space<vmem_shared>> -> memref<640xf32, #tpu.memory_space<vmem_shared>>
      tpu.enqueue_dma source(%arg7 : memref<640xf32, #tpu.memory_space<vmem>>) target(%dma_start3A_15 : memref<640xf32, #tpu.memory_space<vmem_shared>>) target_semaphore(%run_scoped3A : memref<!tpu.dma_semaphore, #tpu.memory_space<semaphore_mem>>)
      %dma_wait3A = tpu.memref_slice %arg8[%multiple_of3A] : memref<10240xf32, #tpu.memory_space<vmem_shared>> -> memref<640xf32, #tpu.memory_space<vmem_shared>>
      %dma_wait3A_16 = tpu.memref_slice %arg8[%multiple_of3A] : memref<10240xf32, #tpu.memory_space<vmem_shared>> -> memref<640xf32, #tpu.memory_space<vmem_shared>>
      tpu.wait_dma2 semaphore(%run_scoped3A : memref<!tpu.dma_semaphore, #tpu.memory_space<semaphore_mem>>) src(%arg7 : memref<640xf32, #tpu.memory_space<vmem>>) dst(%dma_wait3A_16 : memref<640xf32, #tpu.memory_space<vmem_shared>>)
      tpu.yield
    }) : () -> ()
    %barrier3A = arith.constant 0 : index
    tpu.barrier barrier_id(%barrier3A)
    "tpu.region"() ({
      %run_scoped3A = tpu.sem_alloc : memref<!tpu.dma_semaphore, #tpu.memory_space<semaphore_mem>>
      %dma_start3A = arith.constant 0 : i32
      %dma_start3A_15 = arith.constant 0 : i32
      %dma_start3A_16 = tpu.memref_slice %arg2[%add3A, %dma_start3A, %dma_start3A_15] : memref<32x125x80xi32, #tpu.memory_space<hbm>> -> memref<1x125x80xi32, #tpu.memory_space<hbm>>
      %dma_start3A_17 = tpu.memref_squeeze %dma_start3A_16 : memref<1x125x80xi32, #tpu.memory_space<hbm>> -> memref<125x80xi32, #tpu.memory_space<hbm>>
      %dma_start3A_18 = arith.constant 0 : i32
      %dma_start3A_19 = arith.constant 0 : i32
      %dma_start3A_20 = tpu.memref_slice %arg2[%add3A, %dma_start3A_18, %dma_start3A_19] : memref<32x125x80xi32, #tpu.memory_space<hbm>> -> memref<1x125x80xi32, #tpu.memory_space<hbm>>
      %dma_start3A_21 = tpu.memref_squeeze %dma_start3A_20 : memref<1x125x80xi32, #tpu.memory_space<hbm>> -> memref<125x80xi32, #tpu.memory_space<hbm>>
      tpu.enqueue_dma source(%dma_start3A_21 : memref<125x80xi32, #tpu.memory_space<hbm>>) target(%arg5 : memref<125x80xi32, #tpu.memory_space<vmem>>) target_semaphore(%run_scoped3A : memref<!tpu.dma_semaphore, #tpu.memory_space<semaphore_mem>>)
      %dma_wait3A = arith.constant 0 : i32
      %dma_wait3A_22 = arith.constant 0 : i32
      %dma_wait3A_23 = tpu.memref_slice %arg2[%add3A, %dma_wait3A, %dma_wait3A_22] : memref<32x125x80xi32, #tpu.memory_space<hbm>> -> memref<1x125x80xi32, #tpu.memory_space<hbm>>
      %dma_wait3A_24 = tpu.memref_squeeze %dma_wait3A_23 : memref<1x125x80xi32, #tpu.memory_space<hbm>> -> memref<125x80xi32, #tpu.memory_space<hbm>>
      %dma_wait3A_25 = arith.constant 0 : i32
      %dma_wait3A_26 = arith.constant 0 : i32
      %dma_wait3A_27 = tpu.memref_slice %arg2[%add3A, %dma_wait3A_25, %dma_wait3A_26] : memref<32x125x80xi32, #tpu.memory_space<hbm>> -> memref<1x125x80xi32, #tpu.memory_space<hbm>>
      %dma_wait3A_28 = tpu.memref_squeeze %dma_wait3A_27 : memref<1x125x80xi32, #tpu.memory_space<hbm>> -> memref<125x80xi32, #tpu.memory_space<hbm>>
      tpu.wait_dma2 semaphore(%run_scoped3A : memref<!tpu.dma_semaphore, #tpu.memory_space<semaphore_mem>>) src(%dma_wait3A_28 : memref<125x80xi32, #tpu.memory_space<hbm>>) dst(%arg5 : memref<125x80xi32, #tpu.memory_space<vmem>>)
      tpu.yield
    }) : () -> ()
    "tpu.region"() ({
      %run_scoped3A = tpu.sem_alloc : memref<!tpu.dma_semaphore, #tpu.memory_space<semaphore_mem>>
      %dma_start3A = arith.constant 0 : i32
      %dma_start3A_15 = tpu.memref_slice %arg3[%add3A, %dma_start3A] : memref<32x10000xf32, #tpu.memory_space<hbm>> -> memref<1x10000xf32, #tpu.memory_space<hbm>>
      %dma_start3A_16 = tpu.memref_squeeze %dma_start3A_15 : memref<1x10000xf32, #tpu.memory_space<hbm>> -> memref<10000xf32, #tpu.memory_space<hbm>>
      %dma_start3A_17 = arith.constant 0 : i32
      %dma_start3A_18 = tpu.memref_slice %arg3[%add3A, %dma_start3A_17] : memref<32x10000xf32, #tpu.memory_space<hbm>> -> memref<1x10000xf32, #tpu.memory_space<hbm>>
      %dma_start3A_19 = tpu.memref_squeeze %dma_start3A_18 : memref<1x10000xf32, #tpu.memory_space<hbm>> -> memref<10000xf32, #tpu.memory_space<hbm>>
      tpu.enqueue_dma source(%dma_start3A_19 : memref<10000xf32, #tpu.memory_space<hbm>>) target(%arg6 : memref<10000xf32, #tpu.memory_space<vmem>>) target_semaphore(%run_scoped3A : memref<!tpu.dma_semaphore, #tpu.memory_space<semaphore_mem>>)
      %dma_wait3A = arith.constant 0 : i32
      %dma_wait3A_20 = tpu.memref_slice %arg3[%add3A, %dma_wait3A] : memref<32x10000xf32, #tpu.memory_space<hbm>> -> memref<1x10000xf32, #tpu.memory_space<hbm>>
      %dma_wait3A_21 = tpu.memref_squeeze %dma_wait3A_20 : memref<1x10000xf32, #tpu.memory_space<hbm>> -> memref<10000xf32, #tpu.memory_space<hbm>>
      %dma_wait3A_22 = arith.constant 0 : i32
      %dma_wait3A_23 = tpu.memref_slice %arg3[%add3A, %dma_wait3A_22] : memref<32x10000xf32, #tpu.memory_space<hbm>> -> memref<1x10000xf32, #tpu.memory_space<hbm>>
      %dma_wait3A_24 = tpu.memref_squeeze %dma_wait3A_23 : memref<1x10000xf32, #tpu.memory_space<hbm>> -> memref<10000xf32, #tpu.memory_space<hbm>>
      tpu.wait_dma2 semaphore(%run_scoped3A : memref<!tpu.dma_semaphore, #tpu.memory_space<semaphore_mem>>) src(%dma_wait3A_24 : memref<10000xf32, #tpu.memory_space<hbm>>) dst(%arg6 : memref<10000xf32, #tpu.memory_space<vmem>>)
      tpu.yield
    }) : () -> ()
    %scan3A_8 = arith.constant 0 : i32
    %scan3A_9 = arith.constant 0 : i32
    %scan3A_10 = arith.constant 125 : i32
    %scan3A_11 = arith.addi %scan3A_9, %scan3A_10 : i32
    %scan3A_12 = arith.constant 1 : i32
    scf.for %scan3A_15 = %scan3A_9 to %scan3A_11 step %scan3A_12  : i32 {
      %mul3A_16 = arith.constant 80 : i32
      %mul3A_17 = arith.muli %scan3A_15, %mul3A_16 : i32
      %multiple_of3A_18 = tpu.assume_multiple %mul3A_17, 8 : i32
      "tpu.region"() ({
        %run_scoped3A = tpu.sem_alloc : memref<!tpu.dma_semaphore, #tpu.memory_space<semaphore_mem>>
        %dma_start3A = tpu.memref_slice %arg6[%multiple_of3A_18] : memref<10000xf32, #tpu.memory_space<vmem>> -> memref<80xf32, #tpu.memory_space<vmem>>
        %dma_start3A_19 = arith.constant 0 : i32
        %dma_start3A_20 = tpu.memref_slice %arg5[%scan3A_15, %dma_start3A_19] : memref<125x80xi32, #tpu.memory_space<vmem>> -> memref<1x80xi32, #tpu.memory_space<vmem>>
        %dma_start3A_21 = tpu.memref_squeeze %dma_start3A_20 : memref<1x80xi32, #tpu.memory_space<vmem>> -> memref<80xi32, #tpu.memory_space<vmem>>
        %dma_start3A_22 = arith.constant 0 : i32
        %dma_start3A_23 = tpu.memref_slice %arg8[%dma_start3A_22] : memref<10240xf32, #tpu.memory_space<vmem_shared>> -> memref<10240xf32, #tpu.memory_space<vmem_shared>>
        tpu.enqueue_indirect_dma source(%dma_start3A : memref<80xf32, #tpu.memory_space<vmem>>) target(%dma_start3A_23 : memref<10240xf32, #tpu.memory_space<vmem_shared>>) offsets(%dma_start3A_21 : memref<80xi32, #tpu.memory_space<vmem>>) semaphore(%run_scoped3A : memref<!tpu.dma_semaphore, #tpu.memory_space<semaphore_mem>>) {add = true}
        %dma_wait3A = tpu.memref_slice %arg6[%multiple_of3A_18] : memref<10000xf32, #tpu.memory_space<vmem>> -> memref<80xf32, #tpu.memory_space<vmem>>
        %dma_wait3A_24 = arith.constant 0 : i32
        %dma_wait3A_25 = tpu.memref_slice %arg5[%scan3A_15, %dma_wait3A_24] : memref<125x80xi32, #tpu.memory_space<vmem>> -> memref<1x80xi32, #tpu.memory_space<vmem>>
        %dma_wait3A_26 = tpu.memref_squeeze %dma_wait3A_25 : memref<1x80xi32, #tpu.memory_space<vmem>> -> memref<80xi32, #tpu.memory_space<vmem>>
        %dma_wait3A_27 = arith.constant 0 : i32
        %dma_wait3A_28 = tpu.memref_slice %arg8[%dma_wait3A_27] : memref<10240xf32, #tpu.memory_space<vmem_shared>> -> memref<10240xf32, #tpu.memory_space<vmem_shared>>
        tpu.wait_indirect_dma semaphore(%run_scoped3A : memref<!tpu.dma_semaphore, #tpu.memory_space<semaphore_mem>>) src(%dma_wait3A : memref<80xf32, #tpu.memory_space<vmem>>) dst(%dma_wait3A_28 : memref<10240xf32, #tpu.memory_space<vmem_shared>>)
        tpu.yield
      }) : () -> ()
    }
    %scan3A_13 = arith.constant 125 : i32
    %barrier3A_14 = arith.constant 0 : index
    tpu.barrier barrier_id(%barrier3A_14)
    "tpu.region"() ({
      %run_scoped3A = tpu.sem_alloc : memref<!tpu.dma_semaphore, #tpu.memory_space<semaphore_mem>>
      %dma_start3A = tpu.memref_slice %arg4[%arg0, %multiple_of3A] : memref<2x10240xf32, #tpu.memory_space<hbm>> -> memref<1x640xf32, #tpu.memory_space<hbm>>
      %dma_start3A_15 = tpu.memref_squeeze %dma_start3A : memref<1x640xf32, #tpu.memory_space<hbm>> -> memref<640xf32, #tpu.memory_space<hbm>>
      %dma_start3A_16 = tpu.memref_slice %arg8[%multiple_of3A] : memref<10240xf32, #tpu.memory_space<vmem_shared>> -> memref<640xf32, #tpu.memory_space<vmem_shared>>
      tpu.enqueue_dma source(%dma_start3A_16 : memref<640xf32, #tpu.memory_space<vmem_shared>>) target(%dma_start3A_15 : memref<640xf32, #tpu.memory_space<hbm>>) target_semaphore(%run_scoped3A : memref<!tpu.dma_semaphore, #tpu.memory_space<semaphore_mem>>)
      %dma_wait3A = tpu.memref_slice %arg4[%arg0, %multiple_of3A] : memref<2x10240xf32, #tpu.memory_space<hbm>> -> memref<1x640xf32, #tpu.memory_space<hbm>>
      %dma_wait3A_17 = tpu.memref_squeeze %dma_wait3A : memref<1x640xf32, #tpu.memory_space<hbm>> -> memref<640xf32, #tpu.memory_space<hbm>>
      %dma_wait3A_18 = tpu.memref_slice %arg8[%multiple_of3A] : memref<10240xf32, #tpu.memory_space<vmem_shared>> -> memref<640xf32, #tpu.memory_space<vmem_shared>>
      tpu.wait_dma2 semaphore(%run_scoped3A : memref<!tpu.dma_semaphore, #tpu.memory_space<semaphore_mem>>) src(%dma_wait3A_18 : memref<640xf32, #tpu.memory_space<vmem_shared>>) dst(%dma_wait3A_17 : memref<640xf32, #tpu.memory_space<hbm>>)
      tpu.yield
    }) : () -> ()
    return
  }
}

#map = affine_map<(d0, d1) -> (0, 0)>
#map1 = affine_map<(d0, d1) -> (0, 0, 0)>
module attributes {stable_mosaic.version = 14 : i64} {
  func.func @_msg_body(%arg0: i32, %arg1: i32, %arg2: memref<32x20000xi32, #tpu.memory_space<hbm>>, %arg3: memref<16x250x80xi32, #tpu.memory_space<hbm>>, %arg4: memref<16x20000xf32, #tpu.memory_space<hbm>>, %arg5: memref<20000x64xf32, #tpu.memory_space<hbm>>, %arg6: memref<2x10240x64xf32, #tpu.memory_space<hbm>>, %arg7: memref<20000xi32, #tpu.memory_space<vmem>>, %arg8: memref<250x80xi32, #tpu.memory_space<vmem>>, %arg9: memref<20000xf32, #tpu.memory_space<vmem>>, %arg10: memref<80x64xf32, #tpu.memory_space<vmem>>, %arg11: memref<128x64xf32, #tpu.memory_space<vmem>>, %arg12: memref<10240x64xf32, #tpu.memory_space<vmem_shared>>, %arg13: memref<!tpu.dma_semaphore, #tpu.memory_space<semaphore_mem>>) attributes {dimension_semantics = [#tpu.dimension_semantics<core_parallel>, #tpu.dimension_semantics<subcore_parallel>], iteration_bounds = array<i64: 2, 16>, scalar_prefetch = 0 : i64, scratch_operands = 7 : i64, tpu.core_type = #tpu.core_type<sc_vector_subcore>, window_params = [{transform_indices = #map}, {transform_indices = #map1}, {transform_indices = #map}, {transform_indices = #map}, {transform_indices = #map1}]} {
    %mul3A = arith.constant 16 : i32
    %mul3A_0 = arith.muli %arg0, %mul3A : i32
    %add3A = arith.addi %mul3A_0, %arg1 : i32
    %scan3A = arith.constant 0 : i32
    %scan3A_1 = arith.constant 0 : i32
    %scan3A_2 = arith.constant 128 : i32
    %scan3A_3 = arith.addi %scan3A_1, %scan3A_2 : i32
    %scan3A_4 = arith.constant 1 : i32
    scf.for %scan3A_37 = %scan3A_1 to %scan3A_3 step %scan3A_4  : i32 {
      %broadcast_in_dim3A = arith.constant 0.000000e+00 : f32
      %broadcast_in_dim3A_38 = vector.broadcast %broadcast_in_dim3A : f32 to vector<16xf32>
      %swap3A = arith.index_cast %scan3A_37 : i32 to index
      %swap3A_39 = arith.constant 0 : index
      %swap3A_40 = tpu.vector_load %arg11[%swap3A, %swap3A_39] {strides = array<i32>} : memref<128x64xf32, #tpu.memory_space<vmem>>, vector<1x16xf32>,
      %swap3A_41 = vector.shape_cast %swap3A_40 : vector<1x16xf32> to vector<16xf32>
      %swap3A_42 = vector.shape_cast %broadcast_in_dim3A_38 : vector<16xf32> to vector<1x16xf32>
      tpu.vector_store %arg11[%swap3A, %swap3A_39], %swap3A_42 {strides = array<i32>} : memref<128x64xf32, #tpu.memory_space<vmem>>, vector<1x16xf32>,
      %broadcast_in_dim3A_43 = arith.constant 0.000000e+00 : f32
      %broadcast_in_dim3A_44 = vector.broadcast %broadcast_in_dim3A_43 : f32 to vector<16xf32>
      %swap3A_45 = arith.index_cast %scan3A_37 : i32 to index
      %swap3A_46 = arith.constant 16 : index
      %swap3A_47 = tpu.vector_load %arg11[%swap3A_45, %swap3A_46] {strides = array<i32>} : memref<128x64xf32, #tpu.memory_space<vmem>>, vector<1x16xf32>,
      %swap3A_48 = vector.shape_cast %swap3A_47 : vector<1x16xf32> to vector<16xf32>
      %swap3A_49 = vector.shape_cast %broadcast_in_dim3A_44 : vector<16xf32> to vector<1x16xf32>
      tpu.vector_store %arg11[%swap3A_45, %swap3A_46], %swap3A_49 {strides = array<i32>} : memref<128x64xf32, #tpu.memory_space<vmem>>, vector<1x16xf32>,
      %broadcast_in_dim3A_50 = arith.constant 0.000000e+00 : f32
      %broadcast_in_dim3A_51 = vector.broadcast %broadcast_in_dim3A_50 : f32 to vector<16xf32>
      %swap3A_52 = arith.index_cast %scan3A_37 : i32 to index
      %swap3A_53 = arith.constant 32 : index
      %swap3A_54 = tpu.vector_load %arg11[%swap3A_52, %swap3A_53] {strides = array<i32>} : memref<128x64xf32, #tpu.memory_space<vmem>>, vector<1x16xf32>,
      %swap3A_55 = vector.shape_cast %swap3A_54 : vector<1x16xf32> to vector<16xf32>
      %swap3A_56 = vector.shape_cast %broadcast_in_dim3A_51 : vector<16xf32> to vector<1x16xf32>
      tpu.vector_store %arg11[%swap3A_52, %swap3A_53], %swap3A_56 {strides = array<i32>} : memref<128x64xf32, #tpu.memory_space<vmem>>, vector<1x16xf32>,
      %broadcast_in_dim3A_57 = arith.constant 0.000000e+00 : f32
      %broadcast_in_dim3A_58 = vector.broadcast %broadcast_in_dim3A_57 : f32 to vector<16xf32>
      %swap3A_59 = arith.index_cast %scan3A_37 : i32 to index
      %swap3A_60 = arith.constant 48 : index
      %swap3A_61 = tpu.vector_load %arg11[%swap3A_59, %swap3A_60] {strides = array<i32>} : memref<128x64xf32, #tpu.memory_space<vmem>>, vector<1x16xf32>,
      %swap3A_62 = vector.shape_cast %swap3A_61 : vector<1x16xf32> to vector<16xf32>
      %swap3A_63 = vector.shape_cast %broadcast_in_dim3A_58 : vector<16xf32> to vector<1x16xf32>
      tpu.vector_store %arg11[%swap3A_59, %swap3A_60], %swap3A_63 {strides = array<i32>} : memref<128x64xf32, #tpu.memory_space<vmem>>, vector<1x16xf32>,
    }
    %scan3A_5 = arith.constant 128 : i32
    %mul3A_6 = arith.constant 640 : i32
    %mul3A_7 = arith.muli %arg1, %mul3A_6 : i32
    %add3A_8 = arith.constant 0 : i32
    %add3A_9 = arith.addi %mul3A_7, %add3A_8 : i32
    "tpu.region"() ({
      %run_scoped3A = tpu.sem_alloc : memref<!tpu.dma_semaphore, #tpu.memory_space<semaphore_mem>>
      %dma_start3A = arith.constant 0 : i32
      %dma_start3A_37 = tpu.memref_slice %arg12[%add3A_9, %dma_start3A] : memref<10240x64xf32, #tpu.memory_space<vmem_shared>> -> memref<128x64xf32, #tpu.memory_space<vmem_shared>>
      %dma_start3A_38 = arith.constant 0 : i32
      %dma_start3A_39 = tpu.memref_slice %arg12[%add3A_9, %dma_start3A_38] : memref<10240x64xf32, #tpu.memory_space<vmem_shared>> -> memref<128x64xf32, #tpu.memory_space<vmem_shared>>
      tpu.enqueue_dma source(%arg11 : memref<128x64xf32, #tpu.memory_space<vmem>>) target(%dma_start3A_39 : memref<128x64xf32, #tpu.memory_space<vmem_shared>>) target_semaphore(%run_scoped3A : memref<!tpu.dma_semaphore, #tpu.memory_space<semaphore_mem>>)
      %dma_wait3A = arith.constant 0 : i32
      %dma_wait3A_40 = tpu.memref_slice %arg12[%add3A_9, %dma_wait3A] : memref<10240x64xf32, #tpu.memory_space<vmem_shared>> -> memref<128x64xf32, #tpu.memory_space<vmem_shared>>
      %dma_wait3A_41 = arith.constant 0 : i32
      %dma_wait3A_42 = tpu.memref_slice %arg12[%add3A_9, %dma_wait3A_41] : memref<10240x64xf32, #tpu.memory_space<vmem_shared>> -> memref<128x64xf32, #tpu.memory_space<vmem_shared>>
      tpu.wait_dma2 semaphore(%run_scoped3A : memref<!tpu.dma_semaphore, #tpu.memory_space<semaphore_mem>>) src(%arg11 : memref<128x64xf32, #tpu.memory_space<vmem>>) dst(%dma_wait3A_42 : memref<128x64xf32, #tpu.memory_space<vmem_shared>>)
      tpu.yield
    }) : () -> ()
    %mul3A_10 = arith.constant 640 : i32
    %mul3A_11 = arith.muli %arg1, %mul3A_10 : i32
    %add3A_12 = arith.constant 128 : i32
    %add3A_13 = arith.addi %mul3A_11, %add3A_12 : i32
    "tpu.region"() ({
      %run_scoped3A = tpu.sem_alloc : memref<!tpu.dma_semaphore, #tpu.memory_space<semaphore_mem>>
      %dma_start3A = arith.constant 0 : i32
      %dma_start3A_37 = tpu.memref_slice %arg12[%add3A_13, %dma_start3A] : memref<10240x64xf32, #tpu.memory_space<vmem_shared>> -> memref<128x64xf32, #tpu.memory_space<vmem_shared>>
      %dma_start3A_38 = arith.constant 0 : i32
      %dma_start3A_39 = tpu.memref_slice %arg12[%add3A_13, %dma_start3A_38] : memref<10240x64xf32, #tpu.memory_space<vmem_shared>> -> memref<128x64xf32, #tpu.memory_space<vmem_shared>>
      tpu.enqueue_dma source(%arg11 : memref<128x64xf32, #tpu.memory_space<vmem>>) target(%dma_start3A_39 : memref<128x64xf32, #tpu.memory_space<vmem_shared>>) target_semaphore(%run_scoped3A : memref<!tpu.dma_semaphore, #tpu.memory_space<semaphore_mem>>)
      %dma_wait3A = arith.constant 0 : i32
      %dma_wait3A_40 = tpu.memref_slice %arg12[%add3A_13, %dma_wait3A] : memref<10240x64xf32, #tpu.memory_space<vmem_shared>> -> memref<128x64xf32, #tpu.memory_space<vmem_shared>>
      %dma_wait3A_41 = arith.constant 0 : i32
      %dma_wait3A_42 = tpu.memref_slice %arg12[%add3A_13, %dma_wait3A_41] : memref<10240x64xf32, #tpu.memory_space<vmem_shared>> -> memref<128x64xf32, #tpu.memory_space<vmem_shared>>
      tpu.wait_dma2 semaphore(%run_scoped3A : memref<!tpu.dma_semaphore, #tpu.memory_space<semaphore_mem>>) src(%arg11 : memref<128x64xf32, #tpu.memory_space<vmem>>) dst(%dma_wait3A_42 : memref<128x64xf32, #tpu.memory_space<vmem_shared>>)
      tpu.yield
    }) : () -> ()
    %mul3A_14 = arith.constant 640 : i32
    %mul3A_15 = arith.muli %arg1, %mul3A_14 : i32
    %add3A_16 = arith.constant 256 : i32
    %add3A_17 = arith.addi %mul3A_15, %add3A_16 : i32
    "tpu.region"() ({
      %run_scoped3A = tpu.sem_alloc : memref<!tpu.dma_semaphore, #tpu.memory_space<semaphore_mem>>
      %dma_start3A = arith.constant 0 : i32
      %dma_start3A_37 = tpu.memref_slice %arg12[%add3A_17, %dma_start3A] : memref<10240x64xf32, #tpu.memory_space<vmem_shared>> -> memref<128x64xf32, #tpu.memory_space<vmem_shared>>
      %dma_start3A_38 = arith.constant 0 : i32
      %dma_start3A_39 = tpu.memref_slice %arg12[%add3A_17, %dma_start3A_38] : memref<10240x64xf32, #tpu.memory_space<vmem_shared>> -> memref<128x64xf32, #tpu.memory_space<vmem_shared>>
      tpu.enqueue_dma source(%arg11 : memref<128x64xf32, #tpu.memory_space<vmem>>) target(%dma_start3A_39 : memref<128x64xf32, #tpu.memory_space<vmem_shared>>) target_semaphore(%run_scoped3A : memref<!tpu.dma_semaphore, #tpu.memory_space<semaphore_mem>>)
      %dma_wait3A = arith.constant 0 : i32
      %dma_wait3A_40 = tpu.memref_slice %arg12[%add3A_17, %dma_wait3A] : memref<10240x64xf32, #tpu.memory_space<vmem_shared>> -> memref<128x64xf32, #tpu.memory_space<vmem_shared>>
      %dma_wait3A_41 = arith.constant 0 : i32
      %dma_wait3A_42 = tpu.memref_slice %arg12[%add3A_17, %dma_wait3A_41] : memref<10240x64xf32, #tpu.memory_space<vmem_shared>> -> memref<128x64xf32, #tpu.memory_space<vmem_shared>>
      tpu.wait_dma2 semaphore(%run_scoped3A : memref<!tpu.dma_semaphore, #tpu.memory_space<semaphore_mem>>) src(%arg11 : memref<128x64xf32, #tpu.memory_space<vmem>>) dst(%dma_wait3A_42 : memref<128x64xf32, #tpu.memory_space<vmem_shared>>)
      tpu.yield
    }) : () -> ()
    %mul3A_18 = arith.constant 640 : i32
    %mul3A_19 = arith.muli %arg1, %mul3A_18 : i32
    %add3A_20 = arith.constant 384 : i32
    %add3A_21 = arith.addi %mul3A_19, %add3A_20 : i32
    "tpu.region"() ({
      %run_scoped3A = tpu.sem_alloc : memref<!tpu.dma_semaphore, #tpu.memory_space<semaphore_mem>>
      %dma_start3A = arith.constant 0 : i32
      %dma_start3A_37 = tpu.memref_slice %arg12[%add3A_21, %dma_start3A] : memref<10240x64xf32, #tpu.memory_space<vmem_shared>> -> memref<128x64xf32, #tpu.memory_space<vmem_shared>>
      %dma_start3A_38 = arith.constant 0 : i32
      %dma_start3A_39 = tpu.memref_slice %arg12[%add3A_21, %dma_start3A_38] : memref<10240x64xf32, #tpu.memory_space<vmem_shared>> -> memref<128x64xf32, #tpu.memory_space<vmem_shared>>
      tpu.enqueue_dma source(%arg11 : memref<128x64xf32, #tpu.memory_space<vmem>>) target(%dma_start3A_39 : memref<128x64xf32, #tpu.memory_space<vmem_shared>>) target_semaphore(%run_scoped3A : memref<!tpu.dma_semaphore, #tpu.memory_space<semaphore_mem>>)
      %dma_wait3A = arith.constant 0 : i32
      %dma_wait3A_40 = tpu.memref_slice %arg12[%add3A_21, %dma_wait3A] : memref<10240x64xf32, #tpu.memory_space<vmem_shared>> -> memref<128x64xf32, #tpu.memory_space<vmem_shared>>
      %dma_wait3A_41 = arith.constant 0 : i32
      %dma_wait3A_42 = tpu.memref_slice %arg12[%add3A_21, %dma_wait3A_41] : memref<10240x64xf32, #tpu.memory_space<vmem_shared>> -> memref<128x64xf32, #tpu.memory_space<vmem_shared>>
      tpu.wait_dma2 semaphore(%run_scoped3A : memref<!tpu.dma_semaphore, #tpu.memory_space<semaphore_mem>>) src(%arg11 : memref<128x64xf32, #tpu.memory_space<vmem>>) dst(%dma_wait3A_42 : memref<128x64xf32, #tpu.memory_space<vmem_shared>>)
      tpu.yield
    }) : () -> ()
    %mul3A_22 = arith.constant 640 : i32
    %mul3A_23 = arith.muli %arg1, %mul3A_22 : i32
    %add3A_24 = arith.constant 512 : i32
    %add3A_25 = arith.addi %mul3A_23, %add3A_24 : i32
    "tpu.region"() ({
      %run_scoped3A = tpu.sem_alloc : memref<!tpu.dma_semaphore, #tpu.memory_space<semaphore_mem>>
      %dma_start3A = arith.constant 0 : i32
      %dma_start3A_37 = tpu.memref_slice %arg12[%add3A_25, %dma_start3A] : memref<10240x64xf32, #tpu.memory_space<vmem_shared>> -> memref<128x64xf32, #tpu.memory_space<vmem_shared>>
      %dma_start3A_38 = arith.constant 0 : i32
      %dma_start3A_39 = tpu.memref_slice %arg12[%add3A_25, %dma_start3A_38] : memref<10240x64xf32, #tpu.memory_space<vmem_shared>> -> memref<128x64xf32, #tpu.memory_space<vmem_shared>>
      tpu.enqueue_dma source(%arg11 : memref<128x64xf32, #tpu.memory_space<vmem>>) target(%dma_start3A_39 : memref<128x64xf32, #tpu.memory_space<vmem_shared>>) target_semaphore(%run_scoped3A : memref<!tpu.dma_semaphore, #tpu.memory_space<semaphore_mem>>)
      %dma_wait3A = arith.constant 0 : i32
      %dma_wait3A_40 = tpu.memref_slice %arg12[%add3A_25, %dma_wait3A] : memref<10240x64xf32, #tpu.memory_space<vmem_shared>> -> memref<128x64xf32, #tpu.memory_space<vmem_shared>>
      %dma_wait3A_41 = arith.constant 0 : i32
      %dma_wait3A_42 = tpu.memref_slice %arg12[%add3A_25, %dma_wait3A_41] : memref<10240x64xf32, #tpu.memory_space<vmem_shared>> -> memref<128x64xf32, #tpu.memory_space<vmem_shared>>
      tpu.wait_dma2 semaphore(%run_scoped3A : memref<!tpu.dma_semaphore, #tpu.memory_space<semaphore_mem>>) src(%arg11 : memref<128x64xf32, #tpu.memory_space<vmem>>) dst(%dma_wait3A_42 : memref<128x64xf32, #tpu.memory_space<vmem_shared>>)
      tpu.yield
    }) : () -> ()
    %barrier3A = arith.constant 0 : index
    tpu.barrier barrier_id(%barrier3A)
    "tpu.region"() ({
      %run_scoped3A = tpu.sem_alloc : memref<!tpu.dma_semaphore, #tpu.memory_space<semaphore_mem>>
      %dma_start3A = arith.constant 0 : i32
      %dma_start3A_37 = tpu.memref_slice %arg2[%add3A, %dma_start3A] : memref<32x20000xi32, #tpu.memory_space<hbm>> -> memref<1x20000xi32, #tpu.memory_space<hbm>>
      %dma_start3A_38 = tpu.memref_squeeze %dma_start3A_37 : memref<1x20000xi32, #tpu.memory_space<hbm>> -> memref<20000xi32, #tpu.memory_space<hbm>>
      %dma_start3A_39 = arith.constant 0 : i32
      %dma_start3A_40 = tpu.memref_slice %arg2[%add3A, %dma_start3A_39] : memref<32x20000xi32, #tpu.memory_space<hbm>> -> memref<1x20000xi32, #tpu.memory_space<hbm>>
      %dma_start3A_41 = tpu.memref_squeeze %dma_start3A_40 : memref<1x20000xi32, #tpu.memory_space<hbm>> -> memref<20000xi32, #tpu.memory_space<hbm>>
      tpu.enqueue_dma source(%dma_start3A_41 : memref<20000xi32, #tpu.memory_space<hbm>>) target(%arg7 : memref<20000xi32, #tpu.memory_space<vmem>>) target_semaphore(%run_scoped3A : memref<!tpu.dma_semaphore, #tpu.memory_space<semaphore_mem>>)
      %dma_wait3A = arith.constant 0 : i32
      %dma_wait3A_42 = tpu.memref_slice %arg2[%add3A, %dma_wait3A] : memref<32x20000xi32, #tpu.memory_space<hbm>> -> memref<1x20000xi32, #tpu.memory_space<hbm>>
      %dma_wait3A_43 = tpu.memref_squeeze %dma_wait3A_42 : memref<1x20000xi32, #tpu.memory_space<hbm>> -> memref<20000xi32, #tpu.memory_space<hbm>>
      %dma_wait3A_44 = arith.constant 0 : i32
      %dma_wait3A_45 = tpu.memref_slice %arg2[%add3A, %dma_wait3A_44] : memref<32x20000xi32, #tpu.memory_space<hbm>> -> memref<1x20000xi32, #tpu.memory_space<hbm>>
      %dma_wait3A_46 = tpu.memref_squeeze %dma_wait3A_45 : memref<1x20000xi32, #tpu.memory_space<hbm>> -> memref<20000xi32, #tpu.memory_space<hbm>>
      tpu.wait_dma2 semaphore(%run_scoped3A : memref<!tpu.dma_semaphore, #tpu.memory_space<semaphore_mem>>) src(%dma_wait3A_46 : memref<20000xi32, #tpu.memory_space<hbm>>) dst(%arg7 : memref<20000xi32, #tpu.memory_space<vmem>>)
      tpu.yield
    }) : () -> ()
    "tpu.region"() ({
      %run_scoped3A = tpu.sem_alloc : memref<!tpu.dma_semaphore, #tpu.memory_space<semaphore_mem>>
      %dma_start3A = arith.constant 0 : i32
      %dma_start3A_37 = arith.constant 0 : i32
      %dma_start3A_38 = tpu.memref_slice %arg3[%arg1, %dma_start3A, %dma_start3A_37] : memref<16x250x80xi32, #tpu.memory_space<hbm>> -> memref<1x250x80xi32, #tpu.memory_space<hbm>>
      %dma_start3A_39 = tpu.memref_squeeze %dma_start3A_38 : memref<1x250x80xi32, #tpu.memory_space<hbm>> -> memref<250x80xi32, #tpu.memory_space<hbm>>
      %dma_start3A_40 = arith.constant 0 : i32
      %dma_start3A_41 = arith.constant 0 : i32
      %dma_start3A_42 = tpu.memref_slice %arg3[%arg1, %dma_start3A_40, %dma_start3A_41] : memref<16x250x80xi32, #tpu.memory_space<hbm>> -> memref<1x250x80xi32, #tpu.memory_space<hbm>>
      %dma_start3A_43 = tpu.memref_squeeze %dma_start3A_42 : memref<1x250x80xi32, #tpu.memory_space<hbm>> -> memref<250x80xi32, #tpu.memory_space<hbm>>
      tpu.enqueue_dma source(%dma_start3A_43 : memref<250x80xi32, #tpu.memory_space<hbm>>) target(%arg8 : memref<250x80xi32, #tpu.memory_space<vmem>>) target_semaphore(%run_scoped3A : memref<!tpu.dma_semaphore, #tpu.memory_space<semaphore_mem>>)
      %dma_wait3A = arith.constant 0 : i32
      %dma_wait3A_44 = arith.constant 0 : i32
      %dma_wait3A_45 = tpu.memref_slice %arg3[%arg1, %dma_wait3A, %dma_wait3A_44] : memref<16x250x80xi32, #tpu.memory_space<hbm>> -> memref<1x250x80xi32, #tpu.memory_space<hbm>>
      %dma_wait3A_46 = tpu.memref_squeeze %dma_wait3A_45 : memref<1x250x80xi32, #tpu.memory_space<hbm>> -> memref<250x80xi32, #tpu.memory_space<hbm>>
      %dma_wait3A_47 = arith.constant 0 : i32
      %dma_wait3A_48 = arith.constant 0 : i32
      %dma_wait3A_49 = tpu.memref_slice %arg3[%arg1, %dma_wait3A_47, %dma_wait3A_48] : memref<16x250x80xi32, #tpu.memory_space<hbm>> -> memref<1x250x80xi32, #tpu.memory_space<hbm>>
      %dma_wait3A_50 = tpu.memref_squeeze %dma_wait3A_49 : memref<1x250x80xi32, #tpu.memory_space<hbm>> -> memref<250x80xi32, #tpu.memory_space<hbm>>
      tpu.wait_dma2 semaphore(%run_scoped3A : memref<!tpu.dma_semaphore, #tpu.memory_space<semaphore_mem>>) src(%dma_wait3A_50 : memref<250x80xi32, #tpu.memory_space<hbm>>) dst(%arg8 : memref<250x80xi32, #tpu.memory_space<vmem>>)
      tpu.yield
    }) : () -> ()
    "tpu.region"() ({
      %run_scoped3A = tpu.sem_alloc : memref<!tpu.dma_semaphore, #tpu.memory_space<semaphore_mem>>
      %dma_start3A = arith.constant 0 : i32
      %dma_start3A_37 = tpu.memref_slice %arg4[%arg1, %dma_start3A] : memref<16x20000xf32, #tpu.memory_space<hbm>> -> memref<1x20000xf32, #tpu.memory_space<hbm>>
      %dma_start3A_38 = tpu.memref_squeeze %dma_start3A_37 : memref<1x20000xf32, #tpu.memory_space<hbm>> -> memref<20000xf32, #tpu.memory_space<hbm>>
      %dma_start3A_39 = arith.constant 0 : i32
      %dma_start3A_40 = tpu.memref_slice %arg4[%arg1, %dma_start3A_39] : memref<16x20000xf32, #tpu.memory_space<hbm>> -> memref<1x20000xf32, #tpu.memory_space<hbm>>
      %dma_start3A_41 = tpu.memref_squeeze %dma_start3A_40 : memref<1x20000xf32, #tpu.memory_space<hbm>> -> memref<20000xf32, #tpu.memory_space<hbm>>
      tpu.enqueue_dma source(%dma_start3A_41 : memref<20000xf32, #tpu.memory_space<hbm>>) target(%arg9 : memref<20000xf32, #tpu.memory_space<vmem>>) target_semaphore(%run_scoped3A : memref<!tpu.dma_semaphore, #tpu.memory_space<semaphore_mem>>)
      %dma_wait3A = arith.constant 0 : i32
      %dma_wait3A_42 = tpu.memref_slice %arg4[%arg1, %dma_wait3A] : memref<16x20000xf32, #tpu.memory_space<hbm>> -> memref<1x20000xf32, #tpu.memory_space<hbm>>
      %dma_wait3A_43 = tpu.memref_squeeze %dma_wait3A_42 : memref<1x20000xf32, #tpu.memory_space<hbm>> -> memref<20000xf32, #tpu.memory_space<hbm>>
      %dma_wait3A_44 = arith.constant 0 : i32
      %dma_wait3A_45 = tpu.memref_slice %arg4[%arg1, %dma_wait3A_44] : memref<16x20000xf32, #tpu.memory_space<hbm>> -> memref<1x20000xf32, #tpu.memory_space<hbm>>
      %dma_wait3A_46 = tpu.memref_squeeze %dma_wait3A_45 : memref<1x20000xf32, #tpu.memory_space<hbm>> -> memref<20000xf32, #tpu.memory_space<hbm>>
      tpu.wait_dma2 semaphore(%run_scoped3A : memref<!tpu.dma_semaphore, #tpu.memory_space<semaphore_mem>>) src(%dma_wait3A_46 : memref<20000xf32, #tpu.memory_space<hbm>>) dst(%arg9 : memref<20000xf32, #tpu.memory_space<vmem>>)
      tpu.yield
    }) : () -> ()
    %scan3A_26 = arith.constant 0 : i32
    %scan3A_27 = arith.constant 0 : i32
    %scan3A_28 = arith.constant 250 : i32
    %scan3A_29 = arith.addi %scan3A_27, %scan3A_28 : i32
    %scan3A_30 = arith.constant 1 : i32
    scf.for %scan3A_37 = %scan3A_27 to %scan3A_29 step %scan3A_30  : i32 {
      %mul3A_38 = arith.constant 80 : i32
      %mul3A_39 = arith.muli %scan3A_37, %mul3A_38 : i32
      %multiple_of3A = tpu.assume_multiple %mul3A_39, 8 : i32
      %dma_start3A = tpu.memref_slice %arg7[%multiple_of3A] : memref<20000xi32, #tpu.memory_space<vmem>> -> memref<80xi32, #tpu.memory_space<vmem>>
      %dma_start3A_40 = arith.constant 0 : i32
      %dma_start3A_41 = arith.constant 0 : i32
      %dma_start3A_42 = tpu.memref_slice %arg5[%dma_start3A_40, %dma_start3A_41] : memref<20000x64xf32, #tpu.memory_space<hbm>> -> memref<20000x64xf32, #tpu.memory_space<hbm>>
      tpu.enqueue_indirect_dma source(%dma_start3A_42 : memref<20000x64xf32, #tpu.memory_space<hbm>>) target(%arg10 : memref<80x64xf32, #tpu.memory_space<vmem>>) offsets(%dma_start3A : memref<80xi32, #tpu.memory_space<vmem>>) semaphore(%arg13 : memref<!tpu.dma_semaphore, #tpu.memory_space<semaphore_mem>>)
      %dma_wait3A = tpu.memref_slice %arg7[%multiple_of3A] : memref<20000xi32, #tpu.memory_space<vmem>> -> memref<80xi32, #tpu.memory_space<vmem>>
      %dma_wait3A_43 = arith.constant 0 : i32
      %dma_wait3A_44 = arith.constant 0 : i32
      %dma_wait3A_45 = tpu.memref_slice %arg5[%dma_wait3A_43, %dma_wait3A_44] : memref<20000x64xf32, #tpu.memory_space<hbm>> -> memref<20000x64xf32, #tpu.memory_space<hbm>>
      tpu.wait_indirect_dma semaphore(%arg13 : memref<!tpu.dma_semaphore, #tpu.memory_space<semaphore_mem>>) src(%dma_wait3A_45 : memref<20000x64xf32, #tpu.memory_space<hbm>>) dst(%arg10 : memref<80x64xf32, #tpu.memory_space<vmem>>)
      %scan3A_46 = arith.constant 0 : i32
      %scan3A_47 = arith.constant 0 : i32
      %scan3A_48 = arith.constant 5 : i32
      %scan3A_49 = arith.addi %scan3A_47, %scan3A_48 : i32
      %scan3A_50 = arith.constant 1 : i32
      scf.for %scan3A_52 = %scan3A_47 to %scan3A_49 step %scan3A_50  : i32 {
        %mul3A_53 = arith.constant 16 : i32
        %mul3A_54 = arith.muli %scan3A_52, %mul3A_53 : i32
        %add3A_55 = arith.addi %multiple_of3A, %mul3A_54 : i32
        %multiple_of3A_56 = tpu.assume_multiple %add3A_55, 8 : i32
        %get3A = arith.index_cast %multiple_of3A_56 : i32 to index
        %get3A_57 = tpu.vector_load %arg9[%get3A] {strides = array<i32>} : memref<20000xf32, #tpu.memory_space<vmem>>, vector<16xf32>,
        %get3A_58 = vector.shape_cast %get3A_57 : vector<16xf32> to vector<16xf32>
        %mul3A_59 = arith.constant 16 : i32
        %mul3A_60 = arith.muli %scan3A_52, %mul3A_59 : i32
        %add3A_61 = arith.constant 0 : i32
        %add3A_62 = arith.addi %mul3A_60, %add3A_61 : i32
        %slice3A = vector.extract_strided_slice %get3A_58 {offsets = [0], sizes = [1], strides = [1]} : vector<16xf32> to vector<1xf32>
        %squeeze3A = vector.extract %slice3A[0] : f32 from vector<1xf32>
        %get3A_63 = arith.index_cast %add3A_62 : i32 to index
        %get3A_64 = arith.constant 0 : index
        %get3A_65 = tpu.vector_load %arg10[%get3A_63, %get3A_64] {strides = array<i32>} : memref<80x64xf32, #tpu.memory_space<vmem>>, vector<1x16xf32>,
        %get3A_66 = vector.shape_cast %get3A_65 : vector<1x16xf32> to vector<16xf32>
        %mul3A_67 = vector.broadcast %squeeze3A : f32 to vector<16xf32>
        %mul3A_68 = arith.mulf %get3A_66, %mul3A_67 : vector<16xf32>
        %swap3A = arith.index_cast %add3A_62 : i32 to index
        %swap3A_69 = arith.constant 0 : index
        %swap3A_70 = tpu.vector_load %arg10[%swap3A, %swap3A_69] {strides = array<i32>} : memref<80x64xf32, #tpu.memory_space<vmem>>, vector<1x16xf32>,
        %swap3A_71 = vector.shape_cast %swap3A_70 : vector<1x16xf32> to vector<16xf32>
        %swap3A_72 = vector.shape_cast %mul3A_68 : vector<16xf32> to vector<1x16xf32>
        tpu.vector_store %arg10[%swap3A, %swap3A_69], %swap3A_72 {strides = array<i32>} : memref<80x64xf32, #tpu.memory_space<vmem>>, vector<1x16xf32>,
        %get3A_73 = arith.index_cast %add3A_62 : i32 to index
        %get3A_74 = arith.constant 16 : index
        %get3A_75 = tpu.vector_load %arg10[%get3A_73, %get3A_74] {strides = array<i32>} : memref<80x64xf32, #tpu.memory_space<vmem>>, vector<1x16xf32>,
        %get3A_76 = vector.shape_cast %get3A_75 : vector<1x16xf32> to vector<16xf32>
        %mul3A_77 = vector.broadcast %squeeze3A : f32 to vector<16xf32>
        %mul3A_78 = arith.mulf %get3A_76, %mul3A_77 : vector<16xf32>
        %swap3A_79 = arith.index_cast %add3A_62 : i32 to index
        %swap3A_80 = arith.constant 16 : index
        %swap3A_81 = tpu.vector_load %arg10[%swap3A_79, %swap3A_80] {strides = array<i32>} : memref<80x64xf32, #tpu.memory_space<vmem>>, vector<1x16xf32>,
        %swap3A_82 = vector.shape_cast %swap3A_81 : vector<1x16xf32> to vector<16xf32>
        %swap3A_83 = vector.shape_cast %mul3A_78 : vector<16xf32> to vector<1x16xf32>
        tpu.vector_store %arg10[%swap3A_79, %swap3A_80], %swap3A_83 {strides = array<i32>} : memref<80x64xf32, #tpu.memory_space<vmem>>, vector<1x16xf32>,
        %get3A_84 = arith.index_cast %add3A_62 : i32 to index
        %get3A_85 = arith.constant 32 : index
        %get3A_86 = tpu.vector_load %arg10[%get3A_84, %get3A_85] {strides = array<i32>} : memref<80x64xf32, #tpu.memory_space<vmem>>, vector<1x16xf32>,
        %get3A_87 = vector.shape_cast %get3A_86 : vector<1x16xf32> to vector<16xf32>
        %mul3A_88 = vector.broadcast %squeeze3A : f32 to vector<16xf32>
        %mul3A_89 = arith.mulf %get3A_87, %mul3A_88 : vector<16xf32>
        %swap3A_90 = arith.index_cast %add3A_62 : i32 to index
        %swap3A_91 = arith.constant 32 : index
        %swap3A_92 = tpu.vector_load %arg10[%swap3A_90, %swap3A_91] {strides = array<i32>} : memref<80x64xf32, #tpu.memory_space<vmem>>, vector<1x16xf32>,
        %swap3A_93 = vector.shape_cast %swap3A_92 : vector<1x16xf32> to vector<16xf32>
        %swap3A_94 = vector.shape_cast %mul3A_89 : vector<16xf32> to vector<1x16xf32>
        tpu.vector_store %arg10[%swap3A_90, %swap3A_91], %swap3A_94 {strides = array<i32>} : memref<80x64xf32, #tpu.memory_space<vmem>>, vector<1x16xf32>,
        %get3A_95 = arith.index_cast %add3A_62 : i32 to index
        %get3A_96 = arith.constant 48 : index
        %get3A_97 = tpu.vector_load %arg10[%get3A_95, %get3A_96] {strides = array<i32>} : memref<80x64xf32, #tpu.memory_space<vmem>>, vector<1x16xf32>,
        %get3A_98 = vector.shape_cast %get3A_97 : vector<1x16xf32> to vector<16xf32>
        %mul3A_99 = vector.broadcast %squeeze3A : f32 to vector<16xf32>
        %mul3A_100 = arith.mulf %get3A_98, %mul3A_99 : vector<16xf32>
        %swap3A_101 = arith.index_cast %add3A_62 : i32 to index
        %swap3A_102 = arith.constant 48 : index
        %swap3A_103 = tpu.vector_load %arg10[%swap3A_101, %swap3A_102] {strides = array<i32>} : memref<80x64xf32, #tpu.memory_space<vmem>>, vector<1x16xf32>,
        %swap3A_104 = vector.shape_cast %swap3A_103 : vector<1x16xf32> to vector<16xf32>
        %swap3A_105 = vector.shape_cast %mul3A_100 : vector<16xf32> to vector<1x16xf32>
        tpu.vector_store %arg10[%swap3A_101, %swap3A_102], %swap3A_105 {strides = array<i32>} : memref<80x64xf32, #tpu.memory_space<vmem>>, vector<1x16xf32>,
        %mul3A_106 = arith.constant 16 : i32
        %mul3A_107 = arith.muli %scan3A_52, %mul3A_106 : i32
        %add3A_108 = arith.constant 1 : i32
        %add3A_109 = arith.addi %mul3A_107, %add3A_108 : i32
        %slice3A_110 = vector.extract_strided_slice %get3A_58 {offsets = [1], sizes = [1], strides = [1]} : vector<16xf32> to vector<1xf32>
        %squeeze3A_111 = vector.extract %slice3A_110[0] : f32 from vector<1xf32>
        %get3A_112 = arith.index_cast %add3A_109 : i32 to index
        %get3A_113 = arith.constant 0 : index
        %get3A_114 = tpu.vector_load %arg10[%get3A_112, %get3A_113] {strides = array<i32>} : memref<80x64xf32, #tpu.memory_space<vmem>>, vector<1x16xf32>,
        %get3A_115 = vector.shape_cast %get3A_114 : vector<1x16xf32> to vector<16xf32>
        %mul3A_116 = vector.broadcast %squeeze3A_111 : f32 to vector<16xf32>
        %mul3A_117 = arith.mulf %get3A_115, %mul3A_116 : vector<16xf32>
        %swap3A_118 = arith.index_cast %add3A_109 : i32 to index
        %swap3A_119 = arith.constant 0 : index
        %swap3A_120 = tpu.vector_load %arg10[%swap3A_118, %swap3A_119] {strides = array<i32>} : memref<80x64xf32, #tpu.memory_space<vmem>>, vector<1x16xf32>,
        %swap3A_121 = vector.shape_cast %swap3A_120 : vector<1x16xf32> to vector<16xf32>
        %swap3A_122 = vector.shape_cast %mul3A_117 : vector<16xf32> to vector<1x16xf32>
        tpu.vector_store %arg10[%swap3A_118, %swap3A_119], %swap3A_122 {strides = array<i32>} : memref<80x64xf32, #tpu.memory_space<vmem>>, vector<1x16xf32>,
        %get3A_123 = arith.index_cast %add3A_109 : i32 to index
        %get3A_124 = arith.constant 16 : index
        %get3A_125 = tpu.vector_load %arg10[%get3A_123, %get3A_124] {strides = array<i32>} : memref<80x64xf32, #tpu.memory_space<vmem>>, vector<1x16xf32>,
        %get3A_126 = vector.shape_cast %get3A_125 : vector<1x16xf32> to vector<16xf32>
        %mul3A_127 = vector.broadcast %squeeze3A_111 : f32 to vector<16xf32>
        %mul3A_128 = arith.mulf %get3A_126, %mul3A_127 : vector<16xf32>
        %swap3A_129 = arith.index_cast %add3A_109 : i32 to index
        %swap3A_130 = arith.constant 16 : index
        %swap3A_131 = tpu.vector_load %arg10[%swap3A_129, %swap3A_130] {strides = array<i32>} : memref<80x64xf32, #tpu.memory_space<vmem>>, vector<1x16xf32>,
        %swap3A_132 = vector.shape_cast %swap3A_131 : vector<1x16xf32> to vector<16xf32>
        %swap3A_133 = vector.shape_cast %mul3A_128 : vector<16xf32> to vector<1x16xf32>
        tpu.vector_store %arg10[%swap3A_129, %swap3A_130], %swap3A_133 {strides = array<i32>} : memref<80x64xf32, #tpu.memory_space<vmem>>, vector<1x16xf32>,
        %get3A_134 = arith.index_cast %add3A_109 : i32 to index
        %get3A_135 = arith.constant 32 : index
        %get3A_136 = tpu.vector_load %arg10[%get3A_134, %get3A_135] {strides = array<i32>} : memref<80x64xf32, #tpu.memory_space<vmem>>, vector<1x16xf32>,
        %get3A_137 = vector.shape_cast %get3A_136 : vector<1x16xf32> to vector<16xf32>
        %mul3A_138 = vector.broadcast %squeeze3A_111 : f32 to vector<16xf32>
        %mul3A_139 = arith.mulf %get3A_137, %mul3A_138 : vector<16xf32>
        %swap3A_140 = arith.index_cast %add3A_109 : i32 to index
        %swap3A_141 = arith.constant 32 : index
        %swap3A_142 = tpu.vector_load %arg10[%swap3A_140, %swap3A_141] {strides = array<i32>} : memref<80x64xf32, #tpu.memory_space<vmem>>, vector<1x16xf32>,
        %swap3A_143 = vector.shape_cast %swap3A_142 : vector<1x16xf32> to vector<16xf32>
        %swap3A_144 = vector.shape_cast %mul3A_139 : vector<16xf32> to vector<1x16xf32>
        tpu.vector_store %arg10[%swap3A_140, %swap3A_141], %swap3A_144 {strides = array<i32>} : memref<80x64xf32, #tpu.memory_space<vmem>>, vector<1x16xf32>,
        %get3A_145 = arith.index_cast %add3A_109 : i32 to index
        %get3A_146 = arith.constant 48 : index
        %get3A_147 = tpu.vector_load %arg10[%get3A_145, %get3A_146] {strides = array<i32>} : memref<80x64xf32, #tpu.memory_space<vmem>>, vector<1x16xf32>,
        %get3A_148 = vector.shape_cast %get3A_147 : vector<1x16xf32> to vector<16xf32>
        %mul3A_149 = vector.broadcast %squeeze3A_111 : f32 to vector<16xf32>
        %mul3A_150 = arith.mulf %get3A_148, %mul3A_149 : vector<16xf32>
        %swap3A_151 = arith.index_cast %add3A_109 : i32 to index
        %swap3A_152 = arith.constant 48 : index
        %swap3A_153 = tpu.vector_load %arg10[%swap3A_151, %swap3A_152] {strides = array<i32>} : memref<80x64xf32, #tpu.memory_space<vmem>>, vector<1x16xf32>,
        %swap3A_154 = vector.shape_cast %swap3A_153 : vector<1x16xf32> to vector<16xf32>
        %swap3A_155 = vector.shape_cast %mul3A_150 : vector<16xf32> to vector<1x16xf32>
        tpu.vector_store %arg10[%swap3A_151, %swap3A_152], %swap3A_155 {strides = array<i32>} : memref<80x64xf32, #tpu.memory_space<vmem>>, vector<1x16xf32>,
        %mul3A_156 = arith.constant 16 : i32
        %mul3A_157 = arith.muli %scan3A_52, %mul3A_156 : i32
        %add3A_158 = arith.constant 2 : i32
        %add3A_159 = arith.addi %mul3A_157, %add3A_158 : i32
        %slice3A_160 = vector.extract_strided_slice %get3A_58 {offsets = [2], sizes = [1], strides = [1]} : vector<16xf32> to vector<1xf32>
        %squeeze3A_161 = vector.extract %slice3A_160[0] : f32 from vector<1xf32>
        %get3A_162 = arith.index_cast %add3A_159 : i32 to index
        %get3A_163 = arith.constant 0 : index
        %get3A_164 = tpu.vector_load %arg10[%get3A_162, %get3A_163] {strides = array<i32>} : memref<80x64xf32, #tpu.memory_space<vmem>>, vector<1x16xf32>,
        %get3A_165 = vector.shape_cast %get3A_164 : vector<1x16xf32> to vector<16xf32>
        %mul3A_166 = vector.broadcast %squeeze3A_161 : f32 to vector<16xf32>
        %mul3A_167 = arith.mulf %get3A_165, %mul3A_166 : vector<16xf32>
        %swap3A_168 = arith.index_cast %add3A_159 : i32 to index
        %swap3A_169 = arith.constant 0 : index
        %swap3A_170 = tpu.vector_load %arg10[%swap3A_168, %swap3A_169] {strides = array<i32>} : memref<80x64xf32, #tpu.memory_space<vmem>>, vector<1x16xf32>,
        %swap3A_171 = vector.shape_cast %swap3A_170 : vector<1x16xf32> to vector<16xf32>
        %swap3A_172 = vector.shape_cast %mul3A_167 : vector<16xf32> to vector<1x16xf32>
        tpu.vector_store %arg10[%swap3A_168, %swap3A_169], %swap3A_172 {strides = array<i32>} : memref<80x64xf32, #tpu.memory_space<vmem>>, vector<1x16xf32>,
        %get3A_173 = arith.index_cast %add3A_159 : i32 to index
        %get3A_174 = arith.constant 16 : index
        %get3A_175 = tpu.vector_load %arg10[%get3A_173, %get3A_174] {strides = array<i32>} : memref<80x64xf32, #tpu.memory_space<vmem>>, vector<1x16xf32>,
        %get3A_176 = vector.shape_cast %get3A_175 : vector<1x16xf32> to vector<16xf32>
        %mul3A_177 = vector.broadcast %squeeze3A_161 : f32 to vector<16xf32>
        %mul3A_178 = arith.mulf %get3A_176, %mul3A_177 : vector<16xf32>
        %swap3A_179 = arith.index_cast %add3A_159 : i32 to index
        %swap3A_180 = arith.constant 16 : index
        %swap3A_181 = tpu.vector_load %arg10[%swap3A_179, %swap3A_180] {strides = array<i32>} : memref<80x64xf32, #tpu.memory_space<vmem>>, vector<1x16xf32>,
        %swap3A_182 = vector.shape_cast %swap3A_181 : vector<1x16xf32> to vector<16xf32>
        %swap3A_183 = vector.shape_cast %mul3A_178 : vector<16xf32> to vector<1x16xf32>
        tpu.vector_store %arg10[%swap3A_179, %swap3A_180], %swap3A_183 {strides = array<i32>} : memref<80x64xf32, #tpu.memory_space<vmem>>, vector<1x16xf32>,
        %get3A_184 = arith.index_cast %add3A_159 : i32 to index
        %get3A_185 = arith.constant 32 : index
        %get3A_186 = tpu.vector_load %arg10[%get3A_184, %get3A_185] {strides = array<i32>} : memref<80x64xf32, #tpu.memory_space<vmem>>, vector<1x16xf32>,
        %get3A_187 = vector.shape_cast %get3A_186 : vector<1x16xf32> to vector<16xf32>
        %mul3A_188 = vector.broadcast %squeeze3A_161 : f32 to vector<16xf32>
        %mul3A_189 = arith.mulf %get3A_187, %mul3A_188 : vector<16xf32>
        %swap3A_190 = arith.index_cast %add3A_159 : i32 to index
        %swap3A_191 = arith.constant 32 : index
        %swap3A_192 = tpu.vector_load %arg10[%swap3A_190, %swap3A_191] {strides = array<i32>} : memref<80x64xf32, #tpu.memory_space<vmem>>, vector<1x16xf32>,
        %swap3A_193 = vector.shape_cast %swap3A_192 : vector<1x16xf32> to vector<16xf32>
        %swap3A_194 = vector.shape_cast %mul3A_189 : vector<16xf32> to vector<1x16xf32>
        tpu.vector_store %arg10[%swap3A_190, %swap3A_191], %swap3A_194 {strides = array<i32>} : memref<80x64xf32, #tpu.memory_space<vmem>>, vector<1x16xf32>,
        %get3A_195 = arith.index_cast %add3A_159 : i32 to index
        %get3A_196 = arith.constant 48 : index
        %get3A_197 = tpu.vector_load %arg10[%get3A_195, %get3A_196] {strides = array<i32>} : memref<80x64xf32, #tpu.memory_space<vmem>>, vector<1x16xf32>,
        %get3A_198 = vector.shape_cast %get3A_197 : vector<1x16xf32> to vector<16xf32>
        %mul3A_199 = vector.broadcast %squeeze3A_161 : f32 to vector<16xf32>
        %mul3A_200 = arith.mulf %get3A_198, %mul3A_199 : vector<16xf32>
        %swap3A_201 = arith.index_cast %add3A_159 : i32 to index
        %swap3A_202 = arith.constant 48 : index
        %swap3A_203 = tpu.vector_load %arg10[%swap3A_201, %swap3A_202] {strides = array<i32>} : memref<80x64xf32, #tpu.memory_space<vmem>>, vector<1x16xf32>,
        %swap3A_204 = vector.shape_cast %swap3A_203 : vector<1x16xf32> to vector<16xf32>
        %swap3A_205 = vector.shape_cast %mul3A_200 : vector<16xf32> to vector<1x16xf32>
        tpu.vector_store %arg10[%swap3A_201, %swap3A_202], %swap3A_205 {strides = array<i32>} : memref<80x64xf32, #tpu.memory_space<vmem>>, vector<1x16xf32>,
        %mul3A_206 = arith.constant 16 : i32
        %mul3A_207 = arith.muli %scan3A_52, %mul3A_206 : i32
        %add3A_208 = arith.constant 3 : i32
        %add3A_209 = arith.addi %mul3A_207, %add3A_208 : i32
        %slice3A_210 = vector.extract_strided_slice %get3A_58 {offsets = [3], sizes = [1], strides = [1]} : vector<16xf32> to vector<1xf32>
        %squeeze3A_211 = vector.extract %slice3A_210[0] : f32 from vector<1xf32>
        %get3A_212 = arith.index_cast %add3A_209 : i32 to index
        %get3A_213 = arith.constant 0 : index
        %get3A_214 = tpu.vector_load %arg10[%get3A_212, %get3A_213] {strides = array<i32>} : memref<80x64xf32, #tpu.memory_space<vmem>>, vector<1x16xf32>,
        %get3A_215 = vector.shape_cast %get3A_214 : vector<1x16xf32> to vector<16xf32>
        %mul3A_216 = vector.broadcast %squeeze3A_211 : f32 to vector<16xf32>
        %mul3A_217 = arith.mulf %get3A_215, %mul3A_216 : vector<16xf32>
        %swap3A_218 = arith.index_cast %add3A_209 : i32 to index
        %swap3A_219 = arith.constant 0 : index
        %swap3A_220 = tpu.vector_load %arg10[%swap3A_218, %swap3A_219] {strides = array<i32>} : memref<80x64xf32, #tpu.memory_space<vmem>>, vector<1x16xf32>,
        %swap3A_221 = vector.shape_cast %swap3A_220 : vector<1x16xf32> to vector<16xf32>
        %swap3A_222 = vector.shape_cast %mul3A_217 : vector<16xf32> to vector<1x16xf32>
        tpu.vector_store %arg10[%swap3A_218, %swap3A_219], %swap3A_222 {strides = array<i32>} : memref<80x64xf32, #tpu.memory_space<vmem>>, vector<1x16xf32>,
        %get3A_223 = arith.index_cast %add3A_209 : i32 to index
        %get3A_224 = arith.constant 16 : index
        %get3A_225 = tpu.vector_load %arg10[%get3A_223, %get3A_224] {strides = array<i32>} : memref<80x64xf32, #tpu.memory_space<vmem>>, vector<1x16xf32>,
        %get3A_226 = vector.shape_cast %get3A_225 : vector<1x16xf32> to vector<16xf32>
        %mul3A_227 = vector.broadcast %squeeze3A_211 : f32 to vector<16xf32>
        %mul3A_228 = arith.mulf %get3A_226, %mul3A_227 : vector<16xf32>
        %swap3A_229 = arith.index_cast %add3A_209 : i32 to index
        %swap3A_230 = arith.constant 16 : index
        %swap3A_231 = tpu.vector_load %arg10[%swap3A_229, %swap3A_230] {strides = array<i32>} : memref<80x64xf32, #tpu.memory_space<vmem>>, vector<1x16xf32>,
        %swap3A_232 = vector.shape_cast %swap3A_231 : vector<1x16xf32> to vector<16xf32>
        %swap3A_233 = vector.shape_cast %mul3A_228 : vector<16xf32> to vector<1x16xf32>
        tpu.vector_store %arg10[%swap3A_229, %swap3A_230], %swap3A_233 {strides = array<i32>} : memref<80x64xf32, #tpu.memory_space<vmem>>, vector<1x16xf32>,
        %get3A_234 = arith.index_cast %add3A_209 : i32 to index
        %get3A_235 = arith.constant 32 : index
        %get3A_236 = tpu.vector_load %arg10[%get3A_234, %get3A_235] {strides = array<i32>} : memref<80x64xf32, #tpu.memory_space<vmem>>, vector<1x16xf32>,
        %get3A_237 = vector.shape_cast %get3A_236 : vector<1x16xf32> to vector<16xf32>
        %mul3A_238 = vector.broadcast %squeeze3A_211 : f32 to vector<16xf32>
        %mul3A_239 = arith.mulf %get3A_237, %mul3A_238 : vector<16xf32>
        %swap3A_240 = arith.index_cast %add3A_209 : i32 to index
        %swap3A_241 = arith.constant 32 : index
        %swap3A_242 = tpu.vector_load %arg10[%swap3A_240, %swap3A_241] {strides = array<i32>} : memref<80x64xf32, #tpu.memory_space<vmem>>, vector<1x16xf32>,
        %swap3A_243 = vector.shape_cast %swap3A_242 : vector<1x16xf32> to vector<16xf32>
        %swap3A_244 = vector.shape_cast %mul3A_239 : vector<16xf32> to vector<1x16xf32>
        tpu.vector_store %arg10[%swap3A_240, %swap3A_241], %swap3A_244 {strides = array<i32>} : memref<80x64xf32, #tpu.memory_space<vmem>>, vector<1x16xf32>,
        %get3A_245 = arith.index_cast %add3A_209 : i32 to index
        %get3A_246 = arith.constant 48 : index
        %get3A_247 = tpu.vector_load %arg10[%get3A_245, %get3A_246] {strides = array<i32>} : memref<80x64xf32, #tpu.memory_space<vmem>>, vector<1x16xf32>,
        %get3A_248 = vector.shape_cast %get3A_247 : vector<1x16xf32> to vector<16xf32>
        %mul3A_249 = vector.broadcast %squeeze3A_211 : f32 to vector<16xf32>
        %mul3A_250 = arith.mulf %get3A_248, %mul3A_249 : vector<16xf32>
        %swap3A_251 = arith.index_cast %add3A_209 : i32 to index
        %swap3A_252 = arith.constant 48 : index
        %swap3A_253 = tpu.vector_load %arg10[%swap3A_251, %swap3A_252] {strides = array<i32>} : memref<80x64xf32, #tpu.memory_space<vmem>>, vector<1x16xf32>,
        %swap3A_254 = vector.shape_cast %swap3A_253 : vector<1x16xf32> to vector<16xf32>
        %swap3A_255 = vector.shape_cast %mul3A_250 : vector<16xf32> to vector<1x16xf32>
        tpu.vector_store %arg10[%swap3A_251, %swap3A_252], %swap3A_255 {strides = array<i32>} : memref<80x64xf32, #tpu.memory_space<vmem>>, vector<1x16xf32>,
        %mul3A_256 = arith.constant 16 : i32
        %mul3A_257 = arith.muli %scan3A_52, %mul3A_256 : i32
        %add3A_258 = arith.constant 4 : i32
        %add3A_259 = arith.addi %mul3A_257, %add3A_258 : i32
        %slice3A_260 = vector.extract_strided_slice %get3A_58 {offsets = [4], sizes = [1], strides = [1]} : vector<16xf32> to vector<1xf32>
        %squeeze3A_261 = vector.extract %slice3A_260[0] : f32 from vector<1xf32>
        %get3A_262 = arith.index_cast %add3A_259 : i32 to index
        %get3A_263 = arith.constant 0 : index
        %get3A_264 = tpu.vector_load %arg10[%get3A_262, %get3A_263] {strides = array<i32>} : memref<80x64xf32, #tpu.memory_space<vmem>>, vector<1x16xf32>,
        %get3A_265 = vector.shape_cast %get3A_264 : vector<1x16xf32> to vector<16xf32>
        %mul3A_266 = vector.broadcast %squeeze3A_261 : f32 to vector<16xf32>
        %mul3A_267 = arith.mulf %get3A_265, %mul3A_266 : vector<16xf32>
        %swap3A_268 = arith.index_cast %add3A_259 : i32 to index
        %swap3A_269 = arith.constant 0 : index
        %swap3A_270 = tpu.vector_load %arg10[%swap3A_268, %swap3A_269] {strides = array<i32>} : memref<80x64xf32, #tpu.memory_space<vmem>>, vector<1x16xf32>,
        %swap3A_271 = vector.shape_cast %swap3A_270 : vector<1x16xf32> to vector<16xf32>
        %swap3A_272 = vector.shape_cast %mul3A_267 : vector<16xf32> to vector<1x16xf32>
        tpu.vector_store %arg10[%swap3A_268, %swap3A_269], %swap3A_272 {strides = array<i32>} : memref<80x64xf32, #tpu.memory_space<vmem>>, vector<1x16xf32>,
        %get3A_273 = arith.index_cast %add3A_259 : i32 to index
        %get3A_274 = arith.constant 16 : index
        %get3A_275 = tpu.vector_load %arg10[%get3A_273, %get3A_274] {strides = array<i32>} : memref<80x64xf32, #tpu.memory_space<vmem>>, vector<1x16xf32>,
        %get3A_276 = vector.shape_cast %get3A_275 : vector<1x16xf32> to vector<16xf32>
        %mul3A_277 = vector.broadcast %squeeze3A_261 : f32 to vector<16xf32>
        %mul3A_278 = arith.mulf %get3A_276, %mul3A_277 : vector<16xf32>
        %swap3A_279 = arith.index_cast %add3A_259 : i32 to index
        %swap3A_280 = arith.constant 16 : index
        %swap3A_281 = tpu.vector_load %arg10[%swap3A_279, %swap3A_280] {strides = array<i32>} : memref<80x64xf32, #tpu.memory_space<vmem>>, vector<1x16xf32>,
        %swap3A_282 = vector.shape_cast %swap3A_281 : vector<1x16xf32> to vector<16xf32>
        %swap3A_283 = vector.shape_cast %mul3A_278 : vector<16xf32> to vector<1x16xf32>
        tpu.vector_store %arg10[%swap3A_279, %swap3A_280], %swap3A_283 {strides = array<i32>} : memref<80x64xf32, #tpu.memory_space<vmem>>, vector<1x16xf32>,
        %get3A_284 = arith.index_cast %add3A_259 : i32 to index
        %get3A_285 = arith.constant 32 : index
        %get3A_286 = tpu.vector_load %arg10[%get3A_284, %get3A_285] {strides = array<i32>} : memref<80x64xf32, #tpu.memory_space<vmem>>, vector<1x16xf32>,
        %get3A_287 = vector.shape_cast %get3A_286 : vector<1x16xf32> to vector<16xf32>
        %mul3A_288 = vector.broadcast %squeeze3A_261 : f32 to vector<16xf32>
        %mul3A_289 = arith.mulf %get3A_287, %mul3A_288 : vector<16xf32>
        %swap3A_290 = arith.index_cast %add3A_259 : i32 to index
        %swap3A_291 = arith.constant 32 : index
        %swap3A_292 = tpu.vector_load %arg10[%swap3A_290, %swap3A_291] {strides = array<i32>} : memref<80x64xf32, #tpu.memory_space<vmem>>, vector<1x16xf32>,
        %swap3A_293 = vector.shape_cast %swap3A_292 : vector<1x16xf32> to vector<16xf32>
        %swap3A_294 = vector.shape_cast %mul3A_289 : vector<16xf32> to vector<1x16xf32>
        tpu.vector_store %arg10[%swap3A_290, %swap3A_291], %swap3A_294 {strides = array<i32>} : memref<80x64xf32, #tpu.memory_space<vmem>>, vector<1x16xf32>,
        %get3A_295 = arith.index_cast %add3A_259 : i32 to index
        %get3A_296 = arith.constant 48 : index
        %get3A_297 = tpu.vector_load %arg10[%get3A_295, %get3A_296] {strides = array<i32>} : memref<80x64xf32, #tpu.memory_space<vmem>>, vector<1x16xf32>,
        %get3A_298 = vector.shape_cast %get3A_297 : vector<1x16xf32> to vector<16xf32>
        %mul3A_299 = vector.broadcast %squeeze3A_261 : f32 to vector<16xf32>
        %mul3A_300 = arith.mulf %get3A_298, %mul3A_299 : vector<16xf32>
        %swap3A_301 = arith.index_cast %add3A_259 : i32 to index
        %swap3A_302 = arith.constant 48 : index
        %swap3A_303 = tpu.vector_load %arg10[%swap3A_301, %swap3A_302] {strides = array<i32>} : memref<80x64xf32, #tpu.memory_space<vmem>>, vector<1x16xf32>,
        %swap3A_304 = vector.shape_cast %swap3A_303 : vector<1x16xf32> to vector<16xf32>
        %swap3A_305 = vector.shape_cast %mul3A_300 : vector<16xf32> to vector<1x16xf32>
        tpu.vector_store %arg10[%swap3A_301, %swap3A_302], %swap3A_305 {strides = array<i32>} : memref<80x64xf32, #tpu.memory_space<vmem>>, vector<1x16xf32>,
        %mul3A_306 = arith.constant 16 : i32
        %mul3A_307 = arith.muli %scan3A_52, %mul3A_306 : i32
        %add3A_308 = arith.constant 5 : i32
        %add3A_309 = arith.addi %mul3A_307, %add3A_308 : i32
        %slice3A_310 = vector.extract_strided_slice %get3A_58 {offsets = [5], sizes = [1], strides = [1]} : vector<16xf32> to vector<1xf32>
        %squeeze3A_311 = vector.extract %slice3A_310[0] : f32 from vector<1xf32>
        %get3A_312 = arith.index_cast %add3A_309 : i32 to index
        %get3A_313 = arith.constant 0 : index
        %get3A_314 = tpu.vector_load %arg10[%get3A_312, %get3A_313] {strides = array<i32>} : memref<80x64xf32, #tpu.memory_space<vmem>>, vector<1x16xf32>,
        %get3A_315 = vector.shape_cast %get3A_314 : vector<1x16xf32> to vector<16xf32>
        %mul3A_316 = vector.broadcast %squeeze3A_311 : f32 to vector<16xf32>
        %mul3A_317 = arith.mulf %get3A_315, %mul3A_316 : vector<16xf32>
        %swap3A_318 = arith.index_cast %add3A_309 : i32 to index
        %swap3A_319 = arith.constant 0 : index
        %swap3A_320 = tpu.vector_load %arg10[%swap3A_318, %swap3A_319] {strides = array<i32>} : memref<80x64xf32, #tpu.memory_space<vmem>>, vector<1x16xf32>,
        %swap3A_321 = vector.shape_cast %swap3A_320 : vector<1x16xf32> to vector<16xf32>
        %swap3A_322 = vector.shape_cast %mul3A_317 : vector<16xf32> to vector<1x16xf32>
        tpu.vector_store %arg10[%swap3A_318, %swap3A_319], %swap3A_322 {strides = array<i32>} : memref<80x64xf32, #tpu.memory_space<vmem>>, vector<1x16xf32>,
        %get3A_323 = arith.index_cast %add3A_309 : i32 to index
        %get3A_324 = arith.constant 16 : index
        %get3A_325 = tpu.vector_load %arg10[%get3A_323, %get3A_324] {strides = array<i32>} : memref<80x64xf32, #tpu.memory_space<vmem>>, vector<1x16xf32>,
        %get3A_326 = vector.shape_cast %get3A_325 : vector<1x16xf32> to vector<16xf32>
        %mul3A_327 = vector.broadcast %squeeze3A_311 : f32 to vector<16xf32>
        %mul3A_328 = arith.mulf %get3A_326, %mul3A_327 : vector<16xf32>
        %swap3A_329 = arith.index_cast %add3A_309 : i32 to index
        %swap3A_330 = arith.constant 16 : index
        %swap3A_331 = tpu.vector_load %arg10[%swap3A_329, %swap3A_330] {strides = array<i32>} : memref<80x64xf32, #tpu.memory_space<vmem>>, vector<1x16xf32>,
        %swap3A_332 = vector.shape_cast %swap3A_331 : vector<1x16xf32> to vector<16xf32>
        %swap3A_333 = vector.shape_cast %mul3A_328 : vector<16xf32> to vector<1x16xf32>
        tpu.vector_store %arg10[%swap3A_329, %swap3A_330], %swap3A_333 {strides = array<i32>} : memref<80x64xf32, #tpu.memory_space<vmem>>, vector<1x16xf32>,
        %get3A_334 = arith.index_cast %add3A_309 : i32 to index
        %get3A_335 = arith.constant 32 : index
        %get3A_336 = tpu.vector_load %arg10[%get3A_334, %get3A_335] {strides = array<i32>} : memref<80x64xf32, #tpu.memory_space<vmem>>, vector<1x16xf32>,
        %get3A_337 = vector.shape_cast %get3A_336 : vector<1x16xf32> to vector<16xf32>
        %mul3A_338 = vector.broadcast %squeeze3A_311 : f32 to vector<16xf32>
        %mul3A_339 = arith.mulf %get3A_337, %mul3A_338 : vector<16xf32>
        %swap3A_340 = arith.index_cast %add3A_309 : i32 to index
        %swap3A_341 = arith.constant 32 : index
        %swap3A_342 = tpu.vector_load %arg10[%swap3A_340, %swap3A_341] {strides = array<i32>} : memref<80x64xf32, #tpu.memory_space<vmem>>, vector<1x16xf32>,
        %swap3A_343 = vector.shape_cast %swap3A_342 : vector<1x16xf32> to vector<16xf32>
        %swap3A_344 = vector.shape_cast %mul3A_339 : vector<16xf32> to vector<1x16xf32>
        tpu.vector_store %arg10[%swap3A_340, %swap3A_341], %swap3A_344 {strides = array<i32>} : memref<80x64xf32, #tpu.memory_space<vmem>>, vector<1x16xf32>,
        %get3A_345 = arith.index_cast %add3A_309 : i32 to index
        %get3A_346 = arith.constant 48 : index
        %get3A_347 = tpu.vector_load %arg10[%get3A_345, %get3A_346] {strides = array<i32>} : memref<80x64xf32, #tpu.memory_space<vmem>>, vector<1x16xf32>,
        %get3A_348 = vector.shape_cast %get3A_347 : vector<1x16xf32> to vector<16xf32>
        %mul3A_349 = vector.broadcast %squeeze3A_311 : f32 to vector<16xf32>
        %mul3A_350 = arith.mulf %get3A_348, %mul3A_349 : vector<16xf32>
        %swap3A_351 = arith.index_cast %add3A_309 : i32 to index
        %swap3A_352 = arith.constant 48 : index
        %swap3A_353 = tpu.vector_load %arg10[%swap3A_351, %swap3A_352] {strides = array<i32>} : memref<80x64xf32, #tpu.memory_space<vmem>>, vector<1x16xf32>,
        %swap3A_354 = vector.shape_cast %swap3A_353 : vector<1x16xf32> to vector<16xf32>
        %swap3A_355 = vector.shape_cast %mul3A_350 : vector<16xf32> to vector<1x16xf32>
        tpu.vector_store %arg10[%swap3A_351, %swap3A_352], %swap3A_355 {strides = array<i32>} : memref<80x64xf32, #tpu.memory_space<vmem>>, vector<1x16xf32>,
        %mul3A_356 = arith.constant 16 : i32
        %mul3A_357 = arith.muli %scan3A_52, %mul3A_356 : i32
        %add3A_358 = arith.constant 6 : i32
        %add3A_359 = arith.addi %mul3A_357, %add3A_358 : i32
        %slice3A_360 = vector.extract_strided_slice %get3A_58 {offsets = [6], sizes = [1], strides = [1]} : vector<16xf32> to vector<1xf32>
        %squeeze3A_361 = vector.extract %slice3A_360[0] : f32 from vector<1xf32>
        %get3A_362 = arith.index_cast %add3A_359 : i32 to index
        %get3A_363 = arith.constant 0 : index
        %get3A_364 = tpu.vector_load %arg10[%get3A_362, %get3A_363] {strides = array<i32>} : memref<80x64xf32, #tpu.memory_space<vmem>>, vector<1x16xf32>,
        %get3A_365 = vector.shape_cast %get3A_364 : vector<1x16xf32> to vector<16xf32>
        %mul3A_366 = vector.broadcast %squeeze3A_361 : f32 to vector<16xf32>
        %mul3A_367 = arith.mulf %get3A_365, %mul3A_366 : vector<16xf32>
        %swap3A_368 = arith.index_cast %add3A_359 : i32 to index
        %swap3A_369 = arith.constant 0 : index
        %swap3A_370 = tpu.vector_load %arg10[%swap3A_368, %swap3A_369] {strides = array<i32>} : memref<80x64xf32, #tpu.memory_space<vmem>>, vector<1x16xf32>,
        %swap3A_371 = vector.shape_cast %swap3A_370 : vector<1x16xf32> to vector<16xf32>
        %swap3A_372 = vector.shape_cast %mul3A_367 : vector<16xf32> to vector<1x16xf32>
        tpu.vector_store %arg10[%swap3A_368, %swap3A_369], %swap3A_372 {strides = array<i32>} : memref<80x64xf32, #tpu.memory_space<vmem>>, vector<1x16xf32>,
        %get3A_373 = arith.index_cast %add3A_359 : i32 to index
        %get3A_374 = arith.constant 16 : index
        %get3A_375 = tpu.vector_load %arg10[%get3A_373, %get3A_374] {strides = array<i32>} : memref<80x64xf32, #tpu.memory_space<vmem>>, vector<1x16xf32>,
        %get3A_376 = vector.shape_cast %get3A_375 : vector<1x16xf32> to vector<16xf32>
        %mul3A_377 = vector.broadcast %squeeze3A_361 : f32 to vector<16xf32>
        %mul3A_378 = arith.mulf %get3A_376, %mul3A_377 : vector<16xf32>
        %swap3A_379 = arith.index_cast %add3A_359 : i32 to index
        %swap3A_380 = arith.constant 16 : index
        %swap3A_381 = tpu.vector_load %arg10[%swap3A_379, %swap3A_380] {strides = array<i32>} : memref<80x64xf32, #tpu.memory_space<vmem>>, vector<1x16xf32>,
        %swap3A_382 = vector.shape_cast %swap3A_381 : vector<1x16xf32> to vector<16xf32>
        %swap3A_383 = vector.shape_cast %mul3A_378 : vector<16xf32> to vector<1x16xf32>
        tpu.vector_store %arg10[%swap3A_379, %swap3A_380], %swap3A_383 {strides = array<i32>} : memref<80x64xf32, #tpu.memory_space<vmem>>, vector<1x16xf32>,
        %get3A_384 = arith.index_cast %add3A_359 : i32 to index
        %get3A_385 = arith.constant 32 : index
        %get3A_386 = tpu.vector_load %arg10[%get3A_384, %get3A_385] {strides = array<i32>} : memref<80x64xf32, #tpu.memory_space<vmem>>, vector<1x16xf32>,
        %get3A_387 = vector.shape_cast %get3A_386 : vector<1x16xf32> to vector<16xf32>
        %mul3A_388 = vector.broadcast %squeeze3A_361 : f32 to vector<16xf32>
        %mul3A_389 = arith.mulf %get3A_387, %mul3A_388 : vector<16xf32>
        %swap3A_390 = arith.index_cast %add3A_359 : i32 to index
        %swap3A_391 = arith.constant 32 : index
        %swap3A_392 = tpu.vector_load %arg10[%swap3A_390, %swap3A_391] {strides = array<i32>} : memref<80x64xf32, #tpu.memory_space<vmem>>, vector<1x16xf32>,
        %swap3A_393 = vector.shape_cast %swap3A_392 : vector<1x16xf32> to vector<16xf32>
        %swap3A_394 = vector.shape_cast %mul3A_389 : vector<16xf32> to vector<1x16xf32>
        tpu.vector_store %arg10[%swap3A_390, %swap3A_391], %swap3A_394 {strides = array<i32>} : memref<80x64xf32, #tpu.memory_space<vmem>>, vector<1x16xf32>,
        %get3A_395 = arith.index_cast %add3A_359 : i32 to index
        %get3A_396 = arith.constant 48 : index
        %get3A_397 = tpu.vector_load %arg10[%get3A_395, %get3A_396] {strides = array<i32>} : memref<80x64xf32, #tpu.memory_space<vmem>>, vector<1x16xf32>,
        %get3A_398 = vector.shape_cast %get3A_397 : vector<1x16xf32> to vector<16xf32>
        %mul3A_399 = vector.broadcast %squeeze3A_361 : f32 to vector<16xf32>
        %mul3A_400 = arith.mulf %get3A_398, %mul3A_399 : vector<16xf32>
        %swap3A_401 = arith.index_cast %add3A_359 : i32 to index
        %swap3A_402 = arith.constant 48 : index
        %swap3A_403 = tpu.vector_load %arg10[%swap3A_401, %swap3A_402] {strides = array<i32>} : memref<80x64xf32, #tpu.memory_space<vmem>>, vector<1x16xf32>,
        %swap3A_404 = vector.shape_cast %swap3A_403 : vector<1x16xf32> to vector<16xf32>
        %swap3A_405 = vector.shape_cast %mul3A_400 : vector<16xf32> to vector<1x16xf32>
        tpu.vector_store %arg10[%swap3A_401, %swap3A_402], %swap3A_405 {strides = array<i32>} : memref<80x64xf32, #tpu.memory_space<vmem>>, vector<1x16xf32>,
        %mul3A_406 = arith.constant 16 : i32
        %mul3A_407 = arith.muli %scan3A_52, %mul3A_406 : i32
        %add3A_408 = arith.constant 7 : i32
        %add3A_409 = arith.addi %mul3A_407, %add3A_408 : i32
        %slice3A_410 = vector.extract_strided_slice %get3A_58 {offsets = [7], sizes = [1], strides = [1]} : vector<16xf32> to vector<1xf32>
        %squeeze3A_411 = vector.extract %slice3A_410[0] : f32 from vector<1xf32>
        %get3A_412 = arith.index_cast %add3A_409 : i32 to index
        %get3A_413 = arith.constant 0 : index
        %get3A_414 = tpu.vector_load %arg10[%get3A_412, %get3A_413] {strides = array<i32>} : memref<80x64xf32, #tpu.memory_space<vmem>>, vector<1x16xf32>,
        %get3A_415 = vector.shape_cast %get3A_414 : vector<1x16xf32> to vector<16xf32>
        %mul3A_416 = vector.broadcast %squeeze3A_411 : f32 to vector<16xf32>
        %mul3A_417 = arith.mulf %get3A_415, %mul3A_416 : vector<16xf32>
        %swap3A_418 = arith.index_cast %add3A_409 : i32 to index
        %swap3A_419 = arith.constant 0 : index
        %swap3A_420 = tpu.vector_load %arg10[%swap3A_418, %swap3A_419] {strides = array<i32>} : memref<80x64xf32, #tpu.memory_space<vmem>>, vector<1x16xf32>,
        %swap3A_421 = vector.shape_cast %swap3A_420 : vector<1x16xf32> to vector<16xf32>
        %swap3A_422 = vector.shape_cast %mul3A_417 : vector<16xf32> to vector<1x16xf32>
        tpu.vector_store %arg10[%swap3A_418, %swap3A_419], %swap3A_422 {strides = array<i32>} : memref<80x64xf32, #tpu.memory_space<vmem>>, vector<1x16xf32>,
        %get3A_423 = arith.index_cast %add3A_409 : i32 to index
        %get3A_424 = arith.constant 16 : index
        %get3A_425 = tpu.vector_load %arg10[%get3A_423, %get3A_424] {strides = array<i32>} : memref<80x64xf32, #tpu.memory_space<vmem>>, vector<1x16xf32>,
        %get3A_426 = vector.shape_cast %get3A_425 : vector<1x16xf32> to vector<16xf32>
        %mul3A_427 = vector.broadcast %squeeze3A_411 : f32 to vector<16xf32>
        %mul3A_428 = arith.mulf %get3A_426, %mul3A_427 : vector<16xf32>
        %swap3A_429 = arith.index_cast %add3A_409 : i32 to index
        %swap3A_430 = arith.constant 16 : index
        %swap3A_431 = tpu.vector_load %arg10[%swap3A_429, %swap3A_430] {strides = array<i32>} : memref<80x64xf32, #tpu.memory_space<vmem>>, vector<1x16xf32>,
        %swap3A_432 = vector.shape_cast %swap3A_431 : vector<1x16xf32> to vector<16xf32>
        %swap3A_433 = vector.shape_cast %mul3A_428 : vector<16xf32> to vector<1x16xf32>
        tpu.vector_store %arg10[%swap3A_429, %swap3A_430], %swap3A_433 {strides = array<i32>} : memref<80x64xf32, #tpu.memory_space<vmem>>, vector<1x16xf32>,
        %get3A_434 = arith.index_cast %add3A_409 : i32 to index
        %get3A_435 = arith.constant 32 : index
        %get3A_436 = tpu.vector_load %arg10[%get3A_434, %get3A_435] {strides = array<i32>} : memref<80x64xf32, #tpu.memory_space<vmem>>, vector<1x16xf32>,
        %get3A_437 = vector.shape_cast %get3A_436 : vector<1x16xf32> to vector<16xf32>
        %mul3A_438 = vector.broadcast %squeeze3A_411 : f32 to vector<16xf32>
        %mul3A_439 = arith.mulf %get3A_437, %mul3A_438 : vector<16xf32>
        %swap3A_440 = arith.index_cast %add3A_409 : i32 to index
        %swap3A_441 = arith.constant 32 : index
        %swap3A_442 = tpu.vector_load %arg10[%swap3A_440, %swap3A_441] {strides = array<i32>} : memref<80x64xf32, #tpu.memory_space<vmem>>, vector<1x16xf32>,
        %swap3A_443 = vector.shape_cast %swap3A_442 : vector<1x16xf32> to vector<16xf32>
        %swap3A_444 = vector.shape_cast %mul3A_439 : vector<16xf32> to vector<1x16xf32>
        tpu.vector_store %arg10[%swap3A_440, %swap3A_441], %swap3A_444 {strides = array<i32>} : memref<80x64xf32, #tpu.memory_space<vmem>>, vector<1x16xf32>,
        %get3A_445 = arith.index_cast %add3A_409 : i32 to index
        %get3A_446 = arith.constant 48 : index
        %get3A_447 = tpu.vector_load %arg10[%get3A_445, %get3A_446] {strides = array<i32>} : memref<80x64xf32, #tpu.memory_space<vmem>>, vector<1x16xf32>,
        %get3A_448 = vector.shape_cast %get3A_447 : vector<1x16xf32> to vector<16xf32>
        %mul3A_449 = vector.broadcast %squeeze3A_411 : f32 to vector<16xf32>
        %mul3A_450 = arith.mulf %get3A_448, %mul3A_449 : vector<16xf32>
        %swap3A_451 = arith.index_cast %add3A_409 : i32 to index
        %swap3A_452 = arith.constant 48 : index
        %swap3A_453 = tpu.vector_load %arg10[%swap3A_451, %swap3A_452] {strides = array<i32>} : memref<80x64xf32, #tpu.memory_space<vmem>>, vector<1x16xf32>,
        %swap3A_454 = vector.shape_cast %swap3A_453 : vector<1x16xf32> to vector<16xf32>
        %swap3A_455 = vector.shape_cast %mul3A_450 : vector<16xf32> to vector<1x16xf32>
        tpu.vector_store %arg10[%swap3A_451, %swap3A_452], %swap3A_455 {strides = array<i32>} : memref<80x64xf32, #tpu.memory_space<vmem>>, vector<1x16xf32>,
        %mul3A_456 = arith.constant 16 : i32
        %mul3A_457 = arith.muli %scan3A_52, %mul3A_456 : i32
        %add3A_458 = arith.constant 8 : i32
        %add3A_459 = arith.addi %mul3A_457, %add3A_458 : i32
        %slice3A_460 = vector.extract_strided_slice %get3A_58 {offsets = [8], sizes = [1], strides = [1]} : vector<16xf32> to vector<1xf32>
        %squeeze3A_461 = vector.extract %slice3A_460[0] : f32 from vector<1xf32>
        %get3A_462 = arith.index_cast %add3A_459 : i32 to index
        %get3A_463 = arith.constant 0 : index
        %get3A_464 = tpu.vector_load %arg10[%get3A_462, %get3A_463] {strides = array<i32>} : memref<80x64xf32, #tpu.memory_space<vmem>>, vector<1x16xf32>,
        %get3A_465 = vector.shape_cast %get3A_464 : vector<1x16xf32> to vector<16xf32>
        %mul3A_466 = vector.broadcast %squeeze3A_461 : f32 to vector<16xf32>
        %mul3A_467 = arith.mulf %get3A_465, %mul3A_466 : vector<16xf32>
        %swap3A_468 = arith.index_cast %add3A_459 : i32 to index
        %swap3A_469 = arith.constant 0 : index
        %swap3A_470 = tpu.vector_load %arg10[%swap3A_468, %swap3A_469] {strides = array<i32>} : memref<80x64xf32, #tpu.memory_space<vmem>>, vector<1x16xf32>,
        %swap3A_471 = vector.shape_cast %swap3A_470 : vector<1x16xf32> to vector<16xf32>
        %swap3A_472 = vector.shape_cast %mul3A_467 : vector<16xf32> to vector<1x16xf32>
        tpu.vector_store %arg10[%swap3A_468, %swap3A_469], %swap3A_472 {strides = array<i32>} : memref<80x64xf32, #tpu.memory_space<vmem>>, vector<1x16xf32>,
        %get3A_473 = arith.index_cast %add3A_459 : i32 to index
        %get3A_474 = arith.constant 16 : index
        %get3A_475 = tpu.vector_load %arg10[%get3A_473, %get3A_474] {strides = array<i32>} : memref<80x64xf32, #tpu.memory_space<vmem>>, vector<1x16xf32>,
        %get3A_476 = vector.shape_cast %get3A_475 : vector<1x16xf32> to vector<16xf32>
        %mul3A_477 = vector.broadcast %squeeze3A_461 : f32 to vector<16xf32>
        %mul3A_478 = arith.mulf %get3A_476, %mul3A_477 : vector<16xf32>
        %swap3A_479 = arith.index_cast %add3A_459 : i32 to index
        %swap3A_480 = arith.constant 16 : index
        %swap3A_481 = tpu.vector_load %arg10[%swap3A_479, %swap3A_480] {strides = array<i32>} : memref<80x64xf32, #tpu.memory_space<vmem>>, vector<1x16xf32>,
        %swap3A_482 = vector.shape_cast %swap3A_481 : vector<1x16xf32> to vector<16xf32>
        %swap3A_483 = vector.shape_cast %mul3A_478 : vector<16xf32> to vector<1x16xf32>
        tpu.vector_store %arg10[%swap3A_479, %swap3A_480], %swap3A_483 {strides = array<i32>} : memref<80x64xf32, #tpu.memory_space<vmem>>, vector<1x16xf32>,
        %get3A_484 = arith.index_cast %add3A_459 : i32 to index
        %get3A_485 = arith.constant 32 : index
        %get3A_486 = tpu.vector_load %arg10[%get3A_484, %get3A_485] {strides = array<i32>} : memref<80x64xf32, #tpu.memory_space<vmem>>, vector<1x16xf32>,
        %get3A_487 = vector.shape_cast %get3A_486 : vector<1x16xf32> to vector<16xf32>
        %mul3A_488 = vector.broadcast %squeeze3A_461 : f32 to vector<16xf32>
        %mul3A_489 = arith.mulf %get3A_487, %mul3A_488 : vector<16xf32>
        %swap3A_490 = arith.index_cast %add3A_459 : i32 to index
        %swap3A_491 = arith.constant 32 : index
        %swap3A_492 = tpu.vector_load %arg10[%swap3A_490, %swap3A_491] {strides = array<i32>} : memref<80x64xf32, #tpu.memory_space<vmem>>, vector<1x16xf32>,
        %swap3A_493 = vector.shape_cast %swap3A_492 : vector<1x16xf32> to vector<16xf32>
        %swap3A_494 = vector.shape_cast %mul3A_489 : vector<16xf32> to vector<1x16xf32>
        tpu.vector_store %arg10[%swap3A_490, %swap3A_491], %swap3A_494 {strides = array<i32>} : memref<80x64xf32, #tpu.memory_space<vmem>>, vector<1x16xf32>,
        %get3A_495 = arith.index_cast %add3A_459 : i32 to index
        %get3A_496 = arith.constant 48 : index
        %get3A_497 = tpu.vector_load %arg10[%get3A_495, %get3A_496] {strides = array<i32>} : memref<80x64xf32, #tpu.memory_space<vmem>>, vector<1x16xf32>,
        %get3A_498 = vector.shape_cast %get3A_497 : vector<1x16xf32> to vector<16xf32>
        %mul3A_499 = vector.broadcast %squeeze3A_461 : f32 to vector<16xf32>
        %mul3A_500 = arith.mulf %get3A_498, %mul3A_499 : vector<16xf32>
        %swap3A_501 = arith.index_cast %add3A_459 : i32 to index
        %swap3A_502 = arith.constant 48 : index
        %swap3A_503 = tpu.vector_load %arg10[%swap3A_501, %swap3A_502] {strides = array<i32>} : memref<80x64xf32, #tpu.memory_space<vmem>>, vector<1x16xf32>,
        %swap3A_504 = vector.shape_cast %swap3A_503 : vector<1x16xf32> to vector<16xf32>
        %swap3A_505 = vector.shape_cast %mul3A_500 : vector<16xf32> to vector<1x16xf32>
        tpu.vector_store %arg10[%swap3A_501, %swap3A_502], %swap3A_505 {strides = array<i32>} : memref<80x64xf32, #tpu.memory_space<vmem>>, vector<1x16xf32>,
        %mul3A_506 = arith.constant 16 : i32
        %mul3A_507 = arith.muli %scan3A_52, %mul3A_506 : i32
        %add3A_508 = arith.constant 9 : i32
        %add3A_509 = arith.addi %mul3A_507, %add3A_508 : i32
        %slice3A_510 = vector.extract_strided_slice %get3A_58 {offsets = [9], sizes = [1], strides = [1]} : vector<16xf32> to vector<1xf32>
        %squeeze3A_511 = vector.extract %slice3A_510[0] : f32 from vector<1xf32>
        %get3A_512 = arith.index_cast %add3A_509 : i32 to index
        %get3A_513 = arith.constant 0 : index
        %get3A_514 = tpu.vector_load %arg10[%get3A_512, %get3A_513] {strides = array<i32>} : memref<80x64xf32, #tpu.memory_space<vmem>>, vector<1x16xf32>,
        %get3A_515 = vector.shape_cast %get3A_514 : vector<1x16xf32> to vector<16xf32>
        %mul3A_516 = vector.broadcast %squeeze3A_511 : f32 to vector<16xf32>
        %mul3A_517 = arith.mulf %get3A_515, %mul3A_516 : vector<16xf32>
        %swap3A_518 = arith.index_cast %add3A_509 : i32 to index
        %swap3A_519 = arith.constant 0 : index
        %swap3A_520 = tpu.vector_load %arg10[%swap3A_518, %swap3A_519] {strides = array<i32>} : memref<80x64xf32, #tpu.memory_space<vmem>>, vector<1x16xf32>,
        %swap3A_521 = vector.shape_cast %swap3A_520 : vector<1x16xf32> to vector<16xf32>
        %swap3A_522 = vector.shape_cast %mul3A_517 : vector<16xf32> to vector<1x16xf32>
        tpu.vector_store %arg10[%swap3A_518, %swap3A_519], %swap3A_522 {strides = array<i32>} : memref<80x64xf32, #tpu.memory_space<vmem>>, vector<1x16xf32>,
        %get3A_523 = arith.index_cast %add3A_509 : i32 to index
        %get3A_524 = arith.constant 16 : index
        %get3A_525 = tpu.vector_load %arg10[%get3A_523, %get3A_524] {strides = array<i32>} : memref<80x64xf32, #tpu.memory_space<vmem>>, vector<1x16xf32>,
        %get3A_526 = vector.shape_cast %get3A_525 : vector<1x16xf32> to vector<16xf32>
        %mul3A_527 = vector.broadcast %squeeze3A_511 : f32 to vector<16xf32>
        %mul3A_528 = arith.mulf %get3A_526, %mul3A_527 : vector<16xf32>
        %swap3A_529 = arith.index_cast %add3A_509 : i32 to index
        %swap3A_530 = arith.constant 16 : index
        %swap3A_531 = tpu.vector_load %arg10[%swap3A_529, %swap3A_530] {strides = array<i32>} : memref<80x64xf32, #tpu.memory_space<vmem>>, vector<1x16xf32>,
        %swap3A_532 = vector.shape_cast %swap3A_531 : vector<1x16xf32> to vector<16xf32>
        %swap3A_533 = vector.shape_cast %mul3A_528 : vector<16xf32> to vector<1x16xf32>
        tpu.vector_store %arg10[%swap3A_529, %swap3A_530], %swap3A_533 {strides = array<i32>} : memref<80x64xf32, #tpu.memory_space<vmem>>, vector<1x16xf32>,
        %get3A_534 = arith.index_cast %add3A_509 : i32 to index
        %get3A_535 = arith.constant 32 : index
        %get3A_536 = tpu.vector_load %arg10[%get3A_534, %get3A_535] {strides = array<i32>} : memref<80x64xf32, #tpu.memory_space<vmem>>, vector<1x16xf32>,
        %get3A_537 = vector.shape_cast %get3A_536 : vector<1x16xf32> to vector<16xf32>
        %mul3A_538 = vector.broadcast %squeeze3A_511 : f32 to vector<16xf32>
        %mul3A_539 = arith.mulf %get3A_537, %mul3A_538 : vector<16xf32>
        %swap3A_540 = arith.index_cast %add3A_509 : i32 to index
        %swap3A_541 = arith.constant 32 : index
        %swap3A_542 = tpu.vector_load %arg10[%swap3A_540, %swap3A_541] {strides = array<i32>} : memref<80x64xf32, #tpu.memory_space<vmem>>, vector<1x16xf32>,
        %swap3A_543 = vector.shape_cast %swap3A_542 : vector<1x16xf32> to vector<16xf32>
        %swap3A_544 = vector.shape_cast %mul3A_539 : vector<16xf32> to vector<1x16xf32>
        tpu.vector_store %arg10[%swap3A_540, %swap3A_541], %swap3A_544 {strides = array<i32>} : memref<80x64xf32, #tpu.memory_space<vmem>>, vector<1x16xf32>,
        %get3A_545 = arith.index_cast %add3A_509 : i32 to index
        %get3A_546 = arith.constant 48 : index
        %get3A_547 = tpu.vector_load %arg10[%get3A_545, %get3A_546] {strides = array<i32>} : memref<80x64xf32, #tpu.memory_space<vmem>>, vector<1x16xf32>,
        %get3A_548 = vector.shape_cast %get3A_547 : vector<1x16xf32> to vector<16xf32>
        %mul3A_549 = vector.broadcast %squeeze3A_511 : f32 to vector<16xf32>
        %mul3A_550 = arith.mulf %get3A_548, %mul3A_549 : vector<16xf32>
        %swap3A_551 = arith.index_cast %add3A_509 : i32 to index
        %swap3A_552 = arith.constant 48 : index
        %swap3A_553 = tpu.vector_load %arg10[%swap3A_551, %swap3A_552] {strides = array<i32>} : memref<80x64xf32, #tpu.memory_space<vmem>>, vector<1x16xf32>,
        %swap3A_554 = vector.shape_cast %swap3A_553 : vector<1x16xf32> to vector<16xf32>
        %swap3A_555 = vector.shape_cast %mul3A_550 : vector<16xf32> to vector<1x16xf32>
        tpu.vector_store %arg10[%swap3A_551, %swap3A_552], %swap3A_555 {strides = array<i32>} : memref<80x64xf32, #tpu.memory_space<vmem>>, vector<1x16xf32>,
        %mul3A_556 = arith.constant 16 : i32
        %mul3A_557 = arith.muli %scan3A_52, %mul3A_556 : i32
        %add3A_558 = arith.constant 10 : i32
        %add3A_559 = arith.addi %mul3A_557, %add3A_558 : i32
        %slice3A_560 = vector.extract_strided_slice %get3A_58 {offsets = [10], sizes = [1], strides = [1]} : vector<16xf32> to vector<1xf32>
        %squeeze3A_561 = vector.extract %slice3A_560[0] : f32 from vector<1xf32>
        %get3A_562 = arith.index_cast %add3A_559 : i32 to index
        %get3A_563 = arith.constant 0 : index
        %get3A_564 = tpu.vector_load %arg10[%get3A_562, %get3A_563] {strides = array<i32>} : memref<80x64xf32, #tpu.memory_space<vmem>>, vector<1x16xf32>,
        %get3A_565 = vector.shape_cast %get3A_564 : vector<1x16xf32> to vector<16xf32>
        %mul3A_566 = vector.broadcast %squeeze3A_561 : f32 to vector<16xf32>
        %mul3A_567 = arith.mulf %get3A_565, %mul3A_566 : vector<16xf32>
        %swap3A_568 = arith.index_cast %add3A_559 : i32 to index
        %swap3A_569 = arith.constant 0 : index
        %swap3A_570 = tpu.vector_load %arg10[%swap3A_568, %swap3A_569] {strides = array<i32>} : memref<80x64xf32, #tpu.memory_space<vmem>>, vector<1x16xf32>,
        %swap3A_571 = vector.shape_cast %swap3A_570 : vector<1x16xf32> to vector<16xf32>
        %swap3A_572 = vector.shape_cast %mul3A_567 : vector<16xf32> to vector<1x16xf32>
        tpu.vector_store %arg10[%swap3A_568, %swap3A_569], %swap3A_572 {strides = array<i32>} : memref<80x64xf32, #tpu.memory_space<vmem>>, vector<1x16xf32>,
        %get3A_573 = arith.index_cast %add3A_559 : i32 to index
        %get3A_574 = arith.constant 16 : index
        %get3A_575 = tpu.vector_load %arg10[%get3A_573, %get3A_574] {strides = array<i32>} : memref<80x64xf32, #tpu.memory_space<vmem>>, vector<1x16xf32>,
        %get3A_576 = vector.shape_cast %get3A_575 : vector<1x16xf32> to vector<16xf32>
        %mul3A_577 = vector.broadcast %squeeze3A_561 : f32 to vector<16xf32>
        %mul3A_578 = arith.mulf %get3A_576, %mul3A_577 : vector<16xf32>
        %swap3A_579 = arith.index_cast %add3A_559 : i32 to index
        %swap3A_580 = arith.constant 16 : index
        %swap3A_581 = tpu.vector_load %arg10[%swap3A_579, %swap3A_580] {strides = array<i32>} : memref<80x64xf32, #tpu.memory_space<vmem>>, vector<1x16xf32>,
        %swap3A_582 = vector.shape_cast %swap3A_581 : vector<1x16xf32> to vector<16xf32>
        %swap3A_583 = vector.shape_cast %mul3A_578 : vector<16xf32> to vector<1x16xf32>
        tpu.vector_store %arg10[%swap3A_579, %swap3A_580], %swap3A_583 {strides = array<i32>} : memref<80x64xf32, #tpu.memory_space<vmem>>, vector<1x16xf32>,
        %get3A_584 = arith.index_cast %add3A_559 : i32 to index
        %get3A_585 = arith.constant 32 : index
        %get3A_586 = tpu.vector_load %arg10[%get3A_584, %get3A_585] {strides = array<i32>} : memref<80x64xf32, #tpu.memory_space<vmem>>, vector<1x16xf32>,
        %get3A_587 = vector.shape_cast %get3A_586 : vector<1x16xf32> to vector<16xf32>
        %mul3A_588 = vector.broadcast %squeeze3A_561 : f32 to vector<16xf32>
        %mul3A_589 = arith.mulf %get3A_587, %mul3A_588 : vector<16xf32>
        %swap3A_590 = arith.index_cast %add3A_559 : i32 to index
        %swap3A_591 = arith.constant 32 : index
        %swap3A_592 = tpu.vector_load %arg10[%swap3A_590, %swap3A_591] {strides = array<i32>} : memref<80x64xf32, #tpu.memory_space<vmem>>, vector<1x16xf32>,
        %swap3A_593 = vector.shape_cast %swap3A_592 : vector<1x16xf32> to vector<16xf32>
        %swap3A_594 = vector.shape_cast %mul3A_589 : vector<16xf32> to vector<1x16xf32>
        tpu.vector_store %arg10[%swap3A_590, %swap3A_591], %swap3A_594 {strides = array<i32>} : memref<80x64xf32, #tpu.memory_space<vmem>>, vector<1x16xf32>,
        %get3A_595 = arith.index_cast %add3A_559 : i32 to index
        %get3A_596 = arith.constant 48 : index
        %get3A_597 = tpu.vector_load %arg10[%get3A_595, %get3A_596] {strides = array<i32>} : memref<80x64xf32, #tpu.memory_space<vmem>>, vector<1x16xf32>,
        %get3A_598 = vector.shape_cast %get3A_597 : vector<1x16xf32> to vector<16xf32>
        %mul3A_599 = vector.broadcast %squeeze3A_561 : f32 to vector<16xf32>
        %mul3A_600 = arith.mulf %get3A_598, %mul3A_599 : vector<16xf32>
        %swap3A_601 = arith.index_cast %add3A_559 : i32 to index
        %swap3A_602 = arith.constant 48 : index
        %swap3A_603 = tpu.vector_load %arg10[%swap3A_601, %swap3A_602] {strides = array<i32>} : memref<80x64xf32, #tpu.memory_space<vmem>>, vector<1x16xf32>,
        %swap3A_604 = vector.shape_cast %swap3A_603 : vector<1x16xf32> to vector<16xf32>
        %swap3A_605 = vector.shape_cast %mul3A_600 : vector<16xf32> to vector<1x16xf32>
        tpu.vector_store %arg10[%swap3A_601, %swap3A_602], %swap3A_605 {strides = array<i32>} : memref<80x64xf32, #tpu.memory_space<vmem>>, vector<1x16xf32>,
        %mul3A_606 = arith.constant 16 : i32
        %mul3A_607 = arith.muli %scan3A_52, %mul3A_606 : i32
        %add3A_608 = arith.constant 11 : i32
        %add3A_609 = arith.addi %mul3A_607, %add3A_608 : i32
        %slice3A_610 = vector.extract_strided_slice %get3A_58 {offsets = [11], sizes = [1], strides = [1]} : vector<16xf32> to vector<1xf32>
        %squeeze3A_611 = vector.extract %slice3A_610[0] : f32 from vector<1xf32>
        %get3A_612 = arith.index_cast %add3A_609 : i32 to index
        %get3A_613 = arith.constant 0 : index
        %get3A_614 = tpu.vector_load %arg10[%get3A_612, %get3A_613] {strides = array<i32>} : memref<80x64xf32, #tpu.memory_space<vmem>>, vector<1x16xf32>,
        %get3A_615 = vector.shape_cast %get3A_614 : vector<1x16xf32> to vector<16xf32>
        %mul3A_616 = vector.broadcast %squeeze3A_611 : f32 to vector<16xf32>
        %mul3A_617 = arith.mulf %get3A_615, %mul3A_616 : vector<16xf32>
        %swap3A_618 = arith.index_cast %add3A_609 : i32 to index
        %swap3A_619 = arith.constant 0 : index
        %swap3A_620 = tpu.vector_load %arg10[%swap3A_618, %swap3A_619] {strides = array<i32>} : memref<80x64xf32, #tpu.memory_space<vmem>>, vector<1x16xf32>,
        %swap3A_621 = vector.shape_cast %swap3A_620 : vector<1x16xf32> to vector<16xf32>
        %swap3A_622 = vector.shape_cast %mul3A_617 : vector<16xf32> to vector<1x16xf32>
        tpu.vector_store %arg10[%swap3A_618, %swap3A_619], %swap3A_622 {strides = array<i32>} : memref<80x64xf32, #tpu.memory_space<vmem>>, vector<1x16xf32>,
        %get3A_623 = arith.index_cast %add3A_609 : i32 to index
        %get3A_624 = arith.constant 16 : index
        %get3A_625 = tpu.vector_load %arg10[%get3A_623, %get3A_624] {strides = array<i32>} : memref<80x64xf32, #tpu.memory_space<vmem>>, vector<1x16xf32>,
        %get3A_626 = vector.shape_cast %get3A_625 : vector<1x16xf32> to vector<16xf32>
        %mul3A_627 = vector.broadcast %squeeze3A_611 : f32 to vector<16xf32>
        %mul3A_628 = arith.mulf %get3A_626, %mul3A_627 : vector<16xf32>
        %swap3A_629 = arith.index_cast %add3A_609 : i32 to index
        %swap3A_630 = arith.constant 16 : index
        %swap3A_631 = tpu.vector_load %arg10[%swap3A_629, %swap3A_630] {strides = array<i32>} : memref<80x64xf32, #tpu.memory_space<vmem>>, vector<1x16xf32>,
        %swap3A_632 = vector.shape_cast %swap3A_631 : vector<1x16xf32> to vector<16xf32>
        %swap3A_633 = vector.shape_cast %mul3A_628 : vector<16xf32> to vector<1x16xf32>
        tpu.vector_store %arg10[%swap3A_629, %swap3A_630], %swap3A_633 {strides = array<i32>} : memref<80x64xf32, #tpu.memory_space<vmem>>, vector<1x16xf32>,
        %get3A_634 = arith.index_cast %add3A_609 : i32 to index
        %get3A_635 = arith.constant 32 : index
        %get3A_636 = tpu.vector_load %arg10[%get3A_634, %get3A_635] {strides = array<i32>} : memref<80x64xf32, #tpu.memory_space<vmem>>, vector<1x16xf32>,
        %get3A_637 = vector.shape_cast %get3A_636 : vector<1x16xf32> to vector<16xf32>
        %mul3A_638 = vector.broadcast %squeeze3A_611 : f32 to vector<16xf32>
        %mul3A_639 = arith.mulf %get3A_637, %mul3A_638 : vector<16xf32>
        %swap3A_640 = arith.index_cast %add3A_609 : i32 to index
        %swap3A_641 = arith.constant 32 : index
        %swap3A_642 = tpu.vector_load %arg10[%swap3A_640, %swap3A_641] {strides = array<i32>} : memref<80x64xf32, #tpu.memory_space<vmem>>, vector<1x16xf32>,
        %swap3A_643 = vector.shape_cast %swap3A_642 : vector<1x16xf32> to vector<16xf32>
        %swap3A_644 = vector.shape_cast %mul3A_639 : vector<16xf32> to vector<1x16xf32>
        tpu.vector_store %arg10[%swap3A_640, %swap3A_641], %swap3A_644 {strides = array<i32>} : memref<80x64xf32, #tpu.memory_space<vmem>>, vector<1x16xf32>,
        %get3A_645 = arith.index_cast %add3A_609 : i32 to index
        %get3A_646 = arith.constant 48 : index
        %get3A_647 = tpu.vector_load %arg10[%get3A_645, %get3A_646] {strides = array<i32>} : memref<80x64xf32, #tpu.memory_space<vmem>>, vector<1x16xf32>,
        %get3A_648 = vector.shape_cast %get3A_647 : vector<1x16xf32> to vector<16xf32>
        %mul3A_649 = vector.broadcast %squeeze3A_611 : f32 to vector<16xf32>
        %mul3A_650 = arith.mulf %get3A_648, %mul3A_649 : vector<16xf32>
        %swap3A_651 = arith.index_cast %add3A_609 : i32 to index
        %swap3A_652 = arith.constant 48 : index
        %swap3A_653 = tpu.vector_load %arg10[%swap3A_651, %swap3A_652] {strides = array<i32>} : memref<80x64xf32, #tpu.memory_space<vmem>>, vector<1x16xf32>,
        %swap3A_654 = vector.shape_cast %swap3A_653 : vector<1x16xf32> to vector<16xf32>
        %swap3A_655 = vector.shape_cast %mul3A_650 : vector<16xf32> to vector<1x16xf32>
        tpu.vector_store %arg10[%swap3A_651, %swap3A_652], %swap3A_655 {strides = array<i32>} : memref<80x64xf32, #tpu.memory_space<vmem>>, vector<1x16xf32>,
        %mul3A_656 = arith.constant 16 : i32
        %mul3A_657 = arith.muli %scan3A_52, %mul3A_656 : i32
        %add3A_658 = arith.constant 12 : i32
        %add3A_659 = arith.addi %mul3A_657, %add3A_658 : i32
        %slice3A_660 = vector.extract_strided_slice %get3A_58 {offsets = [12], sizes = [1], strides = [1]} : vector<16xf32> to vector<1xf32>
        %squeeze3A_661 = vector.extract %slice3A_660[0] : f32 from vector<1xf32>
        %get3A_662 = arith.index_cast %add3A_659 : i32 to index
        %get3A_663 = arith.constant 0 : index
        %get3A_664 = tpu.vector_load %arg10[%get3A_662, %get3A_663] {strides = array<i32>} : memref<80x64xf32, #tpu.memory_space<vmem>>, vector<1x16xf32>,
        %get3A_665 = vector.shape_cast %get3A_664 : vector<1x16xf32> to vector<16xf32>
        %mul3A_666 = vector.broadcast %squeeze3A_661 : f32 to vector<16xf32>
        %mul3A_667 = arith.mulf %get3A_665, %mul3A_666 : vector<16xf32>
        %swap3A_668 = arith.index_cast %add3A_659 : i32 to index
        %swap3A_669 = arith.constant 0 : index
        %swap3A_670 = tpu.vector_load %arg10[%swap3A_668, %swap3A_669] {strides = array<i32>} : memref<80x64xf32, #tpu.memory_space<vmem>>, vector<1x16xf32>,
        %swap3A_671 = vector.shape_cast %swap3A_670 : vector<1x16xf32> to vector<16xf32>
        %swap3A_672 = vector.shape_cast %mul3A_667 : vector<16xf32> to vector<1x16xf32>
        tpu.vector_store %arg10[%swap3A_668, %swap3A_669], %swap3A_672 {strides = array<i32>} : memref<80x64xf32, #tpu.memory_space<vmem>>, vector<1x16xf32>,
        %get3A_673 = arith.index_cast %add3A_659 : i32 to index
        %get3A_674 = arith.constant 16 : index
        %get3A_675 = tpu.vector_load %arg10[%get3A_673, %get3A_674] {strides = array<i32>} : memref<80x64xf32, #tpu.memory_space<vmem>>, vector<1x16xf32>,
        %get3A_676 = vector.shape_cast %get3A_675 : vector<1x16xf32> to vector<16xf32>
        %mul3A_677 = vector.broadcast %squeeze3A_661 : f32 to vector<16xf32>
        %mul3A_678 = arith.mulf %get3A_676, %mul3A_677 : vector<16xf32>
        %swap3A_679 = arith.index_cast %add3A_659 : i32 to index
        %swap3A_680 = arith.constant 16 : index
        %swap3A_681 = tpu.vector_load %arg10[%swap3A_679, %swap3A_680] {strides = array<i32>} : memref<80x64xf32, #tpu.memory_space<vmem>>, vector<1x16xf32>,
        %swap3A_682 = vector.shape_cast %swap3A_681 : vector<1x16xf32> to vector<16xf32>
        %swap3A_683 = vector.shape_cast %mul3A_678 : vector<16xf32> to vector<1x16xf32>
        tpu.vector_store %arg10[%swap3A_679, %swap3A_680], %swap3A_683 {strides = array<i32>} : memref<80x64xf32, #tpu.memory_space<vmem>>, vector<1x16xf32>,
        %get3A_684 = arith.index_cast %add3A_659 : i32 to index
        %get3A_685 = arith.constant 32 : index
        %get3A_686 = tpu.vector_load %arg10[%get3A_684, %get3A_685] {strides = array<i32>} : memref<80x64xf32, #tpu.memory_space<vmem>>, vector<1x16xf32>,
        %get3A_687 = vector.shape_cast %get3A_686 : vector<1x16xf32> to vector<16xf32>
        %mul3A_688 = vector.broadcast %squeeze3A_661 : f32 to vector<16xf32>
        %mul3A_689 = arith.mulf %get3A_687, %mul3A_688 : vector<16xf32>
        %swap3A_690 = arith.index_cast %add3A_659 : i32 to index
        %swap3A_691 = arith.constant 32 : index
        %swap3A_692 = tpu.vector_load %arg10[%swap3A_690, %swap3A_691] {strides = array<i32>} : memref<80x64xf32, #tpu.memory_space<vmem>>, vector<1x16xf32>,
        %swap3A_693 = vector.shape_cast %swap3A_692 : vector<1x16xf32> to vector<16xf32>
        %swap3A_694 = vector.shape_cast %mul3A_689 : vector<16xf32> to vector<1x16xf32>
        tpu.vector_store %arg10[%swap3A_690, %swap3A_691], %swap3A_694 {strides = array<i32>} : memref<80x64xf32, #tpu.memory_space<vmem>>, vector<1x16xf32>,
        %get3A_695 = arith.index_cast %add3A_659 : i32 to index
        %get3A_696 = arith.constant 48 : index
        %get3A_697 = tpu.vector_load %arg10[%get3A_695, %get3A_696] {strides = array<i32>} : memref<80x64xf32, #tpu.memory_space<vmem>>, vector<1x16xf32>,
        %get3A_698 = vector.shape_cast %get3A_697 : vector<1x16xf32> to vector<16xf32>
        %mul3A_699 = vector.broadcast %squeeze3A_661 : f32 to vector<16xf32>
        %mul3A_700 = arith.mulf %get3A_698, %mul3A_699 : vector<16xf32>
        %swap3A_701 = arith.index_cast %add3A_659 : i32 to index
        %swap3A_702 = arith.constant 48 : index
        %swap3A_703 = tpu.vector_load %arg10[%swap3A_701, %swap3A_702] {strides = array<i32>} : memref<80x64xf32, #tpu.memory_space<vmem>>, vector<1x16xf32>,
        %swap3A_704 = vector.shape_cast %swap3A_703 : vector<1x16xf32> to vector<16xf32>
        %swap3A_705 = vector.shape_cast %mul3A_700 : vector<16xf32> to vector<1x16xf32>
        tpu.vector_store %arg10[%swap3A_701, %swap3A_702], %swap3A_705 {strides = array<i32>} : memref<80x64xf32, #tpu.memory_space<vmem>>, vector<1x16xf32>,
        %mul3A_706 = arith.constant 16 : i32
        %mul3A_707 = arith.muli %scan3A_52, %mul3A_706 : i32
        %add3A_708 = arith.constant 13 : i32
        %add3A_709 = arith.addi %mul3A_707, %add3A_708 : i32
        %slice3A_710 = vector.extract_strided_slice %get3A_58 {offsets = [13], sizes = [1], strides = [1]} : vector<16xf32> to vector<1xf32>
        %squeeze3A_711 = vector.extract %slice3A_710[0] : f32 from vector<1xf32>
        %get3A_712 = arith.index_cast %add3A_709 : i32 to index
        %get3A_713 = arith.constant 0 : index
        %get3A_714 = tpu.vector_load %arg10[%get3A_712, %get3A_713] {strides = array<i32>} : memref<80x64xf32, #tpu.memory_space<vmem>>, vector<1x16xf32>,
        %get3A_715 = vector.shape_cast %get3A_714 : vector<1x16xf32> to vector<16xf32>
        %mul3A_716 = vector.broadcast %squeeze3A_711 : f32 to vector<16xf32>
        %mul3A_717 = arith.mulf %get3A_715, %mul3A_716 : vector<16xf32>
        %swap3A_718 = arith.index_cast %add3A_709 : i32 to index
        %swap3A_719 = arith.constant 0 : index
        %swap3A_720 = tpu.vector_load %arg10[%swap3A_718, %swap3A_719] {strides = array<i32>} : memref<80x64xf32, #tpu.memory_space<vmem>>, vector<1x16xf32>,
        %swap3A_721 = vector.shape_cast %swap3A_720 : vector<1x16xf32> to vector<16xf32>
        %swap3A_722 = vector.shape_cast %mul3A_717 : vector<16xf32> to vector<1x16xf32>
        tpu.vector_store %arg10[%swap3A_718, %swap3A_719], %swap3A_722 {strides = array<i32>} : memref<80x64xf32, #tpu.memory_space<vmem>>, vector<1x16xf32>,
        %get3A_723 = arith.index_cast %add3A_709 : i32 to index
        %get3A_724 = arith.constant 16 : index
        %get3A_725 = tpu.vector_load %arg10[%get3A_723, %get3A_724] {strides = array<i32>} : memref<80x64xf32, #tpu.memory_space<vmem>>, vector<1x16xf32>,
        %get3A_726 = vector.shape_cast %get3A_725 : vector<1x16xf32> to vector<16xf32>
        %mul3A_727 = vector.broadcast %squeeze3A_711 : f32 to vector<16xf32>
        %mul3A_728 = arith.mulf %get3A_726, %mul3A_727 : vector<16xf32>
        %swap3A_729 = arith.index_cast %add3A_709 : i32 to index
        %swap3A_730 = arith.constant 16 : index
        %swap3A_731 = tpu.vector_load %arg10[%swap3A_729, %swap3A_730] {strides = array<i32>} : memref<80x64xf32, #tpu.memory_space<vmem>>, vector<1x16xf32>,
        %swap3A_732 = vector.shape_cast %swap3A_731 : vector<1x16xf32> to vector<16xf32>
        %swap3A_733 = vector.shape_cast %mul3A_728 : vector<16xf32> to vector<1x16xf32>
        tpu.vector_store %arg10[%swap3A_729, %swap3A_730], %swap3A_733 {strides = array<i32>} : memref<80x64xf32, #tpu.memory_space<vmem>>, vector<1x16xf32>,
        %get3A_734 = arith.index_cast %add3A_709 : i32 to index
        %get3A_735 = arith.constant 32 : index
        %get3A_736 = tpu.vector_load %arg10[%get3A_734, %get3A_735] {strides = array<i32>} : memref<80x64xf32, #tpu.memory_space<vmem>>, vector<1x16xf32>,
        %get3A_737 = vector.shape_cast %get3A_736 : vector<1x16xf32> to vector<16xf32>
        %mul3A_738 = vector.broadcast %squeeze3A_711 : f32 to vector<16xf32>
        %mul3A_739 = arith.mulf %get3A_737, %mul3A_738 : vector<16xf32>
        %swap3A_740 = arith.index_cast %add3A_709 : i32 to index
        %swap3A_741 = arith.constant 32 : index
        %swap3A_742 = tpu.vector_load %arg10[%swap3A_740, %swap3A_741] {strides = array<i32>} : memref<80x64xf32, #tpu.memory_space<vmem>>, vector<1x16xf32>,
        %swap3A_743 = vector.shape_cast %swap3A_742 : vector<1x16xf32> to vector<16xf32>
        %swap3A_744 = vector.shape_cast %mul3A_739 : vector<16xf32> to vector<1x16xf32>
        tpu.vector_store %arg10[%swap3A_740, %swap3A_741], %swap3A_744 {strides = array<i32>} : memref<80x64xf32, #tpu.memory_space<vmem>>, vector<1x16xf32>,
        %get3A_745 = arith.index_cast %add3A_709 : i32 to index
        %get3A_746 = arith.constant 48 : index
        %get3A_747 = tpu.vector_load %arg10[%get3A_745, %get3A_746] {strides = array<i32>} : memref<80x64xf32, #tpu.memory_space<vmem>>, vector<1x16xf32>,
        %get3A_748 = vector.shape_cast %get3A_747 : vector<1x16xf32> to vector<16xf32>
        %mul3A_749 = vector.broadcast %squeeze3A_711 : f32 to vector<16xf32>
        %mul3A_750 = arith.mulf %get3A_748, %mul3A_749 : vector<16xf32>
        %swap3A_751 = arith.index_cast %add3A_709 : i32 to index
        %swap3A_752 = arith.constant 48 : index
        %swap3A_753 = tpu.vector_load %arg10[%swap3A_751, %swap3A_752] {strides = array<i32>} : memref<80x64xf32, #tpu.memory_space<vmem>>, vector<1x16xf32>,
        %swap3A_754 = vector.shape_cast %swap3A_753 : vector<1x16xf32> to vector<16xf32>
        %swap3A_755 = vector.shape_cast %mul3A_750 : vector<16xf32> to vector<1x16xf32>
        tpu.vector_store %arg10[%swap3A_751, %swap3A_752], %swap3A_755 {strides = array<i32>} : memref<80x64xf32, #tpu.memory_space<vmem>>, vector<1x16xf32>,
        %mul3A_756 = arith.constant 16 : i32
        %mul3A_757 = arith.muli %scan3A_52, %mul3A_756 : i32
        %add3A_758 = arith.constant 14 : i32
        %add3A_759 = arith.addi %mul3A_757, %add3A_758 : i32
        %slice3A_760 = vector.extract_strided_slice %get3A_58 {offsets = [14], sizes = [1], strides = [1]} : vector<16xf32> to vector<1xf32>
        %squeeze3A_761 = vector.extract %slice3A_760[0] : f32 from vector<1xf32>
        %get3A_762 = arith.index_cast %add3A_759 : i32 to index
        %get3A_763 = arith.constant 0 : index
        %get3A_764 = tpu.vector_load %arg10[%get3A_762, %get3A_763] {strides = array<i32>} : memref<80x64xf32, #tpu.memory_space<vmem>>, vector<1x16xf32>,
        %get3A_765 = vector.shape_cast %get3A_764 : vector<1x16xf32> to vector<16xf32>
        %mul3A_766 = vector.broadcast %squeeze3A_761 : f32 to vector<16xf32>
        %mul3A_767 = arith.mulf %get3A_765, %mul3A_766 : vector<16xf32>
        %swap3A_768 = arith.index_cast %add3A_759 : i32 to index
        %swap3A_769 = arith.constant 0 : index
        %swap3A_770 = tpu.vector_load %arg10[%swap3A_768, %swap3A_769] {strides = array<i32>} : memref<80x64xf32, #tpu.memory_space<vmem>>, vector<1x16xf32>,
        %swap3A_771 = vector.shape_cast %swap3A_770 : vector<1x16xf32> to vector<16xf32>
        %swap3A_772 = vector.shape_cast %mul3A_767 : vector<16xf32> to vector<1x16xf32>
        tpu.vector_store %arg10[%swap3A_768, %swap3A_769], %swap3A_772 {strides = array<i32>} : memref<80x64xf32, #tpu.memory_space<vmem>>, vector<1x16xf32>,
        %get3A_773 = arith.index_cast %add3A_759 : i32 to index
        %get3A_774 = arith.constant 16 : index
        %get3A_775 = tpu.vector_load %arg10[%get3A_773, %get3A_774] {strides = array<i32>} : memref<80x64xf32, #tpu.memory_space<vmem>>, vector<1x16xf32>,
        %get3A_776 = vector.shape_cast %get3A_775 : vector<1x16xf32> to vector<16xf32>
        %mul3A_777 = vector.broadcast %squeeze3A_761 : f32 to vector<16xf32>
        %mul3A_778 = arith.mulf %get3A_776, %mul3A_777 : vector<16xf32>
        %swap3A_779 = arith.index_cast %add3A_759 : i32 to index
        %swap3A_780 = arith.constant 16 : index
        %swap3A_781 = tpu.vector_load %arg10[%swap3A_779, %swap3A_780] {strides = array<i32>} : memref<80x64xf32, #tpu.memory_space<vmem>>, vector<1x16xf32>,
        %swap3A_782 = vector.shape_cast %swap3A_781 : vector<1x16xf32> to vector<16xf32>
        %swap3A_783 = vector.shape_cast %mul3A_778 : vector<16xf32> to vector<1x16xf32>
        tpu.vector_store %arg10[%swap3A_779, %swap3A_780], %swap3A_783 {strides = array<i32>} : memref<80x64xf32, #tpu.memory_space<vmem>>, vector<1x16xf32>,
        %get3A_784 = arith.index_cast %add3A_759 : i32 to index
        %get3A_785 = arith.constant 32 : index
        %get3A_786 = tpu.vector_load %arg10[%get3A_784, %get3A_785] {strides = array<i32>} : memref<80x64xf32, #tpu.memory_space<vmem>>, vector<1x16xf32>,
        %get3A_787 = vector.shape_cast %get3A_786 : vector<1x16xf32> to vector<16xf32>
        %mul3A_788 = vector.broadcast %squeeze3A_761 : f32 to vector<16xf32>
        %mul3A_789 = arith.mulf %get3A_787, %mul3A_788 : vector<16xf32>
        %swap3A_790 = arith.index_cast %add3A_759 : i32 to index
        %swap3A_791 = arith.constant 32 : index
        %swap3A_792 = tpu.vector_load %arg10[%swap3A_790, %swap3A_791] {strides = array<i32>} : memref<80x64xf32, #tpu.memory_space<vmem>>, vector<1x16xf32>,
        %swap3A_793 = vector.shape_cast %swap3A_792 : vector<1x16xf32> to vector<16xf32>
        %swap3A_794 = vector.shape_cast %mul3A_789 : vector<16xf32> to vector<1x16xf32>
        tpu.vector_store %arg10[%swap3A_790, %swap3A_791], %swap3A_794 {strides = array<i32>} : memref<80x64xf32, #tpu.memory_space<vmem>>, vector<1x16xf32>,
        %get3A_795 = arith.index_cast %add3A_759 : i32 to index
        %get3A_796 = arith.constant 48 : index
        %get3A_797 = tpu.vector_load %arg10[%get3A_795, %get3A_796] {strides = array<i32>} : memref<80x64xf32, #tpu.memory_space<vmem>>, vector<1x16xf32>,
        %get3A_798 = vector.shape_cast %get3A_797 : vector<1x16xf32> to vector<16xf32>
        %mul3A_799 = vector.broadcast %squeeze3A_761 : f32 to vector<16xf32>
        %mul3A_800 = arith.mulf %get3A_798, %mul3A_799 : vector<16xf32>
        %swap3A_801 = arith.index_cast %add3A_759 : i32 to index
        %swap3A_802 = arith.constant 48 : index
        %swap3A_803 = tpu.vector_load %arg10[%swap3A_801, %swap3A_802] {strides = array<i32>} : memref<80x64xf32, #tpu.memory_space<vmem>>, vector<1x16xf32>,
        %swap3A_804 = vector.shape_cast %swap3A_803 : vector<1x16xf32> to vector<16xf32>
        %swap3A_805 = vector.shape_cast %mul3A_800 : vector<16xf32> to vector<1x16xf32>
        tpu.vector_store %arg10[%swap3A_801, %swap3A_802], %swap3A_805 {strides = array<i32>} : memref<80x64xf32, #tpu.memory_space<vmem>>, vector<1x16xf32>,
        %mul3A_806 = arith.constant 16 : i32
        %mul3A_807 = arith.muli %scan3A_52, %mul3A_806 : i32
        %add3A_808 = arith.constant 15 : i32
        %add3A_809 = arith.addi %mul3A_807, %add3A_808 : i32
        %slice3A_810 = vector.extract_strided_slice %get3A_58 {offsets = [15], sizes = [1], strides = [1]} : vector<16xf32> to vector<1xf32>
        %squeeze3A_811 = vector.extract %slice3A_810[0] : f32 from vector<1xf32>
        %get3A_812 = arith.index_cast %add3A_809 : i32 to index
        %get3A_813 = arith.constant 0 : index
        %get3A_814 = tpu.vector_load %arg10[%get3A_812, %get3A_813] {strides = array<i32>} : memref<80x64xf32, #tpu.memory_space<vmem>>, vector<1x16xf32>,
        %get3A_815 = vector.shape_cast %get3A_814 : vector<1x16xf32> to vector<16xf32>
        %mul3A_816 = vector.broadcast %squeeze3A_811 : f32 to vector<16xf32>
        %mul3A_817 = arith.mulf %get3A_815, %mul3A_816 : vector<16xf32>
        %swap3A_818 = arith.index_cast %add3A_809 : i32 to index
        %swap3A_819 = arith.constant 0 : index
        %swap3A_820 = tpu.vector_load %arg10[%swap3A_818, %swap3A_819] {strides = array<i32>} : memref<80x64xf32, #tpu.memory_space<vmem>>, vector<1x16xf32>,
        %swap3A_821 = vector.shape_cast %swap3A_820 : vector<1x16xf32> to vector<16xf32>
        %swap3A_822 = vector.shape_cast %mul3A_817 : vector<16xf32> to vector<1x16xf32>
        tpu.vector_store %arg10[%swap3A_818, %swap3A_819], %swap3A_822 {strides = array<i32>} : memref<80x64xf32, #tpu.memory_space<vmem>>, vector<1x16xf32>,
        %get3A_823 = arith.index_cast %add3A_809 : i32 to index
        %get3A_824 = arith.constant 16 : index
        %get3A_825 = tpu.vector_load %arg10[%get3A_823, %get3A_824] {strides = array<i32>} : memref<80x64xf32, #tpu.memory_space<vmem>>, vector<1x16xf32>,
        %get3A_826 = vector.shape_cast %get3A_825 : vector<1x16xf32> to vector<16xf32>
        %mul3A_827 = vector.broadcast %squeeze3A_811 : f32 to vector<16xf32>
        %mul3A_828 = arith.mulf %get3A_826, %mul3A_827 : vector<16xf32>
        %swap3A_829 = arith.index_cast %add3A_809 : i32 to index
        %swap3A_830 = arith.constant 16 : index
        %swap3A_831 = tpu.vector_load %arg10[%swap3A_829, %swap3A_830] {strides = array<i32>} : memref<80x64xf32, #tpu.memory_space<vmem>>, vector<1x16xf32>,
        %swap3A_832 = vector.shape_cast %swap3A_831 : vector<1x16xf32> to vector<16xf32>
        %swap3A_833 = vector.shape_cast %mul3A_828 : vector<16xf32> to vector<1x16xf32>
        tpu.vector_store %arg10[%swap3A_829, %swap3A_830], %swap3A_833 {strides = array<i32>} : memref<80x64xf32, #tpu.memory_space<vmem>>, vector<1x16xf32>,
        %get3A_834 = arith.index_cast %add3A_809 : i32 to index
        %get3A_835 = arith.constant 32 : index
        %get3A_836 = tpu.vector_load %arg10[%get3A_834, %get3A_835] {strides = array<i32>} : memref<80x64xf32, #tpu.memory_space<vmem>>, vector<1x16xf32>,
        %get3A_837 = vector.shape_cast %get3A_836 : vector<1x16xf32> to vector<16xf32>
        %mul3A_838 = vector.broadcast %squeeze3A_811 : f32 to vector<16xf32>
        %mul3A_839 = arith.mulf %get3A_837, %mul3A_838 : vector<16xf32>
        %swap3A_840 = arith.index_cast %add3A_809 : i32 to index
        %swap3A_841 = arith.constant 32 : index
        %swap3A_842 = tpu.vector_load %arg10[%swap3A_840, %swap3A_841] {strides = array<i32>} : memref<80x64xf32, #tpu.memory_space<vmem>>, vector<1x16xf32>,
        %swap3A_843 = vector.shape_cast %swap3A_842 : vector<1x16xf32> to vector<16xf32>
        %swap3A_844 = vector.shape_cast %mul3A_839 : vector<16xf32> to vector<1x16xf32>
        tpu.vector_store %arg10[%swap3A_840, %swap3A_841], %swap3A_844 {strides = array<i32>} : memref<80x64xf32, #tpu.memory_space<vmem>>, vector<1x16xf32>,
        %get3A_845 = arith.index_cast %add3A_809 : i32 to index
        %get3A_846 = arith.constant 48 : index
        %get3A_847 = tpu.vector_load %arg10[%get3A_845, %get3A_846] {strides = array<i32>} : memref<80x64xf32, #tpu.memory_space<vmem>>, vector<1x16xf32>,
        %get3A_848 = vector.shape_cast %get3A_847 : vector<1x16xf32> to vector<16xf32>
        %mul3A_849 = vector.broadcast %squeeze3A_811 : f32 to vector<16xf32>
        %mul3A_850 = arith.mulf %get3A_848, %mul3A_849 : vector<16xf32>
        %swap3A_851 = arith.index_cast %add3A_809 : i32 to index
        %swap3A_852 = arith.constant 48 : index
        %swap3A_853 = tpu.vector_load %arg10[%swap3A_851, %swap3A_852] {strides = array<i32>} : memref<80x64xf32, #tpu.memory_space<vmem>>, vector<1x16xf32>,
        %swap3A_854 = vector.shape_cast %swap3A_853 : vector<1x16xf32> to vector<16xf32>
        %swap3A_855 = vector.shape_cast %mul3A_850 : vector<16xf32> to vector<1x16xf32>
        tpu.vector_store %arg10[%swap3A_851, %swap3A_852], %swap3A_855 {strides = array<i32>} : memref<80x64xf32, #tpu.memory_space<vmem>>, vector<1x16xf32>,
      }
      %scan3A_51 = arith.constant 5 : i32
      "tpu.region"() ({
        %run_scoped3A = tpu.sem_alloc : memref<!tpu.dma_semaphore, #tpu.memory_space<semaphore_mem>>
        %dma_start3A_52 = arith.constant 0 : i32
        %dma_start3A_53 = tpu.memref_slice %arg8[%scan3A_37, %dma_start3A_52] : memref<250x80xi32, #tpu.memory_space<vmem>> -> memref<1x80xi32, #tpu.memory_space<vmem>>
        %dma_start3A_54 = tpu.memref_squeeze %dma_start3A_53 : memref<1x80xi32, #tpu.memory_space<vmem>> -> memref<80xi32, #tpu.memory_space<vmem>>
        %dma_start3A_55 = arith.constant 0 : i32
        %dma_start3A_56 = arith.constant 0 : i32
        %dma_start3A_57 = tpu.memref_slice %arg12[%dma_start3A_55, %dma_start3A_56] : memref<10240x64xf32, #tpu.memory_space<vmem_shared>> -> memref<10240x64xf32, #tpu.memory_space<vmem_shared>>
        tpu.enqueue_indirect_dma source(%arg10 : memref<80x64xf32, #tpu.memory_space<vmem>>) target(%dma_start3A_57 : memref<10240x64xf32, #tpu.memory_space<vmem_shared>>) offsets(%dma_start3A_54 : memref<80xi32, #tpu.memory_space<vmem>>) semaphore(%run_scoped3A : memref<!tpu.dma_semaphore, #tpu.memory_space<semaphore_mem>>) {add = true}
        %dma_wait3A_58 = arith.constant 0 : i32
        %dma_wait3A_59 = tpu.memref_slice %arg8[%scan3A_37, %dma_wait3A_58] : memref<250x80xi32, #tpu.memory_space<vmem>> -> memref<1x80xi32, #tpu.memory_space<vmem>>
        %dma_wait3A_60 = tpu.memref_squeeze %dma_wait3A_59 : memref<1x80xi32, #tpu.memory_space<vmem>> -> memref<80xi32, #tpu.memory_space<vmem>>
        %dma_wait3A_61 = arith.constant 0 : i32
        %dma_wait3A_62 = arith.constant 0 : i32
        %dma_wait3A_63 = tpu.memref_slice %arg12[%dma_wait3A_61, %dma_wait3A_62] : memref<10240x64xf32, #tpu.memory_space<vmem_shared>> -> memref<10240x64xf32, #tpu.memory_space<vmem_shared>>
        tpu.wait_indirect_dma semaphore(%run_scoped3A : memref<!tpu.dma_semaphore, #tpu.memory_space<semaphore_mem>>) src(%arg10 : memref<80x64xf32, #tpu.memory_space<vmem>>) dst(%dma_wait3A_63 : memref<10240x64xf32, #tpu.memory_space<vmem_shared>>)
        tpu.yield
      }) : () -> ()
    }
    %scan3A_31 = arith.constant 250 : i32
    %barrier3A_32 = arith.constant 0 : index
    tpu.barrier barrier_id(%barrier3A_32)
    %mul3A_33 = arith.constant 640 : i32
    %mul3A_34 = arith.muli %arg1, %mul3A_33 : i32
    %mul3A_35 = arith.constant 640 : i32
    %mul3A_36 = arith.muli %arg1, %mul3A_35 : i32
    "tpu.region"() ({
      %run_scoped3A = tpu.sem_alloc : memref<!tpu.dma_semaphore, #tpu.memory_space<semaphore_mem>>
      %dma_start3A = arith.constant 0 : i32
      %dma_start3A_37 = tpu.memref_slice %arg6[%arg0, %mul3A_36, %dma_start3A] : memref<2x10240x64xf32, #tpu.memory_space<hbm>> -> memref<1x640x64xf32, #tpu.memory_space<hbm>>
      %dma_start3A_38 = tpu.memref_squeeze %dma_start3A_37 : memref<1x640x64xf32, #tpu.memory_space<hbm>> -> memref<640x64xf32, #tpu.memory_space<hbm>>
      %dma_start3A_39 = arith.constant 0 : i32
      %dma_start3A_40 = tpu.memref_slice %arg12[%mul3A_34, %dma_start3A_39] : memref<10240x64xf32, #tpu.memory_space<vmem_shared>> -> memref<640x64xf32, #tpu.memory_space<vmem_shared>>
      tpu.enqueue_dma source(%dma_start3A_40 : memref<640x64xf32, #tpu.memory_space<vmem_shared>>) target(%dma_start3A_38 : memref<640x64xf32, #tpu.memory_space<hbm>>) target_semaphore(%run_scoped3A : memref<!tpu.dma_semaphore, #tpu.memory_space<semaphore_mem>>)
      %dma_wait3A = arith.constant 0 : i32
      %dma_wait3A_41 = tpu.memref_slice %arg6[%arg0, %mul3A_36, %dma_wait3A] : memref<2x10240x64xf32, #tpu.memory_space<hbm>> -> memref<1x640x64xf32, #tpu.memory_space<hbm>>
      %dma_wait3A_42 = tpu.memref_squeeze %dma_wait3A_41 : memref<1x640x64xf32, #tpu.memory_space<hbm>> -> memref<640x64xf32, #tpu.memory_space<hbm>>
      %dma_wait3A_43 = arith.constant 0 : i32
      %dma_wait3A_44 = tpu.memref_slice %arg12[%mul3A_34, %dma_wait3A_43] : memref<10240x64xf32, #tpu.memory_space<vmem_shared>> -> memref<640x64xf32, #tpu.memory_space<vmem_shared>>
      tpu.wait_dma2 semaphore(%run_scoped3A : memref<!tpu.dma_semaphore, #tpu.memory_space<semaphore_mem>>) src(%dma_wait3A_44 : memref<640x64xf32, #tpu.memory_space<vmem_shared>>) dst(%dma_wait3A_42 : memref<640x64xf32, #tpu.memory_space<hbm>>)
      tpu.yield
    }) : () -> ()
    return
  }
}

module attributes {stable_mosaic.version = 14 : i64} {
  func.func @_prep_body(%arg0: i32, %arg1: memref<2000x2xf32, #tpu.memory_space<vmem>>, %arg2: memref<2000x128xf32, #tpu.memory_space<vmem>>, %arg3: memref<128x128xf32, #tpu.memory_space<vmem>>, %arg4: memref<2000x128xf32, #tpu.memory_space<vmem>>, %arg5: memref<2000x128xf32, #tpu.memory_space<vmem>>, %arg6: memref<2000x1xf32, #tpu.memory_space<vmem>>) attributes {dimension_semantics = [#tpu.dimension_semantics<arbitrary>], iteration_bounds = array<i64: 5>, scalar_prefetch = 0 : i64, scratch_operands = 0 : i64, tpu.core_type = #tpu.core_type<tc>, window_params = [{transform_indices = @transform_0, window_bounds = array<i64: 2000, 2>}, {transform_indices = @transform_1, window_bounds = array<i64: 2000, 128>}, {pipeline_mode = #tpu.pipeline_mode<synchronous>, transform_indices = @transform_2, window_bounds = array<i64: 128, 128>}, {transform_indices = @transform_3, window_bounds = array<i64: 2000, 128>}, {transform_indices = @transform_4, window_bounds = array<i64: 2000, 128>}, {transform_indices = @transform_5, window_bounds = array<i64: 2000, 1>}]} {
    %get3A = arith.constant 0 : index
    %get3A_0 = arith.constant 0 : index
    %get3A_1 = vector.load %arg1[%get3A, %get3A_0] : memref<2000x2xf32, #tpu.memory_space<vmem>>, vector<2000x1xf32>
    %get3A_2 = arith.constant 0 : index
    %get3A_3 = arith.constant 1 : index
    %get3A_4 = vector.load %arg1[%get3A_2, %get3A_3] : memref<2000x2xf32, #tpu.memory_space<vmem>>, vector<2000x1xf32>
    %add3A = arith.addf %get3A_1, %get3A_4 : vector<2000x1xf32>
    %add3A_5 = arith.constant 1.000000e+00 : f32
    %add3A_6 = vector.broadcast %add3A_5 : f32 to vector<2000x1xf32>
    %add3A_7 = arith.addf %add3A, %add3A_6 : vector<2000x1xf32>
    %rsqrt3A = math.rsqrt %add3A_7 : vector<2000x1xf32>
    %get3A_8 = arith.constant 0 : index
    %get3A_9 = arith.constant 0 : index
    %get3A_10 = vector.load %arg2[%get3A_8, %get3A_9] : memref<2000x128xf32, #tpu.memory_space<vmem>>, vector<2000x128xf32>
    %get3A_11 = arith.constant 0 : index
    %get3A_12 = arith.constant 0 : index
    %get3A_13 = vector.load %arg3[%get3A_11, %get3A_12] : memref<128x128xf32, #tpu.memory_space<vmem>>, vector<128x128xf32>
    %dot_general3A = arith.constant dense<0.000000e+00> : vector<2000x128xf32>
    %dot_general3A_14 = tpu.matmul %get3A_10, %get3A_13, %dot_general3A {dimension_numbers = #tpu.dot_dimension_numbers<[1], [0], [0], [1], [0, 0, 1, 1], [], []>, transpose_lhs_hint = false} : vector<2000x128xf32>, vector<128x128xf32>, vector<2000x128xf32> -> vector<2000x128xf32>
    %swap3A = arith.constant 0 : index
    %swap3A_15 = arith.constant 0 : index
    %swap3A_16 = vector.load %arg4[%swap3A, %swap3A_15] : memref<2000x128xf32, #tpu.memory_space<vmem>>, vector<2000x128xf32>
    tpu.vector_store %arg4[%swap3A, %swap3A_15], %dot_general3A_14 {strides = array<i32>} : memref<2000x128xf32, #tpu.memory_space<vmem>>, vector<2000x128xf32>,
    %mul3A = vector.broadcast %rsqrt3A : vector<2000x1xf32> to vector<2000x128xf32>
    %mul3A_17 = arith.mulf %dot_general3A_14, %mul3A : vector<2000x128xf32>
    %swap3A_18 = arith.constant 0 : index
    %swap3A_19 = arith.constant 0 : index
    %swap3A_20 = vector.load %arg5[%swap3A_18, %swap3A_19] : memref<2000x128xf32, #tpu.memory_space<vmem>>, vector<2000x128xf32>
    tpu.vector_store %arg5[%swap3A_18, %swap3A_19], %mul3A_17 {strides = array<i32>} : memref<2000x128xf32, #tpu.memory_space<vmem>>, vector<2000x128xf32>,
    %swap3A_21 = arith.constant 0 : index
    %swap3A_22 = arith.constant 0 : index
    %swap3A_23 = vector.load %arg6[%swap3A_21, %swap3A_22] : memref<2000x1xf32, #tpu.memory_space<vmem>>, vector<2000x1xf32>
    tpu.vector_store %arg6[%swap3A_21, %swap3A_22], %rsqrt3A {strides = array<i32>} : memref<2000x1xf32, #tpu.memory_space<vmem>>, vector<2000x1xf32>,
    return
  }
  func.func @transform_0(%arg0: i32) -> (i32, i32) {
    %c0_i32 = arith.constant 0 : i32
    %c0_i32_0 = arith.constant 0 : i32
    return %arg0, %c0_i32 : i32, i32
  }
  func.func @transform_1(%arg0: i32) -> (i32, i32) {
    %c0_i32 = arith.constant 0 : i32
    %c0_i32_0 = arith.constant 0 : i32
    return %arg0, %c0_i32 : i32, i32
  }
  func.func @transform_2(%arg0: i32) -> (i32, i32) {
    %c0_i32 = arith.constant 0 : i32
    %c0_i32_0 = arith.constant 0 : i32
    %c0_i32_1 = arith.constant 0 : i32
    return %c0_i32, %c0_i32_0 : i32, i32
  }
  func.func @transform_3(%arg0: i32) -> (i32, i32) {
    %c0_i32 = arith.constant 0 : i32
    %c0_i32_0 = arith.constant 0 : i32
    return %arg0, %c0_i32 : i32, i32
  }
  func.func @transform_4(%arg0: i32) -> (i32, i32) {
    %c0_i32 = arith.constant 0 : i32
    %c0_i32_0 = arith.constant 0 : i32
    return %arg0, %c0_i32 : i32, i32
  }
  func.func @transform_5(%arg0: i32) -> (i32, i32) {
    %c0_i32 = arith.constant 0 : i32
    %c0_i32_0 = arith.constant 0 : i32
    return %arg0, %c0_i32 : i32, i32
  }
}

module attributes {stable_mosaic.version = 14 : i64} {
  func.func @_post_body(%arg0: i32, %arg1: memref<2000x64xf32, #tpu.memory_space<vmem>>, %arg2: memref<2000x64xf32, #tpu.memory_space<vmem>>, %arg3: memref<2000x128xf32, #tpu.memory_space<vmem>>, %arg4: memref<2000x1xf32, #tpu.memory_space<vmem>>, %arg5: memref<1x128xf32, #tpu.memory_space<vmem>>, %arg6: memref<2000x128xf32, #tpu.memory_space<vmem>>, %arg7: memref<1x128xf32, #tpu.memory_space<vmem>>, %arg8: memref<1x128xf32, #tpu.memory_space<vmem>>) attributes {dimension_semantics = [#tpu.dimension_semantics<arbitrary>], iteration_bounds = array<i64: 5>, scalar_prefetch = 0 : i64, scratch_operands = 0 : i64, tpu.core_type = #tpu.core_type<tc>, window_params = [{transform_indices = @transform_0, window_bounds = array<i64: 2000, 64>}, {transform_indices = @transform_1, window_bounds = array<i64: 2000, 64>}, {transform_indices = @transform_2, window_bounds = array<i64: 2000, 128>}, {transform_indices = @transform_3, window_bounds = array<i64: 2000, 1>}, {pipeline_mode = #tpu.pipeline_mode<synchronous>, transform_indices = @transform_4, window_bounds = array<i64: 1, 128>}, {transform_indices = @transform_5, window_bounds = array<i64: 2000, 128>}, {pipeline_mode = #tpu.pipeline_mode<synchronous>, transform_indices = @transform_6, window_bounds = array<i64: 1, 128>}, {pipeline_mode = #tpu.pipeline_mode<synchronous>, transform_indices = @transform_7, window_bounds = array<i64: 1, 128>}]} {
    %get3A = arith.constant 0 : index
    %get3A_0 = arith.constant 0 : index
    %get3A_1 = vector.load %arg4[%get3A, %get3A_0] : memref<2000x1xf32, #tpu.memory_space<vmem>>, vector<2000x1xf32>
    %get3A_2 = arith.constant 0 : index
    %get3A_3 = arith.constant 0 : index
    %get3A_4 = vector.load %arg1[%get3A_2, %get3A_3] : memref<2000x64xf32, #tpu.memory_space<vmem>>, vector<2000x64xf32>
    %get3A_5 = arith.constant 0 : index
    %get3A_6 = arith.constant 0 : index
    %get3A_7 = vector.load %arg2[%get3A_5, %get3A_6] : memref<2000x64xf32, #tpu.memory_space<vmem>>, vector<2000x64xf32>
    %concatenate3A = tpu.concatenate %get3A_4, %get3A_7 in 1 : vector<2000x64xf32>, vector<2000x64xf32> -> vector<2000x128xf32>
    %mul3A = vector.broadcast %get3A_1 : vector<2000x1xf32> to vector<2000x128xf32>
    %mul3A_8 = arith.mulf %mul3A, %concatenate3A : vector<2000x128xf32>
    %mul3A_9 = arith.mulf %get3A_1, %get3A_1 : vector<2000x1xf32>
    %get3A_10 = arith.constant 0 : index
    %get3A_11 = arith.constant 0 : index
    %get3A_12 = vector.load %arg3[%get3A_10, %get3A_11] : memref<2000x128xf32, #tpu.memory_space<vmem>>, vector<2000x128xf32>
    %mul3A_13 = vector.broadcast %mul3A_9 : vector<2000x1xf32> to vector<2000x128xf32>
    %mul3A_14 = arith.mulf %mul3A_13, %get3A_12 : vector<2000x128xf32>
    %add3A = arith.addf %mul3A_8, %mul3A_14 : vector<2000x128xf32>
    %get3A_15 = arith.constant 0 : index
    %get3A_16 = arith.constant 0 : index
    %get3A_17 = vector.load %arg5[%get3A_15, %get3A_16] : memref<1x128xf32, #tpu.memory_space<vmem>>, vector<1x128xf32>
    %add3A_18 = vector.broadcast %get3A_17 : vector<1x128xf32> to vector<2000x128xf32>
    %add3A_19 = arith.addf %add3A, %add3A_18 : vector<2000x128xf32>
    %max3A = arith.constant 0.000000e+00 : f32
    %max3A_20 = vector.broadcast %max3A : f32 to vector<2000x128xf32>
    %max3A_21 = arith.maximumf %add3A_19, %max3A_20 : vector<2000x128xf32>
    %swap3A = arith.constant 0 : index
    %swap3A_22 = arith.constant 0 : index
    %swap3A_23 = vector.load %arg6[%swap3A, %swap3A_22] : memref<2000x128xf32, #tpu.memory_space<vmem>>, vector<2000x128xf32>
    tpu.vector_store %arg6[%swap3A, %swap3A_22], %max3A_21 {strides = array<i32>} : memref<2000x128xf32, #tpu.memory_space<vmem>>, vector<2000x128xf32>,
    %eq3A = arith.constant 0 : i32
    %eq3A_24 = arith.cmpi eq, %arg0, %eq3A : i32
    %convert_element_type3A = arith.extui %eq3A_24 : i1 to i32
    %cond3A = arith.constant 0 : i32
    %cond3A_25 = arith.cmpi ne, %convert_element_type3A, %cond3A : i32
    scf.if %cond3A_25 {
      %broadcast_in_dim3A_45 = arith.constant 0.000000e+00 : f32
      %broadcast_in_dim3A_46 = vector.broadcast %broadcast_in_dim3A_45 : f32 to vector<1x128xf32>
      %swap3A_47 = arith.constant 0 : index
      %swap3A_48 = arith.constant 0 : index
      %swap3A_49 = vector.load %arg7[%swap3A_47, %swap3A_48] : memref<1x128xf32, #tpu.memory_space<vmem>>, vector<1x128xf32>
      tpu.vector_store %arg7[%swap3A_47, %swap3A_48], %broadcast_in_dim3A_46 {strides = array<i32>} : memref<1x128xf32, #tpu.memory_space<vmem>>, vector<1x128xf32>,
      %broadcast_in_dim3A_50 = arith.constant 0.000000e+00 : f32
      %broadcast_in_dim3A_51 = vector.broadcast %broadcast_in_dim3A_50 : f32 to vector<1x128xf32>
      %swap3A_52 = arith.constant 0 : index
      %swap3A_53 = arith.constant 0 : index
      %swap3A_54 = vector.load %arg8[%swap3A_52, %swap3A_53] : memref<1x128xf32, #tpu.memory_space<vmem>>, vector<1x128xf32>
      tpu.vector_store %arg8[%swap3A_52, %swap3A_53], %broadcast_in_dim3A_51 {strides = array<i32>} : memref<1x128xf32, #tpu.memory_space<vmem>>, vector<1x128xf32>,
    } else {
    }
    %get3A_26 = arith.constant 0 : index
    %get3A_27 = arith.constant 0 : index
    %get3A_28 = vector.load %arg7[%get3A_26, %get3A_27] : memref<1x128xf32, #tpu.memory_space<vmem>>, vector<1x128xf32>
    %reduce_sum3A = arith.constant dense<0.000000e+00> : vector<128xf32>
    %reduce_sum3A_29 = vector.multi_reduction <add>, %max3A_21, %reduce_sum3A [0] : vector<2000x128xf32> to vector<128xf32>
    %broadcast_in_dim3A = vector.shape_cast %reduce_sum3A_29 : vector<128xf32> to vector<1x128xf32>
    %add3A_30 = arith.addf %get3A_28, %broadcast_in_dim3A : vector<1x128xf32>
    %swap3A_31 = arith.constant 0 : index
    %swap3A_32 = arith.constant 0 : index
    %swap3A_33 = vector.load %arg7[%swap3A_31, %swap3A_32] : memref<1x128xf32, #tpu.memory_space<vmem>>, vector<1x128xf32>
    tpu.vector_store %arg7[%swap3A_31, %swap3A_32], %add3A_30 {strides = array<i32>} : memref<1x128xf32, #tpu.memory_space<vmem>>, vector<1x128xf32>,
    %get3A_34 = arith.constant 0 : index
    %get3A_35 = arith.constant 0 : index
    %get3A_36 = vector.load %arg8[%get3A_34, %get3A_35] : memref<1x128xf32, #tpu.memory_space<vmem>>, vector<1x128xf32>
    %mul3A_37 = arith.mulf %max3A_21, %max3A_21 : vector<2000x128xf32>
    %reduce_sum3A_38 = arith.constant dense<0.000000e+00> : vector<128xf32>
    %reduce_sum3A_39 = vector.multi_reduction <add>, %mul3A_37, %reduce_sum3A_38 [0] : vector<2000x128xf32> to vector<128xf32>
    %broadcast_in_dim3A_40 = vector.shape_cast %reduce_sum3A_39 : vector<128xf32> to vector<1x128xf32>
    %add3A_41 = arith.addf %get3A_36, %broadcast_in_dim3A_40 : vector<1x128xf32>
    %swap3A_42 = arith.constant 0 : index
    %swap3A_43 = arith.constant 0 : index
    %swap3A_44 = vector.load %arg8[%swap3A_42, %swap3A_43] : memref<1x128xf32, #tpu.memory_space<vmem>>, vector<1x128xf32>
    tpu.vector_store %arg8[%swap3A_42, %swap3A_43], %add3A_41 {strides = array<i32>} : memref<1x128xf32, #tpu.memory_space<vmem>>, vector<1x128xf32>,
    return
  }
  func.func @transform_0(%arg0: i32) -> (i32, i32) {
    %c0_i32 = arith.constant 0 : i32
    %c0_i32_0 = arith.constant 0 : i32
    return %arg0, %c0_i32 : i32, i32
  }
  func.func @transform_1(%arg0: i32) -> (i32, i32) {
    %c0_i32 = arith.constant 0 : i32
    %c0_i32_0 = arith.constant 0 : i32
    return %arg0, %c0_i32 : i32, i32
  }
  func.func @transform_2(%arg0: i32) -> (i32, i32) {
    %c0_i32 = arith.constant 0 : i32
    %c0_i32_0 = arith.constant 0 : i32
    return %arg0, %c0_i32 : i32, i32
  }
  func.func @transform_3(%arg0: i32) -> (i32, i32) {
    %c0_i32 = arith.constant 0 : i32
    %c0_i32_0 = arith.constant 0 : i32
    return %arg0, %c0_i32 : i32, i32
  }
  func.func @transform_4(%arg0: i32) -> (i32, i32) {
    %c0_i32 = arith.constant 0 : i32
    %c0_i32_0 = arith.constant 0 : i32
    %c0_i32_1 = arith.constant 0 : i32
    return %c0_i32, %c0_i32_0 : i32, i32
  }
  func.func @transform_5(%arg0: i32) -> (i32, i32) {
    %c0_i32 = arith.constant 0 : i32
    %c0_i32_0 = arith.constant 0 : i32
    return %arg0, %c0_i32 : i32, i32
  }
  func.func @transform_6(%arg0: i32) -> (i32, i32) {
    %c0_i32 = arith.constant 0 : i32
    %c0_i32_0 = arith.constant 0 : i32
    %c0_i32_1 = arith.constant 0 : i32
    return %c0_i32, %c0_i32_0 : i32, i32
  }
  func.func @transform_7(%arg0: i32) -> (i32, i32) {
    %c0_i32 = arith.constant 0 : i32
    %c0_i32_0 = arith.constant 0 : i32
    %c0_i32_1 = arith.constant 0 : i32
    return %c0_i32, %c0_i32_0 : i32, i32
  }
}

module attributes {stable_mosaic.version = 14 : i64} {
  func.func @_bnmm_body(%arg0: i32, %arg1: memref<2000x128xf32, #tpu.memory_space<vmem>>, %arg2: memref<1x128xf32, #tpu.memory_space<vmem>>, %arg3: memref<1x128xf32, #tpu.memory_space<vmem>>, %arg4: memref<1x128xf32, #tpu.memory_space<vmem>>, %arg5: memref<1x128xf32, #tpu.memory_space<vmem>>, %arg6: memref<128x128xf32, #tpu.memory_space<vmem>>, %arg7: memref<2000x1xf32, #tpu.memory_space<vmem>>, %arg8: memref<2000x128xf32, #tpu.memory_space<vmem>>, %arg9: memref<2000x128xf32, #tpu.memory_space<vmem>>, %arg10: memref<2000x128xf32, #tpu.memory_space<vmem>>) attributes {dimension_semantics = [#tpu.dimension_semantics<arbitrary>], iteration_bounds = array<i64: 5>, scalar_prefetch = 0 : i64, scratch_operands = 0 : i64, tpu.core_type = #tpu.core_type<tc>, window_params = [{transform_indices = @transform_0, window_bounds = array<i64: 2000, 128>}, {pipeline_mode = #tpu.pipeline_mode<synchronous>, transform_indices = @transform_1, window_bounds = array<i64: 1, 128>}, {pipeline_mode = #tpu.pipeline_mode<synchronous>, transform_indices = @transform_2, window_bounds = array<i64: 1, 128>}, {pipeline_mode = #tpu.pipeline_mode<synchronous>, transform_indices = @transform_3, window_bounds = array<i64: 1, 128>}, {pipeline_mode = #tpu.pipeline_mode<synchronous>, transform_indices = @transform_4, window_bounds = array<i64: 1, 128>}, {pipeline_mode = #tpu.pipeline_mode<synchronous>, transform_indices = @transform_5, window_bounds = array<i64: 128, 128>}, {transform_indices = @transform_6, window_bounds = array<i64: 2000, 1>}, {transform_indices = @transform_7, window_bounds = array<i64: 2000, 128>}, {transform_indices = @transform_8, window_bounds = array<i64: 2000, 128>}, {transform_indices = @transform_9, window_bounds = array<i64: 2000, 128>}]} {
    %get3A = arith.constant 0 : index
    %get3A_0 = arith.constant 0 : index
    %get3A_1 = vector.load %arg2[%get3A, %get3A_0] : memref<1x128xf32, #tpu.memory_space<vmem>>, vector<1x128xf32>
    %mul3A = arith.constant 9.99999974E-5 : f32
    %mul3A_2 = vector.broadcast %mul3A : f32 to vector<1x128xf32>
    %mul3A_3 = arith.mulf %get3A_1, %mul3A_2 : vector<1x128xf32>
    %get3A_4 = arith.constant 0 : index
    %get3A_5 = arith.constant 0 : index
    %get3A_6 = vector.load %arg3[%get3A_4, %get3A_5] : memref<1x128xf32, #tpu.memory_space<vmem>>, vector<1x128xf32>
    %mul3A_7 = arith.constant 9.99999974E-5 : f32
    %mul3A_8 = vector.broadcast %mul3A_7 : f32 to vector<1x128xf32>
    %mul3A_9 = arith.mulf %get3A_6, %mul3A_8 : vector<1x128xf32>
    %mul3A_10 = arith.mulf %mul3A_3, %mul3A_3 : vector<1x128xf32>
    %sub3A = arith.subf %mul3A_9, %mul3A_10 : vector<1x128xf32>
    %get3A_11 = arith.constant 0 : index
    %get3A_12 = arith.constant 0 : index
    %get3A_13 = vector.load %arg4[%get3A_11, %get3A_12] : memref<1x128xf32, #tpu.memory_space<vmem>>, vector<1x128xf32>
    %add3A = arith.constant 9.99999974E-6 : f32
    %add3A_14 = vector.broadcast %add3A : f32 to vector<1x128xf32>
    %add3A_15 = arith.addf %sub3A, %add3A_14 : vector<1x128xf32>
    %rsqrt3A = math.rsqrt %add3A_15 : vector<1x128xf32>
    %mul3A_16 = arith.mulf %get3A_13, %rsqrt3A : vector<1x128xf32>
    %get3A_17 = arith.constant 0 : index
    %get3A_18 = arith.constant 0 : index
    %get3A_19 = vector.load %arg1[%get3A_17, %get3A_18] : memref<2000x128xf32, #tpu.memory_space<vmem>>, vector<2000x128xf32>
    %sub3A_20 = vector.broadcast %mul3A_3 : vector<1x128xf32> to vector<2000x128xf32>
    %sub3A_21 = arith.subf %get3A_19, %sub3A_20 : vector<2000x128xf32>
    %mul3A_22 = vector.broadcast %mul3A_16 : vector<1x128xf32> to vector<2000x128xf32>
    %mul3A_23 = arith.mulf %sub3A_21, %mul3A_22 : vector<2000x128xf32>
    %get3A_24 = arith.constant 0 : index
    %get3A_25 = arith.constant 0 : index
    %get3A_26 = vector.load %arg5[%get3A_24, %get3A_25] : memref<1x128xf32, #tpu.memory_space<vmem>>, vector<1x128xf32>
    %add3A_27 = vector.broadcast %get3A_26 : vector<1x128xf32> to vector<2000x128xf32>
    %add3A_28 = arith.addf %mul3A_23, %add3A_27 : vector<2000x128xf32>
    %swap3A = arith.constant 0 : index
    %swap3A_29 = arith.constant 0 : index
    %swap3A_30 = vector.load %arg8[%swap3A, %swap3A_29] : memref<2000x128xf32, #tpu.memory_space<vmem>>, vector<2000x128xf32>
    tpu.vector_store %arg8[%swap3A, %swap3A_29], %add3A_28 {strides = array<i32>} : memref<2000x128xf32, #tpu.memory_space<vmem>>, vector<2000x128xf32>,
    %get3A_31 = arith.constant 0 : index
    %get3A_32 = arith.constant 0 : index
    %get3A_33 = vector.load %arg6[%get3A_31, %get3A_32] : memref<128x128xf32, #tpu.memory_space<vmem>>, vector<128x128xf32>
    %dot_general3A = arith.constant dense<0.000000e+00> : vector<2000x128xf32>
    %dot_general3A_34 = tpu.matmul %add3A_28, %get3A_33, %dot_general3A {dimension_numbers = #tpu.dot_dimension_numbers<[1], [0], [0], [1], [0, 0, 1, 1], [], []>, transpose_lhs_hint = false} : vector<2000x128xf32>, vector<128x128xf32>, vector<2000x128xf32> -> vector<2000x128xf32>
    %swap3A_35 = arith.constant 0 : index
    %swap3A_36 = arith.constant 0 : index
    %swap3A_37 = vector.load %arg9[%swap3A_35, %swap3A_36] : memref<2000x128xf32, #tpu.memory_space<vmem>>, vector<2000x128xf32>
    tpu.vector_store %arg9[%swap3A_35, %swap3A_36], %dot_general3A_34 {strides = array<i32>} : memref<2000x128xf32, #tpu.memory_space<vmem>>, vector<2000x128xf32>,
    %get3A_38 = arith.constant 0 : index
    %get3A_39 = arith.constant 0 : index
    %get3A_40 = vector.load %arg7[%get3A_38, %get3A_39] : memref<2000x1xf32, #tpu.memory_space<vmem>>, vector<2000x1xf32>
    %mul3A_41 = vector.broadcast %get3A_40 : vector<2000x1xf32> to vector<2000x128xf32>
    %mul3A_42 = arith.mulf %dot_general3A_34, %mul3A_41 : vector<2000x128xf32>
    %swap3A_43 = arith.constant 0 : index
    %swap3A_44 = arith.constant 0 : index
    %swap3A_45 = vector.load %arg10[%swap3A_43, %swap3A_44] : memref<2000x128xf32, #tpu.memory_space<vmem>>, vector<2000x128xf32>
    tpu.vector_store %arg10[%swap3A_43, %swap3A_44], %mul3A_42 {strides = array<i32>} : memref<2000x128xf32, #tpu.memory_space<vmem>>, vector<2000x128xf32>,
    return
  }
  func.func @transform_0(%arg0: i32) -> (i32, i32) {
    %c0_i32 = arith.constant 0 : i32
    %c0_i32_0 = arith.constant 0 : i32
    return %arg0, %c0_i32 : i32, i32
  }
  func.func @transform_1(%arg0: i32) -> (i32, i32) {
    %c0_i32 = arith.constant 0 : i32
    %c0_i32_0 = arith.constant 0 : i32
    %c0_i32_1 = arith.constant 0 : i32
    return %c0_i32, %c0_i32_0 : i32, i32
  }
  func.func @transform_2(%arg0: i32) -> (i32, i32) {
    %c0_i32 = arith.constant 0 : i32
    %c0_i32_0 = arith.constant 0 : i32
    %c0_i32_1 = arith.constant 0 : i32
    return %c0_i32, %c0_i32_0 : i32, i32
  }
  func.func @transform_3(%arg0: i32) -> (i32, i32) {
    %c0_i32 = arith.constant 0 : i32
    %c0_i32_0 = arith.constant 0 : i32
    %c0_i32_1 = arith.constant 0 : i32
    return %c0_i32, %c0_i32_0 : i32, i32
  }
  func.func @transform_4(%arg0: i32) -> (i32, i32) {
    %c0_i32 = arith.constant 0 : i32
    %c0_i32_0 = arith.constant 0 : i32
    %c0_i32_1 = arith.constant 0 : i32
    return %c0_i32, %c0_i32_0 : i32, i32
  }
  func.func @transform_5(%arg0: i32) -> (i32, i32) {
    %c0_i32 = arith.constant 0 : i32
    %c0_i32_0 = arith.constant 0 : i32
    %c0_i32_1 = arith.constant 0 : i32
    return %c0_i32, %c0_i32_0 : i32, i32
  }
  func.func @transform_6(%arg0: i32) -> (i32, i32) {
    %c0_i32 = arith.constant 0 : i32
    %c0_i32_0 = arith.constant 0 : i32
    return %arg0, %c0_i32 : i32, i32
  }
  func.func @transform_7(%arg0: i32) -> (i32, i32) {
    %c0_i32 = arith.constant 0 : i32
    %c0_i32_0 = arith.constant 0 : i32
    return %arg0, %c0_i32 : i32, i32
  }
  func.func @transform_8(%arg0: i32) -> (i32, i32) {
    %c0_i32 = arith.constant 0 : i32
    %c0_i32_0 = arith.constant 0 : i32
    return %arg0, %c0_i32 : i32, i32
  }
  func.func @transform_9(%arg0: i32) -> (i32, i32) {
    %c0_i32 = arith.constant 0 : i32
    %c0_i32_0 = arith.constant 0 : i32
    return %arg0, %c0_i32 : i32, i32
  }
}

module attributes {stable_mosaic.version = 14 : i64} {
  func.func @_final_body(%arg0: i32, %arg1: memref<2000x128xf32, #tpu.memory_space<vmem>>, %arg2: memref<1x128xf32, #tpu.memory_space<vmem>>, %arg3: memref<1x128xf32, #tpu.memory_space<vmem>>, %arg4: memref<1x128xf32, #tpu.memory_space<vmem>>, %arg5: memref<1x128xf32, #tpu.memory_space<vmem>>, %arg6: memref<2000x128xf32, #tpu.memory_space<vmem>>, %arg7: memref<2000x128xf32, #tpu.memory_space<vmem>>, %arg8: memref<128x128xf32, #tpu.memory_space<vmem>>, %arg9: memref<128x128xf32, #tpu.memory_space<vmem>>, %arg10: memref<128x128xf32, #tpu.memory_space<vmem>>, %arg11: memref<1x128xf32, #tpu.memory_space<vmem>>, %arg12: memref<1x128xf32, #tpu.memory_space<vmem>>, %arg13: memref<1x1xf32, #tpu.memory_space<vmem>>, %arg14: memref<2000x1xf32, #tpu.memory_space<vmem>>) attributes {dimension_semantics = [#tpu.dimension_semantics<arbitrary>], iteration_bounds = array<i64: 5>, scalar_prefetch = 0 : i64, scratch_operands = 0 : i64, tpu.core_type = #tpu.core_type<tc>, window_params = [{transform_indices = @transform_0, window_bounds = array<i64: 2000, 128>}, {pipeline_mode = #tpu.pipeline_mode<synchronous>, transform_indices = @transform_1, window_bounds = array<i64: 1, 128>}, {pipeline_mode = #tpu.pipeline_mode<synchronous>, transform_indices = @transform_2, window_bounds = array<i64: 1, 128>}, {pipeline_mode = #tpu.pipeline_mode<synchronous>, transform_indices = @transform_3, window_bounds = array<i64: 1, 128>}, {pipeline_mode = #tpu.pipeline_mode<synchronous>, transform_indices = @transform_4, window_bounds = array<i64: 1, 128>}, {transform_indices = @transform_5, window_bounds = array<i64: 2000, 128>}, {transform_indices = @transform_6, window_bounds = array<i64: 2000, 128>}, {pipeline_mode = #tpu.pipeline_mode<synchronous>, transform_indices = @transform_7, window_bounds = array<i64: 128, 128>}, {pipeline_mode = #tpu.pipeline_mode<synchronous>, transform_indices = @transform_8, window_bounds = array<i64: 128, 128>}, {pipeline_mode = #tpu.pipeline_mode<synchronous>, transform_indices = @transform_9, window_bounds = array<i64: 128, 128>}, {pipeline_mode = #tpu.pipeline_mode<synchronous>, transform_indices = @transform_10, window_bounds = array<i64: 1, 128>}, {pipeline_mode = #tpu.pipeline_mode<synchronous>, transform_indices = @transform_11, window_bounds = array<i64: 1, 128>}, {pipeline_mode = #tpu.pipeline_mode<synchronous>, transform_indices = @transform_12, window_bounds = array<i64: 1, 1>}, {transform_indices = @transform_13, window_bounds = array<i64: 2000, 1>}]} {
    %get3A = arith.constant 0 : index
    %get3A_0 = arith.constant 0 : index
    %get3A_1 = vector.load %arg2[%get3A, %get3A_0] : memref<1x128xf32, #tpu.memory_space<vmem>>, vector<1x128xf32>
    %mul3A = arith.constant 9.99999974E-5 : f32
    %mul3A_2 = vector.broadcast %mul3A : f32 to vector<1x128xf32>
    %mul3A_3 = arith.mulf %get3A_1, %mul3A_2 : vector<1x128xf32>
    %get3A_4 = arith.constant 0 : index
    %get3A_5 = arith.constant 0 : index
    %get3A_6 = vector.load %arg3[%get3A_4, %get3A_5] : memref<1x128xf32, #tpu.memory_space<vmem>>, vector<1x128xf32>
    %mul3A_7 = arith.constant 9.99999974E-5 : f32
    %mul3A_8 = vector.broadcast %mul3A_7 : f32 to vector<1x128xf32>
    %mul3A_9 = arith.mulf %get3A_6, %mul3A_8 : vector<1x128xf32>
    %mul3A_10 = arith.mulf %mul3A_3, %mul3A_3 : vector<1x128xf32>
    %sub3A = arith.subf %mul3A_9, %mul3A_10 : vector<1x128xf32>
    %get3A_11 = arith.constant 0 : index
    %get3A_12 = arith.constant 0 : index
    %get3A_13 = vector.load %arg4[%get3A_11, %get3A_12] : memref<1x128xf32, #tpu.memory_space<vmem>>, vector<1x128xf32>
    %add3A = arith.constant 9.99999974E-6 : f32
    %add3A_14 = vector.broadcast %add3A : f32 to vector<1x128xf32>
    %add3A_15 = arith.addf %sub3A, %add3A_14 : vector<1x128xf32>
    %rsqrt3A = math.rsqrt %add3A_15 : vector<1x128xf32>
    %mul3A_16 = arith.mulf %get3A_13, %rsqrt3A : vector<1x128xf32>
    %get3A_17 = arith.constant 0 : index
    %get3A_18 = arith.constant 0 : index
    %get3A_19 = vector.load %arg1[%get3A_17, %get3A_18] : memref<2000x128xf32, #tpu.memory_space<vmem>>, vector<2000x128xf32>
    %sub3A_20 = vector.broadcast %mul3A_3 : vector<1x128xf32> to vector<2000x128xf32>
    %sub3A_21 = arith.subf %get3A_19, %sub3A_20 : vector<2000x128xf32>
    %mul3A_22 = vector.broadcast %mul3A_16 : vector<1x128xf32> to vector<2000x128xf32>
    %mul3A_23 = arith.mulf %sub3A_21, %mul3A_22 : vector<2000x128xf32>
    %get3A_24 = arith.constant 0 : index
    %get3A_25 = arith.constant 0 : index
    %get3A_26 = vector.load %arg5[%get3A_24, %get3A_25] : memref<1x128xf32, #tpu.memory_space<vmem>>, vector<1x128xf32>
    %add3A_27 = vector.broadcast %get3A_26 : vector<1x128xf32> to vector<2000x128xf32>
    %add3A_28 = arith.addf %mul3A_23, %add3A_27 : vector<2000x128xf32>
    %get3A_29 = arith.constant 0 : index
    %get3A_30 = arith.constant 0 : index
    %get3A_31 = vector.load %arg6[%get3A_29, %get3A_30] : memref<2000x128xf32, #tpu.memory_space<vmem>>, vector<2000x128xf32>
    %get3A_32 = arith.constant 0 : index
    %get3A_33 = arith.constant 0 : index
    %get3A_34 = vector.load %arg8[%get3A_32, %get3A_33] : memref<128x128xf32, #tpu.memory_space<vmem>>, vector<128x128xf32>
    %dot_general3A = arith.constant dense<0.000000e+00> : vector<2000x128xf32>
    %dot_general3A_35 = tpu.matmul %get3A_31, %get3A_34, %dot_general3A {dimension_numbers = #tpu.dot_dimension_numbers<[1], [0], [0], [1], [0, 0, 1, 1], [], []>, transpose_lhs_hint = false} : vector<2000x128xf32>, vector<128x128xf32>, vector<2000x128xf32> -> vector<2000x128xf32>
    %get3A_36 = arith.constant 0 : index
    %get3A_37 = arith.constant 0 : index
    %get3A_38 = vector.load %arg7[%get3A_36, %get3A_37] : memref<2000x128xf32, #tpu.memory_space<vmem>>, vector<2000x128xf32>
    %get3A_39 = arith.constant 0 : index
    %get3A_40 = arith.constant 0 : index
    %get3A_41 = vector.load %arg9[%get3A_39, %get3A_40] : memref<128x128xf32, #tpu.memory_space<vmem>>, vector<128x128xf32>
    %dot_general3A_42 = arith.constant dense<0.000000e+00> : vector<2000x128xf32>
    %dot_general3A_43 = tpu.matmul %get3A_38, %get3A_41, %dot_general3A_42 {dimension_numbers = #tpu.dot_dimension_numbers<[1], [0], [0], [1], [0, 0, 1, 1], [], []>, transpose_lhs_hint = false} : vector<2000x128xf32>, vector<128x128xf32>, vector<2000x128xf32> -> vector<2000x128xf32>
    %add3A_44 = arith.addf %dot_general3A_35, %dot_general3A_43 : vector<2000x128xf32>
    %get3A_45 = arith.constant 0 : index
    %get3A_46 = arith.constant 0 : index
    %get3A_47 = vector.load %arg10[%get3A_45, %get3A_46] : memref<128x128xf32, #tpu.memory_space<vmem>>, vector<128x128xf32>
    %dot_general3A_48 = arith.constant dense<0.000000e+00> : vector<2000x128xf32>
    %dot_general3A_49 = tpu.matmul %add3A_28, %get3A_47, %dot_general3A_48 {dimension_numbers = #tpu.dot_dimension_numbers<[1], [0], [0], [1], [0, 0, 1, 1], [], []>, transpose_lhs_hint = false} : vector<2000x128xf32>, vector<128x128xf32>, vector<2000x128xf32> -> vector<2000x128xf32>
    %add3A_50 = arith.addf %add3A_44, %dot_general3A_49 : vector<2000x128xf32>
    %get3A_51 = arith.constant 0 : index
    %get3A_52 = arith.constant 0 : index
    %get3A_53 = vector.load %arg11[%get3A_51, %get3A_52] : memref<1x128xf32, #tpu.memory_space<vmem>>, vector<1x128xf32>
    %add3A_54 = vector.broadcast %get3A_53 : vector<1x128xf32> to vector<2000x128xf32>
    %add3A_55 = arith.addf %add3A_50, %add3A_54 : vector<2000x128xf32>
    %max3A = arith.constant 0.000000e+00 : f32
    %max3A_56 = vector.broadcast %max3A : f32 to vector<2000x128xf32>
    %max3A_57 = arith.maximumf %add3A_55, %max3A_56 : vector<2000x128xf32>
    %get3A_58 = arith.constant 0 : index
    %get3A_59 = arith.constant 0 : index
    %get3A_60 = vector.load %arg12[%get3A_58, %get3A_59] : memref<1x128xf32, #tpu.memory_space<vmem>>, vector<1x128xf32>
    %mul3A_61 = vector.broadcast %get3A_60 : vector<1x128xf32> to vector<2000x128xf32>
    %mul3A_62 = arith.mulf %max3A_57, %mul3A_61 : vector<2000x128xf32>
    %reduce_sum3A = arith.constant dense<0.000000e+00> : vector<2000xf32>
    %reduce_sum3A_63 = vector.multi_reduction <add>, %mul3A_62, %reduce_sum3A [1] : vector<2000x128xf32> to vector<2000xf32>
    %broadcast_in_dim3A = vector.shape_cast %reduce_sum3A_63 : vector<2000xf32> to vector<2000x1xf32>
    %get3A_64 = arith.constant 0 : index
    %get3A_65 = arith.constant 0 : index
    %get3A_66 = vector.load %arg13[%get3A_64, %get3A_65] : memref<1x1xf32, #tpu.memory_space<vmem>>, vector<1x1xf32>
    %add3A_67 = vector.broadcast %get3A_66 : vector<1x1xf32> to vector<2000x1xf32>
    %add3A_68 = arith.addf %broadcast_in_dim3A, %add3A_67 : vector<2000x1xf32>
    %max3A_69 = arith.constant 0.000000e+00 : f32
    %max3A_70 = vector.broadcast %max3A_69 : f32 to vector<2000x1xf32>
    %max3A_71 = arith.maximumf %add3A_68, %max3A_70 : vector<2000x1xf32>
    %swap3A = arith.constant 0 : index
    %swap3A_72 = arith.constant 0 : index
    %swap3A_73 = vector.load %arg14[%swap3A, %swap3A_72] : memref<2000x1xf32, #tpu.memory_space<vmem>>, vector<2000x1xf32>
    tpu.vector_store %arg14[%swap3A, %swap3A_72], %max3A_71 {strides = array<i32>} : memref<2000x1xf32, #tpu.memory_space<vmem>>, vector<2000x1xf32>,
    return
  }
  func.func @transform_0(%arg0: i32) -> (i32, i32) {
    %c0_i32 = arith.constant 0 : i32
    %c0_i32_0 = arith.constant 0 : i32
    return %arg0, %c0_i32 : i32, i32
  }
  func.func @transform_1(%arg0: i32) -> (i32, i32) {
    %c0_i32 = arith.constant 0 : i32
    %c0_i32_0 = arith.constant 0 : i32
    %c0_i32_1 = arith.constant 0 : i32
    return %c0_i32, %c0_i32_0 : i32, i32
  }
  func.func @transform_2(%arg0: i32) -> (i32, i32) {
    %c0_i32 = arith.constant 0 : i32
    %c0_i32_0 = arith.constant 0 : i32
    %c0_i32_1 = arith.constant 0 : i32
    return %c0_i32, %c0_i32_0 : i32, i32
  }
  func.func @transform_3(%arg0: i32) -> (i32, i32) {
    %c0_i32 = arith.constant 0 : i32
    %c0_i32_0 = arith.constant 0 : i32
    %c0_i32_1 = arith.constant 0 : i32
    return %c0_i32, %c0_i32_0 : i32, i32
  }
  func.func @transform_4(%arg0: i32) -> (i32, i32) {
    %c0_i32 = arith.constant 0 : i32
    %c0_i32_0 = arith.constant 0 : i32
    %c0_i32_1 = arith.constant 0 : i32
    return %c0_i32, %c0_i32_0 : i32, i32
  }
  func.func @transform_5(%arg0: i32) -> (i32, i32) {
    %c0_i32 = arith.constant 0 : i32
    %c0_i32_0 = arith.constant 0 : i32
    return %arg0, %c0_i32 : i32, i32
  }
  func.func @transform_6(%arg0: i32) -> (i32, i32) {
    %c0_i32 = arith.constant 0 : i32
    %c0_i32_0 = arith.constant 0 : i32
    return %arg0, %c0_i32 : i32, i32
  }
  func.func @transform_7(%arg0: i32) -> (i32, i32) {
    %c0_i32 = arith.constant 0 : i32
    %c0_i32_0 = arith.constant 0 : i32
    %c0_i32_1 = arith.constant 0 : i32
    return %c0_i32, %c0_i32_0 : i32, i32
  }
  func.func @transform_8(%arg0: i32) -> (i32, i32) {
    %c0_i32 = arith.constant 0 : i32
    %c0_i32_0 = arith.constant 0 : i32
    %c0_i32_1 = arith.constant 0 : i32
    return %c0_i32, %c0_i32_0 : i32, i32
  }
  func.func @transform_9(%arg0: i32) -> (i32, i32) {
    %c0_i32 = arith.constant 0 : i32
    %c0_i32_0 = arith.constant 0 : i32
    %c0_i32_1 = arith.constant 0 : i32
    return %c0_i32, %c0_i32_0 : i32, i32
  }
  func.func @transform_10(%arg0: i32) -> (i32, i32) {
    %c0_i32 = arith.constant 0 : i32
    %c0_i32_0 = arith.constant 0 : i32
    %c0_i32_1 = arith.constant 0 : i32
    return %c0_i32, %c0_i32_0 : i32, i32
  }
  func.func @transform_11(%arg0: i32) -> (i32, i32) {
    %c0_i32 = arith.constant 0 : i32
    %c0_i32_0 = arith.constant 0 : i32
    %c0_i32_1 = arith.constant 0 : i32
    return %c0_i32, %c0_i32_0 : i32, i32
  }
  func.func @transform_12(%arg0: i32) -> (i32, i32) {
    %c0_i32 = arith.constant 0 : i32
    %c0_i32_0 = arith.constant 0 : i32
    %c0_i32_1 = arith.constant 0 : i32
    return %c0_i32, %c0_i32_0 : i32, i32
  }
  func.func @transform_13(%arg0: i32) -> (i32, i32) {
    %c0_i32 = arith.constant 0 : i32
    %c0_i32_0 = arith.constant 0 : i32
    return %arg0, %c0_i32 : i32, i32
  }
}

</mosaic_0001>

<sc_bundles>
// kernel: kernel.10.cloned.1.call-start
scs
__scs_entry_jumppad:
0x0: {  	(pc) =	sbr.rel $0x88, $3  }
0x1: {  	(tag) =	ssettag $0x0;
	lr =	simm.s32 $0x1  }
0x2: {  	[smem:$0x3F92] =	sst lr;
	_ =	strace $0xD0000000  }
0x3: {  	_ = 	snop  }
0x4: {  	_ = 	snop  }
0x5: {  	_ = 	snop  }
0x6: {  	_ = 	snop  }
0x7: {  	_ = 	snop  }
__scs_overlays_trampoline_lowered:
0x8: {  	[smem:$0x3FA1] =	sst s0  }
0x9: {  	[smem:$0x3FA2] =	sst s1  }
0xa: {  	[smem:$0x3FA3] =	sst s2  }
0xb: {  	[smem:$0x3FA4] =	sst s3  }
0xc: {  	[smem:$0x3FA5] =	sst s4  }
0xd: {  	[smem:$0x3FA6] =	sst s5  }
0xe: {  	[smem:$0x3FA7] =	sst s6  }
0xf: {  	[smem:$0x3FA8] =	sst s7  }
0x10: {  	[smem:$0x3FA9] =	sst s8  }
0x11: {  	[smem:$0x3FAA] =	sst s9;
	s0 =	simm.s32 @!p0 $0x0  }
0x12: {  	s1 =	sld [smem:$0x3F90];
	s0 =	simm.s32 @p0 $0x1  }
0x13: {  	[smem:$0x3FAB] =	sst s0;
	s0 =	simm.s32 @!p1 $0x0  }
0x14: {  	s2 =	sld [smem:$0x3F8F];
	s0 =	simm.s32 @p1 $0x1  }
0x15: {  	[smem:$0x3FAC] =	sst s0;
	s0 =	simm.s32 @!p2 $0x0  }
0x16: {  	s3 =	sld [smem:$0x3FDB];
	s0 =	simm.s32 @p2 $0x1  }
0x17: {  	s4 =	simm.s32 $0x1BF5;
	[smem:$0x3FAE] =	sst s0  }
0x18: {  	s0 =	sld [smem:$0x3F91];
	_ =	swait.ge [sflag:s4], $0x0  }
0x19: {  	s7 =	sld [smem:$0x3F92]  }
0x1a: {  	s8 =	sadd.s32 $0xFFFFE003, lr  }
0x1b: {  	s9 =	sadd.s32 $0xFFFFFEF7, lr;
	s5 =	simm.s32 $0xFFFFFFFF;
	p2 =	slt.u32 s8, $0xFFFFF086  }
0x1c: {  	p1 =	slt.u32 s9, $0xF7A;
	s5 =	simm.s32 @!p2 $0x0  }
0x1d: {  	s5 =	simm.s32 @p1 $0x1;
	p0 =	seq.s32 s7, s2  }
0x1e: {  	s7 =	smul.u32 @!p0 $0xF7A, s2;
	p2 =	seq.s32 @!p0 s5, $0x0  }
0x1f: {  	s9 =	smul.u32 $0xF7A, s1;
	s8 =	simm.s32 @!p0 $0x1BF5;
	p2 =	por !p2, p0  }
0x20: {  	[sflag:s8] =	ssyncset.s32 @!p0 $0xFFFFF086;
	s6 =	sadd.s32 @!p0 s3, s7;
	s7 =	simm.s32 @!p0 $0x108  }
0x21: {  	s3 =	sadd.s32 s3, s9;
	s6 =	sadd.s32 @!p0 $0x88, s6;
	s7 =	simm.s32 @p2 $0x1082  }
0x22: {  	[simem:s7], [sflag:s8] =	dma.local @!p0 [hbm:s6], $0xF7A  }
0x23: {  	s9 =	sor.u32 $0xD0000000, s2;
	s6 =	simm.s32 $0x108;
	_ =	swait.ge @!p0 [sflag:s8], $0x0  }
0x24: {  	s3 =	sadd.s32 $0x88, s3;
	s6 =	simm.s32 @!p1 $0x1082;
	[sflag:s4] =	ssyncset.s32 $0xFFFFF086  }
0x25: {  	[simem:s6], [sflag:s4] =	dma.local [hbm:s3], $0xF7A  }
0x26: {  	[smem:$0x3F92] =	sst s1;
	(tag) =	ssettag s2;
	_ =	strace s9  }
0x27: {  	s1 =	sld [smem:$0x3FA2]  }
0x28: {  	s2 =	sld [smem:$0x3FA3]  }
0x29: {  	s4 =	sld [smem:$0x3FA5]  }
0x2a: {  	p0 =	seq.s32 s5, $0x0;
	s5 =	sld [smem:$0x3FA6]  }
0x2b: {  	s6 =	sld [smem:$0x3FA7]  }
0x2c: {  	s7 =	sld [smem:$0x3FA8]  }
0x2d: {  	s3 =	simm.s32 $0x108;
	s8 =	sld [smem:$0x3FA9]  }
0x2e: {  	s3 =	simm.s32 @!p0 $0x1082;
	s9 =	sld [smem:$0x3FAA]  }
0x2f: {  	lr =	sadd.s32 s0, s3;
	s0 =	sld [smem:$0x3FA1]  }
0x30: {  	s3 =	sld [smem:$0x3FA4]  }
0x31: {  	[smem:$0x3FAD] =	sst s10  }
0x32: {  	s10 =	sld [smem:$0x3FAB];
	_ =	sdelay $0x3  }
0x33: {  	p0 =	seq.s32 s10, $0x1;
	s10 =	sld [smem:$0x3FAD];
	_ =	sdelay $0x3  }
0x34: {  	[smem:$0x3FAD] =	sst s10  }
0x35: {  	s10 =	sld [smem:$0x3FAC];
	_ =	sdelay $0x3  }
0x36: {  	p1 =	seq.s32 s10, $0x1;
	s10 =	sld [smem:$0x3FAD];
	_ =	sdelay $0x3  }
0x37: {  	[smem:$0x3FAD] =	sst s10  }
0x38: {  	s10 =	sld [smem:$0x3FAE]  }
0x39: {  	_ = 	snop;
	(pc) =	sbr.ind lr, $3  }
0x3a: {  	_ = 	snop  }
0x3b: {  	_ = 	snop  }
0x3c: {  	p2 =	seq.s32 s10, $0x1;
	s10 =	sld [smem:$0x3FAD]  }
0x3d: {  	_ =	shalt  }
0x3e: {  	_ =	shalt  }
0x3f: {  	_ =	shalt  }
0x40: {  	_ =	shalt  }
0x41: {  	_ =	shalt  }
0x42: {  	_ =	shalt  }
0x43: {  	_ =	shalt  }
0x44: {  	_ =	shalt  }
0x45: {  	_ =	shalt  }
0x46: {  	_ =	shalt  }
0x47: {  	_ =	shalt  }
0x48: {  	_ =	shalt  }
0x49: {  	_ =	shalt  }
0x4a: {  	_ =	shalt  }
0x4b: {  	_ =	shalt  }
0x4c: {  	_ =	shalt  }
0x4d: {  	_ =	shalt  }
0x4e: {  	_ =	shalt  }
0x4f: {  	_ =	shalt  }
0x50: {  	_ =	shalt  }
0x51: {  	_ =	shalt  }
0x52: {  	_ =	shalt  }
0x53: {  	_ =	shalt  }
0x54: {  	_ =	shalt  }
0x55: {  	_ =	shalt  }
0x56: {  	_ =	shalt  }
0x57: {  	_ =	shalt  }
0x58: {  	_ =	shalt  }
0x59: {  	_ =	shalt  }
0x5a: {  	_ =	shalt  }
0x5b: {  	_ =	shalt  }
0x5c: {  	_ =	shalt  }
0x5d: {  	_ =	shalt  }
0x5e: {  	_ =	shalt  }
0x5f: {  	_ =	shalt  }
0x60: {  	_ =	shalt  }
0x61: {  	_ =	shalt  }
0x62: {  	_ =	shalt  }
0x63: {  	_ =	shalt  }
0x64: {  	_ =	shalt  }
0x65: {  	_ =	shalt  }
0x66: {  	_ =	shalt  }
0x67: {  	_ =	shalt  }
0x68: {  	_ =	shalt  }
0x69: {  	_ =	shalt  }
0x6a: {  	_ =	shalt  }
0x6b: {  	_ =	shalt  }
0x6c: {  	_ =	shalt  }
0x6d: {  	_ =	shalt  }
0x6e: {  	_ =	shalt  }
0x6f: {  	_ =	shalt  }
0x70: {  	_ =	shalt  }
0x71: {  	_ =	shalt  }
0x72: {  	_ =	shalt  }
0x73: {  	_ =	shalt  }
0x74: {  	_ =	shalt  }
0x75: {  	_ =	shalt  }
0x76: {  	_ =	shalt  }
0x77: {  	_ =	shalt  }
0x78: {  	_ =	shalt  }
0x79: {  	_ =	shalt  }
0x7a: {  	_ =	shalt  }
0x7b: {  	_ =	shalt  }
0x7c: {  	_ =	shalt  }
0x7d: {  	_ =	shalt  }
0x7e: {  	_ =	shalt  }
0x7f: {  	_ =	shalt  }
0x80: {  	_ =	shalt  }
0x81: {  	_ =	shalt  }
0x82: {  	_ =	shalt  }
0x83: {  	_ =	shalt  }
0x84: {  	_ =	shalt  }
0x85: {  	_ =	shalt  }
0x86: {  	_ =	shalt  }
0x87: {  	_ =	shalt  }
.Lfunc_end0:
.L_simem_size_0:
called_computation_lowered:
.L_overlay_start_0:
0x88: {  	s2 =	sld [smem:$0x3FD9]  }
0x89: {  	s3 =	sld [smem:$0x3FFE];
	_ =	sdelay $0x1  }
0x8a: {  	s1 =	srdreg.scid  }
0x8b: {  	s0 =	sand.u32 $0x1, s1  }
0x8c: {  	s16 =	sshll.u32 s0, $0xA;
	s2 =	sadd.s32 s3, s2  }
0x8d: {  	s2 =	sadd.s32 s2, s16  }
0x8e: {  	[smem:$0x3FB9] =	sst s2  }
0x8f: {  	_ = 	snop  }
0x90: {  	(tm) =	ssettm $0x1  }
0x91: {  	s17 =	sld [smem:$0x3FFB];
	_ =	sdelay $0x3  }
0x92: {  	_ =	strace s17  }
0x93: {  	s2 =	sld [smem:$0x3FFC];
	_ =	sdelay $0x3  }
0x94: {  	_ =	strace s2  }
0x95: {  	s2 =	sld [smem:$0x3FFD];
	_ =	sdelay $0x3  }
0x96: {  	_ =	strace s2  }
0x97: {  	_ =	strace $0x8FFFFFFF  }
0x98: {  	s18 =	sld [smem:$0x3FDB];
	_ =	sdelay $0x1  }
0x99: {  	s19 =	simm.s32 $_scs_section_size  }
0x9a: {  	s4 =	simm.s32 $_size__tile_overlayer_lowered;
	s5 =	simm.s32 $_tile_overlayer_lowered  }
0x9b: {  	s22 =	simm.s32 $0x1BFF;
	s21 =	sshll.u32 s5, $0x1;
	s2 =	sadd.s32 s19, s18  }
0x9c: {  	s6 =	simm.s32 $0x0;
	s20 =	sshll.u32 s4, $0x1;
	s4 =	sadd.s32 s21, s2  }
0x9d: {  	[timem:s6], [sflag:s22] =	dma.local [hbm:s4], s20  }
0x9e: {  	_ =	swait.ge [sflag:s22], s20  }
0x9f: {  	s3 =	ssub.s32 $0x0, s20;
	[sflag:s22] =	ssyncset.done $0x0  }
0xa0: {  	[sflag:s22] =	ssyncadd.s32 s3;
	_ =	sdelay $0x1  }
0xa1: {  	s23 =	simm.s32 $0x1B8B  }
0xa2: {  	_ =	swait.ge [sflag:s23], $0x1  }
0xa3: {  	[sflag:s23] =	ssyncset.done $0x0  }
0xa4: {  	s25 =	simm.s32 $0x1B8E;
	s24 =	sld [smem:$0x3FFE];
	[sflag:s23] =	ssyncadd.s32 $0xFFFFFFFF  }
0xa5: {  	s26 =	simm.s32 $execute0_lowered;
	[smem:$0x3FD2] =	sst s25  }
0xa6: {  	s4 =	sshll.u32 s26, $0x1;
	_ =	strace $0x80000046;
	[dreg:$0x1] =	wrdreg $0xFFFFFFFF  }
0xa7: {  	s28 =	simm.s32 $_size_execute0_lowered;
	s2 =	sadd.s32 s2, s4;
	[dreg:$0x0] =	wrdreg $0x0  }
0xa8: {  	s4 =	sshll.u32 s28, $0x1;
	[dreg:$0x2] =	wrdreg s2  }
0xa9: {  	[dreg:$0x3] =	wrdreg s4  }
0xaa: {  	[dreg:$0x4] =	wrdreg $0xC0  }
0xab: {  	_ =	task [dreg:s6], $0x5FFFF  }
0xac: {  	[dreg:$0x1] =	wrdreg $0xFFFFFFFF  }
0xad: {  	[dreg:$0x0] =	wrdreg $0x60  }
0xae: {  	[dreg:$0x2] =	wrdreg s24  }
0xaf: {  	[dreg:$0x3] =	wrdreg $0x6A000  }
0xb0: {  	[dreg:$0x4] =	wrdreg $0x9  }
0xb1: {  	_ =	task.clear_ibuf [dreg:s6], $0x5FFFF;
	_ =	strace $0x90000046  }
0xb2: {  	s29 =	simm.s32 $0x9;
	_ =	strace $0x80000048  }
0xb3: {  	_ =	swait.ge [sflag:s29], $0x1  }
0xb4: {  	[sflag:s29] =	ssyncadd.s32 $0xFFFFFFFF  }
0xb5: {  	_ =	strace $0x90000048  }
0xb6: {  	_ =	sfence  }
0xb7: {  	s30 =	sld [smem:$0x0];
	_ =	sdelay $0x2  }
0xb8: {  	s31 =	sshll.u32 s1, $0xD;
	s1 =	sshrl.u32 s1, $0x2  }
0xb9: {  	s3 =	sand.u32 $0x4000, s31;
	s1 =	sadd.s32 s1, s30  }
0xba: {  	s0 =	sor.u32 s3, s0;
	s1 =	sshll.u32 s1, $0x11  }
0xbb: {  	s0 =	sor.u32 s1, s0  }
0xbc: {  	s0 =	sadd.s32 $0x8F2B, s0  }
0xbd: {  	[sflag:s0] =	ssyncadd.remote.s32 $0x1  }
0xbe: {  	_ =	sfence.sel $0xFFFF  }
0xbf: {  	[dreg:$0x0] =	wrdreg $0xFFFFFFFF;
	(pc) =	sbr.abs _section_cstart, $3  }
0xc0: {  	[dreg:$0x1] =	wrdreg $0xFFFFFFFF  }
0xc1: {  	_ =	task.clear_ibuf [dreg:s6], $0x2FFFF;
	_ =	strace $0x9FFFFFFF  }
0xc2: {  	(tm) =	ssettm $0x7FFFFFFF  }
0xc3: {  	_ =	shalt  }
tec
execute0_lowered:
.L_overlay_start_1:
0x0: {  	(tag) =	ssettag $0x1  }
0x1: {  	s0 =	srdreg.scid;
	s4 =	rddreg [dreg:$0x0]  }
0x2: {  	s2 =	rddreg [dreg:$0x1];
	s1 =	stileid.u32;
	s3 =	simm.s32 $0x0  }
0x3: {  	s11 =	simm.s32 $0x80;
	s12 =	simm.s32 $0x400;
	s13 =	simm.s32 $0x4000  }
0x4: {  	s14 =	simm.s32 $0x50;
	s17 =	simm.s32 $0x20;
	s18 =	simm.s32 $0x10  }
0x5: {  	s19 =	simm.s32 $0x0;
	s5 =	sand.u32 $0x1, s0;
	s0 =	rddreg [dreg:$0x2]  }
0x6: {  	[smem:$0x7FF] =	sst s3;
	s8 =	sshll.u32 s1, $0x7;
	s9 =	smul.u32 $0x500, s1  }
0x7: {  	s30 =	smul.u32 $0xA00, s1;
	s15 =	sshll.u32 s1, $0x6;
	s6 =	sshll.u32 s5, $0x4  }
0x8: {  	_ =	strace $0x80000047;
	s8 =	sand.u32 $0x380, s8;
	s6 =	sor.u32 s1, s6  }
0x9: {  	s29 =	sshll.u32 s5, $0x7;
	s5 =	ssub.s32 $0x2, s5;
	s7 =	sshrl.u32 s6, $0x3  }
0xa: {  	s31 =	sshrl.u32 s5, $0x1;
	s6 =	sshll.u32 s6, $0xB;
	s7 =	smul.u32 $0x13C00, s7  }
0xb: {  	s15 =	sor.u32 $0x1C01, s15;
	s10 =	ssub.s32 s5, s31;
	s6 =	sadd.s32 s6, s4  }
0xc: {  	s5 =	sadd.s32 $0xE600, s6;
	s7 =	sor.u32 s8, s7;
	s8 =	sor.u32 s29, s9  }
0xd: {  	s9 =	sshrl.u32 s30, $0x2;
	s7 =	sshrl.u32 s7, $0x3;
	s8 =	sshrl.u32 s8, $0x3  }
0xe: {  	s7 =	sadd.s32 s7, s4;
	s8 =	sadd.s32 s8, s4;
	s4 =	sadd.s32 s9, s2  }
0xf: {  	s9 =	simm.s32 $0x6780;
	s6 =	sadd.s32 $0x1E600, s7;
	s7 =	sadd.s32 $0x28400, s8  }
0x10: {  	v0 =	vimm.f32 $0.0e+00;
	s8 =	smax.u32 s10, $0x1;
	s10 =	simm.s32 $0x1;
	s16 =	sshrl.u32 s4, $0x3  }
.LBB2_1:
0x11: {  	[tilespmem:$0x6780] =	vst v0  }
0x12: {  	[tilespmem:$0x6790] =	vst v0  }
0x13: {  	[tilespmem:$0x67A0] =	vst v0  }
0x14: {  	[tilespmem:$0x67B0] =	vst v0  }
0x15: {  	[tilespmem:$0x67C0] =	vst v0  }
0x16: {  	[tilespmem:$0x67D0] =	vst v0  }
0x17: {  	[tilespmem:$0x67E0] =	vst v0  }
0x18: {  	[tilespmem:$0x67F0] =	vst v0  }
0x19: {  	[tilespmem:$0x6800] =	vst v0  }
0x1a: {  	[tilespmem:$0x6810] =	vst v0  }
0x1b: {  	[tilespmem:$0x6820] =	vst v0  }
0x1c: {  	[tilespmem:$0x6830] =	vst v0  }
0x1d: {  	[tilespmem:$0x6840] =	vst v0  }
0x1e: {  	[tilespmem:$0x6850] =	vst v0  }
0x1f: {  	[tilespmem:$0x6860] =	vst v0  }
0x20: {  	[tilespmem:$0x6870] =	vst v0  }
0x21: {  	[tilespmem:$0x6880] =	vst v0  }
0x22: {  	[tilespmem:$0x6890] =	vst v0  }
0x23: {  	[tilespmem:$0x68A0] =	vst v0  }
0x24: {  	[tilespmem:$0x68B0] =	vst v0  }
0x25: {  	[tilespmem:$0x68C0] =	vst v0  }
0x26: {  	[tilespmem:$0x68D0] =	vst v0  }
0x27: {  	[tilespmem:$0x68E0] =	vst v0  }
0x28: {  	[tilespmem:$0x68F0] =	vst v0  }
0x29: {  	[tilespmem:$0x6900] =	vst v0  }
0x2a: {  	[tilespmem:$0x6910] =	vst v0  }
0x2b: {  	[tilespmem:$0x6920] =	vst v0  }
0x2c: {  	[tilespmem:$0x6930] =	vst v0  }
0x2d: {  	[tilespmem:$0x6940] =	vst v0  }
0x2e: {  	[tilespmem:$0x6950] =	vst v0  }
0x2f: {  	[tilespmem:$0x6960] =	vst v0  }
0x30: {  	[tilespmem:$0x6970] =	vst v0  }
0x31: {  	[tilespmem:$0x6980] =	vst v0  }
0x32: {  	[tilespmem:$0x6990] =	vst v0  }
0x33: {  	[tilespmem:$0x69A0] =	vst v0  }
0x34: {  	[tilespmem:$0x69B0] =	vst v0  }
0x35: {  	[tilespmem:$0x69C0] =	vst v0  }
0x36: {  	[tilespmem:$0x69D0] =	vst v0  }
0x37: {  	[tilespmem:$0x69E0] =	vst v0  }
0x38: {  	[tilespmem:$0x69F0] =	vst v0  }
0x39: {  	[spmem:s4] =	stream.linear.scatter [tilespmem:s9], [sflag:$0x1], $0x280, $0x38;
	[tilespmem:$0x6C80] =	vst v63  }
0x3a: {  	_ =	swait.ge [sflag:s10], $0x280  }
0x3b: {  	[sflag:s10] =	ssyncset.done $0x0  }
0x3c: {  	[sflag:s10] =	ssyncadd.s32 $0xFFFFFD80  }
0x3d: {  	[bflag:$0x0] =	sbarrier.arrive $0xFFFF  }
0x3e: {  	[tilespmem:s3], [sflag:$0x1] =	stream.linear.gather [hbm4b:s5+s3], $0x3E80, $0x38;
	[tilespmem:$0x6C80] =	vst v63  }
0x3f: {  	_ =	swait.ge [sflag:s10], $0x3E80  }
0x40: {  	[sflag:s10] =	ssyncset.done $0x0  }
0x41: {  	[sflag:s10] =	ssyncadd.s32 $0xFFFFC180  }
0x42: {  	[tilespmem:s13], [sflag:$0x1] =	stream.strided.gather [hbm4b:s6+s11], $0x2780, s12, s11, $0x38;
	[tilespmem:$0x6C80] =	vst v63  }
0x43: {  	_ =	swait.ge [sflag:s10], $0x2780  }
0x44: {  	[sflag:s10] =	ssyncset.done $0x0  }
0x45: {  	s20 =	simm.s32 $0x4000;
	[sflag:s10] =	ssyncadd.s32 $0xFFFFD880  }
0x46: {  	[spmem:s2] =	stream.indirect.scatter.add.f32 [tilespmem:s20], [sflag:$0x1], $0x1, s3, s14, $0xb8;
	[tilespmem:$0x6C80] =	vst v63  }
0x47: {  	s21 =	simm.s32 $0x0;
	s20 =	simm.s32 $0x140;
	_ =	swait.ge [sflag:s10], $0x50  }
.LBB2_2:
0x48: {  	s22 =	sshra.s32 s20, $0x2  }
0x49: {  	[sflag:s10] =	ssyncset.done $0x0;
	s21 =	sadd.s32 $0x80, s21;
	p0 =	sne.s32 s20, $0x9B00  }
.Ltmp0:
0x4a: {  	s22 =	sadd.s32 $0x4000, s22;
	[sflag:s10] =	ssyncadd.s32 $0xFFFFFFB0;
	(pc) =	sbr.rel @p0 .LBB2_2-.Ltmp0, $3  }
0x4b: {  	[spmem:s2] =	stream.indirect.scatter.add.f32 [tilespmem:s22], [sflag:$0x1], $0x1, s21, s14, $0xb8;
	[tilespmem:$0x6C80] =	vst v63  }
0x4c: {  	s20 =	sadd.s32 $0x140, s20;
	_ =	sdelay $0x1  }
0x4d: {  	_ =	swait.ge [sflag:s10], $0x50  }
0x4e: {  	[sflag:s10] =	ssyncset.done $0x0;
	s19 =	sadd.s32 $0x1, s19  }
0x4f: {  	[sflag:s10] =	ssyncadd.s32 $0xFFFFFFB0;
	p0 =	sne.s32 s19, s8  }
.Ltmp1:
0x50: {  	[bflag:$0x0] =	sbarrier.arrive $0xFFFF;
	(pc) =	sbr.rel @p0 .LBB2_1-.Ltmp1, $4  }
0x51: {  	[hbm:s7@s17], [sflag:s15] =	dma.strided [spmem:s16@s18], $0x50, s10, $0x10   }
0x52: {  	_ =	swait.ge [sflag:s10], $0x50  }
0x53: {  	[sflag:s10] =	ssyncset.done $0x0  }
0x54: {  	[sflag:s10] =	ssyncadd.s32 $0xFFFFFFB0  }
0x55: {  	_ =	sfence.sel $0x180000  }
0x56: {  	[bflag:$0x0] =	sbarrier.arrive $0xFFFF  }
0x57: {  	p0 =	sne.s32 s1, $0x0;
	_ =	strace $0x90000047  }
0x58: {  	s0 =	sadd.s32 @!p0 $0x100000, s0;
	[bflag:$0x2] =	sbarrier.arrive $0xFFFF  }
0x59: {  	[sflag:s0] =	ssyncadd.tile.s32 @!p0 $0x1;
	_ =	shalt  }
.Lfunc_end2:
_tile_overlayer_lowered:
.L_overlay_start_2:
0x5a: {  	(tag) =	ssettag $0x2  }
0x5b: {  	s0 =	rddreg [dreg:$0x0];
	s2 =	stileid.u32  }
0x5c: {  	s1 =	rddreg [dreg:$0x1];
	p0 =	sne.s32 s2, $0x0  }
0x5d: {  	s3 =	rddreg [dreg:$0x2];
	[bflag:$0x3] =	sbarrier.arrive $0xFFFF;
	s2 =	simm.s32 @!p0 $0x1C01  }
0x5e: {  	[timem:s3], [sflag:s2] =	dma.local @!p0 [hbm:s0], s1  }
0x5f: {  	s0 =	simm.s32 @!p0 $0x1  }
0x60: {  	_ =	swait.ge @!p0 [sflag:s0], s1  }
0x61: {  	s1 =	ssub.s32 @!p0 $0x0, s1;
	[sflag:s0] =	ssyncset.done @!p0 $0x0  }
0x62: {  	[sflag:s0] =	ssyncadd.s32 @!p0 s1  }
0x63: {  	[bflag:$0x3] =	sbarrier.arrive $0xFFFF  }
0x64: {  	_ =	shalt  }

// kernel: kernel.13.cloned.1.call-start
scs
__scs_entry_jumppad:
0x0: {  	(pc) =	sbr.rel $0x88, $3  }
0x1: {  	(tag) =	ssettag $0x0;
	lr =	simm.s32 $0x1  }
0x2: {  	[smem:$0x3F92] =	sst lr;
	_ =	strace $0xD0000000  }
0x3: {  	_ = 	snop  }
0x4: {  	_ = 	snop  }
0x5: {  	_ = 	snop  }
0x6: {  	_ = 	snop  }
0x7: {  	_ = 	snop  }
__scs_overlays_trampoline_lowered:
0x8: {  	[smem:$0x3FA1] =	sst s0  }
0x9: {  	[smem:$0x3FA2] =	sst s1  }
0xa: {  	[smem:$0x3FA3] =	sst s2  }
0xb: {  	[smem:$0x3FA4] =	sst s3  }
0xc: {  	[smem:$0x3FA5] =	sst s4  }
0xd: {  	[smem:$0x3FA6] =	sst s5  }
0xe: {  	[smem:$0x3FA7] =	sst s6  }
0xf: {  	[smem:$0x3FA8] =	sst s7  }
0x10: {  	[smem:$0x3FA9] =	sst s8  }
0x11: {  	[smem:$0x3FAA] =	sst s9;
	s0 =	simm.s32 @!p0 $0x0  }
0x12: {  	s1 =	sld [smem:$0x3F90];
	s0 =	simm.s32 @p0 $0x1  }
0x13: {  	[smem:$0x3FAB] =	sst s0;
	s0 =	simm.s32 @!p1 $0x0  }
0x14: {  	s2 =	sld [smem:$0x3F8F];
	s0 =	simm.s32 @p1 $0x1  }
0x15: {  	[smem:$0x3FAC] =	sst s0;
	s0 =	simm.s32 @!p2 $0x0  }
0x16: {  	s3 =	sld [smem:$0x3FDB];
	s0 =	simm.s32 @p2 $0x1  }
0x17: {  	s4 =	simm.s32 $0x1BF5;
	[smem:$0x3FAE] =	sst s0  }
0x18: {  	s0 =	sld [smem:$0x3F91];
	_ =	swait.ge [sflag:s4], $0x0  }
0x19: {  	s7 =	sld [smem:$0x3F92]  }
0x1a: {  	s8 =	sadd.s32 $0xFFFFE003, lr  }
0x1b: {  	s9 =	sadd.s32 $0xFFFFFEF7, lr;
	s5 =	simm.s32 $0xFFFFFFFF;
	p2 =	slt.u32 s8, $0xFFFFF086  }
0x1c: {  	p1 =	slt.u32 s9, $0xF7A;
	s5 =	simm.s32 @!p2 $0x0  }
0x1d: {  	s5 =	simm.s32 @p1 $0x1;
	p0 =	seq.s32 s7, s2  }
0x1e: {  	s7 =	smul.u32 @!p0 $0xF7A, s2;
	p2 =	seq.s32 @!p0 s5, $0x0  }
0x1f: {  	s9 =	smul.u32 $0xF7A, s1;
	s8 =	simm.s32 @!p0 $0x1BF5;
	p2 =	por !p2, p0  }
0x20: {  	[sflag:s8] =	ssyncset.s32 @!p0 $0xFFFFF086;
	s6 =	sadd.s32 @!p0 s3, s7;
	s7 =	simm.s32 @!p0 $0x108  }
0x21: {  	s3 =	sadd.s32 s3, s9;
	s6 =	sadd.s32 @!p0 $0x88, s6;
	s7 =	simm.s32 @p2 $0x1082  }
0x22: {  	[simem:s7], [sflag:s8] =	dma.local @!p0 [hbm:s6], $0xF7A  }
0x23: {  	s9 =	sor.u32 $0xD0000000, s2;
	s6 =	simm.s32 $0x108;
	_ =	swait.ge @!p0 [sflag:s8], $0x0  }
0x24: {  	s3 =	sadd.s32 $0x88, s3;
	s6 =	simm.s32 @!p1 $0x1082;
	[sflag:s4] =	ssyncset.s32 $0xFFFFF086  }
0x25: {  	[simem:s6], [sflag:s4] =	dma.local [hbm:s3], $0xF7A  }
0x26: {  	[smem:$0x3F92] =	sst s1;
	(tag) =	ssettag s2;
	_ =	strace s9  }
0x27: {  	s1 =	sld [smem:$0x3FA2]  }
0x28: {  	s2 =	sld [smem:$0x3FA3]  }
0x29: {  	s4 =	sld [smem:$0x3FA5]  }
0x2a: {  	p0 =	seq.s32 s5, $0x0;
	s5 =	sld [smem:$0x3FA6]  }
0x2b: {  	s6 =	sld [smem:$0x3FA7]  }
0x2c: {  	s7 =	sld [smem:$0x3FA8]  }
0x2d: {  	s3 =	simm.s32 $0x108;
	s8 =	sld [smem:$0x3FA9]  }
0x2e: {  	s3 =	simm.s32 @!p0 $0x1082;
	s9 =	sld [smem:$0x3FAA]  }
0x2f: {  	lr =	sadd.s32 s0, s3;
	s0 =	sld [smem:$0x3FA1]  }
0x30: {  	s3 =	sld [smem:$0x3FA4]  }
0x31: {  	[smem:$0x3FAD] =	sst s10  }
0x32: {  	s10 =	sld [smem:$0x3FAB];
	_ =	sdelay $0x3  }
0x33: {  	p0 =	seq.s32 s10, $0x1;
	s10 =	sld [smem:$0x3FAD];
	_ =	sdelay $0x3  }
0x34: {  	[smem:$0x3FAD] =	sst s10  }
0x35: {  	s10 =	sld [smem:$0x3FAC];
	_ =	sdelay $0x3  }
0x36: {  	p1 =	seq.s32 s10, $0x1;
	s10 =	sld [smem:$0x3FAD];
	_ =	sdelay $0x3  }
0x37: {  	[smem:$0x3FAD] =	sst s10  }
0x38: {  	s10 =	sld [smem:$0x3FAE]  }
0x39: {  	_ = 	snop;
	(pc) =	sbr.ind lr, $3  }
0x3a: {  	_ = 	snop  }
0x3b: {  	_ = 	snop  }
0x3c: {  	p2 =	seq.s32 s10, $0x1;
	s10 =	sld [smem:$0x3FAD]  }
0x3d: {  	_ =	shalt  }
0x3e: {  	_ =	shalt  }
0x3f: {  	_ =	shalt  }
0x40: {  	_ =	shalt  }
0x41: {  	_ =	shalt  }
0x42: {  	_ =	shalt  }
0x43: {  	_ =	shalt  }
0x44: {  	_ =	shalt  }
0x45: {  	_ =	shalt  }
0x46: {  	_ =	shalt  }
0x47: {  	_ =	shalt  }
0x48: {  	_ =	shalt  }
0x49: {  	_ =	shalt  }
0x4a: {  	_ =	shalt  }
0x4b: {  	_ =	shalt  }
0x4c: {  	_ =	shalt  }
0x4d: {  	_ =	shalt  }
0x4e: {  	_ =	shalt  }
0x4f: {  	_ =	shalt  }
0x50: {  	_ =	shalt  }
0x51: {  	_ =	shalt  }
0x52: {  	_ =	shalt  }
0x53: {  	_ =	shalt  }
0x54: {  	_ =	shalt  }
0x55: {  	_ =	shalt  }
0x56: {  	_ =	shalt  }
0x57: {  	_ =	shalt  }
0x58: {  	_ =	shalt  }
0x59: {  	_ =	shalt  }
0x5a: {  	_ =	shalt  }
0x5b: {  	_ =	shalt  }
0x5c: {  	_ =	shalt  }
0x5d: {  	_ =	shalt  }
0x5e: {  	_ =	shalt  }
0x5f: {  	_ =	shalt  }
0x60: {  	_ =	shalt  }
0x61: {  	_ =	shalt  }
0x62: {  	_ =	shalt  }
0x63: {  	_ =	shalt  }
0x64: {  	_ =	shalt  }
0x65: {  	_ =	shalt  }
0x66: {  	_ =	shalt  }
0x67: {  	_ =	shalt  }
0x68: {  	_ =	shalt  }
0x69: {  	_ =	shalt  }
0x6a: {  	_ =	shalt  }
0x6b: {  	_ =	shalt  }
0x6c: {  	_ =	shalt  }
0x6d: {  	_ =	shalt  }
0x6e: {  	_ =	shalt  }
0x6f: {  	_ =	shalt  }
0x70: {  	_ =	shalt  }
0x71: {  	_ =	shalt  }
0x72: {  	_ =	shalt  }
0x73: {  	_ =	shalt  }
0x74: {  	_ =	shalt  }
0x75: {  	_ =	shalt  }
0x76: {  	_ =	shalt  }
0x77: {  	_ =	shalt  }
0x78: {  	_ =	shalt  }
0x79: {  	_ =	shalt  }
0x7a: {  	_ =	shalt  }
0x7b: {  	_ =	shalt  }
0x7c: {  	_ =	shalt  }
0x7d: {  	_ =	shalt  }
0x7e: {  	_ =	shalt  }
0x7f: {  	_ =	shalt  }
0x80: {  	_ =	shalt  }
0x81: {  	_ =	shalt  }
0x82: {  	_ =	shalt  }
0x83: {  	_ =	shalt  }
0x84: {  	_ =	shalt  }
0x85: {  	_ =	shalt  }
0x86: {  	_ =	shalt  }
0x87: {  	_ =	shalt  }
.Lfunc_end0:
.L_simem_size_0:
called_computation.1_lowered:
.L_overlay_start_0:
0x88: {  	s2 =	sld [smem:$0x3FD9]  }
0x89: {  	s3 =	sld [smem:$0x3FFE];
	_ =	sdelay $0x1  }
0x8a: {  	s1 =	srdreg.scid  }
0x8b: {  	s0 =	sand.u32 $0x1, s1  }
0x8c: {  	s17 =	sshll.u32 s0, $0xA;
	s2 =	sadd.s32 s3, s2  }
0x8d: {  	s2 =	sadd.s32 s2, s17  }
0x8e: {  	[smem:$0x3FB9] =	sst s2  }
0x8f: {  	_ = 	snop  }
0x90: {  	s2 =	sld [smem:$0x3FC7];
	(tm) =	ssettm $0x1  }
0x91: {  	s18 =	sld [smem:$0x3FFB];
	_ =	sdelay $0x3  }
0x92: {  	_ =	strace s18  }
0x93: {  	s3 =	sld [smem:$0x3FFC];
	_ =	sdelay $0x3  }
0x94: {  	_ =	strace s3  }
0x95: {  	s3 =	sld [smem:$0x3FFD];
	_ =	sdelay $0x3  }
0x96: {  	_ =	strace s3  }
0x97: {  	_ =	strace $0x8FFFFFFF  }
0x98: {  	s19 =	sld [smem:$0x3FDB];
	_ =	sdelay $0x1  }
0x99: {  	s4 =	simm.s32 $_scs_section_size  }
0x9a: {  	s5 =	simm.s32 $_size__tile_overlayer_lowered;
	s6 =	simm.s32 $_tile_overlayer_lowered  }
0x9b: {  	s22 =	simm.s32 $0x1BFF;
	s21 =	sshll.u32 s6, $0x1;
	s3 =	sadd.s32 s4, s19  }
0x9c: {  	s7 =	simm.s32 $0x0;
	s20 =	sshll.u32 s5, $0x1;
	s5 =	sadd.s32 s21, s3  }
0x9d: {  	[timem:s7], [sflag:s22] =	dma.local [hbm:s5], s20  }
0x9e: {  	_ =	swait.ge [sflag:s22], s20  }
0x9f: {  	s4 =	ssub.s32 $0x0, s20;
	[sflag:s22] =	ssyncset.done $0x0  }
0xa0: {  	[sflag:s22] =	ssyncadd.s32 s4;
	_ =	sdelay $0x1  }
0xa1: {  	s23 =	simm.s32 $0x1B8B  }
0xa2: {  	_ =	swait.ge [sflag:s23], $0x1  }
0xa3: {  	[sflag:s23] =	ssyncset.done $0x0  }
0xa4: {  	s25 =	simm.s32 $0x1B8E;
	s24 =	sld [smem:$0x3FFE];
	[sflag:s23] =	ssyncadd.s32 $0xFFFFFFFF  }
0xa5: {  	s26 =	simm.s32 $execute0_lowered;
	[smem:$0x3FD2] =	sst s25  }
0xa6: {  	s5 =	sshll.u32 s26, $0x1;
	_ =	strace $0x80000049;
	[dreg:$0x1] =	wrdreg $0xFFFFFFFF  }
0xa7: {  	s28 =	simm.s32 $_size_execute0_lowered;
	s3 =	sadd.s32 s3, s5;
	[dreg:$0x0] =	wrdreg $0x0  }
0xa8: {  	s5 =	sshll.u32 s28, $0x1;
	[dreg:$0x2] =	wrdreg s3  }
0xa9: {  	[dreg:$0x3] =	wrdreg s5  }
0xaa: {  	[dreg:$0x4] =	wrdreg $0xC0  }
0xab: {  	_ =	task [dreg:s7], $0x5FFFF  }
0xac: {  	[dreg:$0x1] =	wrdreg $0xFFFFFFFF  }
0xad: {  	[dreg:$0x0] =	wrdreg $0x60  }
0xae: {  	[dreg:$0x2] =	wrdreg s24  }
0xaf: {  	[dreg:$0x3] =	wrdreg s2  }
0xb0: {  	[dreg:$0x4] =	wrdreg $0x11E600  }
0xb1: {  	[dreg:$0x5] =	wrdreg $0x9  }
0xb2: {  	_ =	task.clear_ibuf [dreg:s7], $0x6FFFF;
	_ =	strace $0x90000049  }
0xb3: {  	s29 =	simm.s32 $0x9;
	_ =	strace $0x8000004B  }
0xb4: {  	_ =	swait.ge [sflag:s29], $0x1  }
0xb5: {  	[sflag:s29] =	ssyncadd.s32 $0xFFFFFFFF  }
0xb6: {  	_ =	strace $0x9000004B  }
0xb7: {  	_ =	sfence  }
0xb8: {  	s30 =	sld [smem:$0x0];
	_ =	sdelay $0x2  }
0xb9: {  	s31 =	sshll.u32 s1, $0xD;
	s1 =	sshrl.u32 s1, $0x2  }
0xba: {  	s3 =	sand.u32 $0x4000, s31;
	s1 =	sadd.s32 s1, s30  }
0xbb: {  	s0 =	sor.u32 s3, s0;
	s1 =	sshll.u32 s1, $0x11  }
0xbc: {  	s0 =	sor.u32 s1, s0  }
0xbd: {  	s0 =	sadd.s32 $0x8F2B, s0  }
0xbe: {  	[sflag:s0] =	ssyncadd.remote.s32 $0x1  }
0xbf: {  	_ =	sfence.sel $0xFFFF  }
0xc0: {  	[dreg:$0x0] =	wrdreg $0xFFFFFFFF;
	(pc) =	sbr.abs _section_cstart, $3  }
0xc1: {  	[dreg:$0x1] =	wrdreg $0xFFFFFFFF  }
0xc2: {  	_ =	task.clear_ibuf [dreg:s7], $0x2FFFF;
	_ =	strace $0x9FFFFFFF  }
0xc3: {  	(tm) =	ssettm $0x7FFFFFFF  }
tec
execute0_lowered:
.L_overlay_start_1:
0x0: {  	(tag) =	ssettag $0x1  }
0x1: {  	s6 =	rddreg [dreg:$0x0]  }
0x2: {  	s12 =	rddreg [dreg:$0x1]  }
0x3: {  	s0 =	srdreg.scid;
	s2 =	rddreg [dreg:$0x2];
	s3 =	simm.s32 $0x0  }
0x4: {  	s16 =	simm.s32 $0x2;
	s5 =	sand.u32 $0x1, s0;
	s0 =	stileid.u32  }
0x5: {  	s17 =	simm.s32 $0x4E20;
	s18 =	simm.s32 $0x50;
	s13 =	smul.u32 $0x9C4, s0  }
0x6: {  	s19 =	simm.s32 $0xEA60;
	s20 =	simm.s32 $0x1;
	s7 =	smul.u32 $0xA000, s0  }
0x7: {  	[smem:$0x7FF] =	sst s3;
	s1 =	sshll.u32 s5, $0x4;
	s8 =	smul.u32 $0xA0000, s5  }
0x8: {  	s9 =	smul.u32 $0x28000, s0;
	s5 =	ssub.s32 $0x2, s5;
	s1 =	sor.u32 s0, s1  }
0x9: {  	s30 =	sshrl.u32 s5, $0x1;
	s4 =	smul.u32 $0x9C4, s1;
	s1 =	rddreg [dreg:$0x3]  }
0xa: {  	_ =	strace $0x8000004A;
	s11 =	sadd.s32 s13, s6;
	s8 =	sadd.s32 s7, s8  }
0xb: {  	s31 =	sshrl.u32 s9, $0x2;
	s15 =	ssub.s32 s5, s30;
	s5 =	sadd.s32 s7, s2  }
0xc: {  	s12 =	sadd.s32 s12, s13;
	s8 =	sshrl.u32 s8, $0x3;
	s9 =	sadd.s32 s31, s2  }
0xd: {  	s11 =	sadd.s32 $0x4800, s11;
	s10 =	sadd.s32 s4, s6;
	s4 =	sadd.s32 $0x3C800, s6  }
0xe: {  	s14 =	sadd.s32 s8, s6;
	s6 =	sadd.s32 $0x2000, s9;
	s7 =	sadd.s32 $0x4000, s9  }
0xf: {  	s8 =	sadd.s32 $0x6000, s9;
	s9 =	sadd.s32 $0x8000, s9;
	s10 =	sadd.s32 $0x28E00, s10  }
0x10: {  	v0 =	vimm.f32 $0.0e+00;
	s13 =	sadd.s32 $0x8AC00, s14;
	s14 =	smax.u32 s15, $0x1;
	s15 =	simm.s32 $0xFE60  }
.LBB2_1:
0x11: {  	s22 =	simm.s32 $0x100;
	s21 =	simm.s32 $0x0  }
.LBB2_2:
0x12: {  	p0 =	sne.s32 s22, $0x7F00;
	[tilespmem:s21+$0xFE90] =	vst v0;
	s23 =	smov.u32 s22;
	s22 =	sadd.s32 $0x100, s22  }
.Ltmp0:
0x13: {  	[tilespmem:s21+$0xFE80] =	vst v0;
	(pc) =	sbr.rel @p0 .LBB2_2-.Ltmp0, $3  }
0x14: {  	[tilespmem:s21+$0xFE60] =	vst v0  }
0x15: {  	[tilespmem:s21+$0xFE70] =	vst v0;
	_ =	sdelay $0x1  }
0x16: {  	s21 =	sshra.s32 s23, $0x2  }
0x17: {  	[tilespmem:s21+$0xFE90] =	vst v0  }
0x18: {  	[tilespmem:s21+$0xFE80] =	vst v0  }
0x19: {  	[tilespmem:s21+$0xFE60] =	vst v0  }
0x1a: {  	[tilespmem:s21+$0xFE70] =	vst v0  }
0x1b: {  	[spmem:s5] =	stream.linear.scatter [tilespmem:s15], [sflag:$0x2], $0x2000, $0x38;
	[tilespmem:$0x1BE60] =	vst v63  }
0x1c: {  	_ =	swait.ge [sflag:s16], $0x2000  }
0x1d: {  	[sflag:s16] =	ssyncset.done $0x0  }
0x1e: {  	[sflag:s16] =	ssyncadd.s32 $0xFFFFE000  }
0x1f: {  	[spmem:s6] =	stream.linear.scatter [tilespmem:s15], [sflag:$0x2], $0x2000, $0x38;
	[tilespmem:$0x1BE60] =	vst v63  }
0x20: {  	_ =	swait.ge [sflag:s16], $0x2000  }
0x21: {  	[sflag:s16] =	ssyncset.done $0x0  }
0x22: {  	[sflag:s16] =	ssyncadd.s32 $0xFFFFE000  }
0x23: {  	[spmem:s7] =	stream.linear.scatter [tilespmem:s15], [sflag:$0x2], $0x2000, $0x38;
	[tilespmem:$0x1BE60] =	vst v63  }
0x24: {  	_ =	swait.ge [sflag:s16], $0x2000  }
0x25: {  	[sflag:s16] =	ssyncset.done $0x0  }
0x26: {  	[sflag:s16] =	ssyncadd.s32 $0xFFFFE000  }
0x27: {  	[spmem:s8] =	stream.linear.scatter [tilespmem:s15], [sflag:$0x2], $0x2000, $0x38;
	[tilespmem:$0x1BE60] =	vst v63  }
0x28: {  	_ =	swait.ge [sflag:s16], $0x2000  }
0x29: {  	[sflag:s16] =	ssyncset.done $0x0  }
0x2a: {  	[sflag:s16] =	ssyncadd.s32 $0xFFFFE000  }
0x2b: {  	[spmem:s9] =	stream.linear.scatter [tilespmem:s15], [sflag:$0x2], $0x2000, $0x38;
	[tilespmem:$0x1BE60] =	vst v63  }
0x2c: {  	_ =	swait.ge [sflag:s16], $0x2000  }
0x2d: {  	[sflag:s16] =	ssyncset.done $0x0  }
0x2e: {  	[sflag:s16] =	ssyncadd.s32 $0xFFFFE000  }
0x2f: {  	s21 =	simm.s32 $0x0;
	[bflag:$0x0] =	sbarrier.arrive $0xFFFF  }
0x30: {  	[tilespmem:s21], [sflag:$0x2] =	stream.linear.gather [hbm4b:s10+s21], $0x4E20, $0x38;
	[tilespmem:$0x1BE60] =	vst v63  }
0x31: {  	_ =	swait.ge [sflag:s16], $0x4E20  }
0x32: {  	[sflag:s16] =	ssyncset.done $0x0  }
0x33: {  	[sflag:s16] =	ssyncadd.s32 $0xFFFFB1E0  }
0x34: {  	[tilespmem:s17], [sflag:$0x2] =	stream.linear.gather [hbm4b:s11+s21], $0x4E20, $0x38;
	[tilespmem:$0x1BE60] =	vst v63  }
0x35: {  	_ =	swait.ge [sflag:s16], $0x4E20  }
0x36: {  	[sflag:s16] =	ssyncset.done $0x0  }
0x37: {  	s22 =	simm.s32 $0x9C40;
	[sflag:s16] =	ssyncadd.s32 $0xFFFFB1E0  }
0x38: {  	[tilespmem:s22], [sflag:$0x2] =	stream.linear.gather [hbm4b:s12+s21], $0x4E20, $0x38;
	[tilespmem:$0x1BE60] =	vst v63  }
0x39: {  	_ =	swait.ge [sflag:s16], $0x4E20  }
0x3a: {  	[sflag:s16] =	ssyncset.done $0x0  }
0x3b: {  	[sflag:s16] =	ssyncadd.s32 $0xFFFFB1E0  }
.LBB2_4:
0x3c: {  	s23 =	smul.u32 $0x50, s21;
	_ =	sdelay $0x1  }
0x3d: {  	v1 =	vmov s22;
	[tilespmem:s19], [sflag:$0x1] =	stream.indirect.gather [hbm4b:s4+s18], $0x40, s23, s18, $0xb8;
	[tilespmem:$0x1BE60] =	vst v63  }
0x3e: {  	_ =	swait.ge [sflag:s20], $0x1400  }
0x3f: {  	[sflag:s20] =	ssyncset.done $0x0  }
0x40: {  	s24 =	simm.s32 $0xEC60;
	s25 =	simm.s32 $0x0;
	[sflag:s20] =	ssyncadd.s32 $0xFFFFEC00  }
.LBB2_5:
0x41: {  	s26 =	sshra.s32 s25, $0x2  }
0x42: {  	v2 =	vld.idx.msk [tilespmem:v1+s26+$0x0 ss:$0x1], $0xffff;
	_ =	sdelay $0x1  }
0x43: {  	v3 =	vld [tilespmem:s24+$0xFFFFFE00];
	_ =	sdelay $0x2  }
0x44: {  	v4 =	vbroadcast v2, $0x0;
	_ =	sdelay $0x1  }
0x45: {  	v3 =	vmul.f32 v4, v3;
	_ =	sdelay $0x1  }
0x46: {  	[tilespmem:s24+$0xFFFFFE00] =	vst v3;
	v3 =	vld [tilespmem:s24+$0xFFFFFE10];
	_ =	sdelay $0x4  }
0x47: {  	v3 =	vmul.f32 v3, v4;
	_ =	sdelay $0x1  }
0x48: {  	[tilespmem:s24+$0xFFFFFE10] =	vst v3;
	v3 =	vld [tilespmem:s24+$0xFFFFFE20];
	_ =	sdelay $0x4  }
0x49: {  	v3 =	vmul.f32 v3, v4;
	_ =	sdelay $0x1  }
0x4a: {  	[tilespmem:s24+$0xFFFFFE20] =	vst v3;
	v3 =	vld [tilespmem:s24+$0xFFFFFE30];
	_ =	sdelay $0x4  }
0x4b: {  	v3 =	vmul.f32 v3, v4;
	_ =	sdelay $0x1  }
0x4c: {  	[tilespmem:s24+$0xFFFFFE30] =	vst v3;
	v3 =	vld [tilespmem:s24+$0xFFFFFE40];
	_ =	sdelay $0x2  }
0x4d: {  	v50 =	vbroadcast v2, $0x1;
	_ =	sdelay $0x1  }
0x4e: {  	v3 =	vmul.f32 v3, v50;
	_ =	sdelay $0x1  }
0x4f: {  	[tilespmem:s24+$0xFFFFFE40] =	vst v3;
	v3 =	vld [tilespmem:s24+$0xFFFFFE50];
	_ =	sdelay $0x4  }
0x50: {  	v3 =	vmul.f32 v3, v50;
	_ =	sdelay $0x1  }
0x51: {  	[tilespmem:s24+$0xFFFFFE50] =	vst v3;
	v3 =	vld [tilespmem:s24+$0xFFFFFE60];
	_ =	sdelay $0x4  }
0x52: {  	v3 =	vmul.f32 v3, v50;
	_ =	sdelay $0x1  }
0x53: {  	[tilespmem:s24+$0xFFFFFE60] =	vst v3;
	v3 =	vld [tilespmem:s24+$0xFFFFFE70];
	_ =	sdelay $0x4  }
0x54: {  	v3 =	vmul.f32 v3, v50;
	_ =	sdelay $0x1  }
0x55: {  	[tilespmem:s24+$0xFFFFFE70] =	vst v3;
	v3 =	vld [tilespmem:s24+$0xFFFFFE80];
	_ =	sdelay $0x2  }
0x56: {  	v51 =	vbroadcast v2, $0x2;
	_ =	sdelay $0x1  }
0x57: {  	v3 =	vmul.f32 v3, v51;
	_ =	sdelay $0x1  }
0x58: {  	[tilespmem:s24+$0xFFFFFE80] =	vst v3;
	v3 =	vld [tilespmem:s24+$0xFFFFFE90];
	_ =	sdelay $0x4  }
0x59: {  	v3 =	vmul.f32 v3, v51;
	_ =	sdelay $0x1  }
0x5a: {  	[tilespmem:s24+$0xFFFFFE90] =	vst v3;
	v3 =	vld [tilespmem:s24+$0xFFFFFEA0];
	_ =	sdelay $0x4  }
0x5b: {  	v3 =	vmul.f32 v3, v51;
	_ =	sdelay $0x1  }
0x5c: {  	[tilespmem:s24+$0xFFFFFEA0] =	vst v3;
	v3 =	vld [tilespmem:s24+$0xFFFFFEB0];
	_ =	sdelay $0x4  }
0x5d: {  	v3 =	vmul.f32 v3, v51;
	_ =	sdelay $0x1  }
0x5e: {  	[tilespmem:s24+$0xFFFFFEB0] =	vst v3;
	v3 =	vld [tilespmem:s24+$0xFFFFFEC0];
	_ =	sdelay $0x2  }
0x5f: {  	v52 =	vbroadcast v2, $0x3;
	_ =	sdelay $0x1  }
0x60: {  	v3 =	vmul.f32 v3, v52;
	_ =	sdelay $0x1  }
0x61: {  	[tilespmem:s24+$0xFFFFFEC0] =	vst v3;
	v3 =	vld [tilespmem:s24+$0xFFFFFED0];
	_ =	sdelay $0x4  }
0x62: {  	v3 =	vmul.f32 v3, v52;
	_ =	sdelay $0x1  }
0x63: {  	[tilespmem:s24+$0xFFFFFED0] =	vst v3;
	v3 =	vld [tilespmem:s24+$0xFFFFFEE0];
	_ =	sdelay $0x4  }
0x64: {  	v3 =	vmul.f32 v3, v52;
	_ =	sdelay $0x1  }
0x65: {  	[tilespmem:s24+$0xFFFFFEE0] =	vst v3;
	v3 =	vld [tilespmem:s24+$0xFFFFFEF0];
	_ =	sdelay $0x4  }
0x66: {  	v3 =	vmul.f32 v3, v52;
	_ =	sdelay $0x1  }
0x67: {  	[tilespmem:s24+$0xFFFFFEF0] =	vst v3;
	v3 =	vld [tilespmem:s24+$0xFFFFFF00];
	_ =	sdelay $0x2  }
0x68: {  	v53 =	vbroadcast v2, $0x4;
	_ =	sdelay $0x1  }
0x69: {  	v3 =	vmul.f32 v3, v53;
	_ =	sdelay $0x1  }
0x6a: {  	[tilespmem:s24+$0xFFFFFF00] =	vst v3;
	v3 =	vld [tilespmem:s24+$0xFFFFFF10];
	_ =	sdelay $0x4  }
0x6b: {  	v3 =	vmul.f32 v3, v53;
	_ =	sdelay $0x1  }
0x6c: {  	[tilespmem:s24+$0xFFFFFF10] =	vst v3;
	v3 =	vld [tilespmem:s24+$0xFFFFFF20];
	_ =	sdelay $0x4  }
0x6d: {  	v3 =	vmul.f32 v3, v53;
	_ =	sdelay $0x1  }
0x6e: {  	[tilespmem:s24+$0xFFFFFF20] =	vst v3;
	v3 =	vld [tilespmem:s24+$0xFFFFFF30];
	_ =	sdelay $0x4  }
0x6f: {  	v3 =	vmul.f32 v3, v53;
	_ =	sdelay $0x1  }
0x70: {  	[tilespmem:s24+$0xFFFFFF30] =	vst v3;
	v3 =	vld [tilespmem:s24+$0xFFFFFF40];
	_ =	sdelay $0x2  }
0x71: {  	v54 =	vbroadcast v2, $0x5;
	_ =	sdelay $0x1  }
0x72: {  	v3 =	vmul.f32 v3, v54;
	_ =	sdelay $0x1  }
0x73: {  	[tilespmem:s24+$0xFFFFFF40] =	vst v3;
	v3 =	vld [tilespmem:s24+$0xFFFFFF50];
	_ =	sdelay $0x4  }
0x74: {  	v3 =	vmul.f32 v3, v54;
	_ =	sdelay $0x1  }
0x75: {  	[tilespmem:s24+$0xFFFFFF50] =	vst v3;
	v3 =	vld [tilespmem:s24+$0xFFFFFF60];
	_ =	sdelay $0x4  }
0x76: {  	v3 =	vmul.f32 v3, v54;
	_ =	sdelay $0x1  }
0x77: {  	[tilespmem:s24+$0xFFFFFF60] =	vst v3;
	v3 =	vld [tilespmem:s24+$0xFFFFFF70];
	_ =	sdelay $0x4  }
0x78: {  	v3 =	vmul.f32 v3, v54;
	_ =	sdelay $0x1  }
0x79: {  	[tilespmem:s24+$0xFFFFFF70] =	vst v3;
	v3 =	vld [tilespmem:s24+$0xFFFFFF80];
	_ =	sdelay $0x2  }
0x7a: {  	v55 =	vbroadcast v2, $0x6;
	_ =	sdelay $0x1  }
0x7b: {  	v3 =	vmul.f32 v3, v55;
	_ =	sdelay $0x1  }
0x7c: {  	[tilespmem:s24+$0xFFFFFF80] =	vst v3;
	v3 =	vld [tilespmem:s24+$0xFFFFFF90];
	_ =	sdelay $0x4  }
0x7d: {  	v3 =	vmul.f32 v3, v55;
	_ =	sdelay $0x1  }
0x7e: {  	[tilespmem:s24+$0xFFFFFF90] =	vst v3;
	v3 =	vld [tilespmem:s24+$0xFFFFFFA0];
	_ =	sdelay $0x4  }
0x7f: {  	v3 =	vmul.f32 v3, v55;
	_ =	sdelay $0x1  }
0x80: {  	[tilespmem:s24+$0xFFFFFFA0] =	vst v3;
	v3 =	vld [tilespmem:s24+$0xFFFFFFB0];
	_ =	sdelay $0x4  }
0x81: {  	v3 =	vmul.f32 v3, v55;
	_ =	sdelay $0x1  }
0x82: {  	[tilespmem:s24+$0xFFFFFFB0] =	vst v3;
	v3 =	vld [tilespmem:s24+$0xFFFFFFC0];
	_ =	sdelay $0x2  }
0x83: {  	v56 =	vbroadcast v2, $0x7;
	_ =	sdelay $0x1  }
0x84: {  	v3 =	vmul.f32 v3, v56;
	_ =	sdelay $0x1  }
0x85: {  	[tilespmem:s24+$0xFFFFFFC0] =	vst v3;
	v3 =	vld [tilespmem:s24+$0xFFFFFFD0];
	_ =	sdelay $0x4  }
0x86: {  	v3 =	vmul.f32 v3, v56;
	_ =	sdelay $0x1  }
0x87: {  	[tilespmem:s24+$0xFFFFFFD0] =	vst v3;
	v3 =	vld [tilespmem:s24+$0xFFFFFFE0];
	_ =	sdelay $0x4  }
0x88: {  	v3 =	vmul.f32 v3, v56;
	_ =	sdelay $0x1  }
0x89: {  	[tilespmem:s24+$0xFFFFFFE0] =	vst v3;
	v3 =	vld [tilespmem:s24+$0xFFFFFFF0];
	_ =	sdelay $0x4  }
0x8a: {  	v3 =	vmul.f32 v3, v56;
	_ =	sdelay $0x1  }
0x8b: {  	[tilespmem:s24+$0xFFFFFFF0] =	vst v3;
	v3 =	vld [tilespmem:s24+$0x0];
	_ =	sdelay $0x2  }
0x8c: {  	v57 =	vbroadcast v2, $0x8;
	_ =	sdelay $0x1  }
0x8d: {  	v3 =	vmul.f32 v3, v57;
	_ =	sdelay $0x1  }
0x8e: {  	[tilespmem:s24+$0x0] =	vst v3;
	v3 =	vld [tilespmem:s24+$0x10];
	_ =	sdelay $0x4  }
0x8f: {  	v3 =	vmul.f32 v3, v57;
	_ =	sdelay $0x1  }
0x90: {  	[tilespmem:s24+$0x10] =	vst v3;
	v3 =	vld [tilespmem:s24+$0x20];
	_ =	sdelay $0x4  }
0x91: {  	v3 =	vmul.f32 v3, v57;
	_ =	sdelay $0x1  }
0x92: {  	[tilespmem:s24+$0x20] =	vst v3;
	v3 =	vld [tilespmem:s24+$0x30];
	_ =	sdelay $0x4  }
0x93: {  	v3 =	vmul.f32 v3, v57;
	_ =	sdelay $0x1  }
0x94: {  	[tilespmem:s24+$0x30] =	vst v3;
	v3 =	vld [tilespmem:s24+$0x40];
	_ =	sdelay $0x2  }
0x95: {  	v58 =	vbroadcast v2, $0x9;
	_ =	sdelay $0x1  }
0x96: {  	v3 =	vmul.f32 v3, v58;
	_ =	sdelay $0x1  }
0x97: {  	[tilespmem:s24+$0x40] =	vst v3;
	v3 =	vld [tilespmem:s24+$0x50];
	_ =	sdelay $0x4  }
0x98: {  	v3 =	vmul.f32 v3, v58;
	_ =	sdelay $0x1  }
0x99: {  	[tilespmem:s24+$0x50] =	vst v3;
	v3 =	vld [tilespmem:s24+$0x60];
	_ =	sdelay $0x4  }
0x9a: {  	v3 =	vmul.f32 v3, v58;
	_ =	sdelay $0x1  }
0x9b: {  	[tilespmem:s24+$0x60] =	vst v3;
	v3 =	vld [tilespmem:s24+$0x70];
	_ =	sdelay $0x4  }
0x9c: {  	v3 =	vmul.f32 v3, v58;
	_ =	sdelay $0x1  }
0x9d: {  	[tilespmem:s24+$0x70] =	vst v3;
	v3 =	vld [tilespmem:s24+$0x80];
	_ =	sdelay $0x2  }
0x9e: {  	v59 =	vbroadcast v2, $0xA;
	_ =	sdelay $0x1  }
0x9f: {  	v3 =	vmul.f32 v3, v59;
	_ =	sdelay $0x1  }
0xa0: {  	[tilespmem:s24+$0x80] =	vst v3;
	v3 =	vld [tilespmem:s24+$0x90];
	_ =	sdelay $0x4  }
0xa1: {  	v3 =	vmul.f32 v3, v59;
	_ =	sdelay $0x1  }
0xa2: {  	[tilespmem:s24+$0x90] =	vst v3;
	v3 =	vld [tilespmem:s24+$0xA0];
	_ =	sdelay $0x4  }
0xa3: {  	v3 =	vmul.f32 v3, v59;
	_ =	sdelay $0x1  }
0xa4: {  	[tilespmem:s24+$0xA0] =	vst v3;
	v3 =	vld [tilespmem:s24+$0xB0];
	_ =	sdelay $0x4  }
0xa5: {  	v3 =	vmul.f32 v3, v59;
	_ =	sdelay $0x1  }
0xa6: {  	[tilespmem:s24+$0xB0] =	vst v3;
	v3 =	vld [tilespmem:s24+$0xC0];
	_ =	sdelay $0x2  }
0xa7: {  	v60 =	vbroadcast v2, $0xB;
	_ =	sdelay $0x1  }
0xa8: {  	v3 =	vmul.f32 v3, v60;
	_ =	sdelay $0x1  }
0xa9: {  	[tilespmem:s24+$0xC0] =	vst v3;
	v3 =	vld [tilespmem:s24+$0xD0];
	_ =	sdelay $0x4  }
0xaa: {  	v3 =	vmul.f32 v3, v60;
	_ =	sdelay $0x1  }
0xab: {  	[tilespmem:s24+$0xD0] =	vst v3;
	v3 =	vld [tilespmem:s24+$0xE0];
	_ =	sdelay $0x4  }
0xac: {  	v3 =	vmul.f32 v3, v60;
	_ =	sdelay $0x1  }
0xad: {  	[tilespmem:s24+$0xE0] =	vst v3;
	v3 =	vld [tilespmem:s24+$0xF0];
	_ =	sdelay $0x4  }
0xae: {  	v3 =	vmul.f32 v3, v60;
	_ =	sdelay $0x1  }
0xaf: {  	[tilespmem:s24+$0xF0] =	vst v3;
	v3 =	vld [tilespmem:s24+$0x100];
	_ =	sdelay $0x2  }
0xb0: {  	v61 =	vbroadcast v2, $0xC;
	_ =	sdelay $0x1  }
0xb1: {  	v3 =	vmul.f32 v3, v61;
	_ =	sdelay $0x1  }
0xb2: {  	[tilespmem:s24+$0x100] =	vst v3;
	v3 =	vld [tilespmem:s24+$0x110];
	_ =	sdelay $0x4  }
0xb3: {  	v3 =	vmul.f32 v3, v61;
	_ =	sdelay $0x1  }
0xb4: {  	[tilespmem:s24+$0x110] =	vst v3;
	v3 =	vld [tilespmem:s24+$0x120];
	_ =	sdelay $0x4  }
0xb5: {  	v3 =	vmul.f32 v3, v61;
	_ =	sdelay $0x1  }
0xb6: {  	[tilespmem:s24+$0x120] =	vst v3;
	v3 =	vld [tilespmem:s24+$0x130];
	_ =	sdelay $0x4  }
0xb7: {  	v3 =	vmul.f32 v3, v61;
	_ =	sdelay $0x1  }
0xb8: {  	[tilespmem:s24+$0x130] =	vst v3;
	v3 =	vld [tilespmem:s24+$0x140];
	_ =	sdelay $0x2  }
0xb9: {  	v62 =	vbroadcast v2, $0xD;
	_ =	sdelay $0x1  }
0xba: {  	v3 =	vmul.f32 v3, v62;
	_ =	sdelay $0x1  }
0xbb: {  	[tilespmem:s24+$0x140] =	vst v3;
	v3 =	vld [tilespmem:s24+$0x150];
	_ =	sdelay $0x4  }
0xbc: {  	v3 =	vmul.f32 v3, v62;
	_ =	sdelay $0x1  }
0xbd: {  	[tilespmem:s24+$0x150] =	vst v3;
	v3 =	vld [tilespmem:s24+$0x160];
	_ =	sdelay $0x4  }
0xbe: {  	v3 =	vmul.f32 v3, v62;
	_ =	sdelay $0x1  }
0xbf: {  	[tilespmem:s24+$0x160] =	vst v3;
	v3 =	vld [tilespmem:s24+$0x170];
	_ =	sdelay $0x4  }
0xc0: {  	v3 =	vmul.f32 v3, v62;
	_ =	sdelay $0x1  }
0xc1: {  	[tilespmem:s24+$0x170] =	vst v3;
	v3 =	vld [tilespmem:s24+$0x180];
	_ =	sdelay $0x2  }
0xc2: {  	v63 =	vbroadcast v2, $0xE;
	_ =	sdelay $0x1  }
0xc3: {  	v3 =	vmul.f32 v3, v63;
	_ =	sdelay $0x1  }
0xc4: {  	[tilespmem:s24+$0x180] =	vst v3;
	v3 =	vld [tilespmem:s24+$0x190];
	_ =	sdelay $0x4  }
0xc5: {  	v3 =	vmul.f32 v3, v63;
	_ =	sdelay $0x1  }
0xc6: {  	[tilespmem:s24+$0x190] =	vst v3;
	v3 =	vld [tilespmem:s24+$0x1A0];
	_ =	sdelay $0x4  }
0xc7: {  	v3 =	vmul.f32 v3, v63;
	_ =	sdelay $0x1  }
0xc8: {  	[tilespmem:s24+$0x1A0] =	vst v3;
	v3 =	vld [tilespmem:s24+$0x1B0];
	_ =	sdelay $0x4  }
0xc9: {  	v3 =	vmul.f32 v3, v63;
	_ =	sdelay $0x1  }
0xca: {  	[tilespmem:s24+$0x1B0] =	vst v3;
	v3 =	vld [tilespmem:s24+$0x1C0];
	_ =	sdelay $0x2  }
0xcb: {  	v2 =	vbroadcast v2, $0xF;
	_ =	sdelay $0x1  }
0xcc: {  	v3 =	vmul.f32 v3, v2;
	_ =	sdelay $0x1  }
0xcd: {  	[tilespmem:s24+$0x1C0] =	vst v3;
	v3 =	vld [tilespmem:s24+$0x1D0];
	_ =	sdelay $0x4  }
0xce: {  	v3 =	vmul.f32 v3, v2;
	_ =	sdelay $0x1  }
0xcf: {  	[tilespmem:s24+$0x1D0] =	vst v3;
	v3 =	vld [tilespmem:s24+$0x1E0];
	_ =	sdelay $0x4  }
0xd0: {  	v3 =	vmul.f32 v3, v2;
	_ =	sdelay $0x1  }
0xd1: {  	[tilespmem:s24+$0x1E0] =	vst v3;
	v3 =	vld [tilespmem:s24+$0x1F0];
	_ =	sdelay $0x1  }
0xd2: {  	p0 =	sne.s32 s25, $0x100  }
.Ltmp1:
0xd3: {  	_ = 	snop;
	(pc) =	sbr.rel @p0 .LBB2_5-.Ltmp1, $3  }
0xd4: {  	_ = 	snop  }
0xd5: {  	v2 =	vmul.f32 v3, v2;
	_ =	sdelay $0x1  }
0xd6: {  	s25 =	sadd.s32 $0x40, s25;
	[tilespmem:s24+$0x1F0] =	vst v2;
	s24 =	sadd.s32 $0x400, s24  }
0xd7: {  	s21 =	sadd.s32 $0x1, s21  }
0xd8: {  	p0 =	sne.s32 s21, $0xFA  }
.Ltmp2:
0xd9: {  	s23 =	sadd.s32 $0x4E20, s23;
	(pc) =	sbr.rel @p0 .LBB2_4-.Ltmp2, $4  }
0xda: {  	[spmem:s2] =	stream.indirect.scatter.add.f32 [tilespmem:s19], [sflag:$0x2], $0x40, s23, s18, $0xb8;
	[tilespmem:$0x1BE60] =	vst v63  }
0xdb: {  	_ =	swait.ge [sflag:s16], $0x1400  }
0xdc: {  	[sflag:s16] =	ssyncset.done $0x0  }
0xdd: {  	s22 =	sadd.s32 $0x50, s22;
	[sflag:s16] =	ssyncadd.s32 $0xFFFFEC00  }
0xde: {  	s3 =	sadd.s32 $0x1, s3  }
0xdf: {  	s21 =	sshll.u32 s0, $0x6;
	[bflag:$0x0] =	sbarrier.arrive $0xFFFF;
	p0 =	sne.s32 s3, s14  }
.Ltmp3:
0xe0: {  	s22 =	sshrl.u32 s5, $0x3;
	s21 =	sor.u32 $0x1C02, s21;
	(pc) =	sbr.rel @p0 .LBB2_1-.Ltmp3, $4  }
0xe1: {  	[hbm:s13], [sflag:s21] =	dma.local [spmem:s22], $0x1400  }
0xe2: {  	_ =	swait.ge [sflag:s16], $0x1400  }
0xe3: {  	[sflag:s16] =	ssyncset.done $0x0  }
0xe4: {  	[sflag:s16] =	ssyncadd.s32 $0xFFFFEC00  }
0xe5: {  	_ =	sfence.sel $0x180000  }
0xe6: {  	[bflag:$0x0] =	sbarrier.arrive $0xFFFF  }
0xe7: {  	p0 =	sne.s32 s0, $0x0;
	_ =	strace $0x9000004A  }
0xe8: {  	s0 =	sadd.s32 @!p0 $0x100000, s1;
	[bflag:$0x2] =	sbarrier.arrive $0xFFFF  }
0xe9: {  	[sflag:s0] =	ssyncadd.tile.s32 @!p0 $0x1;
	_ =	shalt  }
.Lfunc_end2:
_tile_overlayer_lowered:
.L_overlay_start_2:
0xea: {  	(tag) =	ssettag $0x2  }
0xeb: {  	s0 =	rddreg [dreg:$0x0];
	s2 =	stileid.u32  }
0xec: {  	s1 =	rddreg [dreg:$0x1];
	p0 =	sne.s32 s2, $0x0  }
0xed: {  	s3 =	rddreg [dreg:$0x2];
	[bflag:$0x3] =	sbarrier.arrive $0xFFFF;
	s2 =	simm.s32 @!p0 $0x1C02  }
0xee: {  	[timem:s3], [sflag:s2] =	dma.local @!p0 [hbm:s0], s1  }
0xef: {  	s0 =	simm.s32 @!p0 $0x2  }
0xf0: {  	_ =	swait.ge @!p0 [sflag:s0], s1  }
0xf1: {  	s1 =	ssub.s32 @!p0 $0x0, s1;
	[sflag:s0] =	ssyncset.done @!p0 $0x0  }
0xf2: {  	[sflag:s0] =	ssyncadd.s32 @!p0 s1  }
0xf3: {  	[bflag:$0x3] =	sbarrier.arrive $0xFFFF  }
0xf4: {  	_ =	shalt  }

// kernel: kernel.16.cloned.1.call-start
scs
__scs_entry_jumppad:
0x0: {  	(pc) =	sbr.rel $0x88, $3  }
0x1: {  	(tag) =	ssettag $0x0;
	lr =	simm.s32 $0x1  }
0x2: {  	[smem:$0x3F92] =	sst lr;
	_ =	strace $0xD0000000  }
0x3: {  	_ = 	snop  }
0x4: {  	_ = 	snop  }
0x5: {  	_ = 	snop  }
0x6: {  	_ = 	snop  }
0x7: {  	_ = 	snop  }
__scs_overlays_trampoline_lowered:
0x8: {  	[smem:$0x3FA1] =	sst s0  }
0x9: {  	[smem:$0x3FA2] =	sst s1  }
0xa: {  	[smem:$0x3FA3] =	sst s2  }
0xb: {  	[smem:$0x3FA4] =	sst s3  }
0xc: {  	[smem:$0x3FA5] =	sst s4  }
0xd: {  	[smem:$0x3FA6] =	sst s5  }
0xe: {  	[smem:$0x3FA7] =	sst s6  }
0xf: {  	[smem:$0x3FA8] =	sst s7  }
0x10: {  	[smem:$0x3FA9] =	sst s8  }
0x11: {  	[smem:$0x3FAA] =	sst s9;
	s0 =	simm.s32 @!p0 $0x0  }
0x12: {  	s1 =	sld [smem:$0x3F90];
	s0 =	simm.s32 @p0 $0x1  }
0x13: {  	[smem:$0x3FAB] =	sst s0;
	s0 =	simm.s32 @!p1 $0x0  }
0x14: {  	s2 =	sld [smem:$0x3F8F];
	s0 =	simm.s32 @p1 $0x1  }
0x15: {  	[smem:$0x3FAC] =	sst s0;
	s0 =	simm.s32 @!p2 $0x0  }
0x16: {  	s3 =	sld [smem:$0x3FDB];
	s0 =	simm.s32 @p2 $0x1  }
0x17: {  	s4 =	simm.s32 $0x1BF5;
	[smem:$0x3FAE] =	sst s0  }
0x18: {  	s0 =	sld [smem:$0x3F91];
	_ =	swait.ge [sflag:s4], $0x0  }
0x19: {  	s7 =	sld [smem:$0x3F92]  }
0x1a: {  	s8 =	sadd.s32 $0xFFFFE003, lr  }
0x1b: {  	s9 =	sadd.s32 $0xFFFFFEF7, lr;
	s5 =	simm.s32 $0xFFFFFFFF;
	p2 =	slt.u32 s8, $0xFFFFF086  }
0x1c: {  	p1 =	slt.u32 s9, $0xF7A;
	s5 =	simm.s32 @!p2 $0x0  }
0x1d: {  	s5 =	simm.s32 @p1 $0x1;
	p0 =	seq.s32 s7, s2  }
0x1e: {  	s7 =	smul.u32 @!p0 $0xF7A, s2;
	p2 =	seq.s32 @!p0 s5, $0x0  }
0x1f: {  	s9 =	smul.u32 $0xF7A, s1;
	s8 =	simm.s32 @!p0 $0x1BF5;
	p2 =	por !p2, p0  }
0x20: {  	[sflag:s8] =	ssyncset.s32 @!p0 $0xFFFFF086;
	s6 =	sadd.s32 @!p0 s3, s7;
	s7 =	simm.s32 @!p0 $0x108  }
0x21: {  	s3 =	sadd.s32 s3, s9;
	s6 =	sadd.s32 @!p0 $0x88, s6;
	s7 =	simm.s32 @p2 $0x1082  }
0x22: {  	[simem:s7], [sflag:s8] =	dma.local @!p0 [hbm:s6], $0xF7A  }
0x23: {  	s9 =	sor.u32 $0xD0000000, s2;
	s6 =	simm.s32 $0x108;
	_ =	swait.ge @!p0 [sflag:s8], $0x0  }
0x24: {  	s3 =	sadd.s32 $0x88, s3;
	s6 =	simm.s32 @!p1 $0x1082;
	[sflag:s4] =	ssyncset.s32 $0xFFFFF086  }
0x25: {  	[simem:s6], [sflag:s4] =	dma.local [hbm:s3], $0xF7A  }
0x26: {  	[smem:$0x3F92] =	sst s1;
	(tag) =	ssettag s2;
	_ =	strace s9  }
0x27: {  	s1 =	sld [smem:$0x3FA2]  }
0x28: {  	s2 =	sld [smem:$0x3FA3]  }
0x29: {  	s4 =	sld [smem:$0x3FA5]  }
0x2a: {  	p0 =	seq.s32 s5, $0x0;
	s5 =	sld [smem:$0x3FA6]  }
0x2b: {  	s6 =	sld [smem:$0x3FA7]  }
0x2c: {  	s7 =	sld [smem:$0x3FA8]  }
0x2d: {  	s3 =	simm.s32 $0x108;
	s8 =	sld [smem:$0x3FA9]  }
0x2e: {  	s3 =	simm.s32 @!p0 $0x1082;
	s9 =	sld [smem:$0x3FAA]  }
0x2f: {  	lr =	sadd.s32 s0, s3;
	s0 =	sld [smem:$0x3FA1]  }
0x30: {  	s3 =	sld [smem:$0x3FA4]  }
0x31: {  	[smem:$0x3FAD] =	sst s10  }
0x32: {  	s10 =	sld [smem:$0x3FAB];
	_ =	sdelay $0x3  }
0x33: {  	p0 =	seq.s32 s10, $0x1;
	s10 =	sld [smem:$0x3FAD];
	_ =	sdelay $0x3  }
0x34: {  	[smem:$0x3FAD] =	sst s10  }
0x35: {  	s10 =	sld [smem:$0x3FAC];
	_ =	sdelay $0x3  }
0x36: {  	p1 =	seq.s32 s10, $0x1;
	s10 =	sld [smem:$0x3FAD];
	_ =	sdelay $0x3  }
0x37: {  	[smem:$0x3FAD] =	sst s10  }
0x38: {  	s10 =	sld [smem:$0x3FAE]  }
0x39: {  	_ = 	snop;
	(pc) =	sbr.ind lr, $3  }
0x3a: {  	_ = 	snop  }
0x3b: {  	_ = 	snop  }
0x3c: {  	p2 =	seq.s32 s10, $0x1;
	s10 =	sld [smem:$0x3FAD]  }
0x3d: {  	_ =	shalt  }
0x3e: {  	_ =	shalt  }
0x3f: {  	_ =	shalt  }
0x40: {  	_ =	shalt  }
0x41: {  	_ =	shalt  }
0x42: {  	_ =	shalt  }
0x43: {  	_ =	shalt  }
0x44: {  	_ =	shalt  }
0x45: {  	_ =	shalt  }
0x46: {  	_ =	shalt  }
0x47: {  	_ =	shalt  }
0x48: {  	_ =	shalt  }
0x49: {  	_ =	shalt  }
0x4a: {  	_ =	shalt  }
0x4b: {  	_ =	shalt  }
0x4c: {  	_ =	shalt  }
0x4d: {  	_ =	shalt  }
0x4e: {  	_ =	shalt  }
0x4f: {  	_ =	shalt  }
0x50: {  	_ =	shalt  }
0x51: {  	_ =	shalt  }
0x52: {  	_ =	shalt  }
0x53: {  	_ =	shalt  }
0x54: {  	_ =	shalt  }
0x55: {  	_ =	shalt  }
0x56: {  	_ =	shalt  }
0x57: {  	_ =	shalt  }
0x58: {  	_ =	shalt  }
0x59: {  	_ =	shalt  }
0x5a: {  	_ =	shalt  }
0x5b: {  	_ =	shalt  }
0x5c: {  	_ =	shalt  }
0x5d: {  	_ =	shalt  }
0x5e: {  	_ =	shalt  }
0x5f: {  	_ =	shalt  }
0x60: {  	_ =	shalt  }
0x61: {  	_ =	shalt  }
0x62: {  	_ =	shalt  }
0x63: {  	_ =	shalt  }
0x64: {  	_ =	shalt  }
0x65: {  	_ =	shalt  }
0x66: {  	_ =	shalt  }
0x67: {  	_ =	shalt  }
0x68: {  	_ =	shalt  }
0x69: {  	_ =	shalt  }
0x6a: {  	_ =	shalt  }
0x6b: {  	_ =	shalt  }
0x6c: {  	_ =	shalt  }
0x6d: {  	_ =	shalt  }
0x6e: {  	_ =	shalt  }
0x6f: {  	_ =	shalt  }
0x70: {  	_ =	shalt  }
0x71: {  	_ =	shalt  }
0x72: {  	_ =	shalt  }
0x73: {  	_ =	shalt  }
0x74: {  	_ =	shalt  }
0x75: {  	_ =	shalt  }
0x76: {  	_ =	shalt  }
0x77: {  	_ =	shalt  }
0x78: {  	_ =	shalt  }
0x79: {  	_ =	shalt  }
0x7a: {  	_ =	shalt  }
0x7b: {  	_ =	shalt  }
0x7c: {  	_ =	shalt  }
0x7d: {  	_ =	shalt  }
0x7e: {  	_ =	shalt  }
0x7f: {  	_ =	shalt  }
0x80: {  	_ =	shalt  }
0x81: {  	_ =	shalt  }
0x82: {  	_ =	shalt  }
0x83: {  	_ =	shalt  }
0x84: {  	_ =	shalt  }
0x85: {  	_ =	shalt  }
0x86: {  	_ =	shalt  }
0x87: {  	_ =	shalt  }
.Lfunc_end0:
.L_simem_size_0:
called_computation.2_lowered:
.L_overlay_start_0:
0x88: {  	s2 =	sld [smem:$0x3FD9]  }
0x89: {  	s3 =	sld [smem:$0x3FFE];
	_ =	sdelay $0x1  }
0x8a: {  	s1 =	srdreg.scid  }
0x8b: {  	s0 =	sand.u32 $0x1, s1  }
0x8c: {  	s17 =	sshll.u32 s0, $0xA;
	s2 =	sadd.s32 s3, s2  }
0x8d: {  	s2 =	sadd.s32 s2, s17  }
0x8e: {  	[smem:$0x3FB9] =	sst s2  }
0x8f: {  	_ = 	snop  }
0x90: {  	s2 =	sld [smem:$0x3FC7];
	(tm) =	ssettm $0x1  }
0x91: {  	s18 =	sld [smem:$0x3FFB];
	_ =	sdelay $0x3  }
0x92: {  	_ =	strace s18  }
0x93: {  	s3 =	sld [smem:$0x3FFC];
	_ =	sdelay $0x3  }
0x94: {  	_ =	strace s3  }
0x95: {  	s3 =	sld [smem:$0x3FFD];
	_ =	sdelay $0x3  }
0x96: {  	_ =	strace s3  }
0x97: {  	_ =	strace $0x8FFFFFFF  }
0x98: {  	s19 =	sld [smem:$0x3FDB];
	_ =	sdelay $0x1  }
0x99: {  	s4 =	simm.s32 $_scs_section_size  }
0x9a: {  	s5 =	simm.s32 $_size__tile_overlayer_lowered;
	s6 =	simm.s32 $_tile_overlayer_lowered  }
0x9b: {  	s22 =	simm.s32 $0x1BFF;
	s21 =	sshll.u32 s6, $0x1;
	s3 =	sadd.s32 s4, s19  }
0x9c: {  	s7 =	simm.s32 $0x0;
	s20 =	sshll.u32 s5, $0x1;
	s5 =	sadd.s32 s21, s3  }
0x9d: {  	[timem:s7], [sflag:s22] =	dma.local [hbm:s5], s20  }
0x9e: {  	_ =	swait.ge [sflag:s22], s20  }
0x9f: {  	s4 =	ssub.s32 $0x0, s20;
	[sflag:s22] =	ssyncset.done $0x0  }
0xa0: {  	[sflag:s22] =	ssyncadd.s32 s4;
	_ =	sdelay $0x1  }
0xa1: {  	s23 =	simm.s32 $0x1B8B  }
0xa2: {  	_ =	swait.ge [sflag:s23], $0x1  }
0xa3: {  	[sflag:s23] =	ssyncset.done $0x0  }
0xa4: {  	s25 =	simm.s32 $0x1B8E;
	s24 =	sld [smem:$0x3FFE];
	[sflag:s23] =	ssyncadd.s32 $0xFFFFFFFF  }
0xa5: {  	s26 =	simm.s32 $execute0_lowered;
	[smem:$0x3FD2] =	sst s25  }
0xa6: {  	s5 =	sshll.u32 s26, $0x1;
	_ =	strace $0x8000004C;
	[dreg:$0x1] =	wrdreg $0xFFFFFFFF  }
0xa7: {  	s28 =	simm.s32 $_size_execute0_lowered;
	s3 =	sadd.s32 s3, s5;
	[dreg:$0x0] =	wrdreg $0x0  }
0xa8: {  	s5 =	sshll.u32 s28, $0x1;
	[dreg:$0x2] =	wrdreg s3  }
0xa9: {  	[dreg:$0x3] =	wrdreg s5  }
0xaa: {  	[dreg:$0x4] =	wrdreg $0xC0  }
0xab: {  	_ =	task [dreg:s7], $0x5FFFF  }
0xac: {  	[dreg:$0x1] =	wrdreg $0xFFFFFFFF  }
0xad: {  	[dreg:$0x0] =	wrdreg $0x60  }
0xae: {  	[dreg:$0x2] =	wrdreg s24  }
0xaf: {  	[dreg:$0x3] =	wrdreg s2  }
0xb0: {  	[dreg:$0x4] =	wrdreg $0x11E600  }
0xb1: {  	[dreg:$0x5] =	wrdreg $0x9  }
0xb2: {  	_ =	task.clear_ibuf [dreg:s7], $0x6FFFF;
	_ =	strace $0x9000004C  }
0xb3: {  	s29 =	simm.s32 $0x9;
	_ =	strace $0x8000004E  }
0xb4: {  	_ =	swait.ge [sflag:s29], $0x1  }
0xb5: {  	[sflag:s29] =	ssyncadd.s32 $0xFFFFFFFF  }
0xb6: {  	_ =	strace $0x9000004E  }
0xb7: {  	_ =	sfence  }
0xb8: {  	s30 =	sld [smem:$0x0];
	_ =	sdelay $0x2  }
0xb9: {  	s31 =	sshll.u32 s1, $0xD;
	s1 =	sshrl.u32 s1, $0x2  }
0xba: {  	s3 =	sand.u32 $0x4000, s31;
	s1 =	sadd.s32 s1, s30  }
0xbb: {  	s0 =	sor.u32 s3, s0;
	s1 =	sshll.u32 s1, $0x11  }
0xbc: {  	s0 =	sor.u32 s1, s0  }
0xbd: {  	s0 =	sadd.s32 $0x8F2B, s0  }
0xbe: {  	[sflag:s0] =	ssyncadd.remote.s32 $0x1  }
0xbf: {  	_ =	sfence.sel $0xFFFF  }
0xc0: {  	[dreg:$0x0] =	wrdreg $0xFFFFFFFF;
	(pc) =	sbr.abs _section_cstart, $3  }
0xc1: {  	[dreg:$0x1] =	wrdreg $0xFFFFFFFF  }
0xc2: {  	_ =	task.clear_ibuf [dreg:s7], $0x2FFFF;
	_ =	strace $0x9FFFFFFF  }
0xc3: {  	(tm) =	ssettm $0x7FFFFFFF  }
tec
execute0_lowered:
.L_overlay_start_1:
0x0: {  	(tag) =	ssettag $0x1  }
0x1: {  	s6 =	rddreg [dreg:$0x0]  }
0x2: {  	s12 =	rddreg [dreg:$0x1]  }
0x3: {  	s0 =	srdreg.scid;
	s2 =	rddreg [dreg:$0x2];
	s3 =	simm.s32 $0x0  }
0x4: {  	s16 =	simm.s32 $0x2;
	s5 =	sand.u32 $0x1, s0;
	s0 =	stileid.u32  }
0x5: {  	s17 =	simm.s32 $0x4E20;
	s18 =	simm.s32 $0x50;
	s13 =	smul.u32 $0x9C4, s0  }
0x6: {  	s19 =	simm.s32 $0xEA60;
	s20 =	simm.s32 $0x1;
	s7 =	smul.u32 $0xA000, s0  }
0x7: {  	[smem:$0x7FF] =	sst s3;
	s1 =	sshll.u32 s5, $0x4;
	s8 =	smul.u32 $0xA0000, s5  }
0x8: {  	s9 =	smul.u32 $0x28000, s0;
	s5 =	ssub.s32 $0x2, s5;
	s1 =	sor.u32 s0, s1  }
0x9: {  	s30 =	sshrl.u32 s5, $0x1;
	s4 =	smul.u32 $0x9C4, s1;
	s1 =	rddreg [dreg:$0x3]  }
0xa: {  	_ =	strace $0x8000004D;
	s11 =	sadd.s32 s13, s6;
	s8 =	sadd.s32 s7, s8  }
0xb: {  	s31 =	sshrl.u32 s9, $0x2;
	s15 =	ssub.s32 s5, s30;
	s5 =	sadd.s32 s7, s2  }
0xc: {  	s12 =	sadd.s32 s12, s13;
	s8 =	sshrl.u32 s8, $0x3;
	s9 =	sadd.s32 s31, s2  }
0xd: {  	s11 =	sadd.s32 $0x4800, s11;
	s10 =	sadd.s32 s4, s6;
	s4 =	sadd.s32 $0x3C800, s6  }
0xe: {  	s14 =	sadd.s32 s8, s6;
	s6 =	sadd.s32 $0x2000, s9;
	s7 =	sadd.s32 $0x4000, s9  }
0xf: {  	s8 =	sadd.s32 $0x6000, s9;
	s9 =	sadd.s32 $0x8000, s9;
	s10 =	sadd.s32 $0x28E00, s10  }
0x10: {  	v0 =	vimm.f32 $0.0e+00;
	s13 =	sadd.s32 $0xB1E00, s14;
	s14 =	smax.u32 s15, $0x1;
	s15 =	simm.s32 $0xFE60  }
.LBB2_1:
0x11: {  	s22 =	simm.s32 $0x100;
	s21 =	simm.s32 $0x0  }
.LBB2_2:
0x12: {  	p0 =	sne.s32 s22, $0x7F00;
	[tilespmem:s21+$0xFE90] =	vst v0;
	s23 =	smov.u32 s22;
	s22 =	sadd.s32 $0x100, s22  }
.Ltmp0:
0x13: {  	[tilespmem:s21+$0xFE80] =	vst v0;
	(pc) =	sbr.rel @p0 .LBB2_2-.Ltmp0, $3  }
0x14: {  	[tilespmem:s21+$0xFE60] =	vst v0  }
0x15: {  	[tilespmem:s21+$0xFE70] =	vst v0;
	_ =	sdelay $0x1  }
0x16: {  	s21 =	sshra.s32 s23, $0x2  }
0x17: {  	[tilespmem:s21+$0xFE90] =	vst v0  }
0x18: {  	[tilespmem:s21+$0xFE80] =	vst v0  }
0x19: {  	[tilespmem:s21+$0xFE60] =	vst v0  }
0x1a: {  	[tilespmem:s21+$0xFE70] =	vst v0  }
0x1b: {  	[spmem:s5] =	stream.linear.scatter [tilespmem:s15], [sflag:$0x2], $0x2000, $0x38;
	[tilespmem:$0x1BE60] =	vst v63  }
0x1c: {  	_ =	swait.ge [sflag:s16], $0x2000  }
0x1d: {  	[sflag:s16] =	ssyncset.done $0x0  }
0x1e: {  	[sflag:s16] =	ssyncadd.s32 $0xFFFFE000  }
0x1f: {  	[spmem:s6] =	stream.linear.scatter [tilespmem:s15], [sflag:$0x2], $0x2000, $0x38;
	[tilespmem:$0x1BE60] =	vst v63  }
0x20: {  	_ =	swait.ge [sflag:s16], $0x2000  }
0x21: {  	[sflag:s16] =	ssyncset.done $0x0  }
0x22: {  	[sflag:s16] =	ssyncadd.s32 $0xFFFFE000  }
0x23: {  	[spmem:s7] =	stream.linear.scatter [tilespmem:s15], [sflag:$0x2], $0x2000, $0x38;
	[tilespmem:$0x1BE60] =	vst v63  }
0x24: {  	_ =	swait.ge [sflag:s16], $0x2000  }
0x25: {  	[sflag:s16] =	ssyncset.done $0x0  }
0x26: {  	[sflag:s16] =	ssyncadd.s32 $0xFFFFE000  }
0x27: {  	[spmem:s8] =	stream.linear.scatter [tilespmem:s15], [sflag:$0x2], $0x2000, $0x38;
	[tilespmem:$0x1BE60] =	vst v63  }
0x28: {  	_ =	swait.ge [sflag:s16], $0x2000  }
0x29: {  	[sflag:s16] =	ssyncset.done $0x0  }
0x2a: {  	[sflag:s16] =	ssyncadd.s32 $0xFFFFE000  }
0x2b: {  	[spmem:s9] =	stream.linear.scatter [tilespmem:s15], [sflag:$0x2], $0x2000, $0x38;
	[tilespmem:$0x1BE60] =	vst v63  }
0x2c: {  	_ =	swait.ge [sflag:s16], $0x2000  }
0x2d: {  	[sflag:s16] =	ssyncset.done $0x0  }
0x2e: {  	[sflag:s16] =	ssyncadd.s32 $0xFFFFE000  }
0x2f: {  	s21 =	simm.s32 $0x0;
	[bflag:$0x0] =	sbarrier.arrive $0xFFFF  }
0x30: {  	[tilespmem:s21], [sflag:$0x2] =	stream.linear.gather [hbm4b:s10+s21], $0x4E20, $0x38;
	[tilespmem:$0x1BE60] =	vst v63  }
0x31: {  	_ =	swait.ge [sflag:s16], $0x4E20  }
0x32: {  	[sflag:s16] =	ssyncset.done $0x0  }
0x33: {  	[sflag:s16] =	ssyncadd.s32 $0xFFFFB1E0  }
0x34: {  	[tilespmem:s17], [sflag:$0x2] =	stream.linear.gather [hbm4b:s11+s21], $0x4E20, $0x38;
	[tilespmem:$0x1BE60] =	vst v63  }
0x35: {  	_ =	swait.ge [sflag:s16], $0x4E20  }
0x36: {  	[sflag:s16] =	ssyncset.done $0x0  }
0x37: {  	s22 =	simm.s32 $0x9C40;
	[sflag:s16] =	ssyncadd.s32 $0xFFFFB1E0  }
0x38: {  	[tilespmem:s22], [sflag:$0x2] =	stream.linear.gather [hbm4b:s12+s21], $0x4E20, $0x38;
	[tilespmem:$0x1BE60] =	vst v63  }
0x39: {  	_ =	swait.ge [sflag:s16], $0x4E20  }
0x3a: {  	[sflag:s16] =	ssyncset.done $0x0  }
0x3b: {  	[sflag:s16] =	ssyncadd.s32 $0xFFFFB1E0  }
.LBB2_4:
0x3c: {  	s23 =	smul.u32 $0x50, s21;
	_ =	sdelay $0x1  }
0x3d: {  	v1 =	vmov s22;
	[tilespmem:s19], [sflag:$0x1] =	stream.indirect.gather [hbm4b:s4+s18], $0x40, s23, s18, $0xb8;
	[tilespmem:$0x1BE60] =	vst v63  }
0x3e: {  	_ =	swait.ge [sflag:s20], $0x1400  }
0x3f: {  	[sflag:s20] =	ssyncset.done $0x0  }
0x40: {  	s24 =	simm.s32 $0xEC60;
	s25 =	simm.s32 $0x0;
	[sflag:s20] =	ssyncadd.s32 $0xFFFFEC00  }
.LBB2_5:
0x41: {  	s26 =	sshra.s32 s25, $0x2  }
0x42: {  	v2 =	vld.idx.msk [tilespmem:v1+s26+$0x0 ss:$0x1], $0xffff;
	_ =	sdelay $0x1  }
0x43: {  	v3 =	vld [tilespmem:s24+$0xFFFFFE00];
	_ =	sdelay $0x2  }
0x44: {  	v4 =	vbroadcast v2, $0x0;
	_ =	sdelay $0x1  }
0x45: {  	v3 =	vmul.f32 v4, v3;
	_ =	sdelay $0x1  }
0x46: {  	[tilespmem:s24+$0xFFFFFE00] =	vst v3;
	v3 =	vld [tilespmem:s24+$0xFFFFFE10];
	_ =	sdelay $0x4  }
0x47: {  	v3 =	vmul.f32 v3, v4;
	_ =	sdelay $0x1  }
0x48: {  	[tilespmem:s24+$0xFFFFFE10] =	vst v3;
	v3 =	vld [tilespmem:s24+$0xFFFFFE20];
	_ =	sdelay $0x4  }
0x49: {  	v3 =	vmul.f32 v3, v4;
	_ =	sdelay $0x1  }
0x4a: {  	[tilespmem:s24+$0xFFFFFE20] =	vst v3;
	v3 =	vld [tilespmem:s24+$0xFFFFFE30];
	_ =	sdelay $0x4  }
0x4b: {  	v3 =	vmul.f32 v3, v4;
	_ =	sdelay $0x1  }
0x4c: {  	[tilespmem:s24+$0xFFFFFE30] =	vst v3;
	v3 =	vld [tilespmem:s24+$0xFFFFFE40];
	_ =	sdelay $0x2  }
0x4d: {  	v50 =	vbroadcast v2, $0x1;
	_ =	sdelay $0x1  }
0x4e: {  	v3 =	vmul.f32 v3, v50;
	_ =	sdelay $0x1  }
0x4f: {  	[tilespmem:s24+$0xFFFFFE40] =	vst v3;
	v3 =	vld [tilespmem:s24+$0xFFFFFE50];
	_ =	sdelay $0x4  }
0x50: {  	v3 =	vmul.f32 v3, v50;
	_ =	sdelay $0x1  }
0x51: {  	[tilespmem:s24+$0xFFFFFE50] =	vst v3;
	v3 =	vld [tilespmem:s24+$0xFFFFFE60];
	_ =	sdelay $0x4  }
0x52: {  	v3 =	vmul.f32 v3, v50;
	_ =	sdelay $0x1  }
0x53: {  	[tilespmem:s24+$0xFFFFFE60] =	vst v3;
	v3 =	vld [tilespmem:s24+$0xFFFFFE70];
	_ =	sdelay $0x4  }
0x54: {  	v3 =	vmul.f32 v3, v50;
	_ =	sdelay $0x1  }
0x55: {  	[tilespmem:s24+$0xFFFFFE70] =	vst v3;
	v3 =	vld [tilespmem:s24+$0xFFFFFE80];
	_ =	sdelay $0x2  }
0x56: {  	v51 =	vbroadcast v2, $0x2;
	_ =	sdelay $0x1  }
0x57: {  	v3 =	vmul.f32 v3, v51;
	_ =	sdelay $0x1  }
0x58: {  	[tilespmem:s24+$0xFFFFFE80] =	vst v3;
	v3 =	vld [tilespmem:s24+$0xFFFFFE90];
	_ =	sdelay $0x4  }
0x59: {  	v3 =	vmul.f32 v3, v51;
	_ =	sdelay $0x1  }
0x5a: {  	[tilespmem:s24+$0xFFFFFE90] =	vst v3;
	v3 =	vld [tilespmem:s24+$0xFFFFFEA0];
	_ =	sdelay $0x4  }
0x5b: {  	v3 =	vmul.f32 v3, v51;
	_ =	sdelay $0x1  }
0x5c: {  	[tilespmem:s24+$0xFFFFFEA0] =	vst v3;
	v3 =	vld [tilespmem:s24+$0xFFFFFEB0];
	_ =	sdelay $0x4  }
0x5d: {  	v3 =	vmul.f32 v3, v51;
	_ =	sdelay $0x1  }
0x5e: {  	[tilespmem:s24+$0xFFFFFEB0] =	vst v3;
	v3 =	vld [tilespmem:s24+$0xFFFFFEC0];
	_ =	sdelay $0x2  }
0x5f: {  	v52 =	vbroadcast v2, $0x3;
	_ =	sdelay $0x1  }
0x60: {  	v3 =	vmul.f32 v3, v52;
	_ =	sdelay $0x1  }
0x61: {  	[tilespmem:s24+$0xFFFFFEC0] =	vst v3;
	v3 =	vld [tilespmem:s24+$0xFFFFFED0];
	_ =	sdelay $0x4  }
0x62: {  	v3 =	vmul.f32 v3, v52;
	_ =	sdelay $0x1  }
0x63: {  	[tilespmem:s24+$0xFFFFFED0] =	vst v3;
	v3 =	vld [tilespmem:s24+$0xFFFFFEE0];
	_ =	sdelay $0x4  }
0x64: {  	v3 =	vmul.f32 v3, v52;
	_ =	sdelay $0x1  }
0x65: {  	[tilespmem:s24+$0xFFFFFEE0] =	vst v3;
	v3 =	vld [tilespmem:s24+$0xFFFFFEF0];
	_ =	sdelay $0x4  }
0x66: {  	v3 =	vmul.f32 v3, v52;
	_ =	sdelay $0x1  }
0x67: {  	[tilespmem:s24+$0xFFFFFEF0] =	vst v3;
	v3 =	vld [tilespmem:s24+$0xFFFFFF00];
	_ =	sdelay $0x2  }
0x68: {  	v53 =	vbroadcast v2, $0x4;
	_ =	sdelay $0x1  }
0x69: {  	v3 =	vmul.f32 v3, v53;
	_ =	sdelay $0x1  }
0x6a: {  	[tilespmem:s24+$0xFFFFFF00] =	vst v3;
	v3 =	vld [tilespmem:s24+$0xFFFFFF10];
	_ =	sdelay $0x4  }
0x6b: {  	v3 =	vmul.f32 v3, v53;
	_ =	sdelay $0x1  }
0x6c: {  	[tilespmem:s24+$0xFFFFFF10] =	vst v3;
	v3 =	vld [tilespmem:s24+$0xFFFFFF20];
	_ =	sdelay $0x4  }
0x6d: {  	v3 =	vmul.f32 v3, v53;
	_ =	sdelay $0x1  }
0x6e: {  	[tilespmem:s24+$0xFFFFFF20] =	vst v3;
	v3 =	vld [tilespmem:s24+$0xFFFFFF30];
	_ =	sdelay $0x4  }
0x6f: {  	v3 =	vmul.f32 v3, v53;
	_ =	sdelay $0x1  }
0x70: {  	[tilespmem:s24+$0xFFFFFF30] =	vst v3;
	v3 =	vld [tilespmem:s24+$0xFFFFFF40];
	_ =	sdelay $0x2  }
0x71: {  	v54 =	vbroadcast v2, $0x5;
	_ =	sdelay $0x1  }
0x72: {  	v3 =	vmul.f32 v3, v54;
	_ =	sdelay $0x1  }
0x73: {  	[tilespmem:s24+$0xFFFFFF40] =	vst v3;
	v3 =	vld [tilespmem:s24+$0xFFFFFF50];
	_ =	sdelay $0x4  }
0x74: {  	v3 =	vmul.f32 v3, v54;
	_ =	sdelay $0x1  }
0x75: {  	[tilespmem:s24+$0xFFFFFF50] =	vst v3;
	v3 =	vld [tilespmem:s24+$0xFFFFFF60];
	_ =	sdelay $0x4  }
0x76: {  	v3 =	vmul.f32 v3, v54;
	_ =	sdelay $0x1  }
0x77: {  	[tilespmem:s24+$0xFFFFFF60] =	vst v3;
	v3 =	vld [tilespmem:s24+$0xFFFFFF70];
	_ =	sdelay $0x4  }
0x78: {  	v3 =	vmul.f32 v3, v54;
	_ =	sdelay $0x1  }
0x79: {  	[tilespmem:s24+$0xFFFFFF70] =	vst v3;
	v3 =	vld [tilespmem:s24+$0xFFFFFF80];
	_ =	sdelay $0x2  }
0x7a: {  	v55 =	vbroadcast v2, $0x6;
	_ =	sdelay $0x1  }
0x7b: {  	v3 =	vmul.f32 v3, v55;
	_ =	sdelay $0x1  }
0x7c: {  	[tilespmem:s24+$0xFFFFFF80] =	vst v3;
	v3 =	vld [tilespmem:s24+$0xFFFFFF90];
	_ =	sdelay $0x4  }
0x7d: {  	v3 =	vmul.f32 v3, v55;
	_ =	sdelay $0x1  }
0x7e: {  	[tilespmem:s24+$0xFFFFFF90] =	vst v3;
	v3 =	vld [tilespmem:s24+$0xFFFFFFA0];
	_ =	sdelay $0x4  }
0x7f: {  	v3 =	vmul.f32 v3, v55;
	_ =	sdelay $0x1  }
0x80: {  	[tilespmem:s24+$0xFFFFFFA0] =	vst v3;
	v3 =	vld [tilespmem:s24+$0xFFFFFFB0];
	_ =	sdelay $0x4  }
0x81: {  	v3 =	vmul.f32 v3, v55;
	_ =	sdelay $0x1  }
0x82: {  	[tilespmem:s24+$0xFFFFFFB0] =	vst v3;
	v3 =	vld [tilespmem:s24+$0xFFFFFFC0];
	_ =	sdelay $0x2  }
0x83: {  	v56 =	vbroadcast v2, $0x7;
	_ =	sdelay $0x1  }
0x84: {  	v3 =	vmul.f32 v3, v56;
	_ =	sdelay $0x1  }
0x85: {  	[tilespmem:s24+$0xFFFFFFC0] =	vst v3;
	v3 =	vld [tilespmem:s24+$0xFFFFFFD0];
	_ =	sdelay $0x4  }
0x86: {  	v3 =	vmul.f32 v3, v56;
	_ =	sdelay $0x1  }
0x87: {  	[tilespmem:s24+$0xFFFFFFD0] =	vst v3;
	v3 =	vld [tilespmem:s24+$0xFFFFFFE0];
	_ =	sdelay $0x4  }
0x88: {  	v3 =	vmul.f32 v3, v56;
	_ =	sdelay $0x1  }
0x89: {  	[tilespmem:s24+$0xFFFFFFE0] =	vst v3;
	v3 =	vld [tilespmem:s24+$0xFFFFFFF0];
	_ =	sdelay $0x4  }
0x8a: {  	v3 =	vmul.f32 v3, v56;
	_ =	sdelay $0x1  }
0x8b: {  	[tilespmem:s24+$0xFFFFFFF0] =	vst v3;
	v3 =	vld [tilespmem:s24+$0x0];
	_ =	sdelay $0x2  }
0x8c: {  	v57 =	vbroadcast v2, $0x8;
	_ =	sdelay $0x1  }
0x8d: {  	v3 =	vmul.f32 v3, v57;
	_ =	sdelay $0x1  }
0x8e: {  	[tilespmem:s24+$0x0] =	vst v3;
	v3 =	vld [tilespmem:s24+$0x10];
	_ =	sdelay $0x4  }
0x8f: {  	v3 =	vmul.f32 v3, v57;
	_ =	sdelay $0x1  }
0x90: {  	[tilespmem:s24+$0x10] =	vst v3;
	v3 =	vld [tilespmem:s24+$0x20];
	_ =	sdelay $0x4  }
0x91: {  	v3 =	vmul.f32 v3, v57;
	_ =	sdelay $0x1  }
0x92: {  	[tilespmem:s24+$0x20] =	vst v3;
	v3 =	vld [tilespmem:s24+$0x30];
	_ =	sdelay $0x4  }
0x93: {  	v3 =	vmul.f32 v3, v57;
	_ =	sdelay $0x1  }
0x94: {  	[tilespmem:s24+$0x30] =	vst v3;
	v3 =	vld [tilespmem:s24+$0x40];
	_ =	sdelay $0x2  }
0x95: {  	v58 =	vbroadcast v2, $0x9;
	_ =	sdelay $0x1  }
0x96: {  	v3 =	vmul.f32 v3, v58;
	_ =	sdelay $0x1  }
0x97: {  	[tilespmem:s24+$0x40] =	vst v3;
	v3 =	vld [tilespmem:s24+$0x50];
	_ =	sdelay $0x4  }
0x98: {  	v3 =	vmul.f32 v3, v58;
	_ =	sdelay $0x1  }
0x99: {  	[tilespmem:s24+$0x50] =	vst v3;
	v3 =	vld [tilespmem:s24+$0x60];
	_ =	sdelay $0x4  }
0x9a: {  	v3 =	vmul.f32 v3, v58;
	_ =	sdelay $0x1  }
0x9b: {  	[tilespmem:s24+$0x60] =	vst v3;
	v3 =	vld [tilespmem:s24+$0x70];
	_ =	sdelay $0x4  }
0x9c: {  	v3 =	vmul.f32 v3, v58;
	_ =	sdelay $0x1  }
0x9d: {  	[tilespmem:s24+$0x70] =	vst v3;
	v3 =	vld [tilespmem:s24+$0x80];
	_ =	sdelay $0x2  }
0x9e: {  	v59 =	vbroadcast v2, $0xA;
	_ =	sdelay $0x1  }
0x9f: {  	v3 =	vmul.f32 v3, v59;
	_ =	sdelay $0x1  }
0xa0: {  	[tilespmem:s24+$0x80] =	vst v3;
	v3 =	vld [tilespmem:s24+$0x90];
	_ =	sdelay $0x4  }
0xa1: {  	v3 =	vmul.f32 v3, v59;
	_ =	sdelay $0x1  }
0xa2: {  	[tilespmem:s24+$0x90] =	vst v3;
	v3 =	vld [tilespmem:s24+$0xA0];
	_ =	sdelay $0x4  }
0xa3: {  	v3 =	vmul.f32 v3, v59;
	_ =	sdelay $0x1  }
0xa4: {  	[tilespmem:s24+$0xA0] =	vst v3;
	v3 =	vld [tilespmem:s24+$0xB0];
	_ =	sdelay $0x4  }
0xa5: {  	v3 =	vmul.f32 v3, v59;
	_ =	sdelay $0x1  }
0xa6: {  	[tilespmem:s24+$0xB0] =	vst v3;
	v3 =	vld [tilespmem:s24+$0xC0];
	_ =	sdelay $0x2  }
0xa7: {  	v60 =	vbroadcast v2, $0xB;
	_ =	sdelay $0x1  }
0xa8: {  	v3 =	vmul.f32 v3, v60;
	_ =	sdelay $0x1  }
0xa9: {  	[tilespmem:s24+$0xC0] =	vst v3;
	v3 =	vld [tilespmem:s24+$0xD0];
	_ =	sdelay $0x4  }
0xaa: {  	v3 =	vmul.f32 v3, v60;
	_ =	sdelay $0x1  }
0xab: {  	[tilespmem:s24+$0xD0] =	vst v3;
	v3 =	vld [tilespmem:s24+$0xE0];
	_ =	sdelay $0x4  }
0xac: {  	v3 =	vmul.f32 v3, v60;
	_ =	sdelay $0x1  }
0xad: {  	[tilespmem:s24+$0xE0] =	vst v3;
	v3 =	vld [tilespmem:s24+$0xF0];
	_ =	sdelay $0x4  }
0xae: {  	v3 =	vmul.f32 v3, v60;
	_ =	sdelay $0x1  }
0xaf: {  	[tilespmem:s24+$0xF0] =	vst v3;
	v3 =	vld [tilespmem:s24+$0x100];
	_ =	sdelay $0x2  }
0xb0: {  	v61 =	vbroadcast v2, $0xC;
	_ =	sdelay $0x1  }
0xb1: {  	v3 =	vmul.f32 v3, v61;
	_ =	sdelay $0x1  }
0xb2: {  	[tilespmem:s24+$0x100] =	vst v3;
	v3 =	vld [tilespmem:s24+$0x110];
	_ =	sdelay $0x4  }
0xb3: {  	v3 =	vmul.f32 v3, v61;
	_ =	sdelay $0x1  }
0xb4: {  	[tilespmem:s24+$0x110] =	vst v3;
	v3 =	vld [tilespmem:s24+$0x120];
	_ =	sdelay $0x4  }
0xb5: {  	v3 =	vmul.f32 v3, v61;
	_ =	sdelay $0x1  }
0xb6: {  	[tilespmem:s24+$0x120] =	vst v3;
	v3 =	vld [tilespmem:s24+$0x130];
	_ =	sdelay $0x4  }
0xb7: {  	v3 =	vmul.f32 v3, v61;
	_ =	sdelay $0x1  }
0xb8: {  	[tilespmem:s24+$0x130] =	vst v3;
	v3 =	vld [tilespmem:s24+$0x140];
	_ =	sdelay $0x2  }
0xb9: {  	v62 =	vbroadcast v2, $0xD;
	_ =	sdelay $0x1  }
0xba: {  	v3 =	vmul.f32 v3, v62;
	_ =	sdelay $0x1  }
0xbb: {  	[tilespmem:s24+$0x140] =	vst v3;
	v3 =	vld [tilespmem:s24+$0x150];
	_ =	sdelay $0x4  }
0xbc: {  	v3 =	vmul.f32 v3, v62;
	_ =	sdelay $0x1  }
0xbd: {  	[tilespmem:s24+$0x150] =	vst v3;
	v3 =	vld [tilespmem:s24+$0x160];
	_ =	sdelay $0x4  }
0xbe: {  	v3 =	vmul.f32 v3, v62;
	_ =	sdelay $0x1  }
0xbf: {  	[tilespmem:s24+$0x160] =	vst v3;
	v3 =	vld [tilespmem:s24+$0x170];
	_ =	sdelay $0x4  }
0xc0: {  	v3 =	vmul.f32 v3, v62;
	_ =	sdelay $0x1  }
0xc1: {  	[tilespmem:s24+$0x170] =	vst v3;
	v3 =	vld [tilespmem:s24+$0x180];
	_ =	sdelay $0x2  }
0xc2: {  	v63 =	vbroadcast v2, $0xE;
	_ =	sdelay $0x1  }
0xc3: {  	v3 =	vmul.f32 v3, v63;
	_ =	sdelay $0x1  }
0xc4: {  	[tilespmem:s24+$0x180] =	vst v3;
	v3 =	vld [tilespmem:s24+$0x190];
	_ =	sdelay $0x4  }
0xc5: {  	v3 =	vmul.f32 v3, v63;
	_ =	sdelay $0x1  }
0xc6: {  	[tilespmem:s24+$0x190] =	vst v3;
	v3 =	vld [tilespmem:s24+$0x1A0];
	_ =	sdelay $0x4  }
0xc7: {  	v3 =	vmul.f32 v3, v63;
	_ =	sdelay $0x1  }
0xc8: {  	[tilespmem:s24+$0x1A0] =	vst v3;
	v3 =	vld [tilespmem:s24+$0x1B0];
	_ =	sdelay $0x4  }
0xc9: {  	v3 =	vmul.f32 v3, v63;
	_ =	sdelay $0x1  }
0xca: {  	[tilespmem:s24+$0x1B0] =	vst v3;
	v3 =	vld [tilespmem:s24+$0x1C0];
	_ =	sdelay $0x2  }
0xcb: {  	v2 =	vbroadcast v2, $0xF;
	_ =	sdelay $0x1  }
0xcc: {  	v3 =	vmul.f32 v3, v2;
	_ =	sdelay $0x1  }
0xcd: {  	[tilespmem:s24+$0x1C0] =	vst v3;
	v3 =	vld [tilespmem:s24+$0x1D0];
	_ =	sdelay $0x4  }
0xce: {  	v3 =	vmul.f32 v3, v2;
	_ =	sdelay $0x1  }
0xcf: {  	[tilespmem:s24+$0x1D0] =	vst v3;
	v3 =	vld [tilespmem:s24+$0x1E0];
	_ =	sdelay $0x4  }
0xd0: {  	v3 =	vmul.f32 v3, v2;
	_ =	sdelay $0x1  }
0xd1: {  	[tilespmem:s24+$0x1E0] =	vst v3;
	v3 =	vld [tilespmem:s24+$0x1F0];
	_ =	sdelay $0x1  }
0xd2: {  	p0 =	sne.s32 s25, $0x100  }
.Ltmp1:
0xd3: {  	_ = 	snop;
	(pc) =	sbr.rel @p0 .LBB2_5-.Ltmp1, $3  }
0xd4: {  	_ = 	snop  }
0xd5: {  	v2 =	vmul.f32 v3, v2;
	_ =	sdelay $0x1  }
0xd6: {  	s25 =	sadd.s32 $0x40, s25;
	[tilespmem:s24+$0x1F0] =	vst v2;
	s24 =	sadd.s32 $0x400, s24  }
0xd7: {  	s21 =	sadd.s32 $0x1, s21  }
0xd8: {  	p0 =	sne.s32 s21, $0xFA  }
.Ltmp2:
0xd9: {  	s23 =	sadd.s32 $0x4E20, s23;
	(pc) =	sbr.rel @p0 .LBB2_4-.Ltmp2, $4  }
0xda: {  	[spmem:s2] =	stream.indirect.scatter.add.f32 [tilespmem:s19], [sflag:$0x2], $0x40, s23, s18, $0xb8;
	[tilespmem:$0x1BE60] =	vst v63  }
0xdb: {  	_ =	swait.ge [sflag:s16], $0x1400  }
0xdc: {  	[sflag:s16] =	ssyncset.done $0x0  }
0xdd: {  	s22 =	sadd.s32 $0x50, s22;
	[sflag:s16] =	ssyncadd.s32 $0xFFFFEC00  }
0xde: {  	s3 =	sadd.s32 $0x1, s3  }
0xdf: {  	s21 =	sshll.u32 s0, $0x6;
	[bflag:$0x0] =	sbarrier.arrive $0xFFFF;
	p0 =	sne.s32 s3, s14  }
.Ltmp3:
0xe0: {  	s22 =	sshrl.u32 s5, $0x3;
	s21 =	sor.u32 $0x1C02, s21;
	(pc) =	sbr.rel @p0 .LBB2_1-.Ltmp3, $4  }
0xe1: {  	[hbm:s13], [sflag:s21] =	dma.local [spmem:s22], $0x1400  }
0xe2: {  	_ =	swait.ge [sflag:s16], $0x1400  }
0xe3: {  	[sflag:s16] =	ssyncset.done $0x0  }
0xe4: {  	[sflag:s16] =	ssyncadd.s32 $0xFFFFEC00  }
0xe5: {  	_ =	sfence.sel $0x180000  }
0xe6: {  	[bflag:$0x0] =	sbarrier.arrive $0xFFFF  }
0xe7: {  	p0 =	sne.s32 s0, $0x0;
	_ =	strace $0x9000004D  }
0xe8: {  	s0 =	sadd.s32 @!p0 $0x100000, s1;
	[bflag:$0x2] =	sbarrier.arrive $0xFFFF  }
0xe9: {  	[sflag:s0] =	ssyncadd.tile.s32 @!p0 $0x1;
	_ =	shalt  }
.Lfunc_end2:
_tile_overlayer_lowered:
.L_overlay_start_2:
0xea: {  	(tag) =	ssettag $0x2  }
0xeb: {  	s0 =	rddreg [dreg:$0x0];
	s2 =	stileid.u32  }
0xec: {  	s1 =	rddreg [dreg:$0x1];
	p0 =	sne.s32 s2, $0x0  }
0xed: {  	s3 =	rddreg [dreg:$0x2];
	[bflag:$0x3] =	sbarrier.arrive $0xFFFF;
	s2 =	simm.s32 @!p0 $0x1C02  }
0xee: {  	[timem:s3], [sflag:s2] =	dma.local @!p0 [hbm:s0], s1  }
0xef: {  	s0 =	simm.s32 @!p0 $0x2  }
0xf0: {  	_ =	swait.ge @!p0 [sflag:s0], s1  }
0xf1: {  	s1 =	ssub.s32 @!p0 $0x0, s1;
	[sflag:s0] =	ssyncset.done @!p0 $0x0  }
0xf2: {  	[sflag:s0] =	ssyncadd.s32 @!p0 s1  }
0xf3: {  	[bflag:$0x3] =	sbarrier.arrive $0xFFFF  }
0xf4: {  	_ =	shalt  }

</sc_bundles>
